<compile_context>
chip_gen: v7x
topology: tpu7x:2x2x1
jax: 0.10.2.dev20260603
libtpu: 0.0.44.dev20260713+nightly
codegen_flags: <defaults>
</compile_context>

<pallas_src>
import functools
import numpy as np
import jax
import jax.numpy as jnp
from jax import lax
from jax.experimental import pallas as pl
from jax.experimental.pallas import tpu as pltpu
from jax.experimental.pallas import tpu_sc as plsc

N, E, D = 10000, 320000, 128
HEADS = 8
DH = D // HEADS
NB = 1000

NC, NS = 2, 16
NW = NC * NS
NP = 10240
HALF = NP // 2
UROWS = 5248
URPT = UROWS // NS
DUMP = 5200
SUB = 128
CH = 256
EP = 360448
EPT = EP // NS
IRT = EPT // SUB
GR = 4
GROUPS = IRT // GR
CPG = GR * SUB // CH
AW = 144


_PROBE_SKIP_AGATHER = True
_PROBE_SKIP_SCALE = True
_PROBE_SKIP_USCATTER = True
_PROBE_SKIP_HGATHER = True
_PROBE_SKIP_DSCATTER = True


def _leaky(x, slope=0.2):
    return jnp.where(x >= 0, x, slope * x)


_GDN = lax.GatherDimensionNumbers(
    offset_dims=(), collapsed_slice_dims=(0,), start_index_map=(0,))


def _lane_gather(vec, idx):
    return lax.gather(vec, idx[:, None], dimension_numbers=_GDN,
                      slice_sizes=(1,),
                      mode=lax.GatherScatterMode.PROMISE_IN_BOUNDS)



def _prologue_body(x_ref, w_in_ref, b_in_ref, gamma1_ref, beta1_ref,
                   w1_ref, asrc1_ref, adst1_ref,
                   haug_ref, adst_tab_ref):
    x = jnp.nan_to_num(x_ref[...], nan=0.0)
    x_in = jnp.dot(x, w_in_ref[...], preferred_element_type=jnp.float32)
    x_in = x_in + b_in_ref[...]
    h = _leaky(x_in, 0.2)
    h = gamma1_ref[...] * h / jnp.sqrt(1.0 + 1e-5) + beta1_ref[...]
    h1 = jnp.dot(h, w1_ref[...], preferred_element_type=jnp.float32)
    h1r = h1.reshape(NB, HEADS, DH)
    a_src = (h1r * asrc1_ref[...][None]).sum(-1)
    a_dst = (h1r * adst1_ref[...][None]).sum(-1)
    z = jnp.zeros((NB, 8), jnp.float32)
    haug_ref[...] = jnp.concatenate([h1, a_src, a_dst], axis=1)
    adst_tab_ref[...] = jnp.concatenate([a_dst, z], axis=1)


def _prologue(x, W_in, b_in, gamma1, beta1, W1, att_src1, att_dst1):
    return pl.pallas_call(
        _prologue_body,
        grid=(N // NB,),
        in_specs=[
            pl.BlockSpec((NB, D), lambda i: (i, 0)),
            pl.BlockSpec((D, D), lambda i: (0, 0)),
            pl.BlockSpec((D,), lambda i: (0,)),
            pl.BlockSpec((D,), lambda i: (0,)),
            pl.BlockSpec((D,), lambda i: (0,)),
            pl.BlockSpec((D, D), lambda i: (0, 0)),
            pl.BlockSpec((HEADS, DH), lambda i: (0, 0)),
            pl.BlockSpec((HEADS, DH), lambda i: (0, 0)),
        ],
        out_specs=[
            pl.BlockSpec((NB, AW), lambda i: (i, 0)),
            pl.BlockSpec((NB, 16), lambda i: (i, 0)),
        ],
        out_shape=[
            jax.ShapeDtypeStruct((N, AW), jnp.float32),
            jax.ShapeDtypeStruct((N, 16), jnp.float32),
        ],
    )(x, W_in, b_in, gamma1, beta1, W1, att_src1, att_dst1)


def _mid_body(u_ref, den_ref, expand_ref, b1_ref, w2_ref, asrc2_ref, adst2_ref,
              hskip_ref, haug_ref, adst_tab_ref):
    u = u_ref[...]
    den8 = den_ref[:, 0:8]
    rden = 1.0 / (den8 + 1e-16)
    scale = jnp.dot(rden, expand_ref[...], preferred_element_type=jnp.float32)
    o1 = u * scale
    h = _leaky(o1 + b1_ref[...], 0.2)
    hskip_ref[...] = h
    h2 = jnp.dot(h, w2_ref[...], preferred_element_type=jnp.float32)
    a2s = (h2 * asrc2_ref[...]).sum(-1, keepdims=True)
    a2d = (h2 * adst2_ref[...]).sum(-1, keepdims=True)
    z7 = jnp.zeros((NB, 7), jnp.float32)
    z15 = jnp.zeros((NB, 15), jnp.float32)
    haug_ref[...] = jnp.concatenate([h2, a2s, z7, a2d, z7], axis=1)
    adst_tab_ref[...] = jnp.concatenate([a2d, z15], axis=1)


def _mid(u1, den1, b1, W2, att_src2, att_dst2):
    expand = jnp.asarray(np.kron(np.eye(8, dtype=np.float32),
                                 np.ones((1, 16), np.float32)))
    return pl.pallas_call(
        _mid_body,
        grid=(N // NB,),
        in_specs=[
            pl.BlockSpec((NB, D), lambda i: (i, 0)),
            pl.BlockSpec((NB, 16), lambda i: (i, 0)),
            pl.BlockSpec((8, D), lambda i: (0, 0)),
            pl.BlockSpec((D,), lambda i: (0,)),
            pl.BlockSpec((D, D), lambda i: (0, 0)),
            pl.BlockSpec((1, D), lambda i: (0, 0)),
            pl.BlockSpec((1, D), lambda i: (0, 0)),
        ],
        out_specs=[
            pl.BlockSpec((NB, D), lambda i: (i, 0)),
            pl.BlockSpec((NB, AW), lambda i: (i, 0)),
            pl.BlockSpec((NB, 16), lambda i: (i, 0)),
        ],
        out_shape=[
            jax.ShapeDtypeStruct((N, D), jnp.float32),
            jax.ShapeDtypeStruct((N, AW), jnp.float32),
            jax.ShapeDtypeStruct((N, 16), jnp.float32),
        ],
    )(u1, den1, expand, b1, W2, att_src2, att_dst2)


def _epilogue_body(u_ref, den_ref, hskip_ref, wskip_ref, b2_ref, bskip_ref,
                   gamma2_ref, beta2_ref, out_ref):
    u = u_ref[...]
    den = den_ref[:, 0:1]
    o2 = u * (1.0 / (den + 1e-16))
    h = o2 + b2_ref[...]
    h = h + jnp.dot(hskip_ref[...], wskip_ref[...],
                    preferred_element_type=jnp.float32) + bskip_ref[...]
    h = gamma2_ref[...] * h / jnp.sqrt(1.0 + 1e-5) + beta2_ref[...]
    h = jnp.nan_to_num(h, nan=0.0)
    norm = jnp.maximum(jnp.sqrt((h * h).sum(-1, keepdims=True)), 1e-12)
    out_ref[...] = h / norm


def _epilogue(u2, den2, h_skip, W_skip, b2, b_skip, gamma2, beta2):
    return pl.pallas_call(
        _epilogue_body,
        grid=(N // NB,),
        in_specs=[
            pl.BlockSpec((NB, D), lambda i: (i, 0)),
            pl.BlockSpec((NB, 16), lambda i: (i, 0)),
            pl.BlockSpec((NB, D), lambda i: (i, 0)),
            pl.BlockSpec((D, D), lambda i: (0, 0)),
            pl.BlockSpec((D,), lambda i: (0,)),
            pl.BlockSpec((D,), lambda i: (0,)),
            pl.BlockSpec((D,), lambda i: (0,)),
            pl.BlockSpec((D,), lambda i: (0,)),
        ],
        out_specs=pl.BlockSpec((NB, D), lambda i: (i, 0)),
        out_shape=jax.ShapeDtypeStruct((N, D), jnp.float32),
    )(u2, den2, h_skip, W_skip, b2, b_skip, gamma2, beta2)



def _edge_body(heads, haug_hbm, adst_hbm, zer_hbm,
               src_hbm, dst_hbm, acc_hbm,
               idx_s, idx_d, idx_m, mbuf, bufD,
               acc_sh, sem_g0, sem_g1, sem_s0, sem_s1):
    cid = lax.axis_index("c")
    sid = lax.axis_index("s")

    ubase = sid * URPT
    for k in range(URPT // 32):
        pltpu.sync_copy(zer_hbm, acc_sh.at[pl.ds(ubase + k * 32, 32)])
    pltpu.sync_copy(zer_hbm.at[pl.ds(0, URPT % 32)],
                    acc_sh.at[pl.ds(ubase + URPT - URPT % 32, URPT % 32)])
    plsc.subcore_barrier()

    bcast_idx = [jnp.full((16,), j, jnp.int32) for j in range(heads)]
    sems_g = [sem_g0, sem_g1]
    sems_s = [sem_s0, sem_s1]
    lo = cid * HALF
    epg = GR * SUB

    @pl.loop(0, GROUPS)
    def _(g):
        gbase = sid * EPT + g * epg
        pltpu.sync_copy(src_hbm.at[pl.ds(gbase, epg)], idx_s)
        pltpu.sync_copy(dst_hbm.at[pl.ds(gbase, epg)], idx_d)

        @pl.loop(0, GR)
        def _(r):
            for q in range(8):
                d = idx_d[pl.ds(r * SUB + q * 16, 16)]
                u = d - lo
                bad = (u < 0) | (u >= HALF)
                idx_m[r, pl.ds(q * 16, 16)] = jnp.where(bad, DUMP, u)

        def issue_gathers(k):
            p = k % 2
            sl = pl.ds(k * CH, CH)
            return [
                pltpu.async_copy(haug_hbm.at[idx_s.at[sl]], mbuf.at[p],
                                 sems_g[p]),
                pltpu.async_copy(adst_hbm.at[idx_d.at[sl]], bufD.at[p],
                                 sems_g[p]),
            ]

        gd = {0: issue_gathers(0)}
        sd = {}
        for k in range(CPG):
            p = k % 2
            if k >= 1:
                for c in sd.pop(k - 1):
                    c.wait()
            if k + 1 < CPG:
                gd[k + 1] = issue_gathers(k + 1)
            for c in gd.pop(k):
                c.wait()

            @pl.loop(0, CH, unroll=4)
            def _(e):
                vs = mbuf[p, e, pl.ds(D, 16)]
                vd = bufD[p, e, :]
                xx = vs + vd
                y = jnp.where(xx >= 0, xx, 0.2 * xx)
                ex = jnp.exp(y)
                mbuf[p, e, pl.ds(D, 16)] = ex
                if heads == 1:
                    b0 = _lane_gather(ex, bcast_idx[0])
                    for j in range(8):
                        sl = pl.ds(j * 16, 16)
                        mbuf[p, e, sl] = mbuf[p, e, sl] * b0
                else:
                    for j in range(8):
                        sl = pl.ds(j * 16, 16)
                        bj = _lane_gather(ex, bcast_idx[j])
                        mbuf[p, e, sl] = mbuf[p, e, sl] * bj

            sd[k] = [
                pltpu.async_copy(mbuf.at[p, pl.ds(0, SUB)],
                                 acc_sh.at[idx_m.at[2 * k]],
                                 sems_s[p], add=True),
                pltpu.async_copy(mbuf.at[p, pl.ds(SUB, SUB)],
                                 acc_sh.at[idx_m.at[2 * k + 1]],
                                 sems_s[p], add=True),
            ]
        for c in sd.pop(CPG - 1):
            c.wait()

    plsc.subcore_barrier()
    pltpu.sync_copy(acc_sh.at[pl.ds(ubase, URPT)],
                    acc_hbm.at[cid].at[pl.ds(ubase, URPT)])


def _edge_pass(heads, haug_tab, adst_tab, src_flat, dst_flat):
    mesh = plsc.VectorSubcoreMesh(core_axis_name="c", subcore_axis_name="s")
    zer = jnp.zeros((32, AW), jnp.float32)
    kern = pl.kernel(
        functools.partial(_edge_body, heads),
        compiler_params=pltpu.CompilerParams(use_tc_tiling_on_sc=False),
        out_type=[
            jax.ShapeDtypeStruct((2, UROWS, AW), jnp.float32),
        ],
        mesh=mesh,
        scratch_types=[
            pltpu.VMEM((GR * SUB,), jnp.int32),
            pltpu.VMEM((GR * SUB,), jnp.int32),
            pltpu.VMEM((GR, SUB), jnp.int32),
            pltpu.VMEM((2, CH, AW), jnp.float32),
            pltpu.VMEM((2, CH, 16), jnp.float32),
            pltpu.VMEM_SHARED((UROWS, AW), jnp.float32),
            pltpu.SemaphoreType.DMA,
            pltpu.SemaphoreType.DMA,
            pltpu.SemaphoreType.DMA,
            pltpu.SemaphoreType.DMA,
        ],
    )
    return kern(haug_tab, adst_tab, zer, src_flat, dst_flat)


def kernel(x, edge_index, W_in, b_in, gamma1, beta1, W1, att_src1, att_dst1, b1,
           W2, att_src2, att_dst2, b2, W_skip, b_skip, gamma2, beta2):
    ar = jnp.arange(N, dtype=jnp.int32)
    pad = jnp.full((EP - E - N,), N, jnp.int32)
    src_flat = jnp.concatenate([edge_index[0].astype(jnp.int32), ar, pad])
    dst_flat = jnp.concatenate([edge_index[1].astype(jnp.int32), ar, pad])

    haug1, adst1 = _prologue(
        x, W_in, b_in, gamma1, beta1, W1, att_src1, att_dst1)
    haug1p = jnp.pad(haug1, ((0, NP - N), (0, 0)))
    adst1p = jnp.pad(adst1, ((0, NP - N), (0, 0)))

    acc1 = _edge_pass(HEADS, haug1p, adst1p, src_flat, dst_flat)[0]
    accf = jnp.concatenate([acc1[0, :HALF], acc1[1, :N - HALF]])
    u1f = accf[:, :D]
    den1f = accf[:, D:]

    h_skip, haug2, adst2 = _mid(
        u1f, den1f, b1, W2, att_src2, att_dst2)
    haug2p = jnp.pad(haug2, ((0, NP - N), (0, 0)))
    adst2p = jnp.pad(adst2, ((0, NP - N), (0, 0)))

    acc2 = _edge_pass(1, haug2p, adst2p, src_flat, dst_flat)[0]
    accf2 = jnp.concatenate([acc2[0, :HALF], acc2[1, :N - HALF]])

    return _epilogue(accf2[:, :D], accf2[:, D:], h_skip, W_skip,
                     b2, b_skip, gamma2, beta2)

# --- scband reference (transcript-rebuilt; emitter-appended) ---
"""Pipeline reference for scband-improved-gat-28802050687001 (READ-ONLY COPY).

The authoritative reference and input builder live on the scoring server;
editing this copy changes nothing except your own understanding.
"""

import jax, jax.numpy as jnp
import numpy as np

N, E, D = 10000, 320000, 128
HEADS = 8
DH = D // HEADS  # 16


def _leaky(x, slope=0.2):
    return jnp.where(x >= 0, x, slope * x)


def _bn_eval(x, gamma, beta, eps=1e-5):
    # eval-mode BatchNorm1d with running_mean=0, running_var=1
    return gamma * x / jnp.sqrt(1.0 + eps) + beta


def _gat_conv(x, edge_index, W, att_src, att_dst, bias, heads, dh, concat):
    n = x.shape[0]
    ar = jnp.arange(n, dtype=edge_index.dtype)
    ei = jnp.concatenate([edge_index, jnp.stack([ar, ar])], axis=1)  # add self-loops (PyG default)
    src, dst = ei[0], ei[1]
    h = (x @ W).reshape(n, heads, dh)
    a_src = (h * att_src[None, :, :]).sum(-1)  # [n, heads]
    a_dst = (h * att_dst[None, :, :]).sum(-1)
    e = _leaky(a_src[src] + a_dst[dst], 0.2)   # [e, heads]
    m = jax.ops.segment_max(e, dst, num_segments=n)
    m = jnp.where(jnp.isfinite(m), m, 0.0)
    ex = jnp.exp(e - m[dst])
    denom = jax.ops.segment_sum(ex, dst, num_segments=n)
    alpha = ex / (denom[dst] + 1e-16)
    msg = h[src] * alpha[:, :, None]
    out = jax.ops.segment_sum(msg, dst, num_segments=n)
    if concat:
        out = out.reshape(n, heads * dh)
    else:
        out = out.mean(axis=1)
    return out + bias


def setup_inputs(seed: int = 0) -> dict:
    key = jax.random.key(seed)
    ks = jax.random.split(key, 16)
    x = jax.random.normal(ks[0], (N, D), dtype=jnp.float32)
    edge_index = jax.random.randint(ks[1], (2, E), 0, N, dtype=jnp.int32)
    s = 0.1
    return {
        "x": x,
        "edge_index": edge_index,
        "W_in": jax.random.normal(ks[2], (D, D), jnp.float32) * s,
        "b_in": jnp.zeros((D,), jnp.float32),
        "gamma1": jnp.ones((D,), jnp.float32),
        "beta1": jnp.zeros((D,), jnp.float32),
        "W1": jax.random.normal(ks[3], (D, HEADS * DH), jnp.float32) * s,
        "att_src1": jax.random.normal(ks[4], (HEADS, DH), jnp.float32) * s,
        "att_dst1": jax.random.normal(ks[5], (HEADS, DH), jnp.float32) * s,
        "b1": jnp.zeros((HEADS * DH,), jnp.float32),
        "W2": jax.random.normal(ks[6], (D, D), jnp.float32) * s,
        "att_src2": jax.random.normal(ks[7], (1, D), jnp.float32) * s,
        "att_dst2": jax.random.normal(ks[8], (1, D), jnp.float32) * s,
        "b2": jnp.zeros((D,), jnp.float32),
        "W_skip": jax.random.normal(ks[9], (D, D), jnp.float32) * s,
        "b_skip": jnp.zeros((D,), jnp.float32),
        "gamma2": jnp.ones((D,), jnp.float32),
        "beta2": jnp.zeros((D,), jnp.float32),
    }


def reference(x, edge_index, W_in, b_in, gamma1, beta1, W1, att_src1, att_dst1, b1,
              W2, att_src2, att_dst2, b2, W_skip, b_skip, gamma2, beta2):
    x = jnp.nan_to_num(x, nan=0.0)
    x_in = x @ W_in + b_in
    h = _leaky(x_in, 0.2)
    h = _bn_eval(h, gamma1, beta1)
    h = _gat_conv(h, edge_index, W1, att_src1, att_dst1, b1, HEADS, DH, concat=True)
    h = _leaky(h, 0.2)
    # dropout is identity in eval mode
    h_skip = h
    h = _gat_conv(h, edge_index, W2, att_src2, att_dst2, b2, 1, D, concat=False)
    h = h + h_skip @ W_skip + b_skip
    h = _bn_eval(h, gamma2, beta2)
    h = jnp.nan_to_num(h, nan=0.0)
    norm = jnp.maximum(jnp.linalg.norm(h, axis=1, keepdims=True), 1e-12)
    return h / norm

if __name__ == "__main__":
    import jax
    _d = setup_inputs()
    print(jax.jit(kernel)(*tuple(_d.values())))

</pallas_src>

<mosaic_0001>
#map = affine_map<(d0, d1) -> (0, 0)>
#map1 = affine_map<(d0, d1) -> (0)>
#map2 = affine_map<(d0, d1) -> (0, 0, 0)>
module attributes {stable_mosaic.version = 14 : i64} {
  func.func @_edge_body(%arg0: i32, %arg1: i32, %arg2: memref<10240x144xf32, #tpu.memory_space<hbm>>, %arg3: memref<10240x16xf32, #tpu.memory_space<hbm>>, %arg4: memref<32x144xf32, #tpu.memory_space<hbm>>, %arg5: memref<360448xi32, #tpu.memory_space<hbm>>, %arg6: memref<360448xi32, #tpu.memory_space<hbm>>, %arg7: memref<2x5248x144xf32, #tpu.memory_space<hbm>>, %arg8: memref<512xi32, #tpu.memory_space<vmem>>, %arg9: memref<512xi32, #tpu.memory_space<vmem>>, %arg10: memref<4x128xi32, #tpu.memory_space<vmem>>, %arg11: memref<2x256x144xf32, #tpu.memory_space<vmem>>, %arg12: memref<2x256x16xf32, #tpu.memory_space<vmem>>, %arg13: memref<5248x144xf32, #tpu.memory_space<vmem_shared>>, %arg14: memref<!tpu.dma_semaphore, #tpu.memory_space<semaphore_mem>>, %arg15: memref<!tpu.dma_semaphore, #tpu.memory_space<semaphore_mem>>, %arg16: memref<!tpu.dma_semaphore, #tpu.memory_space<semaphore_mem>>, %arg17: memref<!tpu.dma_semaphore, #tpu.memory_space<semaphore_mem>>) attributes {dimension_semantics = [#tpu.dimension_semantics<core_parallel>, #tpu.dimension_semantics<subcore_parallel>], iteration_bounds = array<i64: 2, 16>, scalar_prefetch = 0 : i64, scratch_operands = 10 : i64, tpu.core_type = #tpu.core_type<sc_vector_subcore>, window_params = [{transform_indices = #map}, {transform_indices = #map}, {transform_indices = #map}, {transform_indices = #map1}, {transform_indices = #map1}, {transform_indices = #map2}]} {
    %mul3A = arith.constant 328 : i32
    %mul3A_0 = arith.muli %arg1, %mul3A : i32
    %add3A = arith.constant 0 : i32
    %add3A_1 = arith.addi %mul3A_0, %add3A : i32
    "tpu.region"() ({
      %run_scoped3A = tpu.sem_alloc : memref<!tpu.dma_semaphore, #tpu.memory_space<semaphore_mem>>
      %dma_start3A = arith.constant 0 : i32
      %dma_start3A_45 = tpu.memref_slice %arg13[%add3A_1, %dma_start3A] : memref<5248x144xf32, #tpu.memory_space<vmem_shared>> -> memref<32x144xf32, #tpu.memory_space<vmem_shared>>
      tpu.enqueue_dma source(%arg4 : memref<32x144xf32, #tpu.memory_space<hbm>>) target(%dma_start3A_45 : memref<32x144xf32, #tpu.memory_space<vmem_shared>>) target_semaphore(%run_scoped3A : memref<!tpu.dma_semaphore, #tpu.memory_space<semaphore_mem>>)
      %dma_wait3A = arith.constant 0 : i32
      %dma_wait3A_46 = tpu.memref_slice %arg13[%add3A_1, %dma_wait3A] : memref<5248x144xf32, #tpu.memory_space<vmem_shared>> -> memref<32x144xf32, #tpu.memory_space<vmem_shared>>
      tpu.wait_dma2 semaphore(%run_scoped3A : memref<!tpu.dma_semaphore, #tpu.memory_space<semaphore_mem>>) src(%arg4 : memref<32x144xf32, #tpu.memory_space<hbm>>) dst(%dma_wait3A_46 : memref<32x144xf32, #tpu.memory_space<vmem_shared>>)
      tpu.yield
    }) : () -> ()
    %add3A_2 = arith.constant 32 : i32
    %add3A_3 = arith.addi %mul3A_0, %add3A_2 : i32
    "tpu.region"() ({
      %run_scoped3A = tpu.sem_alloc : memref<!tpu.dma_semaphore, #tpu.memory_space<semaphore_mem>>
      %dma_start3A = arith.constant 0 : i32
      %dma_start3A_45 = tpu.memref_slice %arg13[%add3A_3, %dma_start3A] : memref<5248x144xf32, #tpu.memory_space<vmem_shared>> -> memref<32x144xf32, #tpu.memory_space<vmem_shared>>
      tpu.enqueue_dma source(%arg4 : memref<32x144xf32, #tpu.memory_space<hbm>>) target(%dma_start3A_45 : memref<32x144xf32, #tpu.memory_space<vmem_shared>>) target_semaphore(%run_scoped3A : memref<!tpu.dma_semaphore, #tpu.memory_space<semaphore_mem>>)
      %dma_wait3A = arith.constant 0 : i32
      %dma_wait3A_46 = tpu.memref_slice %arg13[%add3A_3, %dma_wait3A] : memref<5248x144xf32, #tpu.memory_space<vmem_shared>> -> memref<32x144xf32, #tpu.memory_space<vmem_shared>>
      tpu.wait_dma2 semaphore(%run_scoped3A : memref<!tpu.dma_semaphore, #tpu.memory_space<semaphore_mem>>) src(%arg4 : memref<32x144xf32, #tpu.memory_space<hbm>>) dst(%dma_wait3A_46 : memref<32x144xf32, #tpu.memory_space<vmem_shared>>)
      tpu.yield
    }) : () -> ()
    %add3A_4 = arith.constant 64 : i32
    %add3A_5 = arith.addi %mul3A_0, %add3A_4 : i32
    "tpu.region"() ({
      %run_scoped3A = tpu.sem_alloc : memref<!tpu.dma_semaphore, #tpu.memory_space<semaphore_mem>>
      %dma_start3A = arith.constant 0 : i32
      %dma_start3A_45 = tpu.memref_slice %arg13[%add3A_5, %dma_start3A] : memref<5248x144xf32, #tpu.memory_space<vmem_shared>> -> memref<32x144xf32, #tpu.memory_space<vmem_shared>>
      tpu.enqueue_dma source(%arg4 : memref<32x144xf32, #tpu.memory_space<hbm>>) target(%dma_start3A_45 : memref<32x144xf32, #tpu.memory_space<vmem_shared>>) target_semaphore(%run_scoped3A : memref<!tpu.dma_semaphore, #tpu.memory_space<semaphore_mem>>)
      %dma_wait3A = arith.constant 0 : i32
      %dma_wait3A_46 = tpu.memref_slice %arg13[%add3A_5, %dma_wait3A] : memref<5248x144xf32, #tpu.memory_space<vmem_shared>> -> memref<32x144xf32, #tpu.memory_space<vmem_shared>>
      tpu.wait_dma2 semaphore(%run_scoped3A : memref<!tpu.dma_semaphore, #tpu.memory_space<semaphore_mem>>) src(%arg4 : memref<32x144xf32, #tpu.memory_space<hbm>>) dst(%dma_wait3A_46 : memref<32x144xf32, #tpu.memory_space<vmem_shared>>)
      tpu.yield
    }) : () -> ()
    %add3A_6 = arith.constant 96 : i32
    %add3A_7 = arith.addi %mul3A_0, %add3A_6 : i32
    "tpu.region"() ({
      %run_scoped3A = tpu.sem_alloc : memref<!tpu.dma_semaphore, #tpu.memory_space<semaphore_mem>>
      %dma_start3A = arith.constant 0 : i32
      %dma_start3A_45 = tpu.memref_slice %arg13[%add3A_7, %dma_start3A] : memref<5248x144xf32, #tpu.memory_space<vmem_shared>> -> memref<32x144xf32, #tpu.memory_space<vmem_shared>>
      tpu.enqueue_dma source(%arg4 : memref<32x144xf32, #tpu.memory_space<hbm>>) target(%dma_start3A_45 : memref<32x144xf32, #tpu.memory_space<vmem_shared>>) target_semaphore(%run_scoped3A : memref<!tpu.dma_semaphore, #tpu.memory_space<semaphore_mem>>)
      %dma_wait3A = arith.constant 0 : i32
      %dma_wait3A_46 = tpu.memref_slice %arg13[%add3A_7, %dma_wait3A] : memref<5248x144xf32, #tpu.memory_space<vmem_shared>> -> memref<32x144xf32, #tpu.memory_space<vmem_shared>>
      tpu.wait_dma2 semaphore(%run_scoped3A : memref<!tpu.dma_semaphore, #tpu.memory_space<semaphore_mem>>) src(%arg4 : memref<32x144xf32, #tpu.memory_space<hbm>>) dst(%dma_wait3A_46 : memref<32x144xf32, #tpu.memory_space<vmem_shared>>)
      tpu.yield
    }) : () -> ()
    %add3A_8 = arith.constant 128 : i32
    %add3A_9 = arith.addi %mul3A_0, %add3A_8 : i32
    "tpu.region"() ({
      %run_scoped3A = tpu.sem_alloc : memref<!tpu.dma_semaphore, #tpu.memory_space<semaphore_mem>>
      %dma_start3A = arith.constant 0 : i32
      %dma_start3A_45 = tpu.memref_slice %arg13[%add3A_9, %dma_start3A] : memref<5248x144xf32, #tpu.memory_space<vmem_shared>> -> memref<32x144xf32, #tpu.memory_space<vmem_shared>>
      tpu.enqueue_dma source(%arg4 : memref<32x144xf32, #tpu.memory_space<hbm>>) target(%dma_start3A_45 : memref<32x144xf32, #tpu.memory_space<vmem_shared>>) target_semaphore(%run_scoped3A : memref<!tpu.dma_semaphore, #tpu.memory_space<semaphore_mem>>)
      %dma_wait3A = arith.constant 0 : i32
      %dma_wait3A_46 = tpu.memref_slice %arg13[%add3A_9, %dma_wait3A] : memref<5248x144xf32, #tpu.memory_space<vmem_shared>> -> memref<32x144xf32, #tpu.memory_space<vmem_shared>>
      tpu.wait_dma2 semaphore(%run_scoped3A : memref<!tpu.dma_semaphore, #tpu.memory_space<semaphore_mem>>) src(%arg4 : memref<32x144xf32, #tpu.memory_space<hbm>>) dst(%dma_wait3A_46 : memref<32x144xf32, #tpu.memory_space<vmem_shared>>)
      tpu.yield
    }) : () -> ()
    %add3A_10 = arith.constant 160 : i32
    %add3A_11 = arith.addi %mul3A_0, %add3A_10 : i32
    "tpu.region"() ({
      %run_scoped3A = tpu.sem_alloc : memref<!tpu.dma_semaphore, #tpu.memory_space<semaphore_mem>>
      %dma_start3A = arith.constant 0 : i32
      %dma_start3A_45 = tpu.memref_slice %arg13[%add3A_11, %dma_start3A] : memref<5248x144xf32, #tpu.memory_space<vmem_shared>> -> memref<32x144xf32, #tpu.memory_space<vmem_shared>>
      tpu.enqueue_dma source(%arg4 : memref<32x144xf32, #tpu.memory_space<hbm>>) target(%dma_start3A_45 : memref<32x144xf32, #tpu.memory_space<vmem_shared>>) target_semaphore(%run_scoped3A : memref<!tpu.dma_semaphore, #tpu.memory_space<semaphore_mem>>)
      %dma_wait3A = arith.constant 0 : i32
      %dma_wait3A_46 = tpu.memref_slice %arg13[%add3A_11, %dma_wait3A] : memref<5248x144xf32, #tpu.memory_space<vmem_shared>> -> memref<32x144xf32, #tpu.memory_space<vmem_shared>>
      tpu.wait_dma2 semaphore(%run_scoped3A : memref<!tpu.dma_semaphore, #tpu.memory_space<semaphore_mem>>) src(%arg4 : memref<32x144xf32, #tpu.memory_space<hbm>>) dst(%dma_wait3A_46 : memref<32x144xf32, #tpu.memory_space<vmem_shared>>)
      tpu.yield
    }) : () -> ()
    %add3A_12 = arith.constant 192 : i32
    %add3A_13 = arith.addi %mul3A_0, %add3A_12 : i32
    "tpu.region"() ({
      %run_scoped3A = tpu.sem_alloc : memref<!tpu.dma_semaphore, #tpu.memory_space<semaphore_mem>>
      %dma_start3A = arith.constant 0 : i32
      %dma_start3A_45 = tpu.memref_slice %arg13[%add3A_13, %dma_start3A] : memref<5248x144xf32, #tpu.memory_space<vmem_shared>> -> memref<32x144xf32, #tpu.memory_space<vmem_shared>>
      tpu.enqueue_dma source(%arg4 : memref<32x144xf32, #tpu.memory_space<hbm>>) target(%dma_start3A_45 : memref<32x144xf32, #tpu.memory_space<vmem_shared>>) target_semaphore(%run_scoped3A : memref<!tpu.dma_semaphore, #tpu.memory_space<semaphore_mem>>)
      %dma_wait3A = arith.constant 0 : i32
      %dma_wait3A_46 = tpu.memref_slice %arg13[%add3A_13, %dma_wait3A] : memref<5248x144xf32, #tpu.memory_space<vmem_shared>> -> memref<32x144xf32, #tpu.memory_space<vmem_shared>>
      tpu.wait_dma2 semaphore(%run_scoped3A : memref<!tpu.dma_semaphore, #tpu.memory_space<semaphore_mem>>) src(%arg4 : memref<32x144xf32, #tpu.memory_space<hbm>>) dst(%dma_wait3A_46 : memref<32x144xf32, #tpu.memory_space<vmem_shared>>)
      tpu.yield
    }) : () -> ()
    %add3A_14 = arith.constant 224 : i32
    %add3A_15 = arith.addi %mul3A_0, %add3A_14 : i32
    "tpu.region"() ({
      %run_scoped3A = tpu.sem_alloc : memref<!tpu.dma_semaphore, #tpu.memory_space<semaphore_mem>>
      %dma_start3A = arith.constant 0 : i32
      %dma_start3A_45 = tpu.memref_slice %arg13[%add3A_15, %dma_start3A] : memref<5248x144xf32, #tpu.memory_space<vmem_shared>> -> memref<32x144xf32, #tpu.memory_space<vmem_shared>>
      tpu.enqueue_dma source(%arg4 : memref<32x144xf32, #tpu.memory_space<hbm>>) target(%dma_start3A_45 : memref<32x144xf32, #tpu.memory_space<vmem_shared>>) target_semaphore(%run_scoped3A : memref<!tpu.dma_semaphore, #tpu.memory_space<semaphore_mem>>)
      %dma_wait3A = arith.constant 0 : i32
      %dma_wait3A_46 = tpu.memref_slice %arg13[%add3A_15, %dma_wait3A] : memref<5248x144xf32, #tpu.memory_space<vmem_shared>> -> memref<32x144xf32, #tpu.memory_space<vmem_shared>>
      tpu.wait_dma2 semaphore(%run_scoped3A : memref<!tpu.dma_semaphore, #tpu.memory_space<semaphore_mem>>) src(%arg4 : memref<32x144xf32, #tpu.memory_space<hbm>>) dst(%dma_wait3A_46 : memref<32x144xf32, #tpu.memory_space<vmem_shared>>)
      tpu.yield
    }) : () -> ()
    %add3A_16 = arith.constant 256 : i32
    %add3A_17 = arith.addi %mul3A_0, %add3A_16 : i32
    "tpu.region"() ({
      %run_scoped3A = tpu.sem_alloc : memref<!tpu.dma_semaphore, #tpu.memory_space<semaphore_mem>>
      %dma_start3A = arith.constant 0 : i32
      %dma_start3A_45 = tpu.memref_slice %arg13[%add3A_17, %dma_start3A] : memref<5248x144xf32, #tpu.memory_space<vmem_shared>> -> memref<32x144xf32, #tpu.memory_space<vmem_shared>>
      tpu.enqueue_dma source(%arg4 : memref<32x144xf32, #tpu.memory_space<hbm>>) target(%dma_start3A_45 : memref<32x144xf32, #tpu.memory_space<vmem_shared>>) target_semaphore(%run_scoped3A : memref<!tpu.dma_semaphore, #tpu.memory_space<semaphore_mem>>)
      %dma_wait3A = arith.constant 0 : i32
      %dma_wait3A_46 = tpu.memref_slice %arg13[%add3A_17, %dma_wait3A] : memref<5248x144xf32, #tpu.memory_space<vmem_shared>> -> memref<32x144xf32, #tpu.memory_space<vmem_shared>>
      tpu.wait_dma2 semaphore(%run_scoped3A : memref<!tpu.dma_semaphore, #tpu.memory_space<semaphore_mem>>) src(%arg4 : memref<32x144xf32, #tpu.memory_space<hbm>>) dst(%dma_wait3A_46 : memref<32x144xf32, #tpu.memory_space<vmem_shared>>)
      tpu.yield
    }) : () -> ()
    %add3A_18 = arith.constant 288 : i32
    %add3A_19 = arith.addi %mul3A_0, %add3A_18 : i32
    "tpu.region"() ({
      %run_scoped3A = tpu.sem_alloc : memref<!tpu.dma_semaphore, #tpu.memory_space<semaphore_mem>>
      %dma_start3A = arith.constant 0 : i32
      %dma_start3A_45 = tpu.memref_slice %arg13[%add3A_19, %dma_start3A] : memref<5248x144xf32, #tpu.memory_space<vmem_shared>> -> memref<32x144xf32, #tpu.memory_space<vmem_shared>>
      tpu.enqueue_dma source(%arg4 : memref<32x144xf32, #tpu.memory_space<hbm>>) target(%dma_start3A_45 : memref<32x144xf32, #tpu.memory_space<vmem_shared>>) target_semaphore(%run_scoped3A : memref<!tpu.dma_semaphore, #tpu.memory_space<semaphore_mem>>)
      %dma_wait3A = arith.constant 0 : i32
      %dma_wait3A_46 = tpu.memref_slice %arg13[%add3A_19, %dma_wait3A] : memref<5248x144xf32, #tpu.memory_space<vmem_shared>> -> memref<32x144xf32, #tpu.memory_space<vmem_shared>>
      tpu.wait_dma2 semaphore(%run_scoped3A : memref<!tpu.dma_semaphore, #tpu.memory_space<semaphore_mem>>) src(%arg4 : memref<32x144xf32, #tpu.memory_space<hbm>>) dst(%dma_wait3A_46 : memref<32x144xf32, #tpu.memory_space<vmem_shared>>)
      tpu.yield
    }) : () -> ()
    %add3A_20 = arith.constant 328 : i32
    %add3A_21 = arith.addi %mul3A_0, %add3A_20 : i32
    %sub3A = arith.constant 8 : i32
    %sub3A_22 = arith.subi %add3A_21, %sub3A : i32
    "tpu.region"() ({
      %run_scoped3A = tpu.sem_alloc : memref<!tpu.dma_semaphore, #tpu.memory_space<semaphore_mem>>
      %dma_start3A = arith.constant 0 : i32
      %dma_start3A_45 = tpu.memref_slice %arg13[%sub3A_22, %dma_start3A] : memref<5248x144xf32, #tpu.memory_space<vmem_shared>> -> memref<8x144xf32, #tpu.memory_space<vmem_shared>>
      %dma_start3A_46 = arith.constant 0 : i32
      %dma_start3A_47 = arith.constant 0 : i32
      %dma_start3A_48 = tpu.memref_slice %arg4[%dma_start3A_46, %dma_start3A_47] : memref<32x144xf32, #tpu.memory_space<hbm>> -> memref<8x144xf32, #tpu.memory_space<hbm>>
      tpu.enqueue_dma source(%dma_start3A_48 : memref<8x144xf32, #tpu.memory_space<hbm>>) target(%dma_start3A_45 : memref<8x144xf32, #tpu.memory_space<vmem_shared>>) target_semaphore(%run_scoped3A : memref<!tpu.dma_semaphore, #tpu.memory_space<semaphore_mem>>)
      %dma_wait3A = arith.constant 0 : i32
      %dma_wait3A_49 = tpu.memref_slice %arg13[%sub3A_22, %dma_wait3A] : memref<5248x144xf32, #tpu.memory_space<vmem_shared>> -> memref<8x144xf32, #tpu.memory_space<vmem_shared>>
      %dma_wait3A_50 = arith.constant 0 : i32
      %dma_wait3A_51 = arith.constant 0 : i32
      %dma_wait3A_52 = tpu.memref_slice %arg4[%dma_wait3A_50, %dma_wait3A_51] : memref<32x144xf32, #tpu.memory_space<hbm>> -> memref<8x144xf32, #tpu.memory_space<hbm>>
      tpu.wait_dma2 semaphore(%run_scoped3A : memref<!tpu.dma_semaphore, #tpu.memory_space<semaphore_mem>>) src(%dma_wait3A_52 : memref<8x144xf32, #tpu.memory_space<hbm>>) dst(%dma_wait3A_49 : memref<8x144xf32, #tpu.memory_space<vmem_shared>>)
      tpu.yield
    }) : () -> ()
    %barrier3A = arith.constant 0 : index
    tpu.barrier barrier_id(%barrier3A)
    %broadcast_in_dim3A = arith.constant 0 : i32
    %broadcast_in_dim3A_23 = vector.broadcast %broadcast_in_dim3A : i32 to vector<16xi32>
    %broadcast_in_dim3A_24 = arith.constant 1 : i32
    %broadcast_in_dim3A_25 = vector.broadcast %broadcast_in_dim3A_24 : i32 to vector<16xi32>
    %broadcast_in_dim3A_26 = arith.constant 2 : i32
    %broadcast_in_dim3A_27 = vector.broadcast %broadcast_in_dim3A_26 : i32 to vector<16xi32>
    %broadcast_in_dim3A_28 = arith.constant 3 : i32
    %broadcast_in_dim3A_29 = vector.broadcast %broadcast_in_dim3A_28 : i32 to vector<16xi32>
    %broadcast_in_dim3A_30 = arith.constant 4 : i32
    %broadcast_in_dim3A_31 = vector.broadcast %broadcast_in_dim3A_30 : i32 to vector<16xi32>
    %broadcast_in_dim3A_32 = arith.constant 5 : i32
    %broadcast_in_dim3A_33 = vector.broadcast %broadcast_in_dim3A_32 : i32 to vector<16xi32>
    %broadcast_in_dim3A_34 = arith.constant 6 : i32
    %broadcast_in_dim3A_35 = vector.broadcast %broadcast_in_dim3A_34 : i32 to vector<16xi32>
    %broadcast_in_dim3A_36 = arith.constant 7 : i32
    %broadcast_in_dim3A_37 = vector.broadcast %broadcast_in_dim3A_36 : i32 to vector<16xi32>
    %mul3A_38 = arith.constant 5120 : i32
    %mul3A_39 = arith.muli %arg0, %mul3A_38 : i32
    %scan3A = arith.constant 0 : i32
    %scan3A_40 = arith.constant 44 : i32
    %scan3A_41 = arith.addi %scan3A, %scan3A_40 : i32
    %scan3A_42 = arith.constant 1 : i32
    scf.for %scan3A_45 = %scan3A to %scan3A_41 step %scan3A_42  : i32 {
      %mul3A_46 = arith.constant 1 : i32
      %mul3A_47 = arith.muli %scan3A_45, %mul3A_46 : i32
      %add3A_48 = arith.constant 0 : i32
      %add3A_49 = arith.addi %add3A_48, %mul3A_47 : i32
      %mul3A_50 = arith.constant 22528 : i32
      %mul3A_51 = arith.muli %arg1, %mul3A_50 : i32
      %mul3A_52 = arith.constant 512 : i32
      %mul3A_53 = arith.muli %add3A_49, %mul3A_52 : i32
      %add3A_54 = arith.addi %mul3A_51, %mul3A_53 : i32
      "tpu.region"() ({
        %run_scoped3A = tpu.sem_alloc : memref<!tpu.dma_semaphore, #tpu.memory_space<semaphore_mem>>
        %dma_start3A_244 = tpu.memref_slice %arg5[%add3A_54] : memref<360448xi32, #tpu.memory_space<hbm>> -> memref<512xi32, #tpu.memory_space<hbm>>
        %dma_start3A_245 = tpu.memref_slice %arg5[%add3A_54] : memref<360448xi32, #tpu.memory_space<hbm>> -> memref<512xi32, #tpu.memory_space<hbm>>
        tpu.enqueue_dma source(%dma_start3A_245 : memref<512xi32, #tpu.memory_space<hbm>>) target(%arg8 : memref<512xi32, #tpu.memory_space<vmem>>) target_semaphore(%run_scoped3A : memref<!tpu.dma_semaphore, #tpu.memory_space<semaphore_mem>>)
        %dma_wait3A_246 = tpu.memref_slice %arg5[%add3A_54] : memref<360448xi32, #tpu.memory_space<hbm>> -> memref<512xi32, #tpu.memory_space<hbm>>
        %dma_wait3A_247 = tpu.memref_slice %arg5[%add3A_54] : memref<360448xi32, #tpu.memory_space<hbm>> -> memref<512xi32, #tpu.memory_space<hbm>>
        tpu.wait_dma2 semaphore(%run_scoped3A : memref<!tpu.dma_semaphore, #tpu.memory_space<semaphore_mem>>) src(%dma_wait3A_247 : memref<512xi32, #tpu.memory_space<hbm>>) dst(%arg8 : memref<512xi32, #tpu.memory_space<vmem>>)
        tpu.yield
      }) : () -> ()
      "tpu.region"() ({
        %run_scoped3A = tpu.sem_alloc : memref<!tpu.dma_semaphore, #tpu.memory_space<semaphore_mem>>
        %dma_start3A_244 = tpu.memref_slice %arg6[%add3A_54] : memref<360448xi32, #tpu.memory_space<hbm>> -> memref<512xi32, #tpu.memory_space<hbm>>
        %dma_start3A_245 = tpu.memref_slice %arg6[%add3A_54] : memref<360448xi32, #tpu.memory_space<hbm>> -> memref<512xi32, #tpu.memory_space<hbm>>
        tpu.enqueue_dma source(%dma_start3A_245 : memref<512xi32, #tpu.memory_space<hbm>>) target(%arg9 : memref<512xi32, #tpu.memory_space<vmem>>) target_semaphore(%run_scoped3A : memref<!tpu.dma_semaphore, #tpu.memory_space<semaphore_mem>>)
        %dma_wait3A_246 = tpu.memref_slice %arg6[%add3A_54] : memref<360448xi32, #tpu.memory_space<hbm>> -> memref<512xi32, #tpu.memory_space<hbm>>
        %dma_wait3A_247 = tpu.memref_slice %arg6[%add3A_54] : memref<360448xi32, #tpu.memory_space<hbm>> -> memref<512xi32, #tpu.memory_space<hbm>>
        tpu.wait_dma2 semaphore(%run_scoped3A : memref<!tpu.dma_semaphore, #tpu.memory_space<semaphore_mem>>) src(%dma_wait3A_247 : memref<512xi32, #tpu.memory_space<hbm>>) dst(%arg9 : memref<512xi32, #tpu.memory_space<vmem>>)
        tpu.yield
      }) : () -> ()
      %scan3A_55 = arith.constant 0 : i32
      %scan3A_56 = arith.constant 4 : i32
      %scan3A_57 = arith.addi %scan3A_55, %scan3A_56 : i32
      %scan3A_58 = arith.constant 1 : i32
      scf.for %scan3A_244 = %scan3A_55 to %scan3A_57 step %scan3A_58  : i32 {
        %mul3A_245 = arith.constant 1 : i32
        %mul3A_246 = arith.muli %scan3A_244, %mul3A_245 : i32
        %add3A_247 = arith.constant 0 : i32
        %add3A_248 = arith.addi %add3A_247, %mul3A_246 : i32
        %mul3A_249 = arith.constant 128 : i32
        %mul3A_250 = arith.muli %add3A_248, %mul3A_249 : i32
        %add3A_251 = arith.constant 0 : i32
        %add3A_252 = arith.addi %mul3A_250, %add3A_251 : i32
        %get3A = arith.index_cast %add3A_252 : i32 to index
        %get3A_253 = tpu.vector_load %arg9[%get3A] {strides = array<i32>} : memref<512xi32, #tpu.memory_space<vmem>>, vector<16xi32>,
        %get3A_254 = vector.shape_cast %get3A_253 : vector<16xi32> to vector<16xi32>
        %sub3A_255 = vector.broadcast %mul3A_39 : i32 to vector<16xi32>
        %sub3A_256 = arith.subi %get3A_254, %sub3A_255 : vector<16xi32>
        %lt3A = arith.constant 0 : i32
        %lt3A_257 = vector.broadcast %lt3A : i32 to vector<16xi32>
        %lt3A_258 = arith.cmpi slt, %sub3A_256, %lt3A_257 : vector<16xi32>
        %ge3A = arith.constant 5120 : i32
        %ge3A_259 = vector.broadcast %ge3A : i32 to vector<16xi32>
        %ge3A_260 = arith.cmpi sge, %sub3A_256, %ge3A_259 : vector<16xi32>
        %or3A = arith.ori %lt3A_258, %ge3A_260 : vector<16xi1>
        %jit3A = arith.constant 5200 : i32
        %broadcast_in_dim3A_261 = vector.broadcast %jit3A : i32 to vector<16xi32>
        %select_n3A = arith.select %or3A, %broadcast_in_dim3A_261, %sub3A_256 : vector<16xi1>, vector<16xi32>
        %swap3A = arith.index_cast %add3A_248 : i32 to index
        %swap3A_262 = arith.constant 0 : index
        %swap3A_263 = tpu.vector_load %arg10[%swap3A, %swap3A_262] {strides = array<i32>} : memref<4x128xi32, #tpu.memory_space<vmem>>, vector<1x16xi32>,
        %swap3A_264 = vector.shape_cast %swap3A_263 : vector<1x16xi32> to vector<16xi32>
        %swap3A_265 = vector.shape_cast %select_n3A : vector<16xi32> to vector<1x16xi32>
        tpu.vector_store %arg10[%swap3A, %swap3A_262], %swap3A_265 {strides = array<i32>} : memref<4x128xi32, #tpu.memory_space<vmem>>, vector<1x16xi32>,
        %mul3A_266 = arith.constant 128 : i32
        %mul3A_267 = arith.muli %add3A_248, %mul3A_266 : i32
        %add3A_268 = arith.constant 16 : i32
        %add3A_269 = arith.addi %mul3A_267, %add3A_268 : i32
        %get3A_270 = arith.index_cast %add3A_269 : i32 to index
        %get3A_271 = tpu.vector_load %arg9[%get3A_270] {strides = array<i32>} : memref<512xi32, #tpu.memory_space<vmem>>, vector<16xi32>,
        %get3A_272 = vector.shape_cast %get3A_271 : vector<16xi32> to vector<16xi32>
        %sub3A_273 = vector.broadcast %mul3A_39 : i32 to vector<16xi32>
        %sub3A_274 = arith.subi %get3A_272, %sub3A_273 : vector<16xi32>
        %lt3A_275 = arith.constant 0 : i32
        %lt3A_276 = vector.broadcast %lt3A_275 : i32 to vector<16xi32>
        %lt3A_277 = arith.cmpi slt, %sub3A_274, %lt3A_276 : vector<16xi32>
        %ge3A_278 = arith.constant 5120 : i32
        %ge3A_279 = vector.broadcast %ge3A_278 : i32 to vector<16xi32>
        %ge3A_280 = arith.cmpi sge, %sub3A_274, %ge3A_279 : vector<16xi32>
        %or3A_281 = arith.ori %lt3A_277, %ge3A_280 : vector<16xi1>
        %jit3A_282 = arith.constant 5200 : i32
        %broadcast_in_dim3A_283 = vector.broadcast %jit3A_282 : i32 to vector<16xi32>
        %select_n3A_284 = arith.select %or3A_281, %broadcast_in_dim3A_283, %sub3A_274 : vector<16xi1>, vector<16xi32>
        %swap3A_285 = arith.index_cast %add3A_248 : i32 to index
        %swap3A_286 = arith.constant 16 : index
        %swap3A_287 = tpu.vector_load %arg10[%swap3A_285, %swap3A_286] {strides = array<i32>} : memref<4x128xi32, #tpu.memory_space<vmem>>, vector<1x16xi32>,
        %swap3A_288 = vector.shape_cast %swap3A_287 : vector<1x16xi32> to vector<16xi32>
        %swap3A_289 = vector.shape_cast %select_n3A_284 : vector<16xi32> to vector<1x16xi32>
        tpu.vector_store %arg10[%swap3A_285, %swap3A_286], %swap3A_289 {strides = array<i32>} : memref<4x128xi32, #tpu.memory_space<vmem>>, vector<1x16xi32>,
        %mul3A_290 = arith.constant 128 : i32
        %mul3A_291 = arith.muli %add3A_248, %mul3A_290 : i32
        %add3A_292 = arith.constant 32 : i32
        %add3A_293 = arith.addi %mul3A_291, %add3A_292 : i32
        %get3A_294 = arith.index_cast %add3A_293 : i32 to index
        %get3A_295 = tpu.vector_load %arg9[%get3A_294] {strides = array<i32>} : memref<512xi32, #tpu.memory_space<vmem>>, vector<16xi32>,
        %get3A_296 = vector.shape_cast %get3A_295 : vector<16xi32> to vector<16xi32>
        %sub3A_297 = vector.broadcast %mul3A_39 : i32 to vector<16xi32>
        %sub3A_298 = arith.subi %get3A_296, %sub3A_297 : vector<16xi32>
        %lt3A_299 = arith.constant 0 : i32
        %lt3A_300 = vector.broadcast %lt3A_299 : i32 to vector<16xi32>
        %lt3A_301 = arith.cmpi slt, %sub3A_298, %lt3A_300 : vector<16xi32>
        %ge3A_302 = arith.constant 5120 : i32
        %ge3A_303 = vector.broadcast %ge3A_302 : i32 to vector<16xi32>
        %ge3A_304 = arith.cmpi sge, %sub3A_298, %ge3A_303 : vector<16xi32>
        %or3A_305 = arith.ori %lt3A_301, %ge3A_304 : vector<16xi1>
        %jit3A_306 = arith.constant 5200 : i32
        %broadcast_in_dim3A_307 = vector.broadcast %jit3A_306 : i32 to vector<16xi32>
        %select_n3A_308 = arith.select %or3A_305, %broadcast_in_dim3A_307, %sub3A_298 : vector<16xi1>, vector<16xi32>
        %swap3A_309 = arith.index_cast %add3A_248 : i32 to index
        %swap3A_310 = arith.constant 32 : index
        %swap3A_311 = tpu.vector_load %arg10[%swap3A_309, %swap3A_310] {strides = array<i32>} : memref<4x128xi32, #tpu.memory_space<vmem>>, vector<1x16xi32>,
        %swap3A_312 = vector.shape_cast %swap3A_311 : vector<1x16xi32> to vector<16xi32>
        %swap3A_313 = vector.shape_cast %select_n3A_308 : vector<16xi32> to vector<1x16xi32>
        tpu.vector_store %arg10[%swap3A_309, %swap3A_310], %swap3A_313 {strides = array<i32>} : memref<4x128xi32, #tpu.memory_space<vmem>>, vector<1x16xi32>,
        %mul3A_314 = arith.constant 128 : i32
        %mul3A_315 = arith.muli %add3A_248, %mul3A_314 : i32
        %add3A_316 = arith.constant 48 : i32
        %add3A_317 = arith.addi %mul3A_315, %add3A_316 : i32
        %get3A_318 = arith.index_cast %add3A_317 : i32 to index
        %get3A_319 = tpu.vector_load %arg9[%get3A_318] {strides = array<i32>} : memref<512xi32, #tpu.memory_space<vmem>>, vector<16xi32>,
        %get3A_320 = vector.shape_cast %get3A_319 : vector<16xi32> to vector<16xi32>
        %sub3A_321 = vector.broadcast %mul3A_39 : i32 to vector<16xi32>
        %sub3A_322 = arith.subi %get3A_320, %sub3A_321 : vector<16xi32>
        %lt3A_323 = arith.constant 0 : i32
        %lt3A_324 = vector.broadcast %lt3A_323 : i32 to vector<16xi32>
        %lt3A_325 = arith.cmpi slt, %sub3A_322, %lt3A_324 : vector<16xi32>
        %ge3A_326 = arith.constant 5120 : i32
        %ge3A_327 = vector.broadcast %ge3A_326 : i32 to vector<16xi32>
        %ge3A_328 = arith.cmpi sge, %sub3A_322, %ge3A_327 : vector<16xi32>
        %or3A_329 = arith.ori %lt3A_325, %ge3A_328 : vector<16xi1>
        %jit3A_330 = arith.constant 5200 : i32
        %broadcast_in_dim3A_331 = vector.broadcast %jit3A_330 : i32 to vector<16xi32>
        %select_n3A_332 = arith.select %or3A_329, %broadcast_in_dim3A_331, %sub3A_322 : vector<16xi1>, vector<16xi32>
        %swap3A_333 = arith.index_cast %add3A_248 : i32 to index
        %swap3A_334 = arith.constant 48 : index
        %swap3A_335 = tpu.vector_load %arg10[%swap3A_333, %swap3A_334] {strides = array<i32>} : memref<4x128xi32, #tpu.memory_space<vmem>>, vector<1x16xi32>,
        %swap3A_336 = vector.shape_cast %swap3A_335 : vector<1x16xi32> to vector<16xi32>
        %swap3A_337 = vector.shape_cast %select_n3A_332 : vector<16xi32> to vector<1x16xi32>
        tpu.vector_store %arg10[%swap3A_333, %swap3A_334], %swap3A_337 {strides = array<i32>} : memref<4x128xi32, #tpu.memory_space<vmem>>, vector<1x16xi32>,
        %mul3A_338 = arith.constant 128 : i32
        %mul3A_339 = arith.muli %add3A_248, %mul3A_338 : i32
        %add3A_340 = arith.constant 64 : i32
        %add3A_341 = arith.addi %mul3A_339, %add3A_340 : i32
        %get3A_342 = arith.index_cast %add3A_341 : i32 to index
        %get3A_343 = tpu.vector_load %arg9[%get3A_342] {strides = array<i32>} : memref<512xi32, #tpu.memory_space<vmem>>, vector<16xi32>,
        %get3A_344 = vector.shape_cast %get3A_343 : vector<16xi32> to vector<16xi32>
        %sub3A_345 = vector.broadcast %mul3A_39 : i32 to vector<16xi32>
        %sub3A_346 = arith.subi %get3A_344, %sub3A_345 : vector<16xi32>
        %lt3A_347 = arith.constant 0 : i32
        %lt3A_348 = vector.broadcast %lt3A_347 : i32 to vector<16xi32>
        %lt3A_349 = arith.cmpi slt, %sub3A_346, %lt3A_348 : vector<16xi32>
        %ge3A_350 = arith.constant 5120 : i32
        %ge3A_351 = vector.broadcast %ge3A_350 : i32 to vector<16xi32>
        %ge3A_352 = arith.cmpi sge, %sub3A_346, %ge3A_351 : vector<16xi32>
        %or3A_353 = arith.ori %lt3A_349, %ge3A_352 : vector<16xi1>
        %jit3A_354 = arith.constant 5200 : i32
        %broadcast_in_dim3A_355 = vector.broadcast %jit3A_354 : i32 to vector<16xi32>
        %select_n3A_356 = arith.select %or3A_353, %broadcast_in_dim3A_355, %sub3A_346 : vector<16xi1>, vector<16xi32>
        %swap3A_357 = arith.index_cast %add3A_248 : i32 to index
        %swap3A_358 = arith.constant 64 : index
        %swap3A_359 = tpu.vector_load %arg10[%swap3A_357, %swap3A_358] {strides = array<i32>} : memref<4x128xi32, #tpu.memory_space<vmem>>, vector<1x16xi32>,
        %swap3A_360 = vector.shape_cast %swap3A_359 : vector<1x16xi32> to vector<16xi32>
        %swap3A_361 = vector.shape_cast %select_n3A_356 : vector<16xi32> to vector<1x16xi32>
        tpu.vector_store %arg10[%swap3A_357, %swap3A_358], %swap3A_361 {strides = array<i32>} : memref<4x128xi32, #tpu.memory_space<vmem>>, vector<1x16xi32>,
        %mul3A_362 = arith.constant 128 : i32
        %mul3A_363 = arith.muli %add3A_248, %mul3A_362 : i32
        %add3A_364 = arith.constant 80 : i32
        %add3A_365 = arith.addi %mul3A_363, %add3A_364 : i32
        %get3A_366 = arith.index_cast %add3A_365 : i32 to index
        %get3A_367 = tpu.vector_load %arg9[%get3A_366] {strides = array<i32>} : memref<512xi32, #tpu.memory_space<vmem>>, vector<16xi32>,
        %get3A_368 = vector.shape_cast %get3A_367 : vector<16xi32> to vector<16xi32>
        %sub3A_369 = vector.broadcast %mul3A_39 : i32 to vector<16xi32>
        %sub3A_370 = arith.subi %get3A_368, %sub3A_369 : vector<16xi32>
        %lt3A_371 = arith.constant 0 : i32
        %lt3A_372 = vector.broadcast %lt3A_371 : i32 to vector<16xi32>
        %lt3A_373 = arith.cmpi slt, %sub3A_370, %lt3A_372 : vector<16xi32>
        %ge3A_374 = arith.constant 5120 : i32
        %ge3A_375 = vector.broadcast %ge3A_374 : i32 to vector<16xi32>
        %ge3A_376 = arith.cmpi sge, %sub3A_370, %ge3A_375 : vector<16xi32>
        %or3A_377 = arith.ori %lt3A_373, %ge3A_376 : vector<16xi1>
        %jit3A_378 = arith.constant 5200 : i32
        %broadcast_in_dim3A_379 = vector.broadcast %jit3A_378 : i32 to vector<16xi32>
        %select_n3A_380 = arith.select %or3A_377, %broadcast_in_dim3A_379, %sub3A_370 : vector<16xi1>, vector<16xi32>
        %swap3A_381 = arith.index_cast %add3A_248 : i32 to index
        %swap3A_382 = arith.constant 80 : index
        %swap3A_383 = tpu.vector_load %arg10[%swap3A_381, %swap3A_382] {strides = array<i32>} : memref<4x128xi32, #tpu.memory_space<vmem>>, vector<1x16xi32>,
        %swap3A_384 = vector.shape_cast %swap3A_383 : vector<1x16xi32> to vector<16xi32>
        %swap3A_385 = vector.shape_cast %select_n3A_380 : vector<16xi32> to vector<1x16xi32>
        tpu.vector_store %arg10[%swap3A_381, %swap3A_382], %swap3A_385 {strides = array<i32>} : memref<4x128xi32, #tpu.memory_space<vmem>>, vector<1x16xi32>,
        %mul3A_386 = arith.constant 128 : i32
        %mul3A_387 = arith.muli %add3A_248, %mul3A_386 : i32
        %add3A_388 = arith.constant 96 : i32
        %add3A_389 = arith.addi %mul3A_387, %add3A_388 : i32
        %get3A_390 = arith.index_cast %add3A_389 : i32 to index
        %get3A_391 = tpu.vector_load %arg9[%get3A_390] {strides = array<i32>} : memref<512xi32, #tpu.memory_space<vmem>>, vector<16xi32>,
        %get3A_392 = vector.shape_cast %get3A_391 : vector<16xi32> to vector<16xi32>
        %sub3A_393 = vector.broadcast %mul3A_39 : i32 to vector<16xi32>
        %sub3A_394 = arith.subi %get3A_392, %sub3A_393 : vector<16xi32>
        %lt3A_395 = arith.constant 0 : i32
        %lt3A_396 = vector.broadcast %lt3A_395 : i32 to vector<16xi32>
        %lt3A_397 = arith.cmpi slt, %sub3A_394, %lt3A_396 : vector<16xi32>
        %ge3A_398 = arith.constant 5120 : i32
        %ge3A_399 = vector.broadcast %ge3A_398 : i32 to vector<16xi32>
        %ge3A_400 = arith.cmpi sge, %sub3A_394, %ge3A_399 : vector<16xi32>
        %or3A_401 = arith.ori %lt3A_397, %ge3A_400 : vector<16xi1>
        %jit3A_402 = arith.constant 5200 : i32
        %broadcast_in_dim3A_403 = vector.broadcast %jit3A_402 : i32 to vector<16xi32>
        %select_n3A_404 = arith.select %or3A_401, %broadcast_in_dim3A_403, %sub3A_394 : vector<16xi1>, vector<16xi32>
        %swap3A_405 = arith.index_cast %add3A_248 : i32 to index
        %swap3A_406 = arith.constant 96 : index
        %swap3A_407 = tpu.vector_load %arg10[%swap3A_405, %swap3A_406] {strides = array<i32>} : memref<4x128xi32, #tpu.memory_space<vmem>>, vector<1x16xi32>,
        %swap3A_408 = vector.shape_cast %swap3A_407 : vector<1x16xi32> to vector<16xi32>
        %swap3A_409 = vector.shape_cast %select_n3A_404 : vector<16xi32> to vector<1x16xi32>
        tpu.vector_store %arg10[%swap3A_405, %swap3A_406], %swap3A_409 {strides = array<i32>} : memref<4x128xi32, #tpu.memory_space<vmem>>, vector<1x16xi32>,
        %mul3A_410 = arith.constant 128 : i32
        %mul3A_411 = arith.muli %add3A_248, %mul3A_410 : i32
        %add3A_412 = arith.constant 112 : i32
        %add3A_413 = arith.addi %mul3A_411, %add3A_412 : i32
        %get3A_414 = arith.index_cast %add3A_413 : i32 to index
        %get3A_415 = tpu.vector_load %arg9[%get3A_414] {strides = array<i32>} : memref<512xi32, #tpu.memory_space<vmem>>, vector<16xi32>,
        %get3A_416 = vector.shape_cast %get3A_415 : vector<16xi32> to vector<16xi32>
        %sub3A_417 = vector.broadcast %mul3A_39 : i32 to vector<16xi32>
        %sub3A_418 = arith.subi %get3A_416, %sub3A_417 : vector<16xi32>
        %lt3A_419 = arith.constant 0 : i32
        %lt3A_420 = vector.broadcast %lt3A_419 : i32 to vector<16xi32>
        %lt3A_421 = arith.cmpi slt, %sub3A_418, %lt3A_420 : vector<16xi32>
        %ge3A_422 = arith.constant 5120 : i32
        %ge3A_423 = vector.broadcast %ge3A_422 : i32 to vector<16xi32>
        %ge3A_424 = arith.cmpi sge, %sub3A_418, %ge3A_423 : vector<16xi32>
        %or3A_425 = arith.ori %lt3A_421, %ge3A_424 : vector<16xi1>
        %jit3A_426 = arith.constant 5200 : i32
        %broadcast_in_dim3A_427 = vector.broadcast %jit3A_426 : i32 to vector<16xi32>
        %select_n3A_428 = arith.select %or3A_425, %broadcast_in_dim3A_427, %sub3A_418 : vector<16xi1>, vector<16xi32>
        %swap3A_429 = arith.index_cast %add3A_248 : i32 to index
        %swap3A_430 = arith.constant 112 : index
        %swap3A_431 = tpu.vector_load %arg10[%swap3A_429, %swap3A_430] {strides = array<i32>} : memref<4x128xi32, #tpu.memory_space<vmem>>, vector<1x16xi32>,
        %swap3A_432 = vector.shape_cast %swap3A_431 : vector<1x16xi32> to vector<16xi32>
        %swap3A_433 = vector.shape_cast %select_n3A_428 : vector<16xi32> to vector<1x16xi32>
        tpu.vector_store %arg10[%swap3A_429, %swap3A_430], %swap3A_433 {strides = array<i32>} : memref<4x128xi32, #tpu.memory_space<vmem>>, vector<1x16xi32>,
      }
      %scan3A_59 = arith.constant 4 : i32
      %dma_start3A = arith.constant 0 : i32
      %dma_start3A_60 = arith.constant 0 : i32
      %dma_start3A_61 = arith.constant 0 : i32
      %dma_start3A_62 = tpu.memref_slice %arg11[%dma_start3A, %dma_start3A_60, %dma_start3A_61] : memref<2x256x144xf32, #tpu.memory_space<vmem>> -> memref<1x256x144xf32, #tpu.memory_space<vmem>>
      %dma_start3A_63 = tpu.memref_squeeze %dma_start3A_62 : memref<1x256x144xf32, #tpu.memory_space<vmem>> -> memref<256x144xf32, #tpu.memory_space<vmem>>
      %dma_start3A_64 = arith.constant 0 : i32
      %dma_start3A_65 = tpu.memref_slice %arg8[%dma_start3A_64] : memref<512xi32, #tpu.memory_space<vmem>> -> memref<256xi32, #tpu.memory_space<vmem>>
      %dma_start3A_66 = arith.constant 0 : i32
      %dma_start3A_67 = arith.constant 0 : i32
      %dma_start3A_68 = tpu.memref_slice %arg2[%dma_start3A_66, %dma_start3A_67] : memref<10240x144xf32, #tpu.memory_space<hbm>> -> memref<10240x144xf32, #tpu.memory_space<hbm>>
      tpu.enqueue_indirect_dma source(%dma_start3A_68 : memref<10240x144xf32, #tpu.memory_space<hbm>>) target(%dma_start3A_63 : memref<256x144xf32, #tpu.memory_space<vmem>>) offsets(%dma_start3A_65 : memref<256xi32, #tpu.memory_space<vmem>>) semaphore(%arg14 : memref<!tpu.dma_semaphore, #tpu.memory_space<semaphore_mem>>)
      %dma_start3A_69 = arith.constant 0 : i32
      %dma_start3A_70 = arith.constant 0 : i32
      %dma_start3A_71 = arith.constant 0 : i32
      %dma_start3A_72 = tpu.memref_slice %arg12[%dma_start3A_69, %dma_start3A_70, %dma_start3A_71] : memref<2x256x16xf32, #tpu.memory_space<vmem>> -> memref<1x256x16xf32, #tpu.memory_space<vmem>>
      %dma_start3A_73 = tpu.memref_squeeze %dma_start3A_72 : memref<1x256x16xf32, #tpu.memory_space<vmem>> -> memref<256x16xf32, #tpu.memory_space<vmem>>
      %dma_start3A_74 = arith.constant 0 : i32
      %dma_start3A_75 = tpu.memref_slice %arg9[%dma_start3A_74] : memref<512xi32, #tpu.memory_space<vmem>> -> memref<256xi32, #tpu.memory_space<vmem>>
      %dma_start3A_76 = arith.constant 0 : i32
      %dma_start3A_77 = arith.constant 0 : i32
      %dma_start3A_78 = tpu.memref_slice %arg3[%dma_start3A_76, %dma_start3A_77] : memref<10240x16xf32, #tpu.memory_space<hbm>> -> memref<10240x16xf32, #tpu.memory_space<hbm>>
      tpu.enqueue_indirect_dma source(%dma_start3A_78 : memref<10240x16xf32, #tpu.memory_space<hbm>>) target(%dma_start3A_73 : memref<256x16xf32, #tpu.memory_space<vmem>>) offsets(%dma_start3A_75 : memref<256xi32, #tpu.memory_space<vmem>>) semaphore(%arg14 : memref<!tpu.dma_semaphore, #tpu.memory_space<semaphore_mem>>)
      %dma_start3A_79 = arith.constant 1 : i32
      %dma_start3A_80 = arith.constant 0 : i32
      %dma_start3A_81 = arith.constant 0 : i32
      %dma_start3A_82 = tpu.memref_slice %arg11[%dma_start3A_79, %dma_start3A_80, %dma_start3A_81] : memref<2x256x144xf32, #tpu.memory_space<vmem>> -> memref<1x256x144xf32, #tpu.memory_space<vmem>>
      %dma_start3A_83 = tpu.memref_squeeze %dma_start3A_82 : memref<1x256x144xf32, #tpu.memory_space<vmem>> -> memref<256x144xf32, #tpu.memory_space<vmem>>
      %dma_start3A_84 = arith.constant 256 : i32
      %dma_start3A_85 = tpu.memref_slice %arg8[%dma_start3A_84] : memref<512xi32, #tpu.memory_space<vmem>> -> memref<256xi32, #tpu.memory_space<vmem>>
      %dma_start3A_86 = arith.constant 0 : i32
      %dma_start3A_87 = arith.constant 0 : i32
      %dma_start3A_88 = tpu.memref_slice %arg2[%dma_start3A_86, %dma_start3A_87] : memref<10240x144xf32, #tpu.memory_space<hbm>> -> memref<10240x144xf32, #tpu.memory_space<hbm>>
      tpu.enqueue_indirect_dma source(%dma_start3A_88 : memref<10240x144xf32, #tpu.memory_space<hbm>>) target(%dma_start3A_83 : memref<256x144xf32, #tpu.memory_space<vmem>>) offsets(%dma_start3A_85 : memref<256xi32, #tpu.memory_space<vmem>>) semaphore(%arg15 : memref<!tpu.dma_semaphore, #tpu.memory_space<semaphore_mem>>)
      %dma_start3A_89 = arith.constant 1 : i32
      %dma_start3A_90 = arith.constant 0 : i32
      %dma_start3A_91 = arith.constant 0 : i32
      %dma_start3A_92 = tpu.memref_slice %arg12[%dma_start3A_89, %dma_start3A_90, %dma_start3A_91] : memref<2x256x16xf32, #tpu.memory_space<vmem>> -> memref<1x256x16xf32, #tpu.memory_space<vmem>>
      %dma_start3A_93 = tpu.memref_squeeze %dma_start3A_92 : memref<1x256x16xf32, #tpu.memory_space<vmem>> -> memref<256x16xf32, #tpu.memory_space<vmem>>
      %dma_start3A_94 = arith.constant 256 : i32
      %dma_start3A_95 = tpu.memref_slice %arg9[%dma_start3A_94] : memref<512xi32, #tpu.memory_space<vmem>> -> memref<256xi32, #tpu.memory_space<vmem>>
      %dma_start3A_96 = arith.constant 0 : i32
      %dma_start3A_97 = arith.constant 0 : i32
      %dma_start3A_98 = tpu.memref_slice %arg3[%dma_start3A_96, %dma_start3A_97] : memref<10240x16xf32, #tpu.memory_space<hbm>> -> memref<10240x16xf32, #tpu.memory_space<hbm>>
      tpu.enqueue_indirect_dma source(%dma_start3A_98 : memref<10240x16xf32, #tpu.memory_space<hbm>>) target(%dma_start3A_93 : memref<256x16xf32, #tpu.memory_space<vmem>>) offsets(%dma_start3A_95 : memref<256xi32, #tpu.memory_space<vmem>>) semaphore(%arg15 : memref<!tpu.dma_semaphore, #tpu.memory_space<semaphore_mem>>)
      %dma_wait3A = arith.constant 0 : i32
      %dma_wait3A_99 = arith.constant 0 : i32
      %dma_wait3A_100 = arith.constant 0 : i32
      %dma_wait3A_101 = tpu.memref_slice %arg11[%dma_wait3A, %dma_wait3A_99, %dma_wait3A_100] : memref<2x256x144xf32, #tpu.memory_space<vmem>> -> memref<1x256x144xf32, #tpu.memory_space<vmem>>
      %dma_wait3A_102 = tpu.memref_squeeze %dma_wait3A_101 : memref<1x256x144xf32, #tpu.memory_space<vmem>> -> memref<256x144xf32, #tpu.memory_space<vmem>>
      %dma_wait3A_103 = arith.constant 0 : i32
      %dma_wait3A_104 = tpu.memref_slice %arg8[%dma_wait3A_103] : memref<512xi32, #tpu.memory_space<vmem>> -> memref<256xi32, #tpu.memory_space<vmem>>
      %dma_wait3A_105 = arith.constant 0 : i32
      %dma_wait3A_106 = arith.constant 0 : i32
      %dma_wait3A_107 = tpu.memref_slice %arg2[%dma_wait3A_105, %dma_wait3A_106] : memref<10240x144xf32, #tpu.memory_space<hbm>> -> memref<10240x144xf32, #tpu.memory_space<hbm>>
      tpu.wait_indirect_dma semaphore(%arg14 : memref<!tpu.dma_semaphore, #tpu.memory_space<semaphore_mem>>) src(%dma_wait3A_107 : memref<10240x144xf32, #tpu.memory_space<hbm>>) dst(%dma_wait3A_102 : memref<256x144xf32, #tpu.memory_space<vmem>>)
      %dma_wait3A_108 = arith.constant 0 : i32
      %dma_wait3A_109 = arith.constant 0 : i32
      %dma_wait3A_110 = arith.constant 0 : i32
      %dma_wait3A_111 = tpu.memref_slice %arg12[%dma_wait3A_108, %dma_wait3A_109, %dma_wait3A_110] : memref<2x256x16xf32, #tpu.memory_space<vmem>> -> memref<1x256x16xf32, #tpu.memory_space<vmem>>
      %dma_wait3A_112 = tpu.memref_squeeze %dma_wait3A_111 : memref<1x256x16xf32, #tpu.memory_space<vmem>> -> memref<256x16xf32, #tpu.memory_space<vmem>>
      %dma_wait3A_113 = arith.constant 0 : i32
      %dma_wait3A_114 = tpu.memref_slice %arg9[%dma_wait3A_113] : memref<512xi32, #tpu.memory_space<vmem>> -> memref<256xi32, #tpu.memory_space<vmem>>
      %dma_wait3A_115 = arith.constant 0 : i32
      %dma_wait3A_116 = arith.constant 0 : i32
      %dma_wait3A_117 = tpu.memref_slice %arg3[%dma_wait3A_115, %dma_wait3A_116] : memref<10240x16xf32, #tpu.memory_space<hbm>> -> memref<10240x16xf32, #tpu.memory_space<hbm>>
      tpu.wait_indirect_dma semaphore(%arg14 : memref<!tpu.dma_semaphore, #tpu.memory_space<semaphore_mem>>) src(%dma_wait3A_117 : memref<10240x16xf32, #tpu.memory_space<hbm>>) dst(%dma_wait3A_112 : memref<256x16xf32, #tpu.memory_space<vmem>>)
      %scan3A_118 = arith.constant 0 : i32
      %scan3A_119 = arith.constant 256 : i32
      %scan3A_120 = arith.addi %scan3A_118, %scan3A_119 : i32
      %scan3A_121 = arith.constant 4 : i32
      scf.for %scan3A_244 = %scan3A_118 to %scan3A_120 step %scan3A_121  : i32 {
        %mul3A_245 = arith.constant 1 : i32
        %mul3A_246 = arith.muli %scan3A_244, %mul3A_245 : i32
        %add3A_247 = arith.constant 0 : i32
        %add3A_248 = arith.addi %add3A_247, %mul3A_246 : i32
        %get3A = arith.constant 0 : i32
        %get3A_249 = arith.index_cast %get3A : i32 to index
        %get3A_250 = arith.index_cast %add3A_248 : i32 to index
        %get3A_251 = arith.constant 128 : index
        %get3A_252 = tpu.vector_load %arg11[%get3A_249, %get3A_250, %get3A_251] {strides = array<i32>} : memref<2x256x144xf32, #tpu.memory_space<vmem>>, vector<1x1x16xf32>,
        %get3A_253 = vector.shape_cast %get3A_252 : vector<1x1x16xf32> to vector<16xf32>
        %get3A_254 = arith.constant 0 : i32
        %get3A_255 = arith.index_cast %get3A_254 : i32 to index
        %get3A_256 = arith.index_cast %add3A_248 : i32 to index
        %get3A_257 = arith.constant 0 : index
        %get3A_258 = tpu.vector_load %arg12[%get3A_255, %get3A_256, %get3A_257] {strides = array<i32>} : memref<2x256x16xf32, #tpu.memory_space<vmem>>, vector<1x1x16xf32>,
        %get3A_259 = vector.shape_cast %get3A_258 : vector<1x1x16xf32> to vector<16xf32>
        %add3A_260 = arith.addf %get3A_253, %get3A_259 : vector<16xf32>
        %ge3A = arith.constant 0.000000e+00 : f32
        %ge3A_261 = vector.broadcast %ge3A : f32 to vector<16xf32>
        %ge3A_262 = arith.cmpf oge, %add3A_260, %ge3A_261 : vector<16xf32>
        %mul3A_263 = arith.constant 2.000000e-01 : f32
        %mul3A_264 = vector.broadcast %mul3A_263 : f32 to vector<16xf32>
        %mul3A_265 = arith.mulf %mul3A_264, %add3A_260 : vector<16xf32>
        %select_n3A = arith.select %ge3A_262, %add3A_260, %mul3A_265 : vector<16xi1>, vector<16xf32>
        %exp3A = math.exp %select_n3A : vector<16xf32>
        %swap3A = arith.constant 0 : i32
        %swap3A_266 = arith.index_cast %swap3A : i32 to index
        %swap3A_267 = arith.index_cast %add3A_248 : i32 to index
        %swap3A_268 = arith.constant 128 : index
        %swap3A_269 = tpu.vector_load %arg11[%swap3A_266, %swap3A_267, %swap3A_268] {strides = array<i32>} : memref<2x256x144xf32, #tpu.memory_space<vmem>>, vector<1x1x16xf32>,
        %swap3A_270 = vector.shape_cast %swap3A_269 : vector<1x1x16xf32> to vector<16xf32>
        %swap3A_271 = vector.shape_cast %exp3A : vector<16xf32> to vector<1x1x16xf32>
        tpu.vector_store %arg11[%swap3A_266, %swap3A_267, %swap3A_268], %swap3A_271 {strides = array<i32>} : memref<2x256x144xf32, #tpu.memory_space<vmem>>, vector<1x1x16xf32>,
        %broadcast_in_dim3A_272 = vector.shape_cast %broadcast_in_dim3A_23 : vector<16xi32> to vector<16x1xi32>
        %gather3A = vector.shape_cast %broadcast_in_dim3A_272 : vector<16x1xi32> to vector<16xi32>
        %gather3A_273 = tpu.dynamic_gather %exp3A[%gather3A] in [0] : vector<16xf32>, vector<16xi32> -> vector<16xf32>
        %get3A_274 = arith.constant 0 : i32
        %get3A_275 = arith.index_cast %get3A_274 : i32 to index
        %get3A_276 = arith.index_cast %add3A_248 : i32 to index
        %get3A_277 = arith.constant 0 : index
        %get3A_278 = tpu.vector_load %arg11[%get3A_275, %get3A_276, %get3A_277] {strides = array<i32>} : memref<2x256x144xf32, #tpu.memory_space<vmem>>, vector<1x1x16xf32>,
        %get3A_279 = vector.shape_cast %get3A_278 : vector<1x1x16xf32> to vector<16xf32>
        %mul3A_280 = arith.mulf %get3A_279, %gather3A_273 : vector<16xf32>
        %swap3A_281 = arith.constant 0 : i32
        %swap3A_282 = arith.index_cast %swap3A_281 : i32 to index
        %swap3A_283 = arith.index_cast %add3A_248 : i32 to index
        %swap3A_284 = arith.constant 0 : index
        %swap3A_285 = tpu.vector_load %arg11[%swap3A_282, %swap3A_283, %swap3A_284] {strides = array<i32>} : memref<2x256x144xf32, #tpu.memory_space<vmem>>, vector<1x1x16xf32>,
        %swap3A_286 = vector.shape_cast %swap3A_285 : vector<1x1x16xf32> to vector<16xf32>
        %swap3A_287 = vector.shape_cast %mul3A_280 : vector<16xf32> to vector<1x1x16xf32>
        tpu.vector_store %arg11[%swap3A_282, %swap3A_283, %swap3A_284], %swap3A_287 {strides = array<i32>} : memref<2x256x144xf32, #tpu.memory_space<vmem>>, vector<1x1x16xf32>,
        %broadcast_in_dim3A_288 = vector.shape_cast %broadcast_in_dim3A_25 : vector<16xi32> to vector<16x1xi32>
        %gather3A_289 = vector.shape_cast %broadcast_in_dim3A_288 : vector<16x1xi32> to vector<16xi32>
        %gather3A_290 = tpu.dynamic_gather %exp3A[%gather3A_289] in [0] : vector<16xf32>, vector<16xi32> -> vector<16xf32>
        %get3A_291 = arith.constant 0 : i32
        %get3A_292 = arith.index_cast %get3A_291 : i32 to index
        %get3A_293 = arith.index_cast %add3A_248 : i32 to index
        %get3A_294 = arith.constant 16 : index
        %get3A_295 = tpu.vector_load %arg11[%get3A_292, %get3A_293, %get3A_294] {strides = array<i32>} : memref<2x256x144xf32, #tpu.memory_space<vmem>>, vector<1x1x16xf32>,
        %get3A_296 = vector.shape_cast %get3A_295 : vector<1x1x16xf32> to vector<16xf32>
        %mul3A_297 = arith.mulf %get3A_296, %gather3A_290 : vector<16xf32>
        %swap3A_298 = arith.constant 0 : i32
        %swap3A_299 = arith.index_cast %swap3A_298 : i32 to index
        %swap3A_300 = arith.index_cast %add3A_248 : i32 to index
        %swap3A_301 = arith.constant 16 : index
        %swap3A_302 = tpu.vector_load %arg11[%swap3A_299, %swap3A_300, %swap3A_301] {strides = array<i32>} : memref<2x256x144xf32, #tpu.memory_space<vmem>>, vector<1x1x16xf32>,
        %swap3A_303 = vector.shape_cast %swap3A_302 : vector<1x1x16xf32> to vector<16xf32>
        %swap3A_304 = vector.shape_cast %mul3A_297 : vector<16xf32> to vector<1x1x16xf32>
        tpu.vector_store %arg11[%swap3A_299, %swap3A_300, %swap3A_301], %swap3A_304 {strides = array<i32>} : memref<2x256x144xf32, #tpu.memory_space<vmem>>, vector<1x1x16xf32>,
        %broadcast_in_dim3A_305 = vector.shape_cast %broadcast_in_dim3A_27 : vector<16xi32> to vector<16x1xi32>
        %gather3A_306 = vector.shape_cast %broadcast_in_dim3A_305 : vector<16x1xi32> to vector<16xi32>
        %gather3A_307 = tpu.dynamic_gather %exp3A[%gather3A_306] in [0] : vector<16xf32>, vector<16xi32> -> vector<16xf32>
        %get3A_308 = arith.constant 0 : i32
        %get3A_309 = arith.index_cast %get3A_308 : i32 to index
        %get3A_310 = arith.index_cast %add3A_248 : i32 to index
        %get3A_311 = arith.constant 32 : index
        %get3A_312 = tpu.vector_load %arg11[%get3A_309, %get3A_310, %get3A_311] {strides = array<i32>} : memref<2x256x144xf32, #tpu.memory_space<vmem>>, vector<1x1x16xf32>,
        %get3A_313 = vector.shape_cast %get3A_312 : vector<1x1x16xf32> to vector<16xf32>
        %mul3A_314 = arith.mulf %get3A_313, %gather3A_307 : vector<16xf32>
        %swap3A_315 = arith.constant 0 : i32
        %swap3A_316 = arith.index_cast %swap3A_315 : i32 to index
        %swap3A_317 = arith.index_cast %add3A_248 : i32 to index
        %swap3A_318 = arith.constant 32 : index
        %swap3A_319 = tpu.vector_load %arg11[%swap3A_316, %swap3A_317, %swap3A_318] {strides = array<i32>} : memref<2x256x144xf32, #tpu.memory_space<vmem>>, vector<1x1x16xf32>,
        %swap3A_320 = vector.shape_cast %swap3A_319 : vector<1x1x16xf32> to vector<16xf32>
        %swap3A_321 = vector.shape_cast %mul3A_314 : vector<16xf32> to vector<1x1x16xf32>
        tpu.vector_store %arg11[%swap3A_316, %swap3A_317, %swap3A_318], %swap3A_321 {strides = array<i32>} : memref<2x256x144xf32, #tpu.memory_space<vmem>>, vector<1x1x16xf32>,
        %broadcast_in_dim3A_322 = vector.shape_cast %broadcast_in_dim3A_29 : vector<16xi32> to vector<16x1xi32>
        %gather3A_323 = vector.shape_cast %broadcast_in_dim3A_322 : vector<16x1xi32> to vector<16xi32>
        %gather3A_324 = tpu.dynamic_gather %exp3A[%gather3A_323] in [0] : vector<16xf32>, vector<16xi32> -> vector<16xf32>
        %get3A_325 = arith.constant 0 : i32
        %get3A_326 = arith.index_cast %get3A_325 : i32 to index
        %get3A_327 = arith.index_cast %add3A_248 : i32 to index
        %get3A_328 = arith.constant 48 : index
        %get3A_329 = tpu.vector_load %arg11[%get3A_326, %get3A_327, %get3A_328] {strides = array<i32>} : memref<2x256x144xf32, #tpu.memory_space<vmem>>, vector<1x1x16xf32>,
        %get3A_330 = vector.shape_cast %get3A_329 : vector<1x1x16xf32> to vector<16xf32>
        %mul3A_331 = arith.mulf %get3A_330, %gather3A_324 : vector<16xf32>
        %swap3A_332 = arith.constant 0 : i32
        %swap3A_333 = arith.index_cast %swap3A_332 : i32 to index
        %swap3A_334 = arith.index_cast %add3A_248 : i32 to index
        %swap3A_335 = arith.constant 48 : index
        %swap3A_336 = tpu.vector_load %arg11[%swap3A_333, %swap3A_334, %swap3A_335] {strides = array<i32>} : memref<2x256x144xf32, #tpu.memory_space<vmem>>, vector<1x1x16xf32>,
        %swap3A_337 = vector.shape_cast %swap3A_336 : vector<1x1x16xf32> to vector<16xf32>
        %swap3A_338 = vector.shape_cast %mul3A_331 : vector<16xf32> to vector<1x1x16xf32>
        tpu.vector_store %arg11[%swap3A_333, %swap3A_334, %swap3A_335], %swap3A_338 {strides = array<i32>} : memref<2x256x144xf32, #tpu.memory_space<vmem>>, vector<1x1x16xf32>,
        %broadcast_in_dim3A_339 = vector.shape_cast %broadcast_in_dim3A_31 : vector<16xi32> to vector<16x1xi32>
        %gather3A_340 = vector.shape_cast %broadcast_in_dim3A_339 : vector<16x1xi32> to vector<16xi32>
        %gather3A_341 = tpu.dynamic_gather %exp3A[%gather3A_340] in [0] : vector<16xf32>, vector<16xi32> -> vector<16xf32>
        %get3A_342 = arith.constant 0 : i32
        %get3A_343 = arith.index_cast %get3A_342 : i32 to index
        %get3A_344 = arith.index_cast %add3A_248 : i32 to index
        %get3A_345 = arith.constant 64 : index
        %get3A_346 = tpu.vector_load %arg11[%get3A_343, %get3A_344, %get3A_345] {strides = array<i32>} : memref<2x256x144xf32, #tpu.memory_space<vmem>>, vector<1x1x16xf32>,
        %get3A_347 = vector.shape_cast %get3A_346 : vector<1x1x16xf32> to vector<16xf32>
        %mul3A_348 = arith.mulf %get3A_347, %gather3A_341 : vector<16xf32>
        %swap3A_349 = arith.constant 0 : i32
        %swap3A_350 = arith.index_cast %swap3A_349 : i32 to index
        %swap3A_351 = arith.index_cast %add3A_248 : i32 to index
        %swap3A_352 = arith.constant 64 : index
        %swap3A_353 = tpu.vector_load %arg11[%swap3A_350, %swap3A_351, %swap3A_352] {strides = array<i32>} : memref<2x256x144xf32, #tpu.memory_space<vmem>>, vector<1x1x16xf32>,
        %swap3A_354 = vector.shape_cast %swap3A_353 : vector<1x1x16xf32> to vector<16xf32>
        %swap3A_355 = vector.shape_cast %mul3A_348 : vector<16xf32> to vector<1x1x16xf32>
        tpu.vector_store %arg11[%swap3A_350, %swap3A_351, %swap3A_352], %swap3A_355 {strides = array<i32>} : memref<2x256x144xf32, #tpu.memory_space<vmem>>, vector<1x1x16xf32>,
        %broadcast_in_dim3A_356 = vector.shape_cast %broadcast_in_dim3A_33 : vector<16xi32> to vector<16x1xi32>
        %gather3A_357 = vector.shape_cast %broadcast_in_dim3A_356 : vector<16x1xi32> to vector<16xi32>
        %gather3A_358 = tpu.dynamic_gather %exp3A[%gather3A_357] in [0] : vector<16xf32>, vector<16xi32> -> vector<16xf32>
        %get3A_359 = arith.constant 0 : i32
        %get3A_360 = arith.index_cast %get3A_359 : i32 to index
        %get3A_361 = arith.index_cast %add3A_248 : i32 to index
        %get3A_362 = arith.constant 80 : index
        %get3A_363 = tpu.vector_load %arg11[%get3A_360, %get3A_361, %get3A_362] {strides = array<i32>} : memref<2x256x144xf32, #tpu.memory_space<vmem>>, vector<1x1x16xf32>,
        %get3A_364 = vector.shape_cast %get3A_363 : vector<1x1x16xf32> to vector<16xf32>
        %mul3A_365 = arith.mulf %get3A_364, %gather3A_358 : vector<16xf32>
        %swap3A_366 = arith.constant 0 : i32
        %swap3A_367 = arith.index_cast %swap3A_366 : i32 to index
        %swap3A_368 = arith.index_cast %add3A_248 : i32 to index
        %swap3A_369 = arith.constant 80 : index
        %swap3A_370 = tpu.vector_load %arg11[%swap3A_367, %swap3A_368, %swap3A_369] {strides = array<i32>} : memref<2x256x144xf32, #tpu.memory_space<vmem>>, vector<1x1x16xf32>,
        %swap3A_371 = vector.shape_cast %swap3A_370 : vector<1x1x16xf32> to vector<16xf32>
        %swap3A_372 = vector.shape_cast %mul3A_365 : vector<16xf32> to vector<1x1x16xf32>
        tpu.vector_store %arg11[%swap3A_367, %swap3A_368, %swap3A_369], %swap3A_372 {strides = array<i32>} : memref<2x256x144xf32, #tpu.memory_space<vmem>>, vector<1x1x16xf32>,
        %broadcast_in_dim3A_373 = vector.shape_cast %broadcast_in_dim3A_35 : vector<16xi32> to vector<16x1xi32>
        %gather3A_374 = vector.shape_cast %broadcast_in_dim3A_373 : vector<16x1xi32> to vector<16xi32>
        %gather3A_375 = tpu.dynamic_gather %exp3A[%gather3A_374] in [0] : vector<16xf32>, vector<16xi32> -> vector<16xf32>
        %get3A_376 = arith.constant 0 : i32
        %get3A_377 = arith.index_cast %get3A_376 : i32 to index
        %get3A_378 = arith.index_cast %add3A_248 : i32 to index
        %get3A_379 = arith.constant 96 : index
        %get3A_380 = tpu.vector_load %arg11[%get3A_377, %get3A_378, %get3A_379] {strides = array<i32>} : memref<2x256x144xf32, #tpu.memory_space<vmem>>, vector<1x1x16xf32>,
        %get3A_381 = vector.shape_cast %get3A_380 : vector<1x1x16xf32> to vector<16xf32>
        %mul3A_382 = arith.mulf %get3A_381, %gather3A_375 : vector<16xf32>
        %swap3A_383 = arith.constant 0 : i32
        %swap3A_384 = arith.index_cast %swap3A_383 : i32 to index
        %swap3A_385 = arith.index_cast %add3A_248 : i32 to index
        %swap3A_386 = arith.constant 96 : index
        %swap3A_387 = tpu.vector_load %arg11[%swap3A_384, %swap3A_385, %swap3A_386] {strides = array<i32>} : memref<2x256x144xf32, #tpu.memory_space<vmem>>, vector<1x1x16xf32>,
        %swap3A_388 = vector.shape_cast %swap3A_387 : vector<1x1x16xf32> to vector<16xf32>
        %swap3A_389 = vector.shape_cast %mul3A_382 : vector<16xf32> to vector<1x1x16xf32>
        tpu.vector_store %arg11[%swap3A_384, %swap3A_385, %swap3A_386], %swap3A_389 {strides = array<i32>} : memref<2x256x144xf32, #tpu.memory_space<vmem>>, vector<1x1x16xf32>,
        %broadcast_in_dim3A_390 = vector.shape_cast %broadcast_in_dim3A_37 : vector<16xi32> to vector<16x1xi32>
        %gather3A_391 = vector.shape_cast %broadcast_in_dim3A_390 : vector<16x1xi32> to vector<16xi32>
        %gather3A_392 = tpu.dynamic_gather %exp3A[%gather3A_391] in [0] : vector<16xf32>, vector<16xi32> -> vector<16xf32>
        %get3A_393 = arith.constant 0 : i32
        %get3A_394 = arith.index_cast %get3A_393 : i32 to index
        %get3A_395 = arith.index_cast %add3A_248 : i32 to index
        %get3A_396 = arith.constant 112 : index
        %get3A_397 = tpu.vector_load %arg11[%get3A_394, %get3A_395, %get3A_396] {strides = array<i32>} : memref<2x256x144xf32, #tpu.memory_space<vmem>>, vector<1x1x16xf32>,
        %get3A_398 = vector.shape_cast %get3A_397 : vector<1x1x16xf32> to vector<16xf32>
        %mul3A_399 = arith.mulf %get3A_398, %gather3A_392 : vector<16xf32>
        %swap3A_400 = arith.constant 0 : i32
        %swap3A_401 = arith.index_cast %swap3A_400 : i32 to index
        %swap3A_402 = arith.index_cast %add3A_248 : i32 to index
        %swap3A_403 = arith.constant 112 : index
        %swap3A_404 = tpu.vector_load %arg11[%swap3A_401, %swap3A_402, %swap3A_403] {strides = array<i32>} : memref<2x256x144xf32, #tpu.memory_space<vmem>>, vector<1x1x16xf32>,
        %swap3A_405 = vector.shape_cast %swap3A_404 : vector<1x1x16xf32> to vector<16xf32>
        %swap3A_406 = vector.shape_cast %mul3A_399 : vector<16xf32> to vector<1x1x16xf32>
        tpu.vector_store %arg11[%swap3A_401, %swap3A_402, %swap3A_403], %swap3A_406 {strides = array<i32>} : memref<2x256x144xf32, #tpu.memory_space<vmem>>, vector<1x1x16xf32>,
        %scan3A_407 = arith.constant 1 : i32
        %scan3A_408 = arith.addi %scan3A_244, %scan3A_407 : i32
        %mul3A_409 = arith.constant 1 : i32
        %mul3A_410 = arith.muli %scan3A_408, %mul3A_409 : i32
        %add3A_411 = arith.constant 0 : i32
        %add3A_412 = arith.addi %add3A_411, %mul3A_410 : i32
        %get3A_413 = arith.constant 0 : i32
        %get3A_414 = arith.index_cast %get3A_413 : i32 to index
        %get3A_415 = arith.index_cast %add3A_412 : i32 to index
        %get3A_416 = arith.constant 128 : index
        %get3A_417 = tpu.vector_load %arg11[%get3A_414, %get3A_415, %get3A_416] {strides = array<i32>} : memref<2x256x144xf32, #tpu.memory_space<vmem>>, vector<1x1x16xf32>,
        %get3A_418 = vector.shape_cast %get3A_417 : vector<1x1x16xf32> to vector<16xf32>
        %get3A_419 = arith.constant 0 : i32
        %get3A_420 = arith.index_cast %get3A_419 : i32 to index
        %get3A_421 = arith.index_cast %add3A_412 : i32 to index
        %get3A_422 = arith.constant 0 : index
        %get3A_423 = tpu.vector_load %arg12[%get3A_420, %get3A_421, %get3A_422] {strides = array<i32>} : memref<2x256x16xf32, #tpu.memory_space<vmem>>, vector<1x1x16xf32>,
        %get3A_424 = vector.shape_cast %get3A_423 : vector<1x1x16xf32> to vector<16xf32>
        %add3A_425 = arith.addf %get3A_418, %get3A_424 : vector<16xf32>
        %ge3A_426 = arith.constant 0.000000e+00 : f32
        %ge3A_427 = vector.broadcast %ge3A_426 : f32 to vector<16xf32>
        %ge3A_428 = arith.cmpf oge, %add3A_425, %ge3A_427 : vector<16xf32>
        %mul3A_429 = arith.constant 2.000000e-01 : f32
        %mul3A_430 = vector.broadcast %mul3A_429 : f32 to vector<16xf32>
        %mul3A_431 = arith.mulf %mul3A_430, %add3A_425 : vector<16xf32>
        %select_n3A_432 = arith.select %ge3A_428, %add3A_425, %mul3A_431 : vector<16xi1>, vector<16xf32>
        %exp3A_433 = math.exp %select_n3A_432 : vector<16xf32>
        %swap3A_434 = arith.constant 0 : i32
        %swap3A_435 = arith.index_cast %swap3A_434 : i32 to index
        %swap3A_436 = arith.index_cast %add3A_412 : i32 to index
        %swap3A_437 = arith.constant 128 : index
        %swap3A_438 = tpu.vector_load %arg11[%swap3A_435, %swap3A_436, %swap3A_437] {strides = array<i32>} : memref<2x256x144xf32, #tpu.memory_space<vmem>>, vector<1x1x16xf32>,
        %swap3A_439 = vector.shape_cast %swap3A_438 : vector<1x1x16xf32> to vector<16xf32>
        %swap3A_440 = vector.shape_cast %exp3A_433 : vector<16xf32> to vector<1x1x16xf32>
        tpu.vector_store %arg11[%swap3A_435, %swap3A_436, %swap3A_437], %swap3A_440 {strides = array<i32>} : memref<2x256x144xf32, #tpu.memory_space<vmem>>, vector<1x1x16xf32>,
        %broadcast_in_dim3A_441 = vector.shape_cast %broadcast_in_dim3A_23 : vector<16xi32> to vector<16x1xi32>
        %gather3A_442 = vector.shape_cast %broadcast_in_dim3A_441 : vector<16x1xi32> to vector<16xi32>
        %gather3A_443 = tpu.dynamic_gather %exp3A_433[%gather3A_442] in [0] : vector<16xf32>, vector<16xi32> -> vector<16xf32>
        %get3A_444 = arith.constant 0 : i32
        %get3A_445 = arith.index_cast %get3A_444 : i32 to index
        %get3A_446 = arith.index_cast %add3A_412 : i32 to index
        %get3A_447 = arith.constant 0 : index
        %get3A_448 = tpu.vector_load %arg11[%get3A_445, %get3A_446, %get3A_447] {strides = array<i32>} : memref<2x256x144xf32, #tpu.memory_space<vmem>>, vector<1x1x16xf32>,
        %get3A_449 = vector.shape_cast %get3A_448 : vector<1x1x16xf32> to vector<16xf32>
        %mul3A_450 = arith.mulf %get3A_449, %gather3A_443 : vector<16xf32>
        %swap3A_451 = arith.constant 0 : i32
        %swap3A_452 = arith.index_cast %swap3A_451 : i32 to index
        %swap3A_453 = arith.index_cast %add3A_412 : i32 to index
        %swap3A_454 = arith.constant 0 : index
        %swap3A_455 = tpu.vector_load %arg11[%swap3A_452, %swap3A_453, %swap3A_454] {strides = array<i32>} : memref<2x256x144xf32, #tpu.memory_space<vmem>>, vector<1x1x16xf32>,
        %swap3A_456 = vector.shape_cast %swap3A_455 : vector<1x1x16xf32> to vector<16xf32>
        %swap3A_457 = vector.shape_cast %mul3A_450 : vector<16xf32> to vector<1x1x16xf32>
        tpu.vector_store %arg11[%swap3A_452, %swap3A_453, %swap3A_454], %swap3A_457 {strides = array<i32>} : memref<2x256x144xf32, #tpu.memory_space<vmem>>, vector<1x1x16xf32>,
        %broadcast_in_dim3A_458 = vector.shape_cast %broadcast_in_dim3A_25 : vector<16xi32> to vector<16x1xi32>
        %gather3A_459 = vector.shape_cast %broadcast_in_dim3A_458 : vector<16x1xi32> to vector<16xi32>
        %gather3A_460 = tpu.dynamic_gather %exp3A_433[%gather3A_459] in [0] : vector<16xf32>, vector<16xi32> -> vector<16xf32>
        %get3A_461 = arith.constant 0 : i32
        %get3A_462 = arith.index_cast %get3A_461 : i32 to index
        %get3A_463 = arith.index_cast %add3A_412 : i32 to index
        %get3A_464 = arith.constant 16 : index
        %get3A_465 = tpu.vector_load %arg11[%get3A_462, %get3A_463, %get3A_464] {strides = array<i32>} : memref<2x256x144xf32, #tpu.memory_space<vmem>>, vector<1x1x16xf32>,
        %get3A_466 = vector.shape_cast %get3A_465 : vector<1x1x16xf32> to vector<16xf32>
        %mul3A_467 = arith.mulf %get3A_466, %gather3A_460 : vector<16xf32>
        %swap3A_468 = arith.constant 0 : i32
        %swap3A_469 = arith.index_cast %swap3A_468 : i32 to index
        %swap3A_470 = arith.index_cast %add3A_412 : i32 to index
        %swap3A_471 = arith.constant 16 : index
        %swap3A_472 = tpu.vector_load %arg11[%swap3A_469, %swap3A_470, %swap3A_471] {strides = array<i32>} : memref<2x256x144xf32, #tpu.memory_space<vmem>>, vector<1x1x16xf32>,
        %swap3A_473 = vector.shape_cast %swap3A_472 : vector<1x1x16xf32> to vector<16xf32>
        %swap3A_474 = vector.shape_cast %mul3A_467 : vector<16xf32> to vector<1x1x16xf32>
        tpu.vector_store %arg11[%swap3A_469, %swap3A_470, %swap3A_471], %swap3A_474 {strides = array<i32>} : memref<2x256x144xf32, #tpu.memory_space<vmem>>, vector<1x1x16xf32>,
        %broadcast_in_dim3A_475 = vector.shape_cast %broadcast_in_dim3A_27 : vector<16xi32> to vector<16x1xi32>
        %gather3A_476 = vector.shape_cast %broadcast_in_dim3A_475 : vector<16x1xi32> to vector<16xi32>
        %gather3A_477 = tpu.dynamic_gather %exp3A_433[%gather3A_476] in [0] : vector<16xf32>, vector<16xi32> -> vector<16xf32>
        %get3A_478 = arith.constant 0 : i32
        %get3A_479 = arith.index_cast %get3A_478 : i32 to index
        %get3A_480 = arith.index_cast %add3A_412 : i32 to index
        %get3A_481 = arith.constant 32 : index
        %get3A_482 = tpu.vector_load %arg11[%get3A_479, %get3A_480, %get3A_481] {strides = array<i32>} : memref<2x256x144xf32, #tpu.memory_space<vmem>>, vector<1x1x16xf32>,
        %get3A_483 = vector.shape_cast %get3A_482 : vector<1x1x16xf32> to vector<16xf32>
        %mul3A_484 = arith.mulf %get3A_483, %gather3A_477 : vector<16xf32>
        %swap3A_485 = arith.constant 0 : i32
        %swap3A_486 = arith.index_cast %swap3A_485 : i32 to index
        %swap3A_487 = arith.index_cast %add3A_412 : i32 to index
        %swap3A_488 = arith.constant 32 : index
        %swap3A_489 = tpu.vector_load %arg11[%swap3A_486, %swap3A_487, %swap3A_488] {strides = array<i32>} : memref<2x256x144xf32, #tpu.memory_space<vmem>>, vector<1x1x16xf32>,
        %swap3A_490 = vector.shape_cast %swap3A_489 : vector<1x1x16xf32> to vector<16xf32>
        %swap3A_491 = vector.shape_cast %mul3A_484 : vector<16xf32> to vector<1x1x16xf32>
        tpu.vector_store %arg11[%swap3A_486, %swap3A_487, %swap3A_488], %swap3A_491 {strides = array<i32>} : memref<2x256x144xf32, #tpu.memory_space<vmem>>, vector<1x1x16xf32>,
        %broadcast_in_dim3A_492 = vector.shape_cast %broadcast_in_dim3A_29 : vector<16xi32> to vector<16x1xi32>
        %gather3A_493 = vector.shape_cast %broadcast_in_dim3A_492 : vector<16x1xi32> to vector<16xi32>
        %gather3A_494 = tpu.dynamic_gather %exp3A_433[%gather3A_493] in [0] : vector<16xf32>, vector<16xi32> -> vector<16xf32>
        %get3A_495 = arith.constant 0 : i32
        %get3A_496 = arith.index_cast %get3A_495 : i32 to index
        %get3A_497 = arith.index_cast %add3A_412 : i32 to index
        %get3A_498 = arith.constant 48 : index
        %get3A_499 = tpu.vector_load %arg11[%get3A_496, %get3A_497, %get3A_498] {strides = array<i32>} : memref<2x256x144xf32, #tpu.memory_space<vmem>>, vector<1x1x16xf32>,
        %get3A_500 = vector.shape_cast %get3A_499 : vector<1x1x16xf32> to vector<16xf32>
        %mul3A_501 = arith.mulf %get3A_500, %gather3A_494 : vector<16xf32>
        %swap3A_502 = arith.constant 0 : i32
        %swap3A_503 = arith.index_cast %swap3A_502 : i32 to index
        %swap3A_504 = arith.index_cast %add3A_412 : i32 to index
        %swap3A_505 = arith.constant 48 : index
        %swap3A_506 = tpu.vector_load %arg11[%swap3A_503, %swap3A_504, %swap3A_505] {strides = array<i32>} : memref<2x256x144xf32, #tpu.memory_space<vmem>>, vector<1x1x16xf32>,
        %swap3A_507 = vector.shape_cast %swap3A_506 : vector<1x1x16xf32> to vector<16xf32>
        %swap3A_508 = vector.shape_cast %mul3A_501 : vector<16xf32> to vector<1x1x16xf32>
        tpu.vector_store %arg11[%swap3A_503, %swap3A_504, %swap3A_505], %swap3A_508 {strides = array<i32>} : memref<2x256x144xf32, #tpu.memory_space<vmem>>, vector<1x1x16xf32>,
        %broadcast_in_dim3A_509 = vector.shape_cast %broadcast_in_dim3A_31 : vector<16xi32> to vector<16x1xi32>
        %gather3A_510 = vector.shape_cast %broadcast_in_dim3A_509 : vector<16x1xi32> to vector<16xi32>
        %gather3A_511 = tpu.dynamic_gather %exp3A_433[%gather3A_510] in [0] : vector<16xf32>, vector<16xi32> -> vector<16xf32>
        %get3A_512 = arith.constant 0 : i32
        %get3A_513 = arith.index_cast %get3A_512 : i32 to index
        %get3A_514 = arith.index_cast %add3A_412 : i32 to index
        %get3A_515 = arith.constant 64 : index
        %get3A_516 = tpu.vector_load %arg11[%get3A_513, %get3A_514, %get3A_515] {strides = array<i32>} : memref<2x256x144xf32, #tpu.memory_space<vmem>>, vector<1x1x16xf32>,
        %get3A_517 = vector.shape_cast %get3A_516 : vector<1x1x16xf32> to vector<16xf32>
        %mul3A_518 = arith.mulf %get3A_517, %gather3A_511 : vector<16xf32>
        %swap3A_519 = arith.constant 0 : i32
        %swap3A_520 = arith.index_cast %swap3A_519 : i32 to index
        %swap3A_521 = arith.index_cast %add3A_412 : i32 to index
        %swap3A_522 = arith.constant 64 : index
        %swap3A_523 = tpu.vector_load %arg11[%swap3A_520, %swap3A_521, %swap3A_522] {strides = array<i32>} : memref<2x256x144xf32, #tpu.memory_space<vmem>>, vector<1x1x16xf32>,
        %swap3A_524 = vector.shape_cast %swap3A_523 : vector<1x1x16xf32> to vector<16xf32>
        %swap3A_525 = vector.shape_cast %mul3A_518 : vector<16xf32> to vector<1x1x16xf32>
        tpu.vector_store %arg11[%swap3A_520, %swap3A_521, %swap3A_522], %swap3A_525 {strides = array<i32>} : memref<2x256x144xf32, #tpu.memory_space<vmem>>, vector<1x1x16xf32>,
        %broadcast_in_dim3A_526 = vector.shape_cast %broadcast_in_dim3A_33 : vector<16xi32> to vector<16x1xi32>
        %gather3A_527 = vector.shape_cast %broadcast_in_dim3A_526 : vector<16x1xi32> to vector<16xi32>
        %gather3A_528 = tpu.dynamic_gather %exp3A_433[%gather3A_527] in [0] : vector<16xf32>, vector<16xi32> -> vector<16xf32>
        %get3A_529 = arith.constant 0 : i32
        %get3A_530 = arith.index_cast %get3A_529 : i32 to index
        %get3A_531 = arith.index_cast %add3A_412 : i32 to index
        %get3A_532 = arith.constant 80 : index
        %get3A_533 = tpu.vector_load %arg11[%get3A_530, %get3A_531, %get3A_532] {strides = array<i32>} : memref<2x256x144xf32, #tpu.memory_space<vmem>>, vector<1x1x16xf32>,
        %get3A_534 = vector.shape_cast %get3A_533 : vector<1x1x16xf32> to vector<16xf32>
        %mul3A_535 = arith.mulf %get3A_534, %gather3A_528 : vector<16xf32>
        %swap3A_536 = arith.constant 0 : i32
        %swap3A_537 = arith.index_cast %swap3A_536 : i32 to index
        %swap3A_538 = arith.index_cast %add3A_412 : i32 to index
        %swap3A_539 = arith.constant 80 : index
        %swap3A_540 = tpu.vector_load %arg11[%swap3A_537, %swap3A_538, %swap3A_539] {strides = array<i32>} : memref<2x256x144xf32, #tpu.memory_space<vmem>>, vector<1x1x16xf32>,
        %swap3A_541 = vector.shape_cast %swap3A_540 : vector<1x1x16xf32> to vector<16xf32>
        %swap3A_542 = vector.shape_cast %mul3A_535 : vector<16xf32> to vector<1x1x16xf32>
        tpu.vector_store %arg11[%swap3A_537, %swap3A_538, %swap3A_539], %swap3A_542 {strides = array<i32>} : memref<2x256x144xf32, #tpu.memory_space<vmem>>, vector<1x1x16xf32>,
        %broadcast_in_dim3A_543 = vector.shape_cast %broadcast_in_dim3A_35 : vector<16xi32> to vector<16x1xi32>
        %gather3A_544 = vector.shape_cast %broadcast_in_dim3A_543 : vector<16x1xi32> to vector<16xi32>
        %gather3A_545 = tpu.dynamic_gather %exp3A_433[%gather3A_544] in [0] : vector<16xf32>, vector<16xi32> -> vector<16xf32>
        %get3A_546 = arith.constant 0 : i32
        %get3A_547 = arith.index_cast %get3A_546 : i32 to index
        %get3A_548 = arith.index_cast %add3A_412 : i32 to index
        %get3A_549 = arith.constant 96 : index
        %get3A_550 = tpu.vector_load %arg11[%get3A_547, %get3A_548, %get3A_549] {strides = array<i32>} : memref<2x256x144xf32, #tpu.memory_space<vmem>>, vector<1x1x16xf32>,
        %get3A_551 = vector.shape_cast %get3A_550 : vector<1x1x16xf32> to vector<16xf32>
        %mul3A_552 = arith.mulf %get3A_551, %gather3A_545 : vector<16xf32>
        %swap3A_553 = arith.constant 0 : i32
        %swap3A_554 = arith.index_cast %swap3A_553 : i32 to index
        %swap3A_555 = arith.index_cast %add3A_412 : i32 to index
        %swap3A_556 = arith.constant 96 : index
        %swap3A_557 = tpu.vector_load %arg11[%swap3A_554, %swap3A_555, %swap3A_556] {strides = array<i32>} : memref<2x256x144xf32, #tpu.memory_space<vmem>>, vector<1x1x16xf32>,
        %swap3A_558 = vector.shape_cast %swap3A_557 : vector<1x1x16xf32> to vector<16xf32>
        %swap3A_559 = vector.shape_cast %mul3A_552 : vector<16xf32> to vector<1x1x16xf32>
        tpu.vector_store %arg11[%swap3A_554, %swap3A_555, %swap3A_556], %swap3A_559 {strides = array<i32>} : memref<2x256x144xf32, #tpu.memory_space<vmem>>, vector<1x1x16xf32>,
        %broadcast_in_dim3A_560 = vector.shape_cast %broadcast_in_dim3A_37 : vector<16xi32> to vector<16x1xi32>
        %gather3A_561 = vector.shape_cast %broadcast_in_dim3A_560 : vector<16x1xi32> to vector<16xi32>
        %gather3A_562 = tpu.dynamic_gather %exp3A_433[%gather3A_561] in [0] : vector<16xf32>, vector<16xi32> -> vector<16xf32>
        %get3A_563 = arith.constant 0 : i32
        %get3A_564 = arith.index_cast %get3A_563 : i32 to index
        %get3A_565 = arith.index_cast %add3A_412 : i32 to index
        %get3A_566 = arith.constant 112 : index
        %get3A_567 = tpu.vector_load %arg11[%get3A_564, %get3A_565, %get3A_566] {strides = array<i32>} : memref<2x256x144xf32, #tpu.memory_space<vmem>>, vector<1x1x16xf32>,
        %get3A_568 = vector.shape_cast %get3A_567 : vector<1x1x16xf32> to vector<16xf32>
        %mul3A_569 = arith.mulf %get3A_568, %gather3A_562 : vector<16xf32>
        %swap3A_570 = arith.constant 0 : i32
        %swap3A_571 = arith.index_cast %swap3A_570 : i32 to index
        %swap3A_572 = arith.index_cast %add3A_412 : i32 to index
        %swap3A_573 = arith.constant 112 : index
        %swap3A_574 = tpu.vector_load %arg11[%swap3A_571, %swap3A_572, %swap3A_573] {strides = array<i32>} : memref<2x256x144xf32, #tpu.memory_space<vmem>>, vector<1x1x16xf32>,
        %swap3A_575 = vector.shape_cast %swap3A_574 : vector<1x1x16xf32> to vector<16xf32>
        %swap3A_576 = vector.shape_cast %mul3A_569 : vector<16xf32> to vector<1x1x16xf32>
        tpu.vector_store %arg11[%swap3A_571, %swap3A_572, %swap3A_573], %swap3A_576 {strides = array<i32>} : memref<2x256x144xf32, #tpu.memory_space<vmem>>, vector<1x1x16xf32>,
        %scan3A_577 = arith.constant 2 : i32
        %scan3A_578 = arith.addi %scan3A_244, %scan3A_577 : i32
        %mul3A_579 = arith.constant 1 : i32
        %mul3A_580 = arith.muli %scan3A_578, %mul3A_579 : i32
        %add3A_581 = arith.constant 0 : i32
        %add3A_582 = arith.addi %add3A_581, %mul3A_580 : i32
        %get3A_583 = arith.constant 0 : i32
        %get3A_584 = arith.index_cast %get3A_583 : i32 to index
        %get3A_585 = arith.index_cast %add3A_582 : i32 to index
        %get3A_586 = arith.constant 128 : index
        %get3A_587 = tpu.vector_load %arg11[%get3A_584, %get3A_585, %get3A_586] {strides = array<i32>} : memref<2x256x144xf32, #tpu.memory_space<vmem>>, vector<1x1x16xf32>,
        %get3A_588 = vector.shape_cast %get3A_587 : vector<1x1x16xf32> to vector<16xf32>
        %get3A_589 = arith.constant 0 : i32
        %get3A_590 = arith.index_cast %get3A_589 : i32 to index
        %get3A_591 = arith.index_cast %add3A_582 : i32 to index
        %get3A_592 = arith.constant 0 : index
        %get3A_593 = tpu.vector_load %arg12[%get3A_590, %get3A_591, %get3A_592] {strides = array<i32>} : memref<2x256x16xf32, #tpu.memory_space<vmem>>, vector<1x1x16xf32>,
        %get3A_594 = vector.shape_cast %get3A_593 : vector<1x1x16xf32> to vector<16xf32>
        %add3A_595 = arith.addf %get3A_588, %get3A_594 : vector<16xf32>
        %ge3A_596 = arith.constant 0.000000e+00 : f32
        %ge3A_597 = vector.broadcast %ge3A_596 : f32 to vector<16xf32>
        %ge3A_598 = arith.cmpf oge, %add3A_595, %ge3A_597 : vector<16xf32>
        %mul3A_599 = arith.constant 2.000000e-01 : f32
        %mul3A_600 = vector.broadcast %mul3A_599 : f32 to vector<16xf32>
        %mul3A_601 = arith.mulf %mul3A_600, %add3A_595 : vector<16xf32>
        %select_n3A_602 = arith.select %ge3A_598, %add3A_595, %mul3A_601 : vector<16xi1>, vector<16xf32>
        %exp3A_603 = math.exp %select_n3A_602 : vector<16xf32>
        %swap3A_604 = arith.constant 0 : i32
        %swap3A_605 = arith.index_cast %swap3A_604 : i32 to index
        %swap3A_606 = arith.index_cast %add3A_582 : i32 to index
        %swap3A_607 = arith.constant 128 : index
        %swap3A_608 = tpu.vector_load %arg11[%swap3A_605, %swap3A_606, %swap3A_607] {strides = array<i32>} : memref<2x256x144xf32, #tpu.memory_space<vmem>>, vector<1x1x16xf32>,
        %swap3A_609 = vector.shape_cast %swap3A_608 : vector<1x1x16xf32> to vector<16xf32>
        %swap3A_610 = vector.shape_cast %exp3A_603 : vector<16xf32> to vector<1x1x16xf32>
        tpu.vector_store %arg11[%swap3A_605, %swap3A_606, %swap3A_607], %swap3A_610 {strides = array<i32>} : memref<2x256x144xf32, #tpu.memory_space<vmem>>, vector<1x1x16xf32>,
        %broadcast_in_dim3A_611 = vector.shape_cast %broadcast_in_dim3A_23 : vector<16xi32> to vector<16x1xi32>
        %gather3A_612 = vector.shape_cast %broadcast_in_dim3A_611 : vector<16x1xi32> to vector<16xi32>
        %gather3A_613 = tpu.dynamic_gather %exp3A_603[%gather3A_612] in [0] : vector<16xf32>, vector<16xi32> -> vector<16xf32>
        %get3A_614 = arith.constant 0 : i32
        %get3A_615 = arith.index_cast %get3A_614 : i32 to index
        %get3A_616 = arith.index_cast %add3A_582 : i32 to index
        %get3A_617 = arith.constant 0 : index
        %get3A_618 = tpu.vector_load %arg11[%get3A_615, %get3A_616, %get3A_617] {strides = array<i32>} : memref<2x256x144xf32, #tpu.memory_space<vmem>>, vector<1x1x16xf32>,
        %get3A_619 = vector.shape_cast %get3A_618 : vector<1x1x16xf32> to vector<16xf32>
        %mul3A_620 = arith.mulf %get3A_619, %gather3A_613 : vector<16xf32>
        %swap3A_621 = arith.constant 0 : i32
        %swap3A_622 = arith.index_cast %swap3A_621 : i32 to index
        %swap3A_623 = arith.index_cast %add3A_582 : i32 to index
        %swap3A_624 = arith.constant 0 : index
        %swap3A_625 = tpu.vector_load %arg11[%swap3A_622, %swap3A_623, %swap3A_624] {strides = array<i32>} : memref<2x256x144xf32, #tpu.memory_space<vmem>>, vector<1x1x16xf32>,
        %swap3A_626 = vector.shape_cast %swap3A_625 : vector<1x1x16xf32> to vector<16xf32>
        %swap3A_627 = vector.shape_cast %mul3A_620 : vector<16xf32> to vector<1x1x16xf32>
        tpu.vector_store %arg11[%swap3A_622, %swap3A_623, %swap3A_624], %swap3A_627 {strides = array<i32>} : memref<2x256x144xf32, #tpu.memory_space<vmem>>, vector<1x1x16xf32>,
        %broadcast_in_dim3A_628 = vector.shape_cast %broadcast_in_dim3A_25 : vector<16xi32> to vector<16x1xi32>
        %gather3A_629 = vector.shape_cast %broadcast_in_dim3A_628 : vector<16x1xi32> to vector<16xi32>
        %gather3A_630 = tpu.dynamic_gather %exp3A_603[%gather3A_629] in [0] : vector<16xf32>, vector<16xi32> -> vector<16xf32>
        %get3A_631 = arith.constant 0 : i32
        %get3A_632 = arith.index_cast %get3A_631 : i32 to index
        %get3A_633 = arith.index_cast %add3A_582 : i32 to index
        %get3A_634 = arith.constant 16 : index
        %get3A_635 = tpu.vector_load %arg11[%get3A_632, %get3A_633, %get3A_634] {strides = array<i32>} : memref<2x256x144xf32, #tpu.memory_space<vmem>>, vector<1x1x16xf32>,
        %get3A_636 = vector.shape_cast %get3A_635 : vector<1x1x16xf32> to vector<16xf32>
        %mul3A_637 = arith.mulf %get3A_636, %gather3A_630 : vector<16xf32>
        %swap3A_638 = arith.constant 0 : i32
        %swap3A_639 = arith.index_cast %swap3A_638 : i32 to index
        %swap3A_640 = arith.index_cast %add3A_582 : i32 to index
        %swap3A_641 = arith.constant 16 : index
        %swap3A_642 = tpu.vector_load %arg11[%swap3A_639, %swap3A_640, %swap3A_641] {strides = array<i32>} : memref<2x256x144xf32, #tpu.memory_space<vmem>>, vector<1x1x16xf32>,
        %swap3A_643 = vector.shape_cast %swap3A_642 : vector<1x1x16xf32> to vector<16xf32>
        %swap3A_644 = vector.shape_cast %mul3A_637 : vector<16xf32> to vector<1x1x16xf32>
        tpu.vector_store %arg11[%swap3A_639, %swap3A_640, %swap3A_641], %swap3A_644 {strides = array<i32>} : memref<2x256x144xf32, #tpu.memory_space<vmem>>, vector<1x1x16xf32>,
        %broadcast_in_dim3A_645 = vector.shape_cast %broadcast_in_dim3A_27 : vector<16xi32> to vector<16x1xi32>
        %gather3A_646 = vector.shape_cast %broadcast_in_dim3A_645 : vector<16x1xi32> to vector<16xi32>
        %gather3A_647 = tpu.dynamic_gather %exp3A_603[%gather3A_646] in [0] : vector<16xf32>, vector<16xi32> -> vector<16xf32>
        %get3A_648 = arith.constant 0 : i32
        %get3A_649 = arith.index_cast %get3A_648 : i32 to index
        %get3A_650 = arith.index_cast %add3A_582 : i32 to index
        %get3A_651 = arith.constant 32 : index
        %get3A_652 = tpu.vector_load %arg11[%get3A_649, %get3A_650, %get3A_651] {strides = array<i32>} : memref<2x256x144xf32, #tpu.memory_space<vmem>>, vector<1x1x16xf32>,
        %get3A_653 = vector.shape_cast %get3A_652 : vector<1x1x16xf32> to vector<16xf32>
        %mul3A_654 = arith.mulf %get3A_653, %gather3A_647 : vector<16xf32>
        %swap3A_655 = arith.constant 0 : i32
        %swap3A_656 = arith.index_cast %swap3A_655 : i32 to index
        %swap3A_657 = arith.index_cast %add3A_582 : i32 to index
        %swap3A_658 = arith.constant 32 : index
        %swap3A_659 = tpu.vector_load %arg11[%swap3A_656, %swap3A_657, %swap3A_658] {strides = array<i32>} : memref<2x256x144xf32, #tpu.memory_space<vmem>>, vector<1x1x16xf32>,
        %swap3A_660 = vector.shape_cast %swap3A_659 : vector<1x1x16xf32> to vector<16xf32>
        %swap3A_661 = vector.shape_cast %mul3A_654 : vector<16xf32> to vector<1x1x16xf32>
        tpu.vector_store %arg11[%swap3A_656, %swap3A_657, %swap3A_658], %swap3A_661 {strides = array<i32>} : memref<2x256x144xf32, #tpu.memory_space<vmem>>, vector<1x1x16xf32>,
        %broadcast_in_dim3A_662 = vector.shape_cast %broadcast_in_dim3A_29 : vector<16xi32> to vector<16x1xi32>
        %gather3A_663 = vector.shape_cast %broadcast_in_dim3A_662 : vector<16x1xi32> to vector<16xi32>
        %gather3A_664 = tpu.dynamic_gather %exp3A_603[%gather3A_663] in [0] : vector<16xf32>, vector<16xi32> -> vector<16xf32>
        %get3A_665 = arith.constant 0 : i32
        %get3A_666 = arith.index_cast %get3A_665 : i32 to index
        %get3A_667 = arith.index_cast %add3A_582 : i32 to index
        %get3A_668 = arith.constant 48 : index
        %get3A_669 = tpu.vector_load %arg11[%get3A_666, %get3A_667, %get3A_668] {strides = array<i32>} : memref<2x256x144xf32, #tpu.memory_space<vmem>>, vector<1x1x16xf32>,
        %get3A_670 = vector.shape_cast %get3A_669 : vector<1x1x16xf32> to vector<16xf32>
        %mul3A_671 = arith.mulf %get3A_670, %gather3A_664 : vector<16xf32>
        %swap3A_672 = arith.constant 0 : i32
        %swap3A_673 = arith.index_cast %swap3A_672 : i32 to index
        %swap3A_674 = arith.index_cast %add3A_582 : i32 to index
        %swap3A_675 = arith.constant 48 : index
        %swap3A_676 = tpu.vector_load %arg11[%swap3A_673, %swap3A_674, %swap3A_675] {strides = array<i32>} : memref<2x256x144xf32, #tpu.memory_space<vmem>>, vector<1x1x16xf32>,
        %swap3A_677 = vector.shape_cast %swap3A_676 : vector<1x1x16xf32> to vector<16xf32>
        %swap3A_678 = vector.shape_cast %mul3A_671 : vector<16xf32> to vector<1x1x16xf32>
        tpu.vector_store %arg11[%swap3A_673, %swap3A_674, %swap3A_675], %swap3A_678 {strides = array<i32>} : memref<2x256x144xf32, #tpu.memory_space<vmem>>, vector<1x1x16xf32>,
        %broadcast_in_dim3A_679 = vector.shape_cast %broadcast_in_dim3A_31 : vector<16xi32> to vector<16x1xi32>
        %gather3A_680 = vector.shape_cast %broadcast_in_dim3A_679 : vector<16x1xi32> to vector<16xi32>
        %gather3A_681 = tpu.dynamic_gather %exp3A_603[%gather3A_680] in [0] : vector<16xf32>, vector<16xi32> -> vector<16xf32>
        %get3A_682 = arith.constant 0 : i32
        %get3A_683 = arith.index_cast %get3A_682 : i32 to index
        %get3A_684 = arith.index_cast %add3A_582 : i32 to index
        %get3A_685 = arith.constant 64 : index
        %get3A_686 = tpu.vector_load %arg11[%get3A_683, %get3A_684, %get3A_685] {strides = array<i32>} : memref<2x256x144xf32, #tpu.memory_space<vmem>>, vector<1x1x16xf32>,
        %get3A_687 = vector.shape_cast %get3A_686 : vector<1x1x16xf32> to vector<16xf32>
        %mul3A_688 = arith.mulf %get3A_687, %gather3A_681 : vector<16xf32>
        %swap3A_689 = arith.constant 0 : i32
        %swap3A_690 = arith.index_cast %swap3A_689 : i32 to index
        %swap3A_691 = arith.index_cast %add3A_582 : i32 to index
        %swap3A_692 = arith.constant 64 : index
        %swap3A_693 = tpu.vector_load %arg11[%swap3A_690, %swap3A_691, %swap3A_692] {strides = array<i32>} : memref<2x256x144xf32, #tpu.memory_space<vmem>>, vector<1x1x16xf32>,
        %swap3A_694 = vector.shape_cast %swap3A_693 : vector<1x1x16xf32> to vector<16xf32>
        %swap3A_695 = vector.shape_cast %mul3A_688 : vector<16xf32> to vector<1x1x16xf32>
        tpu.vector_store %arg11[%swap3A_690, %swap3A_691, %swap3A_692], %swap3A_695 {strides = array<i32>} : memref<2x256x144xf32, #tpu.memory_space<vmem>>, vector<1x1x16xf32>,
        %broadcast_in_dim3A_696 = vector.shape_cast %broadcast_in_dim3A_33 : vector<16xi32> to vector<16x1xi32>
        %gather3A_697 = vector.shape_cast %broadcast_in_dim3A_696 : vector<16x1xi32> to vector<16xi32>
        %gather3A_698 = tpu.dynamic_gather %exp3A_603[%gather3A_697] in [0] : vector<16xf32>, vector<16xi32> -> vector<16xf32>
        %get3A_699 = arith.constant 0 : i32
        %get3A_700 = arith.index_cast %get3A_699 : i32 to index
        %get3A_701 = arith.index_cast %add3A_582 : i32 to index
        %get3A_702 = arith.constant 80 : index
        %get3A_703 = tpu.vector_load %arg11[%get3A_700, %get3A_701, %get3A_702] {strides = array<i32>} : memref<2x256x144xf32, #tpu.memory_space<vmem>>, vector<1x1x16xf32>,
        %get3A_704 = vector.shape_cast %get3A_703 : vector<1x1x16xf32> to vector<16xf32>
        %mul3A_705 = arith.mulf %get3A_704, %gather3A_698 : vector<16xf32>
        %swap3A_706 = arith.constant 0 : i32
        %swap3A_707 = arith.index_cast %swap3A_706 : i32 to index
        %swap3A_708 = arith.index_cast %add3A_582 : i32 to index
        %swap3A_709 = arith.constant 80 : index
        %swap3A_710 = tpu.vector_load %arg11[%swap3A_707, %swap3A_708, %swap3A_709] {strides = array<i32>} : memref<2x256x144xf32, #tpu.memory_space<vmem>>, vector<1x1x16xf32>,
        %swap3A_711 = vector.shape_cast %swap3A_710 : vector<1x1x16xf32> to vector<16xf32>
        %swap3A_712 = vector.shape_cast %mul3A_705 : vector<16xf32> to vector<1x1x16xf32>
        tpu.vector_store %arg11[%swap3A_707, %swap3A_708, %swap3A_709], %swap3A_712 {strides = array<i32>} : memref<2x256x144xf32, #tpu.memory_space<vmem>>, vector<1x1x16xf32>,
        %broadcast_in_dim3A_713 = vector.shape_cast %broadcast_in_dim3A_35 : vector<16xi32> to vector<16x1xi32>
        %gather3A_714 = vector.shape_cast %broadcast_in_dim3A_713 : vector<16x1xi32> to vector<16xi32>
        %gather3A_715 = tpu.dynamic_gather %exp3A_603[%gather3A_714] in [0] : vector<16xf32>, vector<16xi32> -> vector<16xf32>
        %get3A_716 = arith.constant 0 : i32
        %get3A_717 = arith.index_cast %get3A_716 : i32 to index
        %get3A_718 = arith.index_cast %add3A_582 : i32 to index
        %get3A_719 = arith.constant 96 : index
        %get3A_720 = tpu.vector_load %arg11[%get3A_717, %get3A_718, %get3A_719] {strides = array<i32>} : memref<2x256x144xf32, #tpu.memory_space<vmem>>, vector<1x1x16xf32>,
        %get3A_721 = vector.shape_cast %get3A_720 : vector<1x1x16xf32> to vector<16xf32>
        %mul3A_722 = arith.mulf %get3A_721, %gather3A_715 : vector<16xf32>
        %swap3A_723 = arith.constant 0 : i32
        %swap3A_724 = arith.index_cast %swap3A_723 : i32 to index
        %swap3A_725 = arith.index_cast %add3A_582 : i32 to index
        %swap3A_726 = arith.constant 96 : index
        %swap3A_727 = tpu.vector_load %arg11[%swap3A_724, %swap3A_725, %swap3A_726] {strides = array<i32>} : memref<2x256x144xf32, #tpu.memory_space<vmem>>, vector<1x1x16xf32>,
        %swap3A_728 = vector.shape_cast %swap3A_727 : vector<1x1x16xf32> to vector<16xf32>
        %swap3A_729 = vector.shape_cast %mul3A_722 : vector<16xf32> to vector<1x1x16xf32>
        tpu.vector_store %arg11[%swap3A_724, %swap3A_725, %swap3A_726], %swap3A_729 {strides = array<i32>} : memref<2x256x144xf32, #tpu.memory_space<vmem>>, vector<1x1x16xf32>,
        %broadcast_in_dim3A_730 = vector.shape_cast %broadcast_in_dim3A_37 : vector<16xi32> to vector<16x1xi32>
        %gather3A_731 = vector.shape_cast %broadcast_in_dim3A_730 : vector<16x1xi32> to vector<16xi32>
        %gather3A_732 = tpu.dynamic_gather %exp3A_603[%gather3A_731] in [0] : vector<16xf32>, vector<16xi32> -> vector<16xf32>
        %get3A_733 = arith.constant 0 : i32
        %get3A_734 = arith.index_cast %get3A_733 : i32 to index
        %get3A_735 = arith.index_cast %add3A_582 : i32 to index
        %get3A_736 = arith.constant 112 : index
        %get3A_737 = tpu.vector_load %arg11[%get3A_734, %get3A_735, %get3A_736] {strides = array<i32>} : memref<2x256x144xf32, #tpu.memory_space<vmem>>, vector<1x1x16xf32>,
        %get3A_738 = vector.shape_cast %get3A_737 : vector<1x1x16xf32> to vector<16xf32>
        %mul3A_739 = arith.mulf %get3A_738, %gather3A_732 : vector<16xf32>
        %swap3A_740 = arith.constant 0 : i32
        %swap3A_741 = arith.index_cast %swap3A_740 : i32 to index
        %swap3A_742 = arith.index_cast %add3A_582 : i32 to index
        %swap3A_743 = arith.constant 112 : index
        %swap3A_744 = tpu.vector_load %arg11[%swap3A_741, %swap3A_742, %swap3A_743] {strides = array<i32>} : memref<2x256x144xf32, #tpu.memory_space<vmem>>, vector<1x1x16xf32>,
        %swap3A_745 = vector.shape_cast %swap3A_744 : vector<1x1x16xf32> to vector<16xf32>
        %swap3A_746 = vector.shape_cast %mul3A_739 : vector<16xf32> to vector<1x1x16xf32>
        tpu.vector_store %arg11[%swap3A_741, %swap3A_742, %swap3A_743], %swap3A_746 {strides = array<i32>} : memref<2x256x144xf32, #tpu.memory_space<vmem>>, vector<1x1x16xf32>,
        %scan3A_747 = arith.constant 3 : i32
        %scan3A_748 = arith.addi %scan3A_244, %scan3A_747 : i32
        %mul3A_749 = arith.constant 1 : i32
        %mul3A_750 = arith.muli %scan3A_748, %mul3A_749 : i32
        %add3A_751 = arith.constant 0 : i32
        %add3A_752 = arith.addi %add3A_751, %mul3A_750 : i32
        %get3A_753 = arith.constant 0 : i32
        %get3A_754 = arith.index_cast %get3A_753 : i32 to index
        %get3A_755 = arith.index_cast %add3A_752 : i32 to index
        %get3A_756 = arith.constant 128 : index
        %get3A_757 = tpu.vector_load %arg11[%get3A_754, %get3A_755, %get3A_756] {strides = array<i32>} : memref<2x256x144xf32, #tpu.memory_space<vmem>>, vector<1x1x16xf32>,
        %get3A_758 = vector.shape_cast %get3A_757 : vector<1x1x16xf32> to vector<16xf32>
        %get3A_759 = arith.constant 0 : i32
        %get3A_760 = arith.index_cast %get3A_759 : i32 to index
        %get3A_761 = arith.index_cast %add3A_752 : i32 to index
        %get3A_762 = arith.constant 0 : index
        %get3A_763 = tpu.vector_load %arg12[%get3A_760, %get3A_761, %get3A_762] {strides = array<i32>} : memref<2x256x16xf32, #tpu.memory_space<vmem>>, vector<1x1x16xf32>,
        %get3A_764 = vector.shape_cast %get3A_763 : vector<1x1x16xf32> to vector<16xf32>
        %add3A_765 = arith.addf %get3A_758, %get3A_764 : vector<16xf32>
        %ge3A_766 = arith.constant 0.000000e+00 : f32
        %ge3A_767 = vector.broadcast %ge3A_766 : f32 to vector<16xf32>
        %ge3A_768 = arith.cmpf oge, %add3A_765, %ge3A_767 : vector<16xf32>
        %mul3A_769 = arith.constant 2.000000e-01 : f32
        %mul3A_770 = vector.broadcast %mul3A_769 : f32 to vector<16xf32>
        %mul3A_771 = arith.mulf %mul3A_770, %add3A_765 : vector<16xf32>
        %select_n3A_772 = arith.select %ge3A_768, %add3A_765, %mul3A_771 : vector<16xi1>, vector<16xf32>
        %exp3A_773 = math.exp %select_n3A_772 : vector<16xf32>
        %swap3A_774 = arith.constant 0 : i32
        %swap3A_775 = arith.index_cast %swap3A_774 : i32 to index
        %swap3A_776 = arith.index_cast %add3A_752 : i32 to index
        %swap3A_777 = arith.constant 128 : index
        %swap3A_778 = tpu.vector_load %arg11[%swap3A_775, %swap3A_776, %swap3A_777] {strides = array<i32>} : memref<2x256x144xf32, #tpu.memory_space<vmem>>, vector<1x1x16xf32>,
        %swap3A_779 = vector.shape_cast %swap3A_778 : vector<1x1x16xf32> to vector<16xf32>
        %swap3A_780 = vector.shape_cast %exp3A_773 : vector<16xf32> to vector<1x1x16xf32>
        tpu.vector_store %arg11[%swap3A_775, %swap3A_776, %swap3A_777], %swap3A_780 {strides = array<i32>} : memref<2x256x144xf32, #tpu.memory_space<vmem>>, vector<1x1x16xf32>,
        %broadcast_in_dim3A_781 = vector.shape_cast %broadcast_in_dim3A_23 : vector<16xi32> to vector<16x1xi32>
        %gather3A_782 = vector.shape_cast %broadcast_in_dim3A_781 : vector<16x1xi32> to vector<16xi32>
        %gather3A_783 = tpu.dynamic_gather %exp3A_773[%gather3A_782] in [0] : vector<16xf32>, vector<16xi32> -> vector<16xf32>
        %get3A_784 = arith.constant 0 : i32
        %get3A_785 = arith.index_cast %get3A_784 : i32 to index
        %get3A_786 = arith.index_cast %add3A_752 : i32 to index
        %get3A_787 = arith.constant 0 : index
        %get3A_788 = tpu.vector_load %arg11[%get3A_785, %get3A_786, %get3A_787] {strides = array<i32>} : memref<2x256x144xf32, #tpu.memory_space<vmem>>, vector<1x1x16xf32>,
        %get3A_789 = vector.shape_cast %get3A_788 : vector<1x1x16xf32> to vector<16xf32>
        %mul3A_790 = arith.mulf %get3A_789, %gather3A_783 : vector<16xf32>
        %swap3A_791 = arith.constant 0 : i32
        %swap3A_792 = arith.index_cast %swap3A_791 : i32 to index
        %swap3A_793 = arith.index_cast %add3A_752 : i32 to index
        %swap3A_794 = arith.constant 0 : index
        %swap3A_795 = tpu.vector_load %arg11[%swap3A_792, %swap3A_793, %swap3A_794] {strides = array<i32>} : memref<2x256x144xf32, #tpu.memory_space<vmem>>, vector<1x1x16xf32>,
        %swap3A_796 = vector.shape_cast %swap3A_795 : vector<1x1x16xf32> to vector<16xf32>
        %swap3A_797 = vector.shape_cast %mul3A_790 : vector<16xf32> to vector<1x1x16xf32>
        tpu.vector_store %arg11[%swap3A_792, %swap3A_793, %swap3A_794], %swap3A_797 {strides = array<i32>} : memref<2x256x144xf32, #tpu.memory_space<vmem>>, vector<1x1x16xf32>,
        %broadcast_in_dim3A_798 = vector.shape_cast %broadcast_in_dim3A_25 : vector<16xi32> to vector<16x1xi32>
        %gather3A_799 = vector.shape_cast %broadcast_in_dim3A_798 : vector<16x1xi32> to vector<16xi32>
        %gather3A_800 = tpu.dynamic_gather %exp3A_773[%gather3A_799] in [0] : vector<16xf32>, vector<16xi32> -> vector<16xf32>
        %get3A_801 = arith.constant 0 : i32
        %get3A_802 = arith.index_cast %get3A_801 : i32 to index
        %get3A_803 = arith.index_cast %add3A_752 : i32 to index
        %get3A_804 = arith.constant 16 : index
        %get3A_805 = tpu.vector_load %arg11[%get3A_802, %get3A_803, %get3A_804] {strides = array<i32>} : memref<2x256x144xf32, #tpu.memory_space<vmem>>, vector<1x1x16xf32>,
        %get3A_806 = vector.shape_cast %get3A_805 : vector<1x1x16xf32> to vector<16xf32>
        %mul3A_807 = arith.mulf %get3A_806, %gather3A_800 : vector<16xf32>
        %swap3A_808 = arith.constant 0 : i32
        %swap3A_809 = arith.index_cast %swap3A_808 : i32 to index
        %swap3A_810 = arith.index_cast %add3A_752 : i32 to index
        %swap3A_811 = arith.constant 16 : index
        %swap3A_812 = tpu.vector_load %arg11[%swap3A_809, %swap3A_810, %swap3A_811] {strides = array<i32>} : memref<2x256x144xf32, #tpu.memory_space<vmem>>, vector<1x1x16xf32>,
        %swap3A_813 = vector.shape_cast %swap3A_812 : vector<1x1x16xf32> to vector<16xf32>
        %swap3A_814 = vector.shape_cast %mul3A_807 : vector<16xf32> to vector<1x1x16xf32>
        tpu.vector_store %arg11[%swap3A_809, %swap3A_810, %swap3A_811], %swap3A_814 {strides = array<i32>} : memref<2x256x144xf32, #tpu.memory_space<vmem>>, vector<1x1x16xf32>,
        %broadcast_in_dim3A_815 = vector.shape_cast %broadcast_in_dim3A_27 : vector<16xi32> to vector<16x1xi32>
        %gather3A_816 = vector.shape_cast %broadcast_in_dim3A_815 : vector<16x1xi32> to vector<16xi32>
        %gather3A_817 = tpu.dynamic_gather %exp3A_773[%gather3A_816] in [0] : vector<16xf32>, vector<16xi32> -> vector<16xf32>
        %get3A_818 = arith.constant 0 : i32
        %get3A_819 = arith.index_cast %get3A_818 : i32 to index
        %get3A_820 = arith.index_cast %add3A_752 : i32 to index
        %get3A_821 = arith.constant 32 : index
        %get3A_822 = tpu.vector_load %arg11[%get3A_819, %get3A_820, %get3A_821] {strides = array<i32>} : memref<2x256x144xf32, #tpu.memory_space<vmem>>, vector<1x1x16xf32>,
        %get3A_823 = vector.shape_cast %get3A_822 : vector<1x1x16xf32> to vector<16xf32>
        %mul3A_824 = arith.mulf %get3A_823, %gather3A_817 : vector<16xf32>
        %swap3A_825 = arith.constant 0 : i32
        %swap3A_826 = arith.index_cast %swap3A_825 : i32 to index
        %swap3A_827 = arith.index_cast %add3A_752 : i32 to index
        %swap3A_828 = arith.constant 32 : index
        %swap3A_829 = tpu.vector_load %arg11[%swap3A_826, %swap3A_827, %swap3A_828] {strides = array<i32>} : memref<2x256x144xf32, #tpu.memory_space<vmem>>, vector<1x1x16xf32>,
        %swap3A_830 = vector.shape_cast %swap3A_829 : vector<1x1x16xf32> to vector<16xf32>
        %swap3A_831 = vector.shape_cast %mul3A_824 : vector<16xf32> to vector<1x1x16xf32>
        tpu.vector_store %arg11[%swap3A_826, %swap3A_827, %swap3A_828], %swap3A_831 {strides = array<i32>} : memref<2x256x144xf32, #tpu.memory_space<vmem>>, vector<1x1x16xf32>,
        %broadcast_in_dim3A_832 = vector.shape_cast %broadcast_in_dim3A_29 : vector<16xi32> to vector<16x1xi32>
        %gather3A_833 = vector.shape_cast %broadcast_in_dim3A_832 : vector<16x1xi32> to vector<16xi32>
        %gather3A_834 = tpu.dynamic_gather %exp3A_773[%gather3A_833] in [0] : vector<16xf32>, vector<16xi32> -> vector<16xf32>
        %get3A_835 = arith.constant 0 : i32
        %get3A_836 = arith.index_cast %get3A_835 : i32 to index
        %get3A_837 = arith.index_cast %add3A_752 : i32 to index
        %get3A_838 = arith.constant 48 : index
        %get3A_839 = tpu.vector_load %arg11[%get3A_836, %get3A_837, %get3A_838] {strides = array<i32>} : memref<2x256x144xf32, #tpu.memory_space<vmem>>, vector<1x1x16xf32>,
        %get3A_840 = vector.shape_cast %get3A_839 : vector<1x1x16xf32> to vector<16xf32>
        %mul3A_841 = arith.mulf %get3A_840, %gather3A_834 : vector<16xf32>
        %swap3A_842 = arith.constant 0 : i32
        %swap3A_843 = arith.index_cast %swap3A_842 : i32 to index
        %swap3A_844 = arith.index_cast %add3A_752 : i32 to index
        %swap3A_845 = arith.constant 48 : index
        %swap3A_846 = tpu.vector_load %arg11[%swap3A_843, %swap3A_844, %swap3A_845] {strides = array<i32>} : memref<2x256x144xf32, #tpu.memory_space<vmem>>, vector<1x1x16xf32>,
        %swap3A_847 = vector.shape_cast %swap3A_846 : vector<1x1x16xf32> to vector<16xf32>
        %swap3A_848 = vector.shape_cast %mul3A_841 : vector<16xf32> to vector<1x1x16xf32>
        tpu.vector_store %arg11[%swap3A_843, %swap3A_844, %swap3A_845], %swap3A_848 {strides = array<i32>} : memref<2x256x144xf32, #tpu.memory_space<vmem>>, vector<1x1x16xf32>,
        %broadcast_in_dim3A_849 = vector.shape_cast %broadcast_in_dim3A_31 : vector<16xi32> to vector<16x1xi32>
        %gather3A_850 = vector.shape_cast %broadcast_in_dim3A_849 : vector<16x1xi32> to vector<16xi32>
        %gather3A_851 = tpu.dynamic_gather %exp3A_773[%gather3A_850] in [0] : vector<16xf32>, vector<16xi32> -> vector<16xf32>
        %get3A_852 = arith.constant 0 : i32
        %get3A_853 = arith.index_cast %get3A_852 : i32 to index
        %get3A_854 = arith.index_cast %add3A_752 : i32 to index
        %get3A_855 = arith.constant 64 : index
        %get3A_856 = tpu.vector_load %arg11[%get3A_853, %get3A_854, %get3A_855] {strides = array<i32>} : memref<2x256x144xf32, #tpu.memory_space<vmem>>, vector<1x1x16xf32>,
        %get3A_857 = vector.shape_cast %get3A_856 : vector<1x1x16xf32> to vector<16xf32>
        %mul3A_858 = arith.mulf %get3A_857, %gather3A_851 : vector<16xf32>
        %swap3A_859 = arith.constant 0 : i32
        %swap3A_860 = arith.index_cast %swap3A_859 : i32 to index
        %swap3A_861 = arith.index_cast %add3A_752 : i32 to index
        %swap3A_862 = arith.constant 64 : index
        %swap3A_863 = tpu.vector_load %arg11[%swap3A_860, %swap3A_861, %swap3A_862] {strides = array<i32>} : memref<2x256x144xf32, #tpu.memory_space<vmem>>, vector<1x1x16xf32>,
        %swap3A_864 = vector.shape_cast %swap3A_863 : vector<1x1x16xf32> to vector<16xf32>
        %swap3A_865 = vector.shape_cast %mul3A_858 : vector<16xf32> to vector<1x1x16xf32>
        tpu.vector_store %arg11[%swap3A_860, %swap3A_861, %swap3A_862], %swap3A_865 {strides = array<i32>} : memref<2x256x144xf32, #tpu.memory_space<vmem>>, vector<1x1x16xf32>,
        %broadcast_in_dim3A_866 = vector.shape_cast %broadcast_in_dim3A_33 : vector<16xi32> to vector<16x1xi32>
        %gather3A_867 = vector.shape_cast %broadcast_in_dim3A_866 : vector<16x1xi32> to vector<16xi32>
        %gather3A_868 = tpu.dynamic_gather %exp3A_773[%gather3A_867] in [0] : vector<16xf32>, vector<16xi32> -> vector<16xf32>
        %get3A_869 = arith.constant 0 : i32
        %get3A_870 = arith.index_cast %get3A_869 : i32 to index
        %get3A_871 = arith.index_cast %add3A_752 : i32 to index
        %get3A_872 = arith.constant 80 : index
        %get3A_873 = tpu.vector_load %arg11[%get3A_870, %get3A_871, %get3A_872] {strides = array<i32>} : memref<2x256x144xf32, #tpu.memory_space<vmem>>, vector<1x1x16xf32>,
        %get3A_874 = vector.shape_cast %get3A_873 : vector<1x1x16xf32> to vector<16xf32>
        %mul3A_875 = arith.mulf %get3A_874, %gather3A_868 : vector<16xf32>
        %swap3A_876 = arith.constant 0 : i32
        %swap3A_877 = arith.index_cast %swap3A_876 : i32 to index
        %swap3A_878 = arith.index_cast %add3A_752 : i32 to index
        %swap3A_879 = arith.constant 80 : index
        %swap3A_880 = tpu.vector_load %arg11[%swap3A_877, %swap3A_878, %swap3A_879] {strides = array<i32>} : memref<2x256x144xf32, #tpu.memory_space<vmem>>, vector<1x1x16xf32>,
        %swap3A_881 = vector.shape_cast %swap3A_880 : vector<1x1x16xf32> to vector<16xf32>
        %swap3A_882 = vector.shape_cast %mul3A_875 : vector<16xf32> to vector<1x1x16xf32>
        tpu.vector_store %arg11[%swap3A_877, %swap3A_878, %swap3A_879], %swap3A_882 {strides = array<i32>} : memref<2x256x144xf32, #tpu.memory_space<vmem>>, vector<1x1x16xf32>,
        %broadcast_in_dim3A_883 = vector.shape_cast %broadcast_in_dim3A_35 : vector<16xi32> to vector<16x1xi32>
        %gather3A_884 = vector.shape_cast %broadcast_in_dim3A_883 : vector<16x1xi32> to vector<16xi32>
        %gather3A_885 = tpu.dynamic_gather %exp3A_773[%gather3A_884] in [0] : vector<16xf32>, vector<16xi32> -> vector<16xf32>
        %get3A_886 = arith.constant 0 : i32
        %get3A_887 = arith.index_cast %get3A_886 : i32 to index
        %get3A_888 = arith.index_cast %add3A_752 : i32 to index
        %get3A_889 = arith.constant 96 : index
        %get3A_890 = tpu.vector_load %arg11[%get3A_887, %get3A_888, %get3A_889] {strides = array<i32>} : memref<2x256x144xf32, #tpu.memory_space<vmem>>, vector<1x1x16xf32>,
        %get3A_891 = vector.shape_cast %get3A_890 : vector<1x1x16xf32> to vector<16xf32>
        %mul3A_892 = arith.mulf %get3A_891, %gather3A_885 : vector<16xf32>
        %swap3A_893 = arith.constant 0 : i32
        %swap3A_894 = arith.index_cast %swap3A_893 : i32 to index
        %swap3A_895 = arith.index_cast %add3A_752 : i32 to index
        %swap3A_896 = arith.constant 96 : index
        %swap3A_897 = tpu.vector_load %arg11[%swap3A_894, %swap3A_895, %swap3A_896] {strides = array<i32>} : memref<2x256x144xf32, #tpu.memory_space<vmem>>, vector<1x1x16xf32>,
        %swap3A_898 = vector.shape_cast %swap3A_897 : vector<1x1x16xf32> to vector<16xf32>
        %swap3A_899 = vector.shape_cast %mul3A_892 : vector<16xf32> to vector<1x1x16xf32>
        tpu.vector_store %arg11[%swap3A_894, %swap3A_895, %swap3A_896], %swap3A_899 {strides = array<i32>} : memref<2x256x144xf32, #tpu.memory_space<vmem>>, vector<1x1x16xf32>,
        %broadcast_in_dim3A_900 = vector.shape_cast %broadcast_in_dim3A_37 : vector<16xi32> to vector<16x1xi32>
        %gather3A_901 = vector.shape_cast %broadcast_in_dim3A_900 : vector<16x1xi32> to vector<16xi32>
        %gather3A_902 = tpu.dynamic_gather %exp3A_773[%gather3A_901] in [0] : vector<16xf32>, vector<16xi32> -> vector<16xf32>
        %get3A_903 = arith.constant 0 : i32
        %get3A_904 = arith.index_cast %get3A_903 : i32 to index
        %get3A_905 = arith.index_cast %add3A_752 : i32 to index
        %get3A_906 = arith.constant 112 : index
        %get3A_907 = tpu.vector_load %arg11[%get3A_904, %get3A_905, %get3A_906] {strides = array<i32>} : memref<2x256x144xf32, #tpu.memory_space<vmem>>, vector<1x1x16xf32>,
        %get3A_908 = vector.shape_cast %get3A_907 : vector<1x1x16xf32> to vector<16xf32>
        %mul3A_909 = arith.mulf %get3A_908, %gather3A_902 : vector<16xf32>
        %swap3A_910 = arith.constant 0 : i32
        %swap3A_911 = arith.index_cast %swap3A_910 : i32 to index
        %swap3A_912 = arith.index_cast %add3A_752 : i32 to index
        %swap3A_913 = arith.constant 112 : index
        %swap3A_914 = tpu.vector_load %arg11[%swap3A_911, %swap3A_912, %swap3A_913] {strides = array<i32>} : memref<2x256x144xf32, #tpu.memory_space<vmem>>, vector<1x1x16xf32>,
        %swap3A_915 = vector.shape_cast %swap3A_914 : vector<1x1x16xf32> to vector<16xf32>
        %swap3A_916 = vector.shape_cast %mul3A_909 : vector<16xf32> to vector<1x1x16xf32>
        tpu.vector_store %arg11[%swap3A_911, %swap3A_912, %swap3A_913], %swap3A_916 {strides = array<i32>} : memref<2x256x144xf32, #tpu.memory_space<vmem>>, vector<1x1x16xf32>,
      }
      %scan3A_122 = arith.constant 256 : i32
      %dma_start3A_123 = arith.constant 0 : i32
      %dma_start3A_124 = arith.constant 0 : i32
      %dma_start3A_125 = arith.constant 0 : i32
      %dma_start3A_126 = arith.constant 0 : i32
      %dma_start3A_127 = tpu.memref_slice %arg11[%dma_start3A_123, %dma_start3A_125, %dma_start3A_126] : memref<2x256x144xf32, #tpu.memory_space<vmem>> -> memref<1x128x144xf32, #tpu.memory_space<vmem>>
      %dma_start3A_128 = tpu.memref_squeeze %dma_start3A_127 : memref<1x128x144xf32, #tpu.memory_space<vmem>> -> memref<128x144xf32, #tpu.memory_space<vmem>>
      %dma_start3A_129 = arith.constant 0 : i32
      %dma_start3A_130 = tpu.memref_slice %arg10[%dma_start3A_124, %dma_start3A_129] : memref<4x128xi32, #tpu.memory_space<vmem>> -> memref<1x128xi32, #tpu.memory_space<vmem>>
      %dma_start3A_131 = tpu.memref_squeeze %dma_start3A_130 : memref<1x128xi32, #tpu.memory_space<vmem>> -> memref<128xi32, #tpu.memory_space<vmem>>
      %dma_start3A_132 = arith.constant 0 : i32
      %dma_start3A_133 = arith.constant 0 : i32
      %dma_start3A_134 = tpu.memref_slice %arg13[%dma_start3A_132, %dma_start3A_133] : memref<5248x144xf32, #tpu.memory_space<vmem_shared>> -> memref<5248x144xf32, #tpu.memory_space<vmem_shared>>
      tpu.enqueue_indirect_dma source(%dma_start3A_128 : memref<128x144xf32, #tpu.memory_space<vmem>>) target(%dma_start3A_134 : memref<5248x144xf32, #tpu.memory_space<vmem_shared>>) offsets(%dma_start3A_131 : memref<128xi32, #tpu.memory_space<vmem>>) semaphore(%arg16 : memref<!tpu.dma_semaphore, #tpu.memory_space<semaphore_mem>>) {add = true}
      %dma_start3A_135 = arith.constant 0 : i32
      %dma_start3A_136 = arith.constant 1 : i32
      %dma_start3A_137 = arith.constant 128 : i32
      %dma_start3A_138 = arith.constant 0 : i32
      %dma_start3A_139 = tpu.memref_slice %arg11[%dma_start3A_135, %dma_start3A_137, %dma_start3A_138] : memref<2x256x144xf32, #tpu.memory_space<vmem>> -> memref<1x128x144xf32, #tpu.memory_space<vmem>>
      %dma_start3A_140 = tpu.memref_squeeze %dma_start3A_139 : memref<1x128x144xf32, #tpu.memory_space<vmem>> -> memref<128x144xf32, #tpu.memory_space<vmem>>
      %dma_start3A_141 = arith.constant 0 : i32
      %dma_start3A_142 = tpu.memref_slice %arg10[%dma_start3A_136, %dma_start3A_141] : memref<4x128xi32, #tpu.memory_space<vmem>> -> memref<1x128xi32, #tpu.memory_space<vmem>>
      %dma_start3A_143 = tpu.memref_squeeze %dma_start3A_142 : memref<1x128xi32, #tpu.memory_space<vmem>> -> memref<128xi32, #tpu.memory_space<vmem>>
      %dma_start3A_144 = arith.constant 0 : i32
      %dma_start3A_145 = arith.constant 0 : i32
      %dma_start3A_146 = tpu.memref_slice %arg13[%dma_start3A_144, %dma_start3A_145] : memref<5248x144xf32, #tpu.memory_space<vmem_shared>> -> memref<5248x144xf32, #tpu.memory_space<vmem_shared>>
      tpu.enqueue_indirect_dma source(%dma_start3A_140 : memref<128x144xf32, #tpu.memory_space<vmem>>) target(%dma_start3A_146 : memref<5248x144xf32, #tpu.memory_space<vmem_shared>>) offsets(%dma_start3A_143 : memref<128xi32, #tpu.memory_space<vmem>>) semaphore(%arg16 : memref<!tpu.dma_semaphore, #tpu.memory_space<semaphore_mem>>) {add = true}
      %dma_wait3A_147 = arith.constant 0 : i32
      %dma_wait3A_148 = arith.constant 0 : i32
      %dma_wait3A_149 = arith.constant 0 : i32
      %dma_wait3A_150 = arith.constant 0 : i32
      %dma_wait3A_151 = tpu.memref_slice %arg11[%dma_wait3A_147, %dma_wait3A_149, %dma_wait3A_150] : memref<2x256x144xf32, #tpu.memory_space<vmem>> -> memref<1x128x144xf32, #tpu.memory_space<vmem>>
      %dma_wait3A_152 = tpu.memref_squeeze %dma_wait3A_151 : memref<1x128x144xf32, #tpu.memory_space<vmem>> -> memref<128x144xf32, #tpu.memory_space<vmem>>
      %dma_wait3A_153 = arith.constant 0 : i32
      %dma_wait3A_154 = tpu.memref_slice %arg10[%dma_wait3A_148, %dma_wait3A_153] : memref<4x128xi32, #tpu.memory_space<vmem>> -> memref<1x128xi32, #tpu.memory_space<vmem>>
      %dma_wait3A_155 = tpu.memref_squeeze %dma_wait3A_154 : memref<1x128xi32, #tpu.memory_space<vmem>> -> memref<128xi32, #tpu.memory_space<vmem>>
      %dma_wait3A_156 = arith.constant 0 : i32
      %dma_wait3A_157 = arith.constant 0 : i32
      %dma_wait3A_158 = tpu.memref_slice %arg13[%dma_wait3A_156, %dma_wait3A_157] : memref<5248x144xf32, #tpu.memory_space<vmem_shared>> -> memref<5248x144xf32, #tpu.memory_space<vmem_shared>>
      tpu.wait_indirect_dma semaphore(%arg16 : memref<!tpu.dma_semaphore, #tpu.memory_space<semaphore_mem>>) src(%dma_wait3A_152 : memref<128x144xf32, #tpu.memory_space<vmem>>) dst(%dma_wait3A_158 : memref<5248x144xf32, #tpu.memory_space<vmem_shared>>)
      %dma_wait3A_159 = arith.constant 0 : i32
      %dma_wait3A_160 = arith.constant 1 : i32
      %dma_wait3A_161 = arith.constant 128 : i32
      %dma_wait3A_162 = arith.constant 0 : i32
      %dma_wait3A_163 = tpu.memref_slice %arg11[%dma_wait3A_159, %dma_wait3A_161, %dma_wait3A_162] : memref<2x256x144xf32, #tpu.memory_space<vmem>> -> memref<1x128x144xf32, #tpu.memory_space<vmem>>
      %dma_wait3A_164 = tpu.memref_squeeze %dma_wait3A_163 : memref<1x128x144xf32, #tpu.memory_space<vmem>> -> memref<128x144xf32, #tpu.memory_space<vmem>>
      %dma_wait3A_165 = arith.constant 0 : i32
      %dma_wait3A_166 = tpu.memref_slice %arg10[%dma_wait3A_160, %dma_wait3A_165] : memref<4x128xi32, #tpu.memory_space<vmem>> -> memref<1x128xi32, #tpu.memory_space<vmem>>
      %dma_wait3A_167 = tpu.memref_squeeze %dma_wait3A_166 : memref<1x128xi32, #tpu.memory_space<vmem>> -> memref<128xi32, #tpu.memory_space<vmem>>
      %dma_wait3A_168 = arith.constant 0 : i32
      %dma_wait3A_169 = arith.constant 0 : i32
      %dma_wait3A_170 = tpu.memref_slice %arg13[%dma_wait3A_168, %dma_wait3A_169] : memref<5248x144xf32, #tpu.memory_space<vmem_shared>> -> memref<5248x144xf32, #tpu.memory_space<vmem_shared>>
      tpu.wait_indirect_dma semaphore(%arg16 : memref<!tpu.dma_semaphore, #tpu.memory_space<semaphore_mem>>) src(%dma_wait3A_164 : memref<128x144xf32, #tpu.memory_space<vmem>>) dst(%dma_wait3A_170 : memref<5248x144xf32, #tpu.memory_space<vmem_shared>>)
      %dma_wait3A_171 = arith.constant 1 : i32
      %dma_wait3A_172 = arith.constant 0 : i32
      %dma_wait3A_173 = arith.constant 0 : i32
      %dma_wait3A_174 = tpu.memref_slice %arg11[%dma_wait3A_171, %dma_wait3A_172, %dma_wait3A_173] : memref<2x256x144xf32, #tpu.memory_space<vmem>> -> memref<1x256x144xf32, #tpu.memory_space<vmem>>
      %dma_wait3A_175 = tpu.memref_squeeze %dma_wait3A_174 : memref<1x256x144xf32, #tpu.memory_space<vmem>> -> memref<256x144xf32, #tpu.memory_space<vmem>>
      %dma_wait3A_176 = arith.constant 256 : i32
      %dma_wait3A_177 = tpu.memref_slice %arg8[%dma_wait3A_176] : memref<512xi32, #tpu.memory_space<vmem>> -> memref<256xi32, #tpu.memory_space<vmem>>
      %dma_wait3A_178 = arith.constant 0 : i32
      %dma_wait3A_179 = arith.constant 0 : i32
      %dma_wait3A_180 = tpu.memref_slice %arg2[%dma_wait3A_178, %dma_wait3A_179] : memref<10240x144xf32, #tpu.memory_space<hbm>> -> memref<10240x144xf32, #tpu.memory_space<hbm>>
      tpu.wait_indirect_dma semaphore(%arg15 : memref<!tpu.dma_semaphore, #tpu.memory_space<semaphore_mem>>) src(%dma_wait3A_180 : memref<10240x144xf32, #tpu.memory_space<hbm>>) dst(%dma_wait3A_175 : memref<256x144xf32, #tpu.memory_space<vmem>>)
      %dma_wait3A_181 = arith.constant 1 : i32
      %dma_wait3A_182 = arith.constant 0 : i32
      %dma_wait3A_183 = arith.constant 0 : i32
      %dma_wait3A_184 = tpu.memref_slice %arg12[%dma_wait3A_181, %dma_wait3A_182, %dma_wait3A_183] : memref<2x256x16xf32, #tpu.memory_space<vmem>> -> memref<1x256x16xf32, #tpu.memory_space<vmem>>
      %dma_wait3A_185 = tpu.memref_squeeze %dma_wait3A_184 : memref<1x256x16xf32, #tpu.memory_space<vmem>> -> memref<256x16xf32, #tpu.memory_space<vmem>>
      %dma_wait3A_186 = arith.constant 256 : i32
      %dma_wait3A_187 = tpu.memref_slice %arg9[%dma_wait3A_186] : memref<512xi32, #tpu.memory_space<vmem>> -> memref<256xi32, #tpu.memory_space<vmem>>
      %dma_wait3A_188 = arith.constant 0 : i32
      %dma_wait3A_189 = arith.constant 0 : i32
      %dma_wait3A_190 = tpu.memref_slice %arg3[%dma_wait3A_188, %dma_wait3A_189] : memref<10240x16xf32, #tpu.memory_space<hbm>> -> memref<10240x16xf32, #tpu.memory_space<hbm>>
      tpu.wait_indirect_dma semaphore(%arg15 : memref<!tpu.dma_semaphore, #tpu.memory_space<semaphore_mem>>) src(%dma_wait3A_190 : memref<10240x16xf32, #tpu.memory_space<hbm>>) dst(%dma_wait3A_185 : memref<256x16xf32, #tpu.memory_space<vmem>>)
      %scan3A_191 = arith.constant 0 : i32
      %scan3A_192 = arith.constant 256 : i32
      %scan3A_193 = arith.addi %scan3A_191, %scan3A_192 : i32
      %scan3A_194 = arith.constant 4 : i32
      scf.for %scan3A_244 = %scan3A_191 to %scan3A_193 step %scan3A_194  : i32 {
        %mul3A_245 = arith.constant 1 : i32
        %mul3A_246 = arith.muli %scan3A_244, %mul3A_245 : i32
        %add3A_247 = arith.constant 0 : i32
        %add3A_248 = arith.addi %add3A_247, %mul3A_246 : i32
        %get3A = arith.constant 1 : i32
        %get3A_249 = arith.index_cast %get3A : i32 to index
        %get3A_250 = arith.index_cast %add3A_248 : i32 to index
        %get3A_251 = arith.constant 128 : index
        %get3A_252 = tpu.vector_load %arg11[%get3A_249, %get3A_250, %get3A_251] {strides = array<i32>} : memref<2x256x144xf32, #tpu.memory_space<vmem>>, vector<1x1x16xf32>,
        %get3A_253 = vector.shape_cast %get3A_252 : vector<1x1x16xf32> to vector<16xf32>
        %get3A_254 = arith.constant 1 : i32
        %get3A_255 = arith.index_cast %get3A_254 : i32 to index
        %get3A_256 = arith.index_cast %add3A_248 : i32 to index
        %get3A_257 = arith.constant 0 : index
        %get3A_258 = tpu.vector_load %arg12[%get3A_255, %get3A_256, %get3A_257] {strides = array<i32>} : memref<2x256x16xf32, #tpu.memory_space<vmem>>, vector<1x1x16xf32>,
        %get3A_259 = vector.shape_cast %get3A_258 : vector<1x1x16xf32> to vector<16xf32>
        %add3A_260 = arith.addf %get3A_253, %get3A_259 : vector<16xf32>
        %ge3A = arith.constant 0.000000e+00 : f32
        %ge3A_261 = vector.broadcast %ge3A : f32 to vector<16xf32>
        %ge3A_262 = arith.cmpf oge, %add3A_260, %ge3A_261 : vector<16xf32>
        %mul3A_263 = arith.constant 2.000000e-01 : f32
        %mul3A_264 = vector.broadcast %mul3A_263 : f32 to vector<16xf32>
        %mul3A_265 = arith.mulf %mul3A_264, %add3A_260 : vector<16xf32>
        %select_n3A = arith.select %ge3A_262, %add3A_260, %mul3A_265 : vector<16xi1>, vector<16xf32>
        %exp3A = math.exp %select_n3A : vector<16xf32>
        %swap3A = arith.constant 1 : i32
        %swap3A_266 = arith.index_cast %swap3A : i32 to index
        %swap3A_267 = arith.index_cast %add3A_248 : i32 to index
        %swap3A_268 = arith.constant 128 : index
        %swap3A_269 = tpu.vector_load %arg11[%swap3A_266, %swap3A_267, %swap3A_268] {strides = array<i32>} : memref<2x256x144xf32, #tpu.memory_space<vmem>>, vector<1x1x16xf32>,
        %swap3A_270 = vector.shape_cast %swap3A_269 : vector<1x1x16xf32> to vector<16xf32>
        %swap3A_271 = vector.shape_cast %exp3A : vector<16xf32> to vector<1x1x16xf32>
        tpu.vector_store %arg11[%swap3A_266, %swap3A_267, %swap3A_268], %swap3A_271 {strides = array<i32>} : memref<2x256x144xf32, #tpu.memory_space<vmem>>, vector<1x1x16xf32>,
        %broadcast_in_dim3A_272 = vector.shape_cast %broadcast_in_dim3A_23 : vector<16xi32> to vector<16x1xi32>
        %gather3A = vector.shape_cast %broadcast_in_dim3A_272 : vector<16x1xi32> to vector<16xi32>
        %gather3A_273 = tpu.dynamic_gather %exp3A[%gather3A] in [0] : vector<16xf32>, vector<16xi32> -> vector<16xf32>
        %get3A_274 = arith.constant 1 : i32
        %get3A_275 = arith.index_cast %get3A_274 : i32 to index
        %get3A_276 = arith.index_cast %add3A_248 : i32 to index
        %get3A_277 = arith.constant 0 : index
        %get3A_278 = tpu.vector_load %arg11[%get3A_275, %get3A_276, %get3A_277] {strides = array<i32>} : memref<2x256x144xf32, #tpu.memory_space<vmem>>, vector<1x1x16xf32>,
        %get3A_279 = vector.shape_cast %get3A_278 : vector<1x1x16xf32> to vector<16xf32>
        %mul3A_280 = arith.mulf %get3A_279, %gather3A_273 : vector<16xf32>
        %swap3A_281 = arith.constant 1 : i32
        %swap3A_282 = arith.index_cast %swap3A_281 : i32 to index
        %swap3A_283 = arith.index_cast %add3A_248 : i32 to index
        %swap3A_284 = arith.constant 0 : index
        %swap3A_285 = tpu.vector_load %arg11[%swap3A_282, %swap3A_283, %swap3A_284] {strides = array<i32>} : memref<2x256x144xf32, #tpu.memory_space<vmem>>, vector<1x1x16xf32>,
        %swap3A_286 = vector.shape_cast %swap3A_285 : vector<1x1x16xf32> to vector<16xf32>
        %swap3A_287 = vector.shape_cast %mul3A_280 : vector<16xf32> to vector<1x1x16xf32>
        tpu.vector_store %arg11[%swap3A_282, %swap3A_283, %swap3A_284], %swap3A_287 {strides = array<i32>} : memref<2x256x144xf32, #tpu.memory_space<vmem>>, vector<1x1x16xf32>,
        %broadcast_in_dim3A_288 = vector.shape_cast %broadcast_in_dim3A_25 : vector<16xi32> to vector<16x1xi32>
        %gather3A_289 = vector.shape_cast %broadcast_in_dim3A_288 : vector<16x1xi32> to vector<16xi32>
        %gather3A_290 = tpu.dynamic_gather %exp3A[%gather3A_289] in [0] : vector<16xf32>, vector<16xi32> -> vector<16xf32>
        %get3A_291 = arith.constant 1 : i32
        %get3A_292 = arith.index_cast %get3A_291 : i32 to index
        %get3A_293 = arith.index_cast %add3A_248 : i32 to index
        %get3A_294 = arith.constant 16 : index
        %get3A_295 = tpu.vector_load %arg11[%get3A_292, %get3A_293, %get3A_294] {strides = array<i32>} : memref<2x256x144xf32, #tpu.memory_space<vmem>>, vector<1x1x16xf32>,
        %get3A_296 = vector.shape_cast %get3A_295 : vector<1x1x16xf32> to vector<16xf32>
        %mul3A_297 = arith.mulf %get3A_296, %gather3A_290 : vector<16xf32>
        %swap3A_298 = arith.constant 1 : i32
        %swap3A_299 = arith.index_cast %swap3A_298 : i32 to index
        %swap3A_300 = arith.index_cast %add3A_248 : i32 to index
        %swap3A_301 = arith.constant 16 : index
        %swap3A_302 = tpu.vector_load %arg11[%swap3A_299, %swap3A_300, %swap3A_301] {strides = array<i32>} : memref<2x256x144xf32, #tpu.memory_space<vmem>>, vector<1x1x16xf32>,
        %swap3A_303 = vector.shape_cast %swap3A_302 : vector<1x1x16xf32> to vector<16xf32>
        %swap3A_304 = vector.shape_cast %mul3A_297 : vector<16xf32> to vector<1x1x16xf32>
        tpu.vector_store %arg11[%swap3A_299, %swap3A_300, %swap3A_301], %swap3A_304 {strides = array<i32>} : memref<2x256x144xf32, #tpu.memory_space<vmem>>, vector<1x1x16xf32>,
        %broadcast_in_dim3A_305 = vector.shape_cast %broadcast_in_dim3A_27 : vector<16xi32> to vector<16x1xi32>
        %gather3A_306 = vector.shape_cast %broadcast_in_dim3A_305 : vector<16x1xi32> to vector<16xi32>
        %gather3A_307 = tpu.dynamic_gather %exp3A[%gather3A_306] in [0] : vector<16xf32>, vector<16xi32> -> vector<16xf32>
        %get3A_308 = arith.constant 1 : i32
        %get3A_309 = arith.index_cast %get3A_308 : i32 to index
        %get3A_310 = arith.index_cast %add3A_248 : i32 to index
        %get3A_311 = arith.constant 32 : index
        %get3A_312 = tpu.vector_load %arg11[%get3A_309, %get3A_310, %get3A_311] {strides = array<i32>} : memref<2x256x144xf32, #tpu.memory_space<vmem>>, vector<1x1x16xf32>,
        %get3A_313 = vector.shape_cast %get3A_312 : vector<1x1x16xf32> to vector<16xf32>
        %mul3A_314 = arith.mulf %get3A_313, %gather3A_307 : vector<16xf32>
        %swap3A_315 = arith.constant 1 : i32
        %swap3A_316 = arith.index_cast %swap3A_315 : i32 to index
        %swap3A_317 = arith.index_cast %add3A_248 : i32 to index
        %swap3A_318 = arith.constant 32 : index
        %swap3A_319 = tpu.vector_load %arg11[%swap3A_316, %swap3A_317, %swap3A_318] {strides = array<i32>} : memref<2x256x144xf32, #tpu.memory_space<vmem>>, vector<1x1x16xf32>,
        %swap3A_320 = vector.shape_cast %swap3A_319 : vector<1x1x16xf32> to vector<16xf32>
        %swap3A_321 = vector.shape_cast %mul3A_314 : vector<16xf32> to vector<1x1x16xf32>
        tpu.vector_store %arg11[%swap3A_316, %swap3A_317, %swap3A_318], %swap3A_321 {strides = array<i32>} : memref<2x256x144xf32, #tpu.memory_space<vmem>>, vector<1x1x16xf32>,
        %broadcast_in_dim3A_322 = vector.shape_cast %broadcast_in_dim3A_29 : vector<16xi32> to vector<16x1xi32>
        %gather3A_323 = vector.shape_cast %broadcast_in_dim3A_322 : vector<16x1xi32> to vector<16xi32>
        %gather3A_324 = tpu.dynamic_gather %exp3A[%gather3A_323] in [0] : vector<16xf32>, vector<16xi32> -> vector<16xf32>
        %get3A_325 = arith.constant 1 : i32
        %get3A_326 = arith.index_cast %get3A_325 : i32 to index
        %get3A_327 = arith.index_cast %add3A_248 : i32 to index
        %get3A_328 = arith.constant 48 : index
        %get3A_329 = tpu.vector_load %arg11[%get3A_326, %get3A_327, %get3A_328] {strides = array<i32>} : memref<2x256x144xf32, #tpu.memory_space<vmem>>, vector<1x1x16xf32>,
        %get3A_330 = vector.shape_cast %get3A_329 : vector<1x1x16xf32> to vector<16xf32>
        %mul3A_331 = arith.mulf %get3A_330, %gather3A_324 : vector<16xf32>
        %swap3A_332 = arith.constant 1 : i32
        %swap3A_333 = arith.index_cast %swap3A_332 : i32 to index
        %swap3A_334 = arith.index_cast %add3A_248 : i32 to index
        %swap3A_335 = arith.constant 48 : index
        %swap3A_336 = tpu.vector_load %arg11[%swap3A_333, %swap3A_334, %swap3A_335] {strides = array<i32>} : memref<2x256x144xf32, #tpu.memory_space<vmem>>, vector<1x1x16xf32>,
        %swap3A_337 = vector.shape_cast %swap3A_336 : vector<1x1x16xf32> to vector<16xf32>
        %swap3A_338 = vector.shape_cast %mul3A_331 : vector<16xf32> to vector<1x1x16xf32>
        tpu.vector_store %arg11[%swap3A_333, %swap3A_334, %swap3A_335], %swap3A_338 {strides = array<i32>} : memref<2x256x144xf32, #tpu.memory_space<vmem>>, vector<1x1x16xf32>,
        %broadcast_in_dim3A_339 = vector.shape_cast %broadcast_in_dim3A_31 : vector<16xi32> to vector<16x1xi32>
        %gather3A_340 = vector.shape_cast %broadcast_in_dim3A_339 : vector<16x1xi32> to vector<16xi32>
        %gather3A_341 = tpu.dynamic_gather %exp3A[%gather3A_340] in [0] : vector<16xf32>, vector<16xi32> -> vector<16xf32>
        %get3A_342 = arith.constant 1 : i32
        %get3A_343 = arith.index_cast %get3A_342 : i32 to index
        %get3A_344 = arith.index_cast %add3A_248 : i32 to index
        %get3A_345 = arith.constant 64 : index
        %get3A_346 = tpu.vector_load %arg11[%get3A_343, %get3A_344, %get3A_345] {strides = array<i32>} : memref<2x256x144xf32, #tpu.memory_space<vmem>>, vector<1x1x16xf32>,
        %get3A_347 = vector.shape_cast %get3A_346 : vector<1x1x16xf32> to vector<16xf32>
        %mul3A_348 = arith.mulf %get3A_347, %gather3A_341 : vector<16xf32>
        %swap3A_349 = arith.constant 1 : i32
        %swap3A_350 = arith.index_cast %swap3A_349 : i32 to index
        %swap3A_351 = arith.index_cast %add3A_248 : i32 to index
        %swap3A_352 = arith.constant 64 : index
        %swap3A_353 = tpu.vector_load %arg11[%swap3A_350, %swap3A_351, %swap3A_352] {strides = array<i32>} : memref<2x256x144xf32, #tpu.memory_space<vmem>>, vector<1x1x16xf32>,
        %swap3A_354 = vector.shape_cast %swap3A_353 : vector<1x1x16xf32> to vector<16xf32>
        %swap3A_355 = vector.shape_cast %mul3A_348 : vector<16xf32> to vector<1x1x16xf32>
        tpu.vector_store %arg11[%swap3A_350, %swap3A_351, %swap3A_352], %swap3A_355 {strides = array<i32>} : memref<2x256x144xf32, #tpu.memory_space<vmem>>, vector<1x1x16xf32>,
        %broadcast_in_dim3A_356 = vector.shape_cast %broadcast_in_dim3A_33 : vector<16xi32> to vector<16x1xi32>
        %gather3A_357 = vector.shape_cast %broadcast_in_dim3A_356 : vector<16x1xi32> to vector<16xi32>
        %gather3A_358 = tpu.dynamic_gather %exp3A[%gather3A_357] in [0] : vector<16xf32>, vector<16xi32> -> vector<16xf32>
        %get3A_359 = arith.constant 1 : i32
        %get3A_360 = arith.index_cast %get3A_359 : i32 to index
        %get3A_361 = arith.index_cast %add3A_248 : i32 to index
        %get3A_362 = arith.constant 80 : index
        %get3A_363 = tpu.vector_load %arg11[%get3A_360, %get3A_361, %get3A_362] {strides = array<i32>} : memref<2x256x144xf32, #tpu.memory_space<vmem>>, vector<1x1x16xf32>,
        %get3A_364 = vector.shape_cast %get3A_363 : vector<1x1x16xf32> to vector<16xf32>
        %mul3A_365 = arith.mulf %get3A_364, %gather3A_358 : vector<16xf32>
        %swap3A_366 = arith.constant 1 : i32
        %swap3A_367 = arith.index_cast %swap3A_366 : i32 to index
        %swap3A_368 = arith.index_cast %add3A_248 : i32 to index
        %swap3A_369 = arith.constant 80 : index
        %swap3A_370 = tpu.vector_load %arg11[%swap3A_367, %swap3A_368, %swap3A_369] {strides = array<i32>} : memref<2x256x144xf32, #tpu.memory_space<vmem>>, vector<1x1x16xf32>,
        %swap3A_371 = vector.shape_cast %swap3A_370 : vector<1x1x16xf32> to vector<16xf32>
        %swap3A_372 = vector.shape_cast %mul3A_365 : vector<16xf32> to vector<1x1x16xf32>
        tpu.vector_store %arg11[%swap3A_367, %swap3A_368, %swap3A_369], %swap3A_372 {strides = array<i32>} : memref<2x256x144xf32, #tpu.memory_space<vmem>>, vector<1x1x16xf32>,
        %broadcast_in_dim3A_373 = vector.shape_cast %broadcast_in_dim3A_35 : vector<16xi32> to vector<16x1xi32>
        %gather3A_374 = vector.shape_cast %broadcast_in_dim3A_373 : vector<16x1xi32> to vector<16xi32>
        %gather3A_375 = tpu.dynamic_gather %exp3A[%gather3A_374] in [0] : vector<16xf32>, vector<16xi32> -> vector<16xf32>
        %get3A_376 = arith.constant 1 : i32
        %get3A_377 = arith.index_cast %get3A_376 : i32 to index
        %get3A_378 = arith.index_cast %add3A_248 : i32 to index
        %get3A_379 = arith.constant 96 : index
        %get3A_380 = tpu.vector_load %arg11[%get3A_377, %get3A_378, %get3A_379] {strides = array<i32>} : memref<2x256x144xf32, #tpu.memory_space<vmem>>, vector<1x1x16xf32>,
        %get3A_381 = vector.shape_cast %get3A_380 : vector<1x1x16xf32> to vector<16xf32>
        %mul3A_382 = arith.mulf %get3A_381, %gather3A_375 : vector<16xf32>
        %swap3A_383 = arith.constant 1 : i32
        %swap3A_384 = arith.index_cast %swap3A_383 : i32 to index
        %swap3A_385 = arith.index_cast %add3A_248 : i32 to index
        %swap3A_386 = arith.constant 96 : index
        %swap3A_387 = tpu.vector_load %arg11[%swap3A_384, %swap3A_385, %swap3A_386] {strides = array<i32>} : memref<2x256x144xf32, #tpu.memory_space<vmem>>, vector<1x1x16xf32>,
        %swap3A_388 = vector.shape_cast %swap3A_387 : vector<1x1x16xf32> to vector<16xf32>
        %swap3A_389 = vector.shape_cast %mul3A_382 : vector<16xf32> to vector<1x1x16xf32>
        tpu.vector_store %arg11[%swap3A_384, %swap3A_385, %swap3A_386], %swap3A_389 {strides = array<i32>} : memref<2x256x144xf32, #tpu.memory_space<vmem>>, vector<1x1x16xf32>,
        %broadcast_in_dim3A_390 = vector.shape_cast %broadcast_in_dim3A_37 : vector<16xi32> to vector<16x1xi32>
        %gather3A_391 = vector.shape_cast %broadcast_in_dim3A_390 : vector<16x1xi32> to vector<16xi32>
        %gather3A_392 = tpu.dynamic_gather %exp3A[%gather3A_391] in [0] : vector<16xf32>, vector<16xi32> -> vector<16xf32>
        %get3A_393 = arith.constant 1 : i32
        %get3A_394 = arith.index_cast %get3A_393 : i32 to index
        %get3A_395 = arith.index_cast %add3A_248 : i32 to index
        %get3A_396 = arith.constant 112 : index
        %get3A_397 = tpu.vector_load %arg11[%get3A_394, %get3A_395, %get3A_396] {strides = array<i32>} : memref<2x256x144xf32, #tpu.memory_space<vmem>>, vector<1x1x16xf32>,
        %get3A_398 = vector.shape_cast %get3A_397 : vector<1x1x16xf32> to vector<16xf32>
        %mul3A_399 = arith.mulf %get3A_398, %gather3A_392 : vector<16xf32>
        %swap3A_400 = arith.constant 1 : i32
        %swap3A_401 = arith.index_cast %swap3A_400 : i32 to index
        %swap3A_402 = arith.index_cast %add3A_248 : i32 to index
        %swap3A_403 = arith.constant 112 : index
        %swap3A_404 = tpu.vector_load %arg11[%swap3A_401, %swap3A_402, %swap3A_403] {strides = array<i32>} : memref<2x256x144xf32, #tpu.memory_space<vmem>>, vector<1x1x16xf32>,
        %swap3A_405 = vector.shape_cast %swap3A_404 : vector<1x1x16xf32> to vector<16xf32>
        %swap3A_406 = vector.shape_cast %mul3A_399 : vector<16xf32> to vector<1x1x16xf32>
        tpu.vector_store %arg11[%swap3A_401, %swap3A_402, %swap3A_403], %swap3A_406 {strides = array<i32>} : memref<2x256x144xf32, #tpu.memory_space<vmem>>, vector<1x1x16xf32>,
        %scan3A_407 = arith.constant 1 : i32
        %scan3A_408 = arith.addi %scan3A_244, %scan3A_407 : i32
        %mul3A_409 = arith.constant 1 : i32
        %mul3A_410 = arith.muli %scan3A_408, %mul3A_409 : i32
        %add3A_411 = arith.constant 0 : i32
        %add3A_412 = arith.addi %add3A_411, %mul3A_410 : i32
        %get3A_413 = arith.constant 1 : i32
        %get3A_414 = arith.index_cast %get3A_413 : i32 to index
        %get3A_415 = arith.index_cast %add3A_412 : i32 to index
        %get3A_416 = arith.constant 128 : index
        %get3A_417 = tpu.vector_load %arg11[%get3A_414, %get3A_415, %get3A_416] {strides = array<i32>} : memref<2x256x144xf32, #tpu.memory_space<vmem>>, vector<1x1x16xf32>,
        %get3A_418 = vector.shape_cast %get3A_417 : vector<1x1x16xf32> to vector<16xf32>
        %get3A_419 = arith.constant 1 : i32
        %get3A_420 = arith.index_cast %get3A_419 : i32 to index
        %get3A_421 = arith.index_cast %add3A_412 : i32 to index
        %get3A_422 = arith.constant 0 : index
        %get3A_423 = tpu.vector_load %arg12[%get3A_420, %get3A_421, %get3A_422] {strides = array<i32>} : memref<2x256x16xf32, #tpu.memory_space<vmem>>, vector<1x1x16xf32>,
        %get3A_424 = vector.shape_cast %get3A_423 : vector<1x1x16xf32> to vector<16xf32>
        %add3A_425 = arith.addf %get3A_418, %get3A_424 : vector<16xf32>
        %ge3A_426 = arith.constant 0.000000e+00 : f32
        %ge3A_427 = vector.broadcast %ge3A_426 : f32 to vector<16xf32>
        %ge3A_428 = arith.cmpf oge, %add3A_425, %ge3A_427 : vector<16xf32>
        %mul3A_429 = arith.constant 2.000000e-01 : f32
        %mul3A_430 = vector.broadcast %mul3A_429 : f32 to vector<16xf32>
        %mul3A_431 = arith.mulf %mul3A_430, %add3A_425 : vector<16xf32>
        %select_n3A_432 = arith.select %ge3A_428, %add3A_425, %mul3A_431 : vector<16xi1>, vector<16xf32>
        %exp3A_433 = math.exp %select_n3A_432 : vector<16xf32>
        %swap3A_434 = arith.constant 1 : i32
        %swap3A_435 = arith.index_cast %swap3A_434 : i32 to index
        %swap3A_436 = arith.index_cast %add3A_412 : i32 to index
        %swap3A_437 = arith.constant 128 : index
        %swap3A_438 = tpu.vector_load %arg11[%swap3A_435, %swap3A_436, %swap3A_437] {strides = array<i32>} : memref<2x256x144xf32, #tpu.memory_space<vmem>>, vector<1x1x16xf32>,
        %swap3A_439 = vector.shape_cast %swap3A_438 : vector<1x1x16xf32> to vector<16xf32>
        %swap3A_440 = vector.shape_cast %exp3A_433 : vector<16xf32> to vector<1x1x16xf32>
        tpu.vector_store %arg11[%swap3A_435, %swap3A_436, %swap3A_437], %swap3A_440 {strides = array<i32>} : memref<2x256x144xf32, #tpu.memory_space<vmem>>, vector<1x1x16xf32>,
        %broadcast_in_dim3A_441 = vector.shape_cast %broadcast_in_dim3A_23 : vector<16xi32> to vector<16x1xi32>
        %gather3A_442 = vector.shape_cast %broadcast_in_dim3A_441 : vector<16x1xi32> to vector<16xi32>
        %gather3A_443 = tpu.dynamic_gather %exp3A_433[%gather3A_442] in [0] : vector<16xf32>, vector<16xi32> -> vector<16xf32>
        %get3A_444 = arith.constant 1 : i32
        %get3A_445 = arith.index_cast %get3A_444 : i32 to index
        %get3A_446 = arith.index_cast %add3A_412 : i32 to index
        %get3A_447 = arith.constant 0 : index
        %get3A_448 = tpu.vector_load %arg11[%get3A_445, %get3A_446, %get3A_447] {strides = array<i32>} : memref<2x256x144xf32, #tpu.memory_space<vmem>>, vector<1x1x16xf32>,
        %get3A_449 = vector.shape_cast %get3A_448 : vector<1x1x16xf32> to vector<16xf32>
        %mul3A_450 = arith.mulf %get3A_449, %gather3A_443 : vector<16xf32>
        %swap3A_451 = arith.constant 1 : i32
        %swap3A_452 = arith.index_cast %swap3A_451 : i32 to index
        %swap3A_453 = arith.index_cast %add3A_412 : i32 to index
        %swap3A_454 = arith.constant 0 : index
        %swap3A_455 = tpu.vector_load %arg11[%swap3A_452, %swap3A_453, %swap3A_454] {strides = array<i32>} : memref<2x256x144xf32, #tpu.memory_space<vmem>>, vector<1x1x16xf32>,
        %swap3A_456 = vector.shape_cast %swap3A_455 : vector<1x1x16xf32> to vector<16xf32>
        %swap3A_457 = vector.shape_cast %mul3A_450 : vector<16xf32> to vector<1x1x16xf32>
        tpu.vector_store %arg11[%swap3A_452, %swap3A_453, %swap3A_454], %swap3A_457 {strides = array<i32>} : memref<2x256x144xf32, #tpu.memory_space<vmem>>, vector<1x1x16xf32>,
        %broadcast_in_dim3A_458 = vector.shape_cast %broadcast_in_dim3A_25 : vector<16xi32> to vector<16x1xi32>
        %gather3A_459 = vector.shape_cast %broadcast_in_dim3A_458 : vector<16x1xi32> to vector<16xi32>
        %gather3A_460 = tpu.dynamic_gather %exp3A_433[%gather3A_459] in [0] : vector<16xf32>, vector<16xi32> -> vector<16xf32>
        %get3A_461 = arith.constant 1 : i32
        %get3A_462 = arith.index_cast %get3A_461 : i32 to index
        %get3A_463 = arith.index_cast %add3A_412 : i32 to index
        %get3A_464 = arith.constant 16 : index
        %get3A_465 = tpu.vector_load %arg11[%get3A_462, %get3A_463, %get3A_464] {strides = array<i32>} : memref<2x256x144xf32, #tpu.memory_space<vmem>>, vector<1x1x16xf32>,
        %get3A_466 = vector.shape_cast %get3A_465 : vector<1x1x16xf32> to vector<16xf32>
        %mul3A_467 = arith.mulf %get3A_466, %gather3A_460 : vector<16xf32>
        %swap3A_468 = arith.constant 1 : i32
        %swap3A_469 = arith.index_cast %swap3A_468 : i32 to index
        %swap3A_470 = arith.index_cast %add3A_412 : i32 to index
        %swap3A_471 = arith.constant 16 : index
        %swap3A_472 = tpu.vector_load %arg11[%swap3A_469, %swap3A_470, %swap3A_471] {strides = array<i32>} : memref<2x256x144xf32, #tpu.memory_space<vmem>>, vector<1x1x16xf32>,
        %swap3A_473 = vector.shape_cast %swap3A_472 : vector<1x1x16xf32> to vector<16xf32>
        %swap3A_474 = vector.shape_cast %mul3A_467 : vector<16xf32> to vector<1x1x16xf32>
        tpu.vector_store %arg11[%swap3A_469, %swap3A_470, %swap3A_471], %swap3A_474 {strides = array<i32>} : memref<2x256x144xf32, #tpu.memory_space<vmem>>, vector<1x1x16xf32>,
        %broadcast_in_dim3A_475 = vector.shape_cast %broadcast_in_dim3A_27 : vector<16xi32> to vector<16x1xi32>
        %gather3A_476 = vector.shape_cast %broadcast_in_dim3A_475 : vector<16x1xi32> to vector<16xi32>
        %gather3A_477 = tpu.dynamic_gather %exp3A_433[%gather3A_476] in [0] : vector<16xf32>, vector<16xi32> -> vector<16xf32>
        %get3A_478 = arith.constant 1 : i32
        %get3A_479 = arith.index_cast %get3A_478 : i32 to index
        %get3A_480 = arith.index_cast %add3A_412 : i32 to index
        %get3A_481 = arith.constant 32 : index
        %get3A_482 = tpu.vector_load %arg11[%get3A_479, %get3A_480, %get3A_481] {strides = array<i32>} : memref<2x256x144xf32, #tpu.memory_space<vmem>>, vector<1x1x16xf32>,
        %get3A_483 = vector.shape_cast %get3A_482 : vector<1x1x16xf32> to vector<16xf32>
        %mul3A_484 = arith.mulf %get3A_483, %gather3A_477 : vector<16xf32>
        %swap3A_485 = arith.constant 1 : i32
        %swap3A_486 = arith.index_cast %swap3A_485 : i32 to index
        %swap3A_487 = arith.index_cast %add3A_412 : i32 to index
        %swap3A_488 = arith.constant 32 : index
        %swap3A_489 = tpu.vector_load %arg11[%swap3A_486, %swap3A_487, %swap3A_488] {strides = array<i32>} : memref<2x256x144xf32, #tpu.memory_space<vmem>>, vector<1x1x16xf32>,
        %swap3A_490 = vector.shape_cast %swap3A_489 : vector<1x1x16xf32> to vector<16xf32>
        %swap3A_491 = vector.shape_cast %mul3A_484 : vector<16xf32> to vector<1x1x16xf32>
        tpu.vector_store %arg11[%swap3A_486, %swap3A_487, %swap3A_488], %swap3A_491 {strides = array<i32>} : memref<2x256x144xf32, #tpu.memory_space<vmem>>, vector<1x1x16xf32>,
        %broadcast_in_dim3A_492 = vector.shape_cast %broadcast_in_dim3A_29 : vector<16xi32> to vector<16x1xi32>
        %gather3A_493 = vector.shape_cast %broadcast_in_dim3A_492 : vector<16x1xi32> to vector<16xi32>
        %gather3A_494 = tpu.dynamic_gather %exp3A_433[%gather3A_493] in [0] : vector<16xf32>, vector<16xi32> -> vector<16xf32>
        %get3A_495 = arith.constant 1 : i32
        %get3A_496 = arith.index_cast %get3A_495 : i32 to index
        %get3A_497 = arith.index_cast %add3A_412 : i32 to index
        %get3A_498 = arith.constant 48 : index
        %get3A_499 = tpu.vector_load %arg11[%get3A_496, %get3A_497, %get3A_498] {strides = array<i32>} : memref<2x256x144xf32, #tpu.memory_space<vmem>>, vector<1x1x16xf32>,
        %get3A_500 = vector.shape_cast %get3A_499 : vector<1x1x16xf32> to vector<16xf32>
        %mul3A_501 = arith.mulf %get3A_500, %gather3A_494 : vector<16xf32>
        %swap3A_502 = arith.constant 1 : i32
        %swap3A_503 = arith.index_cast %swap3A_502 : i32 to index
        %swap3A_504 = arith.index_cast %add3A_412 : i32 to index
        %swap3A_505 = arith.constant 48 : index
        %swap3A_506 = tpu.vector_load %arg11[%swap3A_503, %swap3A_504, %swap3A_505] {strides = array<i32>} : memref<2x256x144xf32, #tpu.memory_space<vmem>>, vector<1x1x16xf32>,
        %swap3A_507 = vector.shape_cast %swap3A_506 : vector<1x1x16xf32> to vector<16xf32>
        %swap3A_508 = vector.shape_cast %mul3A_501 : vector<16xf32> to vector<1x1x16xf32>
        tpu.vector_store %arg11[%swap3A_503, %swap3A_504, %swap3A_505], %swap3A_508 {strides = array<i32>} : memref<2x256x144xf32, #tpu.memory_space<vmem>>, vector<1x1x16xf32>,
        %broadcast_in_dim3A_509 = vector.shape_cast %broadcast_in_dim3A_31 : vector<16xi32> to vector<16x1xi32>
        %gather3A_510 = vector.shape_cast %broadcast_in_dim3A_509 : vector<16x1xi32> to vector<16xi32>
        %gather3A_511 = tpu.dynamic_gather %exp3A_433[%gather3A_510] in [0] : vector<16xf32>, vector<16xi32> -> vector<16xf32>
        %get3A_512 = arith.constant 1 : i32
        %get3A_513 = arith.index_cast %get3A_512 : i32 to index
        %get3A_514 = arith.index_cast %add3A_412 : i32 to index
        %get3A_515 = arith.constant 64 : index
        %get3A_516 = tpu.vector_load %arg11[%get3A_513, %get3A_514, %get3A_515] {strides = array<i32>} : memref<2x256x144xf32, #tpu.memory_space<vmem>>, vector<1x1x16xf32>,
        %get3A_517 = vector.shape_cast %get3A_516 : vector<1x1x16xf32> to vector<16xf32>
        %mul3A_518 = arith.mulf %get3A_517, %gather3A_511 : vector<16xf32>
        %swap3A_519 = arith.constant 1 : i32
        %swap3A_520 = arith.index_cast %swap3A_519 : i32 to index
        %swap3A_521 = arith.index_cast %add3A_412 : i32 to index
        %swap3A_522 = arith.constant 64 : index
        %swap3A_523 = tpu.vector_load %arg11[%swap3A_520, %swap3A_521, %swap3A_522] {strides = array<i32>} : memref<2x256x144xf32, #tpu.memory_space<vmem>>, vector<1x1x16xf32>,
        %swap3A_524 = vector.shape_cast %swap3A_523 : vector<1x1x16xf32> to vector<16xf32>
        %swap3A_525 = vector.shape_cast %mul3A_518 : vector<16xf32> to vector<1x1x16xf32>
        tpu.vector_store %arg11[%swap3A_520, %swap3A_521, %swap3A_522], %swap3A_525 {strides = array<i32>} : memref<2x256x144xf32, #tpu.memory_space<vmem>>, vector<1x1x16xf32>,
        %broadcast_in_dim3A_526 = vector.shape_cast %broadcast_in_dim3A_33 : vector<16xi32> to vector<16x1xi32>
        %gather3A_527 = vector.shape_cast %broadcast_in_dim3A_526 : vector<16x1xi32> to vector<16xi32>
        %gather3A_528 = tpu.dynamic_gather %exp3A_433[%gather3A_527] in [0] : vector<16xf32>, vector<16xi32> -> vector<16xf32>
        %get3A_529 = arith.constant 1 : i32
        %get3A_530 = arith.index_cast %get3A_529 : i32 to index
        %get3A_531 = arith.index_cast %add3A_412 : i32 to index
        %get3A_532 = arith.constant 80 : index
        %get3A_533 = tpu.vector_load %arg11[%get3A_530, %get3A_531, %get3A_532] {strides = array<i32>} : memref<2x256x144xf32, #tpu.memory_space<vmem>>, vector<1x1x16xf32>,
        %get3A_534 = vector.shape_cast %get3A_533 : vector<1x1x16xf32> to vector<16xf32>
        %mul3A_535 = arith.mulf %get3A_534, %gather3A_528 : vector<16xf32>
        %swap3A_536 = arith.constant 1 : i32
        %swap3A_537 = arith.index_cast %swap3A_536 : i32 to index
        %swap3A_538 = arith.index_cast %add3A_412 : i32 to index
        %swap3A_539 = arith.constant 80 : index
        %swap3A_540 = tpu.vector_load %arg11[%swap3A_537, %swap3A_538, %swap3A_539] {strides = array<i32>} : memref<2x256x144xf32, #tpu.memory_space<vmem>>, vector<1x1x16xf32>,
        %swap3A_541 = vector.shape_cast %swap3A_540 : vector<1x1x16xf32> to vector<16xf32>
        %swap3A_542 = vector.shape_cast %mul3A_535 : vector<16xf32> to vector<1x1x16xf32>
        tpu.vector_store %arg11[%swap3A_537, %swap3A_538, %swap3A_539], %swap3A_542 {strides = array<i32>} : memref<2x256x144xf32, #tpu.memory_space<vmem>>, vector<1x1x16xf32>,
        %broadcast_in_dim3A_543 = vector.shape_cast %broadcast_in_dim3A_35 : vector<16xi32> to vector<16x1xi32>
        %gather3A_544 = vector.shape_cast %broadcast_in_dim3A_543 : vector<16x1xi32> to vector<16xi32>
        %gather3A_545 = tpu.dynamic_gather %exp3A_433[%gather3A_544] in [0] : vector<16xf32>, vector<16xi32> -> vector<16xf32>
        %get3A_546 = arith.constant 1 : i32
        %get3A_547 = arith.index_cast %get3A_546 : i32 to index
        %get3A_548 = arith.index_cast %add3A_412 : i32 to index
        %get3A_549 = arith.constant 96 : index
        %get3A_550 = tpu.vector_load %arg11[%get3A_547, %get3A_548, %get3A_549] {strides = array<i32>} : memref<2x256x144xf32, #tpu.memory_space<vmem>>, vector<1x1x16xf32>,
        %get3A_551 = vector.shape_cast %get3A_550 : vector<1x1x16xf32> to vector<16xf32>
        %mul3A_552 = arith.mulf %get3A_551, %gather3A_545 : vector<16xf32>
        %swap3A_553 = arith.constant 1 : i32
        %swap3A_554 = arith.index_cast %swap3A_553 : i32 to index
        %swap3A_555 = arith.index_cast %add3A_412 : i32 to index
        %swap3A_556 = arith.constant 96 : index
        %swap3A_557 = tpu.vector_load %arg11[%swap3A_554, %swap3A_555, %swap3A_556] {strides = array<i32>} : memref<2x256x144xf32, #tpu.memory_space<vmem>>, vector<1x1x16xf32>,
        %swap3A_558 = vector.shape_cast %swap3A_557 : vector<1x1x16xf32> to vector<16xf32>
        %swap3A_559 = vector.shape_cast %mul3A_552 : vector<16xf32> to vector<1x1x16xf32>
        tpu.vector_store %arg11[%swap3A_554, %swap3A_555, %swap3A_556], %swap3A_559 {strides = array<i32>} : memref<2x256x144xf32, #tpu.memory_space<vmem>>, vector<1x1x16xf32>,
        %broadcast_in_dim3A_560 = vector.shape_cast %broadcast_in_dim3A_37 : vector<16xi32> to vector<16x1xi32>
        %gather3A_561 = vector.shape_cast %broadcast_in_dim3A_560 : vector<16x1xi32> to vector<16xi32>
        %gather3A_562 = tpu.dynamic_gather %exp3A_433[%gather3A_561] in [0] : vector<16xf32>, vector<16xi32> -> vector<16xf32>
        %get3A_563 = arith.constant 1 : i32
        %get3A_564 = arith.index_cast %get3A_563 : i32 to index
        %get3A_565 = arith.index_cast %add3A_412 : i32 to index
        %get3A_566 = arith.constant 112 : index
        %get3A_567 = tpu.vector_load %arg11[%get3A_564, %get3A_565, %get3A_566] {strides = array<i32>} : memref<2x256x144xf32, #tpu.memory_space<vmem>>, vector<1x1x16xf32>,
        %get3A_568 = vector.shape_cast %get3A_567 : vector<1x1x16xf32> to vector<16xf32>
        %mul3A_569 = arith.mulf %get3A_568, %gather3A_562 : vector<16xf32>
        %swap3A_570 = arith.constant 1 : i32
        %swap3A_571 = arith.index_cast %swap3A_570 : i32 to index
        %swap3A_572 = arith.index_cast %add3A_412 : i32 to index
        %swap3A_573 = arith.constant 112 : index
        %swap3A_574 = tpu.vector_load %arg11[%swap3A_571, %swap3A_572, %swap3A_573] {strides = array<i32>} : memref<2x256x144xf32, #tpu.memory_space<vmem>>, vector<1x1x16xf32>,
        %swap3A_575 = vector.shape_cast %swap3A_574 : vector<1x1x16xf32> to vector<16xf32>
        %swap3A_576 = vector.shape_cast %mul3A_569 : vector<16xf32> to vector<1x1x16xf32>
        tpu.vector_store %arg11[%swap3A_571, %swap3A_572, %swap3A_573], %swap3A_576 {strides = array<i32>} : memref<2x256x144xf32, #tpu.memory_space<vmem>>, vector<1x1x16xf32>,
        %scan3A_577 = arith.constant 2 : i32
        %scan3A_578 = arith.addi %scan3A_244, %scan3A_577 : i32
        %mul3A_579 = arith.constant 1 : i32
        %mul3A_580 = arith.muli %scan3A_578, %mul3A_579 : i32
        %add3A_581 = arith.constant 0 : i32
        %add3A_582 = arith.addi %add3A_581, %mul3A_580 : i32
        %get3A_583 = arith.constant 1 : i32
        %get3A_584 = arith.index_cast %get3A_583 : i32 to index
        %get3A_585 = arith.index_cast %add3A_582 : i32 to index
        %get3A_586 = arith.constant 128 : index
        %get3A_587 = tpu.vector_load %arg11[%get3A_584, %get3A_585, %get3A_586] {strides = array<i32>} : memref<2x256x144xf32, #tpu.memory_space<vmem>>, vector<1x1x16xf32>,
        %get3A_588 = vector.shape_cast %get3A_587 : vector<1x1x16xf32> to vector<16xf32>
        %get3A_589 = arith.constant 1 : i32
        %get3A_590 = arith.index_cast %get3A_589 : i32 to index
        %get3A_591 = arith.index_cast %add3A_582 : i32 to index
        %get3A_592 = arith.constant 0 : index
        %get3A_593 = tpu.vector_load %arg12[%get3A_590, %get3A_591, %get3A_592] {strides = array<i32>} : memref<2x256x16xf32, #tpu.memory_space<vmem>>, vector<1x1x16xf32>,
        %get3A_594 = vector.shape_cast %get3A_593 : vector<1x1x16xf32> to vector<16xf32>
        %add3A_595 = arith.addf %get3A_588, %get3A_594 : vector<16xf32>
        %ge3A_596 = arith.constant 0.000000e+00 : f32
        %ge3A_597 = vector.broadcast %ge3A_596 : f32 to vector<16xf32>
        %ge3A_598 = arith.cmpf oge, %add3A_595, %ge3A_597 : vector<16xf32>
        %mul3A_599 = arith.constant 2.000000e-01 : f32
        %mul3A_600 = vector.broadcast %mul3A_599 : f32 to vector<16xf32>
        %mul3A_601 = arith.mulf %mul3A_600, %add3A_595 : vector<16xf32>
        %select_n3A_602 = arith.select %ge3A_598, %add3A_595, %mul3A_601 : vector<16xi1>, vector<16xf32>
        %exp3A_603 = math.exp %select_n3A_602 : vector<16xf32>
        %swap3A_604 = arith.constant 1 : i32
        %swap3A_605 = arith.index_cast %swap3A_604 : i32 to index
        %swap3A_606 = arith.index_cast %add3A_582 : i32 to index
        %swap3A_607 = arith.constant 128 : index
        %swap3A_608 = tpu.vector_load %arg11[%swap3A_605, %swap3A_606, %swap3A_607] {strides = array<i32>} : memref<2x256x144xf32, #tpu.memory_space<vmem>>, vector<1x1x16xf32>,
        %swap3A_609 = vector.shape_cast %swap3A_608 : vector<1x1x16xf32> to vector<16xf32>
        %swap3A_610 = vector.shape_cast %exp3A_603 : vector<16xf32> to vector<1x1x16xf32>
        tpu.vector_store %arg11[%swap3A_605, %swap3A_606, %swap3A_607], %swap3A_610 {strides = array<i32>} : memref<2x256x144xf32, #tpu.memory_space<vmem>>, vector<1x1x16xf32>,
        %broadcast_in_dim3A_611 = vector.shape_cast %broadcast_in_dim3A_23 : vector<16xi32> to vector<16x1xi32>
        %gather3A_612 = vector.shape_cast %broadcast_in_dim3A_611 : vector<16x1xi32> to vector<16xi32>
        %gather3A_613 = tpu.dynamic_gather %exp3A_603[%gather3A_612] in [0] : vector<16xf32>, vector<16xi32> -> vector<16xf32>
        %get3A_614 = arith.constant 1 : i32
        %get3A_615 = arith.index_cast %get3A_614 : i32 to index
        %get3A_616 = arith.index_cast %add3A_582 : i32 to index
        %get3A_617 = arith.constant 0 : index
        %get3A_618 = tpu.vector_load %arg11[%get3A_615, %get3A_616, %get3A_617] {strides = array<i32>} : memref<2x256x144xf32, #tpu.memory_space<vmem>>, vector<1x1x16xf32>,
        %get3A_619 = vector.shape_cast %get3A_618 : vector<1x1x16xf32> to vector<16xf32>
        %mul3A_620 = arith.mulf %get3A_619, %gather3A_613 : vector<16xf32>
        %swap3A_621 = arith.constant 1 : i32
        %swap3A_622 = arith.index_cast %swap3A_621 : i32 to index
        %swap3A_623 = arith.index_cast %add3A_582 : i32 to index
        %swap3A_624 = arith.constant 0 : index
        %swap3A_625 = tpu.vector_load %arg11[%swap3A_622, %swap3A_623, %swap3A_624] {strides = array<i32>} : memref<2x256x144xf32, #tpu.memory_space<vmem>>, vector<1x1x16xf32>,
        %swap3A_626 = vector.shape_cast %swap3A_625 : vector<1x1x16xf32> to vector<16xf32>
        %swap3A_627 = vector.shape_cast %mul3A_620 : vector<16xf32> to vector<1x1x16xf32>
        tpu.vector_store %arg11[%swap3A_622, %swap3A_623, %swap3A_624], %swap3A_627 {strides = array<i32>} : memref<2x256x144xf32, #tpu.memory_space<vmem>>, vector<1x1x16xf32>,
        %broadcast_in_dim3A_628 = vector.shape_cast %broadcast_in_dim3A_25 : vector<16xi32> to vector<16x1xi32>
        %gather3A_629 = vector.shape_cast %broadcast_in_dim3A_628 : vector<16x1xi32> to vector<16xi32>
        %gather3A_630 = tpu.dynamic_gather %exp3A_603[%gather3A_629] in [0] : vector<16xf32>, vector<16xi32> -> vector<16xf32>
        %get3A_631 = arith.constant 1 : i32
        %get3A_632 = arith.index_cast %get3A_631 : i32 to index
        %get3A_633 = arith.index_cast %add3A_582 : i32 to index
        %get3A_634 = arith.constant 16 : index
        %get3A_635 = tpu.vector_load %arg11[%get3A_632, %get3A_633, %get3A_634] {strides = array<i32>} : memref<2x256x144xf32, #tpu.memory_space<vmem>>, vector<1x1x16xf32>,
        %get3A_636 = vector.shape_cast %get3A_635 : vector<1x1x16xf32> to vector<16xf32>
        %mul3A_637 = arith.mulf %get3A_636, %gather3A_630 : vector<16xf32>
        %swap3A_638 = arith.constant 1 : i32
        %swap3A_639 = arith.index_cast %swap3A_638 : i32 to index
        %swap3A_640 = arith.index_cast %add3A_582 : i32 to index
        %swap3A_641 = arith.constant 16 : index
        %swap3A_642 = tpu.vector_load %arg11[%swap3A_639, %swap3A_640, %swap3A_641] {strides = array<i32>} : memref<2x256x144xf32, #tpu.memory_space<vmem>>, vector<1x1x16xf32>,
        %swap3A_643 = vector.shape_cast %swap3A_642 : vector<1x1x16xf32> to vector<16xf32>
        %swap3A_644 = vector.shape_cast %mul3A_637 : vector<16xf32> to vector<1x1x16xf32>
        tpu.vector_store %arg11[%swap3A_639, %swap3A_640, %swap3A_641], %swap3A_644 {strides = array<i32>} : memref<2x256x144xf32, #tpu.memory_space<vmem>>, vector<1x1x16xf32>,
        %broadcast_in_dim3A_645 = vector.shape_cast %broadcast_in_dim3A_27 : vector<16xi32> to vector<16x1xi32>
        %gather3A_646 = vector.shape_cast %broadcast_in_dim3A_645 : vector<16x1xi32> to vector<16xi32>
        %gather3A_647 = tpu.dynamic_gather %exp3A_603[%gather3A_646] in [0] : vector<16xf32>, vector<16xi32> -> vector<16xf32>
        %get3A_648 = arith.constant 1 : i32
        %get3A_649 = arith.index_cast %get3A_648 : i32 to index
        %get3A_650 = arith.index_cast %add3A_582 : i32 to index
        %get3A_651 = arith.constant 32 : index
        %get3A_652 = tpu.vector_load %arg11[%get3A_649, %get3A_650, %get3A_651] {strides = array<i32>} : memref<2x256x144xf32, #tpu.memory_space<vmem>>, vector<1x1x16xf32>,
        %get3A_653 = vector.shape_cast %get3A_652 : vector<1x1x16xf32> to vector<16xf32>
        %mul3A_654 = arith.mulf %get3A_653, %gather3A_647 : vector<16xf32>
        %swap3A_655 = arith.constant 1 : i32
        %swap3A_656 = arith.index_cast %swap3A_655 : i32 to index
        %swap3A_657 = arith.index_cast %add3A_582 : i32 to index
        %swap3A_658 = arith.constant 32 : index
        %swap3A_659 = tpu.vector_load %arg11[%swap3A_656, %swap3A_657, %swap3A_658] {strides = array<i32>} : memref<2x256x144xf32, #tpu.memory_space<vmem>>, vector<1x1x16xf32>,
        %swap3A_660 = vector.shape_cast %swap3A_659 : vector<1x1x16xf32> to vector<16xf32>
        %swap3A_661 = vector.shape_cast %mul3A_654 : vector<16xf32> to vector<1x1x16xf32>
        tpu.vector_store %arg11[%swap3A_656, %swap3A_657, %swap3A_658], %swap3A_661 {strides = array<i32>} : memref<2x256x144xf32, #tpu.memory_space<vmem>>, vector<1x1x16xf32>,
        %broadcast_in_dim3A_662 = vector.shape_cast %broadcast_in_dim3A_29 : vector<16xi32> to vector<16x1xi32>
        %gather3A_663 = vector.shape_cast %broadcast_in_dim3A_662 : vector<16x1xi32> to vector<16xi32>
        %gather3A_664 = tpu.dynamic_gather %exp3A_603[%gather3A_663] in [0] : vector<16xf32>, vector<16xi32> -> vector<16xf32>
        %get3A_665 = arith.constant 1 : i32
        %get3A_666 = arith.index_cast %get3A_665 : i32 to index
        %get3A_667 = arith.index_cast %add3A_582 : i32 to index
        %get3A_668 = arith.constant 48 : index
        %get3A_669 = tpu.vector_load %arg11[%get3A_666, %get3A_667, %get3A_668] {strides = array<i32>} : memref<2x256x144xf32, #tpu.memory_space<vmem>>, vector<1x1x16xf32>,
        %get3A_670 = vector.shape_cast %get3A_669 : vector<1x1x16xf32> to vector<16xf32>
        %mul3A_671 = arith.mulf %get3A_670, %gather3A_664 : vector<16xf32>
        %swap3A_672 = arith.constant 1 : i32
        %swap3A_673 = arith.index_cast %swap3A_672 : i32 to index
        %swap3A_674 = arith.index_cast %add3A_582 : i32 to index
        %swap3A_675 = arith.constant 48 : index
        %swap3A_676 = tpu.vector_load %arg11[%swap3A_673, %swap3A_674, %swap3A_675] {strides = array<i32>} : memref<2x256x144xf32, #tpu.memory_space<vmem>>, vector<1x1x16xf32>,
        %swap3A_677 = vector.shape_cast %swap3A_676 : vector<1x1x16xf32> to vector<16xf32>
        %swap3A_678 = vector.shape_cast %mul3A_671 : vector<16xf32> to vector<1x1x16xf32>
        tpu.vector_store %arg11[%swap3A_673, %swap3A_674, %swap3A_675], %swap3A_678 {strides = array<i32>} : memref<2x256x144xf32, #tpu.memory_space<vmem>>, vector<1x1x16xf32>,
        %broadcast_in_dim3A_679 = vector.shape_cast %broadcast_in_dim3A_31 : vector<16xi32> to vector<16x1xi32>
        %gather3A_680 = vector.shape_cast %broadcast_in_dim3A_679 : vector<16x1xi32> to vector<16xi32>
        %gather3A_681 = tpu.dynamic_gather %exp3A_603[%gather3A_680] in [0] : vector<16xf32>, vector<16xi32> -> vector<16xf32>
        %get3A_682 = arith.constant 1 : i32
        %get3A_683 = arith.index_cast %get3A_682 : i32 to index
        %get3A_684 = arith.index_cast %add3A_582 : i32 to index
        %get3A_685 = arith.constant 64 : index
        %get3A_686 = tpu.vector_load %arg11[%get3A_683, %get3A_684, %get3A_685] {strides = array<i32>} : memref<2x256x144xf32, #tpu.memory_space<vmem>>, vector<1x1x16xf32>,
        %get3A_687 = vector.shape_cast %get3A_686 : vector<1x1x16xf32> to vector<16xf32>
        %mul3A_688 = arith.mulf %get3A_687, %gather3A_681 : vector<16xf32>
        %swap3A_689 = arith.constant 1 : i32
        %swap3A_690 = arith.index_cast %swap3A_689 : i32 to index
        %swap3A_691 = arith.index_cast %add3A_582 : i32 to index
        %swap3A_692 = arith.constant 64 : index
        %swap3A_693 = tpu.vector_load %arg11[%swap3A_690, %swap3A_691, %swap3A_692] {strides = array<i32>} : memref<2x256x144xf32, #tpu.memory_space<vmem>>, vector<1x1x16xf32>,
        %swap3A_694 = vector.shape_cast %swap3A_693 : vector<1x1x16xf32> to vector<16xf32>
        %swap3A_695 = vector.shape_cast %mul3A_688 : vector<16xf32> to vector<1x1x16xf32>
        tpu.vector_store %arg11[%swap3A_690, %swap3A_691, %swap3A_692], %swap3A_695 {strides = array<i32>} : memref<2x256x144xf32, #tpu.memory_space<vmem>>, vector<1x1x16xf32>,
        %broadcast_in_dim3A_696 = vector.shape_cast %broadcast_in_dim3A_33 : vector<16xi32> to vector<16x1xi32>
        %gather3A_697 = vector.shape_cast %broadcast_in_dim3A_696 : vector<16x1xi32> to vector<16xi32>
        %gather3A_698 = tpu.dynamic_gather %exp3A_603[%gather3A_697] in [0] : vector<16xf32>, vector<16xi32> -> vector<16xf32>
        %get3A_699 = arith.constant 1 : i32
        %get3A_700 = arith.index_cast %get3A_699 : i32 to index
        %get3A_701 = arith.index_cast %add3A_582 : i32 to index
        %get3A_702 = arith.constant 80 : index
        %get3A_703 = tpu.vector_load %arg11[%get3A_700, %get3A_701, %get3A_702] {strides = array<i32>} : memref<2x256x144xf32, #tpu.memory_space<vmem>>, vector<1x1x16xf32>,
        %get3A_704 = vector.shape_cast %get3A_703 : vector<1x1x16xf32> to vector<16xf32>
        %mul3A_705 = arith.mulf %get3A_704, %gather3A_698 : vector<16xf32>
        %swap3A_706 = arith.constant 1 : i32
        %swap3A_707 = arith.index_cast %swap3A_706 : i32 to index
        %swap3A_708 = arith.index_cast %add3A_582 : i32 to index
        %swap3A_709 = arith.constant 80 : index
        %swap3A_710 = tpu.vector_load %arg11[%swap3A_707, %swap3A_708, %swap3A_709] {strides = array<i32>} : memref<2x256x144xf32, #tpu.memory_space<vmem>>, vector<1x1x16xf32>,
        %swap3A_711 = vector.shape_cast %swap3A_710 : vector<1x1x16xf32> to vector<16xf32>
        %swap3A_712 = vector.shape_cast %mul3A_705 : vector<16xf32> to vector<1x1x16xf32>
        tpu.vector_store %arg11[%swap3A_707, %swap3A_708, %swap3A_709], %swap3A_712 {strides = array<i32>} : memref<2x256x144xf32, #tpu.memory_space<vmem>>, vector<1x1x16xf32>,
        %broadcast_in_dim3A_713 = vector.shape_cast %broadcast_in_dim3A_35 : vector<16xi32> to vector<16x1xi32>
        %gather3A_714 = vector.shape_cast %broadcast_in_dim3A_713 : vector<16x1xi32> to vector<16xi32>
        %gather3A_715 = tpu.dynamic_gather %exp3A_603[%gather3A_714] in [0] : vector<16xf32>, vector<16xi32> -> vector<16xf32>
        %get3A_716 = arith.constant 1 : i32
        %get3A_717 = arith.index_cast %get3A_716 : i32 to index
        %get3A_718 = arith.index_cast %add3A_582 : i32 to index
        %get3A_719 = arith.constant 96 : index
        %get3A_720 = tpu.vector_load %arg11[%get3A_717, %get3A_718, %get3A_719] {strides = array<i32>} : memref<2x256x144xf32, #tpu.memory_space<vmem>>, vector<1x1x16xf32>,
        %get3A_721 = vector.shape_cast %get3A_720 : vector<1x1x16xf32> to vector<16xf32>
        %mul3A_722 = arith.mulf %get3A_721, %gather3A_715 : vector<16xf32>
        %swap3A_723 = arith.constant 1 : i32
        %swap3A_724 = arith.index_cast %swap3A_723 : i32 to index
        %swap3A_725 = arith.index_cast %add3A_582 : i32 to index
        %swap3A_726 = arith.constant 96 : index
        %swap3A_727 = tpu.vector_load %arg11[%swap3A_724, %swap3A_725, %swap3A_726] {strides = array<i32>} : memref<2x256x144xf32, #tpu.memory_space<vmem>>, vector<1x1x16xf32>,
        %swap3A_728 = vector.shape_cast %swap3A_727 : vector<1x1x16xf32> to vector<16xf32>
        %swap3A_729 = vector.shape_cast %mul3A_722 : vector<16xf32> to vector<1x1x16xf32>
        tpu.vector_store %arg11[%swap3A_724, %swap3A_725, %swap3A_726], %swap3A_729 {strides = array<i32>} : memref<2x256x144xf32, #tpu.memory_space<vmem>>, vector<1x1x16xf32>,
        %broadcast_in_dim3A_730 = vector.shape_cast %broadcast_in_dim3A_37 : vector<16xi32> to vector<16x1xi32>
        %gather3A_731 = vector.shape_cast %broadcast_in_dim3A_730 : vector<16x1xi32> to vector<16xi32>
        %gather3A_732 = tpu.dynamic_gather %exp3A_603[%gather3A_731] in [0] : vector<16xf32>, vector<16xi32> -> vector<16xf32>
        %get3A_733 = arith.constant 1 : i32
        %get3A_734 = arith.index_cast %get3A_733 : i32 to index
        %get3A_735 = arith.index_cast %add3A_582 : i32 to index
        %get3A_736 = arith.constant 112 : index
        %get3A_737 = tpu.vector_load %arg11[%get3A_734, %get3A_735, %get3A_736] {strides = array<i32>} : memref<2x256x144xf32, #tpu.memory_space<vmem>>, vector<1x1x16xf32>,
        %get3A_738 = vector.shape_cast %get3A_737 : vector<1x1x16xf32> to vector<16xf32>
        %mul3A_739 = arith.mulf %get3A_738, %gather3A_732 : vector<16xf32>
        %swap3A_740 = arith.constant 1 : i32
        %swap3A_741 = arith.index_cast %swap3A_740 : i32 to index
        %swap3A_742 = arith.index_cast %add3A_582 : i32 to index
        %swap3A_743 = arith.constant 112 : index
        %swap3A_744 = tpu.vector_load %arg11[%swap3A_741, %swap3A_742, %swap3A_743] {strides = array<i32>} : memref<2x256x144xf32, #tpu.memory_space<vmem>>, vector<1x1x16xf32>,
        %swap3A_745 = vector.shape_cast %swap3A_744 : vector<1x1x16xf32> to vector<16xf32>
        %swap3A_746 = vector.shape_cast %mul3A_739 : vector<16xf32> to vector<1x1x16xf32>
        tpu.vector_store %arg11[%swap3A_741, %swap3A_742, %swap3A_743], %swap3A_746 {strides = array<i32>} : memref<2x256x144xf32, #tpu.memory_space<vmem>>, vector<1x1x16xf32>,
        %scan3A_747 = arith.constant 3 : i32
        %scan3A_748 = arith.addi %scan3A_244, %scan3A_747 : i32
        %mul3A_749 = arith.constant 1 : i32
        %mul3A_750 = arith.muli %scan3A_748, %mul3A_749 : i32
        %add3A_751 = arith.constant 0 : i32
        %add3A_752 = arith.addi %add3A_751, %mul3A_750 : i32
        %get3A_753 = arith.constant 1 : i32
        %get3A_754 = arith.index_cast %get3A_753 : i32 to index
        %get3A_755 = arith.index_cast %add3A_752 : i32 to index
        %get3A_756 = arith.constant 128 : index
        %get3A_757 = tpu.vector_load %arg11[%get3A_754, %get3A_755, %get3A_756] {strides = array<i32>} : memref<2x256x144xf32, #tpu.memory_space<vmem>>, vector<1x1x16xf32>,
        %get3A_758 = vector.shape_cast %get3A_757 : vector<1x1x16xf32> to vector<16xf32>
        %get3A_759 = arith.constant 1 : i32
        %get3A_760 = arith.index_cast %get3A_759 : i32 to index
        %get3A_761 = arith.index_cast %add3A_752 : i32 to index
        %get3A_762 = arith.constant 0 : index
        %get3A_763 = tpu.vector_load %arg12[%get3A_760, %get3A_761, %get3A_762] {strides = array<i32>} : memref<2x256x16xf32, #tpu.memory_space<vmem>>, vector<1x1x16xf32>,
        %get3A_764 = vector.shape_cast %get3A_763 : vector<1x1x16xf32> to vector<16xf32>
        %add3A_765 = arith.addf %get3A_758, %get3A_764 : vector<16xf32>
        %ge3A_766 = arith.constant 0.000000e+00 : f32
        %ge3A_767 = vector.broadcast %ge3A_766 : f32 to vector<16xf32>
        %ge3A_768 = arith.cmpf oge, %add3A_765, %ge3A_767 : vector<16xf32>
        %mul3A_769 = arith.constant 2.000000e-01 : f32
        %mul3A_770 = vector.broadcast %mul3A_769 : f32 to vector<16xf32>
        %mul3A_771 = arith.mulf %mul3A_770, %add3A_765 : vector<16xf32>
        %select_n3A_772 = arith.select %ge3A_768, %add3A_765, %mul3A_771 : vector<16xi1>, vector<16xf32>
        %exp3A_773 = math.exp %select_n3A_772 : vector<16xf32>
        %swap3A_774 = arith.constant 1 : i32
        %swap3A_775 = arith.index_cast %swap3A_774 : i32 to index
        %swap3A_776 = arith.index_cast %add3A_752 : i32 to index
        %swap3A_777 = arith.constant 128 : index
        %swap3A_778 = tpu.vector_load %arg11[%swap3A_775, %swap3A_776, %swap3A_777] {strides = array<i32>} : memref<2x256x144xf32, #tpu.memory_space<vmem>>, vector<1x1x16xf32>,
        %swap3A_779 = vector.shape_cast %swap3A_778 : vector<1x1x16xf32> to vector<16xf32>
        %swap3A_780 = vector.shape_cast %exp3A_773 : vector<16xf32> to vector<1x1x16xf32>
        tpu.vector_store %arg11[%swap3A_775, %swap3A_776, %swap3A_777], %swap3A_780 {strides = array<i32>} : memref<2x256x144xf32, #tpu.memory_space<vmem>>, vector<1x1x16xf32>,
        %broadcast_in_dim3A_781 = vector.shape_cast %broadcast_in_dim3A_23 : vector<16xi32> to vector<16x1xi32>
        %gather3A_782 = vector.shape_cast %broadcast_in_dim3A_781 : vector<16x1xi32> to vector<16xi32>
        %gather3A_783 = tpu.dynamic_gather %exp3A_773[%gather3A_782] in [0] : vector<16xf32>, vector<16xi32> -> vector<16xf32>
        %get3A_784 = arith.constant 1 : i32
        %get3A_785 = arith.index_cast %get3A_784 : i32 to index
        %get3A_786 = arith.index_cast %add3A_752 : i32 to index
        %get3A_787 = arith.constant 0 : index
        %get3A_788 = tpu.vector_load %arg11[%get3A_785, %get3A_786, %get3A_787] {strides = array<i32>} : memref<2x256x144xf32, #tpu.memory_space<vmem>>, vector<1x1x16xf32>,
        %get3A_789 = vector.shape_cast %get3A_788 : vector<1x1x16xf32> to vector<16xf32>
        %mul3A_790 = arith.mulf %get3A_789, %gather3A_783 : vector<16xf32>
        %swap3A_791 = arith.constant 1 : i32
        %swap3A_792 = arith.index_cast %swap3A_791 : i32 to index
        %swap3A_793 = arith.index_cast %add3A_752 : i32 to index
        %swap3A_794 = arith.constant 0 : index
        %swap3A_795 = tpu.vector_load %arg11[%swap3A_792, %swap3A_793, %swap3A_794] {strides = array<i32>} : memref<2x256x144xf32, #tpu.memory_space<vmem>>, vector<1x1x16xf32>,
        %swap3A_796 = vector.shape_cast %swap3A_795 : vector<1x1x16xf32> to vector<16xf32>
        %swap3A_797 = vector.shape_cast %mul3A_790 : vector<16xf32> to vector<1x1x16xf32>
        tpu.vector_store %arg11[%swap3A_792, %swap3A_793, %swap3A_794], %swap3A_797 {strides = array<i32>} : memref<2x256x144xf32, #tpu.memory_space<vmem>>, vector<1x1x16xf32>,
        %broadcast_in_dim3A_798 = vector.shape_cast %broadcast_in_dim3A_25 : vector<16xi32> to vector<16x1xi32>
        %gather3A_799 = vector.shape_cast %broadcast_in_dim3A_798 : vector<16x1xi32> to vector<16xi32>
        %gather3A_800 = tpu.dynamic_gather %exp3A_773[%gather3A_799] in [0] : vector<16xf32>, vector<16xi32> -> vector<16xf32>
        %get3A_801 = arith.constant 1 : i32
        %get3A_802 = arith.index_cast %get3A_801 : i32 to index
        %get3A_803 = arith.index_cast %add3A_752 : i32 to index
        %get3A_804 = arith.constant 16 : index
        %get3A_805 = tpu.vector_load %arg11[%get3A_802, %get3A_803, %get3A_804] {strides = array<i32>} : memref<2x256x144xf32, #tpu.memory_space<vmem>>, vector<1x1x16xf32>,
        %get3A_806 = vector.shape_cast %get3A_805 : vector<1x1x16xf32> to vector<16xf32>
        %mul3A_807 = arith.mulf %get3A_806, %gather3A_800 : vector<16xf32>
        %swap3A_808 = arith.constant 1 : i32
        %swap3A_809 = arith.index_cast %swap3A_808 : i32 to index
        %swap3A_810 = arith.index_cast %add3A_752 : i32 to index
        %swap3A_811 = arith.constant 16 : index
        %swap3A_812 = tpu.vector_load %arg11[%swap3A_809, %swap3A_810, %swap3A_811] {strides = array<i32>} : memref<2x256x144xf32, #tpu.memory_space<vmem>>, vector<1x1x16xf32>,
        %swap3A_813 = vector.shape_cast %swap3A_812 : vector<1x1x16xf32> to vector<16xf32>
        %swap3A_814 = vector.shape_cast %mul3A_807 : vector<16xf32> to vector<1x1x16xf32>
        tpu.vector_store %arg11[%swap3A_809, %swap3A_810, %swap3A_811], %swap3A_814 {strides = array<i32>} : memref<2x256x144xf32, #tpu.memory_space<vmem>>, vector<1x1x16xf32>,
        %broadcast_in_dim3A_815 = vector.shape_cast %broadcast_in_dim3A_27 : vector<16xi32> to vector<16x1xi32>
        %gather3A_816 = vector.shape_cast %broadcast_in_dim3A_815 : vector<16x1xi32> to vector<16xi32>
        %gather3A_817 = tpu.dynamic_gather %exp3A_773[%gather3A_816] in [0] : vector<16xf32>, vector<16xi32> -> vector<16xf32>
        %get3A_818 = arith.constant 1 : i32
        %get3A_819 = arith.index_cast %get3A_818 : i32 to index
        %get3A_820 = arith.index_cast %add3A_752 : i32 to index
        %get3A_821 = arith.constant 32 : index
        %get3A_822 = tpu.vector_load %arg11[%get3A_819, %get3A_820, %get3A_821] {strides = array<i32>} : memref<2x256x144xf32, #tpu.memory_space<vmem>>, vector<1x1x16xf32>,
        %get3A_823 = vector.shape_cast %get3A_822 : vector<1x1x16xf32> to vector<16xf32>
        %mul3A_824 = arith.mulf %get3A_823, %gather3A_817 : vector<16xf32>
        %swap3A_825 = arith.constant 1 : i32
        %swap3A_826 = arith.index_cast %swap3A_825 : i32 to index
        %swap3A_827 = arith.index_cast %add3A_752 : i32 to index
        %swap3A_828 = arith.constant 32 : index
        %swap3A_829 = tpu.vector_load %arg11[%swap3A_826, %swap3A_827, %swap3A_828] {strides = array<i32>} : memref<2x256x144xf32, #tpu.memory_space<vmem>>, vector<1x1x16xf32>,
        %swap3A_830 = vector.shape_cast %swap3A_829 : vector<1x1x16xf32> to vector<16xf32>
        %swap3A_831 = vector.shape_cast %mul3A_824 : vector<16xf32> to vector<1x1x16xf32>
        tpu.vector_store %arg11[%swap3A_826, %swap3A_827, %swap3A_828], %swap3A_831 {strides = array<i32>} : memref<2x256x144xf32, #tpu.memory_space<vmem>>, vector<1x1x16xf32>,
        %broadcast_in_dim3A_832 = vector.shape_cast %broadcast_in_dim3A_29 : vector<16xi32> to vector<16x1xi32>
        %gather3A_833 = vector.shape_cast %broadcast_in_dim3A_832 : vector<16x1xi32> to vector<16xi32>
        %gather3A_834 = tpu.dynamic_gather %exp3A_773[%gather3A_833] in [0] : vector<16xf32>, vector<16xi32> -> vector<16xf32>
        %get3A_835 = arith.constant 1 : i32
        %get3A_836 = arith.index_cast %get3A_835 : i32 to index
        %get3A_837 = arith.index_cast %add3A_752 : i32 to index
        %get3A_838 = arith.constant 48 : index
        %get3A_839 = tpu.vector_load %arg11[%get3A_836, %get3A_837, %get3A_838] {strides = array<i32>} : memref<2x256x144xf32, #tpu.memory_space<vmem>>, vector<1x1x16xf32>,
        %get3A_840 = vector.shape_cast %get3A_839 : vector<1x1x16xf32> to vector<16xf32>
        %mul3A_841 = arith.mulf %get3A_840, %gather3A_834 : vector<16xf32>
        %swap3A_842 = arith.constant 1 : i32
        %swap3A_843 = arith.index_cast %swap3A_842 : i32 to index
        %swap3A_844 = arith.index_cast %add3A_752 : i32 to index
        %swap3A_845 = arith.constant 48 : index
        %swap3A_846 = tpu.vector_load %arg11[%swap3A_843, %swap3A_844, %swap3A_845] {strides = array<i32>} : memref<2x256x144xf32, #tpu.memory_space<vmem>>, vector<1x1x16xf32>,
        %swap3A_847 = vector.shape_cast %swap3A_846 : vector<1x1x16xf32> to vector<16xf32>
        %swap3A_848 = vector.shape_cast %mul3A_841 : vector<16xf32> to vector<1x1x16xf32>
        tpu.vector_store %arg11[%swap3A_843, %swap3A_844, %swap3A_845], %swap3A_848 {strides = array<i32>} : memref<2x256x144xf32, #tpu.memory_space<vmem>>, vector<1x1x16xf32>,
        %broadcast_in_dim3A_849 = vector.shape_cast %broadcast_in_dim3A_31 : vector<16xi32> to vector<16x1xi32>
        %gather3A_850 = vector.shape_cast %broadcast_in_dim3A_849 : vector<16x1xi32> to vector<16xi32>
        %gather3A_851 = tpu.dynamic_gather %exp3A_773[%gather3A_850] in [0] : vector<16xf32>, vector<16xi32> -> vector<16xf32>
        %get3A_852 = arith.constant 1 : i32
        %get3A_853 = arith.index_cast %get3A_852 : i32 to index
        %get3A_854 = arith.index_cast %add3A_752 : i32 to index
        %get3A_855 = arith.constant 64 : index
        %get3A_856 = tpu.vector_load %arg11[%get3A_853, %get3A_854, %get3A_855] {strides = array<i32>} : memref<2x256x144xf32, #tpu.memory_space<vmem>>, vector<1x1x16xf32>,
        %get3A_857 = vector.shape_cast %get3A_856 : vector<1x1x16xf32> to vector<16xf32>
        %mul3A_858 = arith.mulf %get3A_857, %gather3A_851 : vector<16xf32>
        %swap3A_859 = arith.constant 1 : i32
        %swap3A_860 = arith.index_cast %swap3A_859 : i32 to index
        %swap3A_861 = arith.index_cast %add3A_752 : i32 to index
        %swap3A_862 = arith.constant 64 : index
        %swap3A_863 = tpu.vector_load %arg11[%swap3A_860, %swap3A_861, %swap3A_862] {strides = array<i32>} : memref<2x256x144xf32, #tpu.memory_space<vmem>>, vector<1x1x16xf32>,
        %swap3A_864 = vector.shape_cast %swap3A_863 : vector<1x1x16xf32> to vector<16xf32>
        %swap3A_865 = vector.shape_cast %mul3A_858 : vector<16xf32> to vector<1x1x16xf32>
        tpu.vector_store %arg11[%swap3A_860, %swap3A_861, %swap3A_862], %swap3A_865 {strides = array<i32>} : memref<2x256x144xf32, #tpu.memory_space<vmem>>, vector<1x1x16xf32>,
        %broadcast_in_dim3A_866 = vector.shape_cast %broadcast_in_dim3A_33 : vector<16xi32> to vector<16x1xi32>
        %gather3A_867 = vector.shape_cast %broadcast_in_dim3A_866 : vector<16x1xi32> to vector<16xi32>
        %gather3A_868 = tpu.dynamic_gather %exp3A_773[%gather3A_867] in [0] : vector<16xf32>, vector<16xi32> -> vector<16xf32>
        %get3A_869 = arith.constant 1 : i32
        %get3A_870 = arith.index_cast %get3A_869 : i32 to index
        %get3A_871 = arith.index_cast %add3A_752 : i32 to index
        %get3A_872 = arith.constant 80 : index
        %get3A_873 = tpu.vector_load %arg11[%get3A_870, %get3A_871, %get3A_872] {strides = array<i32>} : memref<2x256x144xf32, #tpu.memory_space<vmem>>, vector<1x1x16xf32>,
        %get3A_874 = vector.shape_cast %get3A_873 : vector<1x1x16xf32> to vector<16xf32>
        %mul3A_875 = arith.mulf %get3A_874, %gather3A_868 : vector<16xf32>
        %swap3A_876 = arith.constant 1 : i32
        %swap3A_877 = arith.index_cast %swap3A_876 : i32 to index
        %swap3A_878 = arith.index_cast %add3A_752 : i32 to index
        %swap3A_879 = arith.constant 80 : index
        %swap3A_880 = tpu.vector_load %arg11[%swap3A_877, %swap3A_878, %swap3A_879] {strides = array<i32>} : memref<2x256x144xf32, #tpu.memory_space<vmem>>, vector<1x1x16xf32>,
        %swap3A_881 = vector.shape_cast %swap3A_880 : vector<1x1x16xf32> to vector<16xf32>
        %swap3A_882 = vector.shape_cast %mul3A_875 : vector<16xf32> to vector<1x1x16xf32>
        tpu.vector_store %arg11[%swap3A_877, %swap3A_878, %swap3A_879], %swap3A_882 {strides = array<i32>} : memref<2x256x144xf32, #tpu.memory_space<vmem>>, vector<1x1x16xf32>,
        %broadcast_in_dim3A_883 = vector.shape_cast %broadcast_in_dim3A_35 : vector<16xi32> to vector<16x1xi32>
        %gather3A_884 = vector.shape_cast %broadcast_in_dim3A_883 : vector<16x1xi32> to vector<16xi32>
        %gather3A_885 = tpu.dynamic_gather %exp3A_773[%gather3A_884] in [0] : vector<16xf32>, vector<16xi32> -> vector<16xf32>
        %get3A_886 = arith.constant 1 : i32
        %get3A_887 = arith.index_cast %get3A_886 : i32 to index
        %get3A_888 = arith.index_cast %add3A_752 : i32 to index
        %get3A_889 = arith.constant 96 : index
        %get3A_890 = tpu.vector_load %arg11[%get3A_887, %get3A_888, %get3A_889] {strides = array<i32>} : memref<2x256x144xf32, #tpu.memory_space<vmem>>, vector<1x1x16xf32>,
        %get3A_891 = vector.shape_cast %get3A_890 : vector<1x1x16xf32> to vector<16xf32>
        %mul3A_892 = arith.mulf %get3A_891, %gather3A_885 : vector<16xf32>
        %swap3A_893 = arith.constant 1 : i32
        %swap3A_894 = arith.index_cast %swap3A_893 : i32 to index
        %swap3A_895 = arith.index_cast %add3A_752 : i32 to index
        %swap3A_896 = arith.constant 96 : index
        %swap3A_897 = tpu.vector_load %arg11[%swap3A_894, %swap3A_895, %swap3A_896] {strides = array<i32>} : memref<2x256x144xf32, #tpu.memory_space<vmem>>, vector<1x1x16xf32>,
        %swap3A_898 = vector.shape_cast %swap3A_897 : vector<1x1x16xf32> to vector<16xf32>
        %swap3A_899 = vector.shape_cast %mul3A_892 : vector<16xf32> to vector<1x1x16xf32>
        tpu.vector_store %arg11[%swap3A_894, %swap3A_895, %swap3A_896], %swap3A_899 {strides = array<i32>} : memref<2x256x144xf32, #tpu.memory_space<vmem>>, vector<1x1x16xf32>,
        %broadcast_in_dim3A_900 = vector.shape_cast %broadcast_in_dim3A_37 : vector<16xi32> to vector<16x1xi32>
        %gather3A_901 = vector.shape_cast %broadcast_in_dim3A_900 : vector<16x1xi32> to vector<16xi32>
        %gather3A_902 = tpu.dynamic_gather %exp3A_773[%gather3A_901] in [0] : vector<16xf32>, vector<16xi32> -> vector<16xf32>
        %get3A_903 = arith.constant 1 : i32
        %get3A_904 = arith.index_cast %get3A_903 : i32 to index
        %get3A_905 = arith.index_cast %add3A_752 : i32 to index
        %get3A_906 = arith.constant 112 : index
        %get3A_907 = tpu.vector_load %arg11[%get3A_904, %get3A_905, %get3A_906] {strides = array<i32>} : memref<2x256x144xf32, #tpu.memory_space<vmem>>, vector<1x1x16xf32>,
        %get3A_908 = vector.shape_cast %get3A_907 : vector<1x1x16xf32> to vector<16xf32>
        %mul3A_909 = arith.mulf %get3A_908, %gather3A_902 : vector<16xf32>
        %swap3A_910 = arith.constant 1 : i32
        %swap3A_911 = arith.index_cast %swap3A_910 : i32 to index
        %swap3A_912 = arith.index_cast %add3A_752 : i32 to index
        %swap3A_913 = arith.constant 112 : index
        %swap3A_914 = tpu.vector_load %arg11[%swap3A_911, %swap3A_912, %swap3A_913] {strides = array<i32>} : memref<2x256x144xf32, #tpu.memory_space<vmem>>, vector<1x1x16xf32>,
        %swap3A_915 = vector.shape_cast %swap3A_914 : vector<1x1x16xf32> to vector<16xf32>
        %swap3A_916 = vector.shape_cast %mul3A_909 : vector<16xf32> to vector<1x1x16xf32>
        tpu.vector_store %arg11[%swap3A_911, %swap3A_912, %swap3A_913], %swap3A_916 {strides = array<i32>} : memref<2x256x144xf32, #tpu.memory_space<vmem>>, vector<1x1x16xf32>,
      }
      %scan3A_195 = arith.constant 256 : i32
      %dma_start3A_196 = arith.constant 1 : i32
      %dma_start3A_197 = arith.constant 2 : i32
      %dma_start3A_198 = arith.constant 0 : i32
      %dma_start3A_199 = arith.constant 0 : i32
      %dma_start3A_200 = tpu.memref_slice %arg11[%dma_start3A_196, %dma_start3A_198, %dma_start3A_199] : memref<2x256x144xf32, #tpu.memory_space<vmem>> -> memref<1x128x144xf32, #tpu.memory_space<vmem>>
      %dma_start3A_201 = tpu.memref_squeeze %dma_start3A_200 : memref<1x128x144xf32, #tpu.memory_space<vmem>> -> memref<128x144xf32, #tpu.memory_space<vmem>>
      %dma_start3A_202 = arith.constant 0 : i32
      %dma_start3A_203 = tpu.memref_slice %arg10[%dma_start3A_197, %dma_start3A_202] : memref<4x128xi32, #tpu.memory_space<vmem>> -> memref<1x128xi32, #tpu.memory_space<vmem>>
      %dma_start3A_204 = tpu.memref_squeeze %dma_start3A_203 : memref<1x128xi32, #tpu.memory_space<vmem>> -> memref<128xi32, #tpu.memory_space<vmem>>
      %dma_start3A_205 = arith.constant 0 : i32
      %dma_start3A_206 = arith.constant 0 : i32
      %dma_start3A_207 = tpu.memref_slice %arg13[%dma_start3A_205, %dma_start3A_206] : memref<5248x144xf32, #tpu.memory_space<vmem_shared>> -> memref<5248x144xf32, #tpu.memory_space<vmem_shared>>
      tpu.enqueue_indirect_dma source(%dma_start3A_201 : memref<128x144xf32, #tpu.memory_space<vmem>>) target(%dma_start3A_207 : memref<5248x144xf32, #tpu.memory_space<vmem_shared>>) offsets(%dma_start3A_204 : memref<128xi32, #tpu.memory_space<vmem>>) semaphore(%arg17 : memref<!tpu.dma_semaphore, #tpu.memory_space<semaphore_mem>>) {add = true}
      %dma_start3A_208 = arith.constant 1 : i32
      %dma_start3A_209 = arith.constant 3 : i32
      %dma_start3A_210 = arith.constant 128 : i32
      %dma_start3A_211 = arith.constant 0 : i32
      %dma_start3A_212 = tpu.memref_slice %arg11[%dma_start3A_208, %dma_start3A_210, %dma_start3A_211] : memref<2x256x144xf32, #tpu.memory_space<vmem>> -> memref<1x128x144xf32, #tpu.memory_space<vmem>>
      %dma_start3A_213 = tpu.memref_squeeze %dma_start3A_212 : memref<1x128x144xf32, #tpu.memory_space<vmem>> -> memref<128x144xf32, #tpu.memory_space<vmem>>
      %dma_start3A_214 = arith.constant 0 : i32
      %dma_start3A_215 = tpu.memref_slice %arg10[%dma_start3A_209, %dma_start3A_214] : memref<4x128xi32, #tpu.memory_space<vmem>> -> memref<1x128xi32, #tpu.memory_space<vmem>>
      %dma_start3A_216 = tpu.memref_squeeze %dma_start3A_215 : memref<1x128xi32, #tpu.memory_space<vmem>> -> memref<128xi32, #tpu.memory_space<vmem>>
      %dma_start3A_217 = arith.constant 0 : i32
      %dma_start3A_218 = arith.constant 0 : i32
      %dma_start3A_219 = tpu.memref_slice %arg13[%dma_start3A_217, %dma_start3A_218] : memref<5248x144xf32, #tpu.memory_space<vmem_shared>> -> memref<5248x144xf32, #tpu.memory_space<vmem_shared>>
      tpu.enqueue_indirect_dma source(%dma_start3A_213 : memref<128x144xf32, #tpu.memory_space<vmem>>) target(%dma_start3A_219 : memref<5248x144xf32, #tpu.memory_space<vmem_shared>>) offsets(%dma_start3A_216 : memref<128xi32, #tpu.memory_space<vmem>>) semaphore(%arg17 : memref<!tpu.dma_semaphore, #tpu.memory_space<semaphore_mem>>) {add = true}
      %dma_wait3A_220 = arith.constant 1 : i32
      %dma_wait3A_221 = arith.constant 2 : i32
      %dma_wait3A_222 = arith.constant 0 : i32
      %dma_wait3A_223 = arith.constant 0 : i32
      %dma_wait3A_224 = tpu.memref_slice %arg11[%dma_wait3A_220, %dma_wait3A_222, %dma_wait3A_223] : memref<2x256x144xf32, #tpu.memory_space<vmem>> -> memref<1x128x144xf32, #tpu.memory_space<vmem>>
      %dma_wait3A_225 = tpu.memref_squeeze %dma_wait3A_224 : memref<1x128x144xf32, #tpu.memory_space<vmem>> -> memref<128x144xf32, #tpu.memory_space<vmem>>
      %dma_wait3A_226 = arith.constant 0 : i32
      %dma_wait3A_227 = tpu.memref_slice %arg10[%dma_wait3A_221, %dma_wait3A_226] : memref<4x128xi32, #tpu.memory_space<vmem>> -> memref<1x128xi32, #tpu.memory_space<vmem>>
      %dma_wait3A_228 = tpu.memref_squeeze %dma_wait3A_227 : memref<1x128xi32, #tpu.memory_space<vmem>> -> memref<128xi32, #tpu.memory_space<vmem>>
      %dma_wait3A_229 = arith.constant 0 : i32
      %dma_wait3A_230 = arith.constant 0 : i32
      %dma_wait3A_231 = tpu.memref_slice %arg13[%dma_wait3A_229, %dma_wait3A_230] : memref<5248x144xf32, #tpu.memory_space<vmem_shared>> -> memref<5248x144xf32, #tpu.memory_space<vmem_shared>>
      tpu.wait_indirect_dma semaphore(%arg17 : memref<!tpu.dma_semaphore, #tpu.memory_space<semaphore_mem>>) src(%dma_wait3A_225 : memref<128x144xf32, #tpu.memory_space<vmem>>) dst(%dma_wait3A_231 : memref<5248x144xf32, #tpu.memory_space<vmem_shared>>)
      %dma_wait3A_232 = arith.constant 1 : i32
      %dma_wait3A_233 = arith.constant 3 : i32
      %dma_wait3A_234 = arith.constant 128 : i32
      %dma_wait3A_235 = arith.constant 0 : i32
      %dma_wait3A_236 = tpu.memref_slice %arg11[%dma_wait3A_232, %dma_wait3A_234, %dma_wait3A_235] : memref<2x256x144xf32, #tpu.memory_space<vmem>> -> memref<1x128x144xf32, #tpu.memory_space<vmem>>
      %dma_wait3A_237 = tpu.memref_squeeze %dma_wait3A_236 : memref<1x128x144xf32, #tpu.memory_space<vmem>> -> memref<128x144xf32, #tpu.memory_space<vmem>>
      %dma_wait3A_238 = arith.constant 0 : i32
      %dma_wait3A_239 = tpu.memref_slice %arg10[%dma_wait3A_233, %dma_wait3A_238] : memref<4x128xi32, #tpu.memory_space<vmem>> -> memref<1x128xi32, #tpu.memory_space<vmem>>
      %dma_wait3A_240 = tpu.memref_squeeze %dma_wait3A_239 : memref<1x128xi32, #tpu.memory_space<vmem>> -> memref<128xi32, #tpu.memory_space<vmem>>
      %dma_wait3A_241 = arith.constant 0 : i32
      %dma_wait3A_242 = arith.constant 0 : i32
      %dma_wait3A_243 = tpu.memref_slice %arg13[%dma_wait3A_241, %dma_wait3A_242] : memref<5248x144xf32, #tpu.memory_space<vmem_shared>> -> memref<5248x144xf32, #tpu.memory_space<vmem_shared>>
      tpu.wait_indirect_dma semaphore(%arg17 : memref<!tpu.dma_semaphore, #tpu.memory_space<semaphore_mem>>) src(%dma_wait3A_237 : memref<128x144xf32, #tpu.memory_space<vmem>>) dst(%dma_wait3A_243 : memref<5248x144xf32, #tpu.memory_space<vmem_shared>>)
    }
    %scan3A_43 = arith.constant 44 : i32
    %barrier3A_44 = arith.constant 0 : index
    tpu.barrier barrier_id(%barrier3A_44)
    "tpu.region"() ({
      %run_scoped3A = tpu.sem_alloc : memref<!tpu.dma_semaphore, #tpu.memory_space<semaphore_mem>>
      %dma_start3A = arith.constant 0 : i32
      %dma_start3A_45 = arith.constant 0 : i32
      %dma_start3A_46 = tpu.memref_slice %arg7[%arg0, %dma_start3A, %dma_start3A_45] : memref<2x5248x144xf32, #tpu.memory_space<hbm>> -> memref<1x5248x144xf32, #tpu.memory_space<hbm>>
      %dma_start3A_47 = tpu.memref_squeeze %dma_start3A_46 : memref<1x5248x144xf32, #tpu.memory_space<hbm>> -> memref<5248x144xf32, #tpu.memory_space<hbm>>
      %dma_start3A_48 = arith.constant 0 : i32
      %dma_start3A_49 = tpu.memref_slice %dma_start3A_47[%mul3A_0, %dma_start3A_48] : memref<5248x144xf32, #tpu.memory_space<hbm>> -> memref<328x144xf32, #tpu.memory_space<hbm>>
      %dma_start3A_50 = arith.constant 0 : i32
      %dma_start3A_51 = tpu.memref_slice %arg13[%mul3A_0, %dma_start3A_50] : memref<5248x144xf32, #tpu.memory_space<vmem_shared>> -> memref<328x144xf32, #tpu.memory_space<vmem_shared>>
      tpu.enqueue_dma source(%dma_start3A_51 : memref<328x144xf32, #tpu.memory_space<vmem_shared>>) target(%dma_start3A_49 : memref<328x144xf32, #tpu.memory_space<hbm>>) target_semaphore(%run_scoped3A : memref<!tpu.dma_semaphore, #tpu.memory_space<semaphore_mem>>)
      %dma_wait3A = arith.constant 0 : i32
      %dma_wait3A_52 = arith.constant 0 : i32
      %dma_wait3A_53 = tpu.memref_slice %arg7[%arg0, %dma_wait3A, %dma_wait3A_52] : memref<2x5248x144xf32, #tpu.memory_space<hbm>> -> memref<1x5248x144xf32, #tpu.memory_space<hbm>>
      %dma_wait3A_54 = tpu.memref_squeeze %dma_wait3A_53 : memref<1x5248x144xf32, #tpu.memory_space<hbm>> -> memref<5248x144xf32, #tpu.memory_space<hbm>>
      %dma_wait3A_55 = arith.constant 0 : i32
      %dma_wait3A_56 = tpu.memref_slice %dma_wait3A_54[%mul3A_0, %dma_wait3A_55] : memref<5248x144xf32, #tpu.memory_space<hbm>> -> memref<328x144xf32, #tpu.memory_space<hbm>>
      %dma_wait3A_57 = arith.constant 0 : i32
      %dma_wait3A_58 = tpu.memref_slice %arg13[%mul3A_0, %dma_wait3A_57] : memref<5248x144xf32, #tpu.memory_space<vmem_shared>> -> memref<328x144xf32, #tpu.memory_space<vmem_shared>>
      tpu.wait_dma2 semaphore(%run_scoped3A : memref<!tpu.dma_semaphore, #tpu.memory_space<semaphore_mem>>) src(%dma_wait3A_58 : memref<328x144xf32, #tpu.memory_space<vmem_shared>>) dst(%dma_wait3A_56 : memref<328x144xf32, #tpu.memory_space<hbm>>)
      tpu.yield
    }) : () -> ()
    return
  }
}

#map = affine_map<(d0, d1) -> (0, 0)>
#map1 = affine_map<(d0, d1) -> (0)>
#map2 = affine_map<(d0, d1) -> (0, 0, 0)>
module attributes {stable_mosaic.version = 14 : i64} {
  func.func @_edge_body(%arg0: i32, %arg1: i32, %arg2: memref<10240x144xf32, #tpu.memory_space<hbm>>, %arg3: memref<10240x16xf32, #tpu.memory_space<hbm>>, %arg4: memref<32x144xf32, #tpu.memory_space<hbm>>, %arg5: memref<360448xi32, #tpu.memory_space<hbm>>, %arg6: memref<360448xi32, #tpu.memory_space<hbm>>, %arg7: memref<2x5248x144xf32, #tpu.memory_space<hbm>>, %arg8: memref<512xi32, #tpu.memory_space<vmem>>, %arg9: memref<512xi32, #tpu.memory_space<vmem>>, %arg10: memref<4x128xi32, #tpu.memory_space<vmem>>, %arg11: memref<2x256x144xf32, #tpu.memory_space<vmem>>, %arg12: memref<2x256x16xf32, #tpu.memory_space<vmem>>, %arg13: memref<5248x144xf32, #tpu.memory_space<vmem_shared>>, %arg14: memref<!tpu.dma_semaphore, #tpu.memory_space<semaphore_mem>>, %arg15: memref<!tpu.dma_semaphore, #tpu.memory_space<semaphore_mem>>, %arg16: memref<!tpu.dma_semaphore, #tpu.memory_space<semaphore_mem>>, %arg17: memref<!tpu.dma_semaphore, #tpu.memory_space<semaphore_mem>>) attributes {dimension_semantics = [#tpu.dimension_semantics<core_parallel>, #tpu.dimension_semantics<subcore_parallel>], iteration_bounds = array<i64: 2, 16>, scalar_prefetch = 0 : i64, scratch_operands = 10 : i64, tpu.core_type = #tpu.core_type<sc_vector_subcore>, window_params = [{transform_indices = #map}, {transform_indices = #map}, {transform_indices = #map}, {transform_indices = #map1}, {transform_indices = #map1}, {transform_indices = #map2}]} {
    %mul3A = arith.constant 328 : i32
    %mul3A_0 = arith.muli %arg1, %mul3A : i32
    %add3A = arith.constant 0 : i32
    %add3A_1 = arith.addi %mul3A_0, %add3A : i32
    "tpu.region"() ({
      %run_scoped3A = tpu.sem_alloc : memref<!tpu.dma_semaphore, #tpu.memory_space<semaphore_mem>>
      %dma_start3A = arith.constant 0 : i32
      %dma_start3A_31 = tpu.memref_slice %arg13[%add3A_1, %dma_start3A] : memref<5248x144xf32, #tpu.memory_space<vmem_shared>> -> memref<32x144xf32, #tpu.memory_space<vmem_shared>>
      tpu.enqueue_dma source(%arg4 : memref<32x144xf32, #tpu.memory_space<hbm>>) target(%dma_start3A_31 : memref<32x144xf32, #tpu.memory_space<vmem_shared>>) target_semaphore(%run_scoped3A : memref<!tpu.dma_semaphore, #tpu.memory_space<semaphore_mem>>)
      %dma_wait3A = arith.constant 0 : i32
      %dma_wait3A_32 = tpu.memref_slice %arg13[%add3A_1, %dma_wait3A] : memref<5248x144xf32, #tpu.memory_space<vmem_shared>> -> memref<32x144xf32, #tpu.memory_space<vmem_shared>>
      tpu.wait_dma2 semaphore(%run_scoped3A : memref<!tpu.dma_semaphore, #tpu.memory_space<semaphore_mem>>) src(%arg4 : memref<32x144xf32, #tpu.memory_space<hbm>>) dst(%dma_wait3A_32 : memref<32x144xf32, #tpu.memory_space<vmem_shared>>)
      tpu.yield
    }) : () -> ()
    %add3A_2 = arith.constant 32 : i32
    %add3A_3 = arith.addi %mul3A_0, %add3A_2 : i32
    "tpu.region"() ({
      %run_scoped3A = tpu.sem_alloc : memref<!tpu.dma_semaphore, #tpu.memory_space<semaphore_mem>>
      %dma_start3A = arith.constant 0 : i32
      %dma_start3A_31 = tpu.memref_slice %arg13[%add3A_3, %dma_start3A] : memref<5248x144xf32, #tpu.memory_space<vmem_shared>> -> memref<32x144xf32, #tpu.memory_space<vmem_shared>>
      tpu.enqueue_dma source(%arg4 : memref<32x144xf32, #tpu.memory_space<hbm>>) target(%dma_start3A_31 : memref<32x144xf32, #tpu.memory_space<vmem_shared>>) target_semaphore(%run_scoped3A : memref<!tpu.dma_semaphore, #tpu.memory_space<semaphore_mem>>)
      %dma_wait3A = arith.constant 0 : i32
      %dma_wait3A_32 = tpu.memref_slice %arg13[%add3A_3, %dma_wait3A] : memref<5248x144xf32, #tpu.memory_space<vmem_shared>> -> memref<32x144xf32, #tpu.memory_space<vmem_shared>>
      tpu.wait_dma2 semaphore(%run_scoped3A : memref<!tpu.dma_semaphore, #tpu.memory_space<semaphore_mem>>) src(%arg4 : memref<32x144xf32, #tpu.memory_space<hbm>>) dst(%dma_wait3A_32 : memref<32x144xf32, #tpu.memory_space<vmem_shared>>)
      tpu.yield
    }) : () -> ()
    %add3A_4 = arith.constant 64 : i32
    %add3A_5 = arith.addi %mul3A_0, %add3A_4 : i32
    "tpu.region"() ({
      %run_scoped3A = tpu.sem_alloc : memref<!tpu.dma_semaphore, #tpu.memory_space<semaphore_mem>>
      %dma_start3A = arith.constant 0 : i32
      %dma_start3A_31 = tpu.memref_slice %arg13[%add3A_5, %dma_start3A] : memref<5248x144xf32, #tpu.memory_space<vmem_shared>> -> memref<32x144xf32, #tpu.memory_space<vmem_shared>>
      tpu.enqueue_dma source(%arg4 : memref<32x144xf32, #tpu.memory_space<hbm>>) target(%dma_start3A_31 : memref<32x144xf32, #tpu.memory_space<vmem_shared>>) target_semaphore(%run_scoped3A : memref<!tpu.dma_semaphore, #tpu.memory_space<semaphore_mem>>)
      %dma_wait3A = arith.constant 0 : i32
      %dma_wait3A_32 = tpu.memref_slice %arg13[%add3A_5, %dma_wait3A] : memref<5248x144xf32, #tpu.memory_space<vmem_shared>> -> memref<32x144xf32, #tpu.memory_space<vmem_shared>>
      tpu.wait_dma2 semaphore(%run_scoped3A : memref<!tpu.dma_semaphore, #tpu.memory_space<semaphore_mem>>) src(%arg4 : memref<32x144xf32, #tpu.memory_space<hbm>>) dst(%dma_wait3A_32 : memref<32x144xf32, #tpu.memory_space<vmem_shared>>)
      tpu.yield
    }) : () -> ()
    %add3A_6 = arith.constant 96 : i32
    %add3A_7 = arith.addi %mul3A_0, %add3A_6 : i32
    "tpu.region"() ({
      %run_scoped3A = tpu.sem_alloc : memref<!tpu.dma_semaphore, #tpu.memory_space<semaphore_mem>>
      %dma_start3A = arith.constant 0 : i32
      %dma_start3A_31 = tpu.memref_slice %arg13[%add3A_7, %dma_start3A] : memref<5248x144xf32, #tpu.memory_space<vmem_shared>> -> memref<32x144xf32, #tpu.memory_space<vmem_shared>>
      tpu.enqueue_dma source(%arg4 : memref<32x144xf32, #tpu.memory_space<hbm>>) target(%dma_start3A_31 : memref<32x144xf32, #tpu.memory_space<vmem_shared>>) target_semaphore(%run_scoped3A : memref<!tpu.dma_semaphore, #tpu.memory_space<semaphore_mem>>)
      %dma_wait3A = arith.constant 0 : i32
      %dma_wait3A_32 = tpu.memref_slice %arg13[%add3A_7, %dma_wait3A] : memref<5248x144xf32, #tpu.memory_space<vmem_shared>> -> memref<32x144xf32, #tpu.memory_space<vmem_shared>>
      tpu.wait_dma2 semaphore(%run_scoped3A : memref<!tpu.dma_semaphore, #tpu.memory_space<semaphore_mem>>) src(%arg4 : memref<32x144xf32, #tpu.memory_space<hbm>>) dst(%dma_wait3A_32 : memref<32x144xf32, #tpu.memory_space<vmem_shared>>)
      tpu.yield
    }) : () -> ()
    %add3A_8 = arith.constant 128 : i32
    %add3A_9 = arith.addi %mul3A_0, %add3A_8 : i32
    "tpu.region"() ({
      %run_scoped3A = tpu.sem_alloc : memref<!tpu.dma_semaphore, #tpu.memory_space<semaphore_mem>>
      %dma_start3A = arith.constant 0 : i32
      %dma_start3A_31 = tpu.memref_slice %arg13[%add3A_9, %dma_start3A] : memref<5248x144xf32, #tpu.memory_space<vmem_shared>> -> memref<32x144xf32, #tpu.memory_space<vmem_shared>>
      tpu.enqueue_dma source(%arg4 : memref<32x144xf32, #tpu.memory_space<hbm>>) target(%dma_start3A_31 : memref<32x144xf32, #tpu.memory_space<vmem_shared>>) target_semaphore(%run_scoped3A : memref<!tpu.dma_semaphore, #tpu.memory_space<semaphore_mem>>)
      %dma_wait3A = arith.constant 0 : i32
      %dma_wait3A_32 = tpu.memref_slice %arg13[%add3A_9, %dma_wait3A] : memref<5248x144xf32, #tpu.memory_space<vmem_shared>> -> memref<32x144xf32, #tpu.memory_space<vmem_shared>>
      tpu.wait_dma2 semaphore(%run_scoped3A : memref<!tpu.dma_semaphore, #tpu.memory_space<semaphore_mem>>) src(%arg4 : memref<32x144xf32, #tpu.memory_space<hbm>>) dst(%dma_wait3A_32 : memref<32x144xf32, #tpu.memory_space<vmem_shared>>)
      tpu.yield
    }) : () -> ()
    %add3A_10 = arith.constant 160 : i32
    %add3A_11 = arith.addi %mul3A_0, %add3A_10 : i32
    "tpu.region"() ({
      %run_scoped3A = tpu.sem_alloc : memref<!tpu.dma_semaphore, #tpu.memory_space<semaphore_mem>>
      %dma_start3A = arith.constant 0 : i32
      %dma_start3A_31 = tpu.memref_slice %arg13[%add3A_11, %dma_start3A] : memref<5248x144xf32, #tpu.memory_space<vmem_shared>> -> memref<32x144xf32, #tpu.memory_space<vmem_shared>>
      tpu.enqueue_dma source(%arg4 : memref<32x144xf32, #tpu.memory_space<hbm>>) target(%dma_start3A_31 : memref<32x144xf32, #tpu.memory_space<vmem_shared>>) target_semaphore(%run_scoped3A : memref<!tpu.dma_semaphore, #tpu.memory_space<semaphore_mem>>)
      %dma_wait3A = arith.constant 0 : i32
      %dma_wait3A_32 = tpu.memref_slice %arg13[%add3A_11, %dma_wait3A] : memref<5248x144xf32, #tpu.memory_space<vmem_shared>> -> memref<32x144xf32, #tpu.memory_space<vmem_shared>>
      tpu.wait_dma2 semaphore(%run_scoped3A : memref<!tpu.dma_semaphore, #tpu.memory_space<semaphore_mem>>) src(%arg4 : memref<32x144xf32, #tpu.memory_space<hbm>>) dst(%dma_wait3A_32 : memref<32x144xf32, #tpu.memory_space<vmem_shared>>)
      tpu.yield
    }) : () -> ()
    %add3A_12 = arith.constant 192 : i32
    %add3A_13 = arith.addi %mul3A_0, %add3A_12 : i32
    "tpu.region"() ({
      %run_scoped3A = tpu.sem_alloc : memref<!tpu.dma_semaphore, #tpu.memory_space<semaphore_mem>>
      %dma_start3A = arith.constant 0 : i32
      %dma_start3A_31 = tpu.memref_slice %arg13[%add3A_13, %dma_start3A] : memref<5248x144xf32, #tpu.memory_space<vmem_shared>> -> memref<32x144xf32, #tpu.memory_space<vmem_shared>>
      tpu.enqueue_dma source(%arg4 : memref<32x144xf32, #tpu.memory_space<hbm>>) target(%dma_start3A_31 : memref<32x144xf32, #tpu.memory_space<vmem_shared>>) target_semaphore(%run_scoped3A : memref<!tpu.dma_semaphore, #tpu.memory_space<semaphore_mem>>)
      %dma_wait3A = arith.constant 0 : i32
      %dma_wait3A_32 = tpu.memref_slice %arg13[%add3A_13, %dma_wait3A] : memref<5248x144xf32, #tpu.memory_space<vmem_shared>> -> memref<32x144xf32, #tpu.memory_space<vmem_shared>>
      tpu.wait_dma2 semaphore(%run_scoped3A : memref<!tpu.dma_semaphore, #tpu.memory_space<semaphore_mem>>) src(%arg4 : memref<32x144xf32, #tpu.memory_space<hbm>>) dst(%dma_wait3A_32 : memref<32x144xf32, #tpu.memory_space<vmem_shared>>)
      tpu.yield
    }) : () -> ()
    %add3A_14 = arith.constant 224 : i32
    %add3A_15 = arith.addi %mul3A_0, %add3A_14 : i32
    "tpu.region"() ({
      %run_scoped3A = tpu.sem_alloc : memref<!tpu.dma_semaphore, #tpu.memory_space<semaphore_mem>>
      %dma_start3A = arith.constant 0 : i32
      %dma_start3A_31 = tpu.memref_slice %arg13[%add3A_15, %dma_start3A] : memref<5248x144xf32, #tpu.memory_space<vmem_shared>> -> memref<32x144xf32, #tpu.memory_space<vmem_shared>>
      tpu.enqueue_dma source(%arg4 : memref<32x144xf32, #tpu.memory_space<hbm>>) target(%dma_start3A_31 : memref<32x144xf32, #tpu.memory_space<vmem_shared>>) target_semaphore(%run_scoped3A : memref<!tpu.dma_semaphore, #tpu.memory_space<semaphore_mem>>)
      %dma_wait3A = arith.constant 0 : i32
      %dma_wait3A_32 = tpu.memref_slice %arg13[%add3A_15, %dma_wait3A] : memref<5248x144xf32, #tpu.memory_space<vmem_shared>> -> memref<32x144xf32, #tpu.memory_space<vmem_shared>>
      tpu.wait_dma2 semaphore(%run_scoped3A : memref<!tpu.dma_semaphore, #tpu.memory_space<semaphore_mem>>) src(%arg4 : memref<32x144xf32, #tpu.memory_space<hbm>>) dst(%dma_wait3A_32 : memref<32x144xf32, #tpu.memory_space<vmem_shared>>)
      tpu.yield
    }) : () -> ()
    %add3A_16 = arith.constant 256 : i32
    %add3A_17 = arith.addi %mul3A_0, %add3A_16 : i32
    "tpu.region"() ({
      %run_scoped3A = tpu.sem_alloc : memref<!tpu.dma_semaphore, #tpu.memory_space<semaphore_mem>>
      %dma_start3A = arith.constant 0 : i32
      %dma_start3A_31 = tpu.memref_slice %arg13[%add3A_17, %dma_start3A] : memref<5248x144xf32, #tpu.memory_space<vmem_shared>> -> memref<32x144xf32, #tpu.memory_space<vmem_shared>>
      tpu.enqueue_dma source(%arg4 : memref<32x144xf32, #tpu.memory_space<hbm>>) target(%dma_start3A_31 : memref<32x144xf32, #tpu.memory_space<vmem_shared>>) target_semaphore(%run_scoped3A : memref<!tpu.dma_semaphore, #tpu.memory_space<semaphore_mem>>)
      %dma_wait3A = arith.constant 0 : i32
      %dma_wait3A_32 = tpu.memref_slice %arg13[%add3A_17, %dma_wait3A] : memref<5248x144xf32, #tpu.memory_space<vmem_shared>> -> memref<32x144xf32, #tpu.memory_space<vmem_shared>>
      tpu.wait_dma2 semaphore(%run_scoped3A : memref<!tpu.dma_semaphore, #tpu.memory_space<semaphore_mem>>) src(%arg4 : memref<32x144xf32, #tpu.memory_space<hbm>>) dst(%dma_wait3A_32 : memref<32x144xf32, #tpu.memory_space<vmem_shared>>)
      tpu.yield
    }) : () -> ()
    %add3A_18 = arith.constant 288 : i32
    %add3A_19 = arith.addi %mul3A_0, %add3A_18 : i32
    "tpu.region"() ({
      %run_scoped3A = tpu.sem_alloc : memref<!tpu.dma_semaphore, #tpu.memory_space<semaphore_mem>>
      %dma_start3A = arith.constant 0 : i32
      %dma_start3A_31 = tpu.memref_slice %arg13[%add3A_19, %dma_start3A] : memref<5248x144xf32, #tpu.memory_space<vmem_shared>> -> memref<32x144xf32, #tpu.memory_space<vmem_shared>>
      tpu.enqueue_dma source(%arg4 : memref<32x144xf32, #tpu.memory_space<hbm>>) target(%dma_start3A_31 : memref<32x144xf32, #tpu.memory_space<vmem_shared>>) target_semaphore(%run_scoped3A : memref<!tpu.dma_semaphore, #tpu.memory_space<semaphore_mem>>)
      %dma_wait3A = arith.constant 0 : i32
      %dma_wait3A_32 = tpu.memref_slice %arg13[%add3A_19, %dma_wait3A] : memref<5248x144xf32, #tpu.memory_space<vmem_shared>> -> memref<32x144xf32, #tpu.memory_space<vmem_shared>>
      tpu.wait_dma2 semaphore(%run_scoped3A : memref<!tpu.dma_semaphore, #tpu.memory_space<semaphore_mem>>) src(%arg4 : memref<32x144xf32, #tpu.memory_space<hbm>>) dst(%dma_wait3A_32 : memref<32x144xf32, #tpu.memory_space<vmem_shared>>)
      tpu.yield
    }) : () -> ()
    %add3A_20 = arith.constant 328 : i32
    %add3A_21 = arith.addi %mul3A_0, %add3A_20 : i32
    %sub3A = arith.constant 8 : i32
    %sub3A_22 = arith.subi %add3A_21, %sub3A : i32
    "tpu.region"() ({
      %run_scoped3A = tpu.sem_alloc : memref<!tpu.dma_semaphore, #tpu.memory_space<semaphore_mem>>
      %dma_start3A = arith.constant 0 : i32
      %dma_start3A_31 = tpu.memref_slice %arg13[%sub3A_22, %dma_start3A] : memref<5248x144xf32, #tpu.memory_space<vmem_shared>> -> memref<8x144xf32, #tpu.memory_space<vmem_shared>>
      %dma_start3A_32 = arith.constant 0 : i32
      %dma_start3A_33 = arith.constant 0 : i32
      %dma_start3A_34 = tpu.memref_slice %arg4[%dma_start3A_32, %dma_start3A_33] : memref<32x144xf32, #tpu.memory_space<hbm>> -> memref<8x144xf32, #tpu.memory_space<hbm>>
      tpu.enqueue_dma source(%dma_start3A_34 : memref<8x144xf32, #tpu.memory_space<hbm>>) target(%dma_start3A_31 : memref<8x144xf32, #tpu.memory_space<vmem_shared>>) target_semaphore(%run_scoped3A : memref<!tpu.dma_semaphore, #tpu.memory_space<semaphore_mem>>)
      %dma_wait3A = arith.constant 0 : i32
      %dma_wait3A_35 = tpu.memref_slice %arg13[%sub3A_22, %dma_wait3A] : memref<5248x144xf32, #tpu.memory_space<vmem_shared>> -> memref<8x144xf32, #tpu.memory_space<vmem_shared>>
      %dma_wait3A_36 = arith.constant 0 : i32
      %dma_wait3A_37 = arith.constant 0 : i32
      %dma_wait3A_38 = tpu.memref_slice %arg4[%dma_wait3A_36, %dma_wait3A_37] : memref<32x144xf32, #tpu.memory_space<hbm>> -> memref<8x144xf32, #tpu.memory_space<hbm>>
      tpu.wait_dma2 semaphore(%run_scoped3A : memref<!tpu.dma_semaphore, #tpu.memory_space<semaphore_mem>>) src(%dma_wait3A_38 : memref<8x144xf32, #tpu.memory_space<hbm>>) dst(%dma_wait3A_35 : memref<8x144xf32, #tpu.memory_space<vmem_shared>>)
      tpu.yield
    }) : () -> ()
    %barrier3A = arith.constant 0 : index
    tpu.barrier barrier_id(%barrier3A)
    %broadcast_in_dim3A = arith.constant 0 : i32
    %broadcast_in_dim3A_23 = vector.broadcast %broadcast_in_dim3A : i32 to vector<16xi32>
    %mul3A_24 = arith.constant 5120 : i32
    %mul3A_25 = arith.muli %arg0, %mul3A_24 : i32
    %scan3A = arith.constant 0 : i32
    %scan3A_26 = arith.constant 44 : i32
    %scan3A_27 = arith.addi %scan3A, %scan3A_26 : i32
    %scan3A_28 = arith.constant 1 : i32
    scf.for %scan3A_31 = %scan3A to %scan3A_27 step %scan3A_28  : i32 {
      %mul3A_32 = arith.constant 1 : i32
      %mul3A_33 = arith.muli %scan3A_31, %mul3A_32 : i32
      %add3A_34 = arith.constant 0 : i32
      %add3A_35 = arith.addi %add3A_34, %mul3A_33 : i32
      %mul3A_36 = arith.constant 22528 : i32
      %mul3A_37 = arith.muli %arg1, %mul3A_36 : i32
      %mul3A_38 = arith.constant 512 : i32
      %mul3A_39 = arith.muli %add3A_35, %mul3A_38 : i32
      %add3A_40 = arith.addi %mul3A_37, %mul3A_39 : i32
      "tpu.region"() ({
        %run_scoped3A = tpu.sem_alloc : memref<!tpu.dma_semaphore, #tpu.memory_space<semaphore_mem>>
        %dma_start3A_230 = tpu.memref_slice %arg5[%add3A_40] : memref<360448xi32, #tpu.memory_space<hbm>> -> memref<512xi32, #tpu.memory_space<hbm>>
        %dma_start3A_231 = tpu.memref_slice %arg5[%add3A_40] : memref<360448xi32, #tpu.memory_space<hbm>> -> memref<512xi32, #tpu.memory_space<hbm>>
        tpu.enqueue_dma source(%dma_start3A_231 : memref<512xi32, #tpu.memory_space<hbm>>) target(%arg8 : memref<512xi32, #tpu.memory_space<vmem>>) target_semaphore(%run_scoped3A : memref<!tpu.dma_semaphore, #tpu.memory_space<semaphore_mem>>)
        %dma_wait3A_232 = tpu.memref_slice %arg5[%add3A_40] : memref<360448xi32, #tpu.memory_space<hbm>> -> memref<512xi32, #tpu.memory_space<hbm>>
        %dma_wait3A_233 = tpu.memref_slice %arg5[%add3A_40] : memref<360448xi32, #tpu.memory_space<hbm>> -> memref<512xi32, #tpu.memory_space<hbm>>
        tpu.wait_dma2 semaphore(%run_scoped3A : memref<!tpu.dma_semaphore, #tpu.memory_space<semaphore_mem>>) src(%dma_wait3A_233 : memref<512xi32, #tpu.memory_space<hbm>>) dst(%arg8 : memref<512xi32, #tpu.memory_space<vmem>>)
        tpu.yield
      }) : () -> ()
      "tpu.region"() ({
        %run_scoped3A = tpu.sem_alloc : memref<!tpu.dma_semaphore, #tpu.memory_space<semaphore_mem>>
        %dma_start3A_230 = tpu.memref_slice %arg6[%add3A_40] : memref<360448xi32, #tpu.memory_space<hbm>> -> memref<512xi32, #tpu.memory_space<hbm>>
        %dma_start3A_231 = tpu.memref_slice %arg6[%add3A_40] : memref<360448xi32, #tpu.memory_space<hbm>> -> memref<512xi32, #tpu.memory_space<hbm>>
        tpu.enqueue_dma source(%dma_start3A_231 : memref<512xi32, #tpu.memory_space<hbm>>) target(%arg9 : memref<512xi32, #tpu.memory_space<vmem>>) target_semaphore(%run_scoped3A : memref<!tpu.dma_semaphore, #tpu.memory_space<semaphore_mem>>)
        %dma_wait3A_232 = tpu.memref_slice %arg6[%add3A_40] : memref<360448xi32, #tpu.memory_space<hbm>> -> memref<512xi32, #tpu.memory_space<hbm>>
        %dma_wait3A_233 = tpu.memref_slice %arg6[%add3A_40] : memref<360448xi32, #tpu.memory_space<hbm>> -> memref<512xi32, #tpu.memory_space<hbm>>
        tpu.wait_dma2 semaphore(%run_scoped3A : memref<!tpu.dma_semaphore, #tpu.memory_space<semaphore_mem>>) src(%dma_wait3A_233 : memref<512xi32, #tpu.memory_space<hbm>>) dst(%arg9 : memref<512xi32, #tpu.memory_space<vmem>>)
        tpu.yield
      }) : () -> ()
      %scan3A_41 = arith.constant 0 : i32
      %scan3A_42 = arith.constant 4 : i32
      %scan3A_43 = arith.addi %scan3A_41, %scan3A_42 : i32
      %scan3A_44 = arith.constant 1 : i32
      scf.for %scan3A_230 = %scan3A_41 to %scan3A_43 step %scan3A_44  : i32 {
        %mul3A_231 = arith.constant 1 : i32
        %mul3A_232 = arith.muli %scan3A_230, %mul3A_231 : i32
        %add3A_233 = arith.constant 0 : i32
        %add3A_234 = arith.addi %add3A_233, %mul3A_232 : i32
        %mul3A_235 = arith.constant 128 : i32
        %mul3A_236 = arith.muli %add3A_234, %mul3A_235 : i32
        %add3A_237 = arith.constant 0 : i32
        %add3A_238 = arith.addi %mul3A_236, %add3A_237 : i32
        %get3A = arith.index_cast %add3A_238 : i32 to index
        %get3A_239 = tpu.vector_load %arg9[%get3A] {strides = array<i32>} : memref<512xi32, #tpu.memory_space<vmem>>, vector<16xi32>,
        %get3A_240 = vector.shape_cast %get3A_239 : vector<16xi32> to vector<16xi32>
        %sub3A_241 = vector.broadcast %mul3A_25 : i32 to vector<16xi32>
        %sub3A_242 = arith.subi %get3A_240, %sub3A_241 : vector<16xi32>
        %lt3A = arith.constant 0 : i32
        %lt3A_243 = vector.broadcast %lt3A : i32 to vector<16xi32>
        %lt3A_244 = arith.cmpi slt, %sub3A_242, %lt3A_243 : vector<16xi32>
        %ge3A = arith.constant 5120 : i32
        %ge3A_245 = vector.broadcast %ge3A : i32 to vector<16xi32>
        %ge3A_246 = arith.cmpi sge, %sub3A_242, %ge3A_245 : vector<16xi32>
        %or3A = arith.ori %lt3A_244, %ge3A_246 : vector<16xi1>
        %jit3A = arith.constant 5200 : i32
        %broadcast_in_dim3A_247 = vector.broadcast %jit3A : i32 to vector<16xi32>
        %select_n3A = arith.select %or3A, %broadcast_in_dim3A_247, %sub3A_242 : vector<16xi1>, vector<16xi32>
        %swap3A = arith.index_cast %add3A_234 : i32 to index
        %swap3A_248 = arith.constant 0 : index
        %swap3A_249 = tpu.vector_load %arg10[%swap3A, %swap3A_248] {strides = array<i32>} : memref<4x128xi32, #tpu.memory_space<vmem>>, vector<1x16xi32>,
        %swap3A_250 = vector.shape_cast %swap3A_249 : vector<1x16xi32> to vector<16xi32>
        %swap3A_251 = vector.shape_cast %select_n3A : vector<16xi32> to vector<1x16xi32>
        tpu.vector_store %arg10[%swap3A, %swap3A_248], %swap3A_251 {strides = array<i32>} : memref<4x128xi32, #tpu.memory_space<vmem>>, vector<1x16xi32>,
        %mul3A_252 = arith.constant 128 : i32
        %mul3A_253 = arith.muli %add3A_234, %mul3A_252 : i32
        %add3A_254 = arith.constant 16 : i32
        %add3A_255 = arith.addi %mul3A_253, %add3A_254 : i32
        %get3A_256 = arith.index_cast %add3A_255 : i32 to index
        %get3A_257 = tpu.vector_load %arg9[%get3A_256] {strides = array<i32>} : memref<512xi32, #tpu.memory_space<vmem>>, vector<16xi32>,
        %get3A_258 = vector.shape_cast %get3A_257 : vector<16xi32> to vector<16xi32>
        %sub3A_259 = vector.broadcast %mul3A_25 : i32 to vector<16xi32>
        %sub3A_260 = arith.subi %get3A_258, %sub3A_259 : vector<16xi32>
        %lt3A_261 = arith.constant 0 : i32
        %lt3A_262 = vector.broadcast %lt3A_261 : i32 to vector<16xi32>
        %lt3A_263 = arith.cmpi slt, %sub3A_260, %lt3A_262 : vector<16xi32>
        %ge3A_264 = arith.constant 5120 : i32
        %ge3A_265 = vector.broadcast %ge3A_264 : i32 to vector<16xi32>
        %ge3A_266 = arith.cmpi sge, %sub3A_260, %ge3A_265 : vector<16xi32>
        %or3A_267 = arith.ori %lt3A_263, %ge3A_266 : vector<16xi1>
        %jit3A_268 = arith.constant 5200 : i32
        %broadcast_in_dim3A_269 = vector.broadcast %jit3A_268 : i32 to vector<16xi32>
        %select_n3A_270 = arith.select %or3A_267, %broadcast_in_dim3A_269, %sub3A_260 : vector<16xi1>, vector<16xi32>
        %swap3A_271 = arith.index_cast %add3A_234 : i32 to index
        %swap3A_272 = arith.constant 16 : index
        %swap3A_273 = tpu.vector_load %arg10[%swap3A_271, %swap3A_272] {strides = array<i32>} : memref<4x128xi32, #tpu.memory_space<vmem>>, vector<1x16xi32>,
        %swap3A_274 = vector.shape_cast %swap3A_273 : vector<1x16xi32> to vector<16xi32>
        %swap3A_275 = vector.shape_cast %select_n3A_270 : vector<16xi32> to vector<1x16xi32>
        tpu.vector_store %arg10[%swap3A_271, %swap3A_272], %swap3A_275 {strides = array<i32>} : memref<4x128xi32, #tpu.memory_space<vmem>>, vector<1x16xi32>,
        %mul3A_276 = arith.constant 128 : i32
        %mul3A_277 = arith.muli %add3A_234, %mul3A_276 : i32
        %add3A_278 = arith.constant 32 : i32
        %add3A_279 = arith.addi %mul3A_277, %add3A_278 : i32
        %get3A_280 = arith.index_cast %add3A_279 : i32 to index
        %get3A_281 = tpu.vector_load %arg9[%get3A_280] {strides = array<i32>} : memref<512xi32, #tpu.memory_space<vmem>>, vector<16xi32>,
        %get3A_282 = vector.shape_cast %get3A_281 : vector<16xi32> to vector<16xi32>
        %sub3A_283 = vector.broadcast %mul3A_25 : i32 to vector<16xi32>
        %sub3A_284 = arith.subi %get3A_282, %sub3A_283 : vector<16xi32>
        %lt3A_285 = arith.constant 0 : i32
        %lt3A_286 = vector.broadcast %lt3A_285 : i32 to vector<16xi32>
        %lt3A_287 = arith.cmpi slt, %sub3A_284, %lt3A_286 : vector<16xi32>
        %ge3A_288 = arith.constant 5120 : i32
        %ge3A_289 = vector.broadcast %ge3A_288 : i32 to vector<16xi32>
        %ge3A_290 = arith.cmpi sge, %sub3A_284, %ge3A_289 : vector<16xi32>
        %or3A_291 = arith.ori %lt3A_287, %ge3A_290 : vector<16xi1>
        %jit3A_292 = arith.constant 5200 : i32
        %broadcast_in_dim3A_293 = vector.broadcast %jit3A_292 : i32 to vector<16xi32>
        %select_n3A_294 = arith.select %or3A_291, %broadcast_in_dim3A_293, %sub3A_284 : vector<16xi1>, vector<16xi32>
        %swap3A_295 = arith.index_cast %add3A_234 : i32 to index
        %swap3A_296 = arith.constant 32 : index
        %swap3A_297 = tpu.vector_load %arg10[%swap3A_295, %swap3A_296] {strides = array<i32>} : memref<4x128xi32, #tpu.memory_space<vmem>>, vector<1x16xi32>,
        %swap3A_298 = vector.shape_cast %swap3A_297 : vector<1x16xi32> to vector<16xi32>
        %swap3A_299 = vector.shape_cast %select_n3A_294 : vector<16xi32> to vector<1x16xi32>
        tpu.vector_store %arg10[%swap3A_295, %swap3A_296], %swap3A_299 {strides = array<i32>} : memref<4x128xi32, #tpu.memory_space<vmem>>, vector<1x16xi32>,
        %mul3A_300 = arith.constant 128 : i32
        %mul3A_301 = arith.muli %add3A_234, %mul3A_300 : i32
        %add3A_302 = arith.constant 48 : i32
        %add3A_303 = arith.addi %mul3A_301, %add3A_302 : i32
        %get3A_304 = arith.index_cast %add3A_303 : i32 to index
        %get3A_305 = tpu.vector_load %arg9[%get3A_304] {strides = array<i32>} : memref<512xi32, #tpu.memory_space<vmem>>, vector<16xi32>,
        %get3A_306 = vector.shape_cast %get3A_305 : vector<16xi32> to vector<16xi32>
        %sub3A_307 = vector.broadcast %mul3A_25 : i32 to vector<16xi32>
        %sub3A_308 = arith.subi %get3A_306, %sub3A_307 : vector<16xi32>
        %lt3A_309 = arith.constant 0 : i32
        %lt3A_310 = vector.broadcast %lt3A_309 : i32 to vector<16xi32>
        %lt3A_311 = arith.cmpi slt, %sub3A_308, %lt3A_310 : vector<16xi32>
        %ge3A_312 = arith.constant 5120 : i32
        %ge3A_313 = vector.broadcast %ge3A_312 : i32 to vector<16xi32>
        %ge3A_314 = arith.cmpi sge, %sub3A_308, %ge3A_313 : vector<16xi32>
        %or3A_315 = arith.ori %lt3A_311, %ge3A_314 : vector<16xi1>
        %jit3A_316 = arith.constant 5200 : i32
        %broadcast_in_dim3A_317 = vector.broadcast %jit3A_316 : i32 to vector<16xi32>
        %select_n3A_318 = arith.select %or3A_315, %broadcast_in_dim3A_317, %sub3A_308 : vector<16xi1>, vector<16xi32>
        %swap3A_319 = arith.index_cast %add3A_234 : i32 to index
        %swap3A_320 = arith.constant 48 : index
        %swap3A_321 = tpu.vector_load %arg10[%swap3A_319, %swap3A_320] {strides = array<i32>} : memref<4x128xi32, #tpu.memory_space<vmem>>, vector<1x16xi32>,
        %swap3A_322 = vector.shape_cast %swap3A_321 : vector<1x16xi32> to vector<16xi32>
        %swap3A_323 = vector.shape_cast %select_n3A_318 : vector<16xi32> to vector<1x16xi32>
        tpu.vector_store %arg10[%swap3A_319, %swap3A_320], %swap3A_323 {strides = array<i32>} : memref<4x128xi32, #tpu.memory_space<vmem>>, vector<1x16xi32>,
        %mul3A_324 = arith.constant 128 : i32
        %mul3A_325 = arith.muli %add3A_234, %mul3A_324 : i32
        %add3A_326 = arith.constant 64 : i32
        %add3A_327 = arith.addi %mul3A_325, %add3A_326 : i32
        %get3A_328 = arith.index_cast %add3A_327 : i32 to index
        %get3A_329 = tpu.vector_load %arg9[%get3A_328] {strides = array<i32>} : memref<512xi32, #tpu.memory_space<vmem>>, vector<16xi32>,
        %get3A_330 = vector.shape_cast %get3A_329 : vector<16xi32> to vector<16xi32>
        %sub3A_331 = vector.broadcast %mul3A_25 : i32 to vector<16xi32>
        %sub3A_332 = arith.subi %get3A_330, %sub3A_331 : vector<16xi32>
        %lt3A_333 = arith.constant 0 : i32
        %lt3A_334 = vector.broadcast %lt3A_333 : i32 to vector<16xi32>
        %lt3A_335 = arith.cmpi slt, %sub3A_332, %lt3A_334 : vector<16xi32>
        %ge3A_336 = arith.constant 5120 : i32
        %ge3A_337 = vector.broadcast %ge3A_336 : i32 to vector<16xi32>
        %ge3A_338 = arith.cmpi sge, %sub3A_332, %ge3A_337 : vector<16xi32>
        %or3A_339 = arith.ori %lt3A_335, %ge3A_338 : vector<16xi1>
        %jit3A_340 = arith.constant 5200 : i32
        %broadcast_in_dim3A_341 = vector.broadcast %jit3A_340 : i32 to vector<16xi32>
        %select_n3A_342 = arith.select %or3A_339, %broadcast_in_dim3A_341, %sub3A_332 : vector<16xi1>, vector<16xi32>
        %swap3A_343 = arith.index_cast %add3A_234 : i32 to index
        %swap3A_344 = arith.constant 64 : index
        %swap3A_345 = tpu.vector_load %arg10[%swap3A_343, %swap3A_344] {strides = array<i32>} : memref<4x128xi32, #tpu.memory_space<vmem>>, vector<1x16xi32>,
        %swap3A_346 = vector.shape_cast %swap3A_345 : vector<1x16xi32> to vector<16xi32>
        %swap3A_347 = vector.shape_cast %select_n3A_342 : vector<16xi32> to vector<1x16xi32>
        tpu.vector_store %arg10[%swap3A_343, %swap3A_344], %swap3A_347 {strides = array<i32>} : memref<4x128xi32, #tpu.memory_space<vmem>>, vector<1x16xi32>,
        %mul3A_348 = arith.constant 128 : i32
        %mul3A_349 = arith.muli %add3A_234, %mul3A_348 : i32
        %add3A_350 = arith.constant 80 : i32
        %add3A_351 = arith.addi %mul3A_349, %add3A_350 : i32
        %get3A_352 = arith.index_cast %add3A_351 : i32 to index
        %get3A_353 = tpu.vector_load %arg9[%get3A_352] {strides = array<i32>} : memref<512xi32, #tpu.memory_space<vmem>>, vector<16xi32>,
        %get3A_354 = vector.shape_cast %get3A_353 : vector<16xi32> to vector<16xi32>
        %sub3A_355 = vector.broadcast %mul3A_25 : i32 to vector<16xi32>
        %sub3A_356 = arith.subi %get3A_354, %sub3A_355 : vector<16xi32>
        %lt3A_357 = arith.constant 0 : i32
        %lt3A_358 = vector.broadcast %lt3A_357 : i32 to vector<16xi32>
        %lt3A_359 = arith.cmpi slt, %sub3A_356, %lt3A_358 : vector<16xi32>
        %ge3A_360 = arith.constant 5120 : i32
        %ge3A_361 = vector.broadcast %ge3A_360 : i32 to vector<16xi32>
        %ge3A_362 = arith.cmpi sge, %sub3A_356, %ge3A_361 : vector<16xi32>
        %or3A_363 = arith.ori %lt3A_359, %ge3A_362 : vector<16xi1>
        %jit3A_364 = arith.constant 5200 : i32
        %broadcast_in_dim3A_365 = vector.broadcast %jit3A_364 : i32 to vector<16xi32>
        %select_n3A_366 = arith.select %or3A_363, %broadcast_in_dim3A_365, %sub3A_356 : vector<16xi1>, vector<16xi32>
        %swap3A_367 = arith.index_cast %add3A_234 : i32 to index
        %swap3A_368 = arith.constant 80 : index
        %swap3A_369 = tpu.vector_load %arg10[%swap3A_367, %swap3A_368] {strides = array<i32>} : memref<4x128xi32, #tpu.memory_space<vmem>>, vector<1x16xi32>,
        %swap3A_370 = vector.shape_cast %swap3A_369 : vector<1x16xi32> to vector<16xi32>
        %swap3A_371 = vector.shape_cast %select_n3A_366 : vector<16xi32> to vector<1x16xi32>
        tpu.vector_store %arg10[%swap3A_367, %swap3A_368], %swap3A_371 {strides = array<i32>} : memref<4x128xi32, #tpu.memory_space<vmem>>, vector<1x16xi32>,
        %mul3A_372 = arith.constant 128 : i32
        %mul3A_373 = arith.muli %add3A_234, %mul3A_372 : i32
        %add3A_374 = arith.constant 96 : i32
        %add3A_375 = arith.addi %mul3A_373, %add3A_374 : i32
        %get3A_376 = arith.index_cast %add3A_375 : i32 to index
        %get3A_377 = tpu.vector_load %arg9[%get3A_376] {strides = array<i32>} : memref<512xi32, #tpu.memory_space<vmem>>, vector<16xi32>,
        %get3A_378 = vector.shape_cast %get3A_377 : vector<16xi32> to vector<16xi32>
        %sub3A_379 = vector.broadcast %mul3A_25 : i32 to vector<16xi32>
        %sub3A_380 = arith.subi %get3A_378, %sub3A_379 : vector<16xi32>
        %lt3A_381 = arith.constant 0 : i32
        %lt3A_382 = vector.broadcast %lt3A_381 : i32 to vector<16xi32>
        %lt3A_383 = arith.cmpi slt, %sub3A_380, %lt3A_382 : vector<16xi32>
        %ge3A_384 = arith.constant 5120 : i32
        %ge3A_385 = vector.broadcast %ge3A_384 : i32 to vector<16xi32>
        %ge3A_386 = arith.cmpi sge, %sub3A_380, %ge3A_385 : vector<16xi32>
        %or3A_387 = arith.ori %lt3A_383, %ge3A_386 : vector<16xi1>
        %jit3A_388 = arith.constant 5200 : i32
        %broadcast_in_dim3A_389 = vector.broadcast %jit3A_388 : i32 to vector<16xi32>
        %select_n3A_390 = arith.select %or3A_387, %broadcast_in_dim3A_389, %sub3A_380 : vector<16xi1>, vector<16xi32>
        %swap3A_391 = arith.index_cast %add3A_234 : i32 to index
        %swap3A_392 = arith.constant 96 : index
        %swap3A_393 = tpu.vector_load %arg10[%swap3A_391, %swap3A_392] {strides = array<i32>} : memref<4x128xi32, #tpu.memory_space<vmem>>, vector<1x16xi32>,
        %swap3A_394 = vector.shape_cast %swap3A_393 : vector<1x16xi32> to vector<16xi32>
        %swap3A_395 = vector.shape_cast %select_n3A_390 : vector<16xi32> to vector<1x16xi32>
        tpu.vector_store %arg10[%swap3A_391, %swap3A_392], %swap3A_395 {strides = array<i32>} : memref<4x128xi32, #tpu.memory_space<vmem>>, vector<1x16xi32>,
        %mul3A_396 = arith.constant 128 : i32
        %mul3A_397 = arith.muli %add3A_234, %mul3A_396 : i32
        %add3A_398 = arith.constant 112 : i32
        %add3A_399 = arith.addi %mul3A_397, %add3A_398 : i32
        %get3A_400 = arith.index_cast %add3A_399 : i32 to index
        %get3A_401 = tpu.vector_load %arg9[%get3A_400] {strides = array<i32>} : memref<512xi32, #tpu.memory_space<vmem>>, vector<16xi32>,
        %get3A_402 = vector.shape_cast %get3A_401 : vector<16xi32> to vector<16xi32>
        %sub3A_403 = vector.broadcast %mul3A_25 : i32 to vector<16xi32>
        %sub3A_404 = arith.subi %get3A_402, %sub3A_403 : vector<16xi32>
        %lt3A_405 = arith.constant 0 : i32
        %lt3A_406 = vector.broadcast %lt3A_405 : i32 to vector<16xi32>
        %lt3A_407 = arith.cmpi slt, %sub3A_404, %lt3A_406 : vector<16xi32>
        %ge3A_408 = arith.constant 5120 : i32
        %ge3A_409 = vector.broadcast %ge3A_408 : i32 to vector<16xi32>
        %ge3A_410 = arith.cmpi sge, %sub3A_404, %ge3A_409 : vector<16xi32>
        %or3A_411 = arith.ori %lt3A_407, %ge3A_410 : vector<16xi1>
        %jit3A_412 = arith.constant 5200 : i32
        %broadcast_in_dim3A_413 = vector.broadcast %jit3A_412 : i32 to vector<16xi32>
        %select_n3A_414 = arith.select %or3A_411, %broadcast_in_dim3A_413, %sub3A_404 : vector<16xi1>, vector<16xi32>
        %swap3A_415 = arith.index_cast %add3A_234 : i32 to index
        %swap3A_416 = arith.constant 112 : index
        %swap3A_417 = tpu.vector_load %arg10[%swap3A_415, %swap3A_416] {strides = array<i32>} : memref<4x128xi32, #tpu.memory_space<vmem>>, vector<1x16xi32>,
        %swap3A_418 = vector.shape_cast %swap3A_417 : vector<1x16xi32> to vector<16xi32>
        %swap3A_419 = vector.shape_cast %select_n3A_414 : vector<16xi32> to vector<1x16xi32>
        tpu.vector_store %arg10[%swap3A_415, %swap3A_416], %swap3A_419 {strides = array<i32>} : memref<4x128xi32, #tpu.memory_space<vmem>>, vector<1x16xi32>,
      }
      %scan3A_45 = arith.constant 4 : i32
      %dma_start3A = arith.constant 0 : i32
      %dma_start3A_46 = arith.constant 0 : i32
      %dma_start3A_47 = arith.constant 0 : i32
      %dma_start3A_48 = tpu.memref_slice %arg11[%dma_start3A, %dma_start3A_46, %dma_start3A_47] : memref<2x256x144xf32, #tpu.memory_space<vmem>> -> memref<1x256x144xf32, #tpu.memory_space<vmem>>
      %dma_start3A_49 = tpu.memref_squeeze %dma_start3A_48 : memref<1x256x144xf32, #tpu.memory_space<vmem>> -> memref<256x144xf32, #tpu.memory_space<vmem>>
      %dma_start3A_50 = arith.constant 0 : i32
      %dma_start3A_51 = tpu.memref_slice %arg8[%dma_start3A_50] : memref<512xi32, #tpu.memory_space<vmem>> -> memref<256xi32, #tpu.memory_space<vmem>>
      %dma_start3A_52 = arith.constant 0 : i32
      %dma_start3A_53 = arith.constant 0 : i32
      %dma_start3A_54 = tpu.memref_slice %arg2[%dma_start3A_52, %dma_start3A_53] : memref<10240x144xf32, #tpu.memory_space<hbm>> -> memref<10240x144xf32, #tpu.memory_space<hbm>>
      tpu.enqueue_indirect_dma source(%dma_start3A_54 : memref<10240x144xf32, #tpu.memory_space<hbm>>) target(%dma_start3A_49 : memref<256x144xf32, #tpu.memory_space<vmem>>) offsets(%dma_start3A_51 : memref<256xi32, #tpu.memory_space<vmem>>) semaphore(%arg14 : memref<!tpu.dma_semaphore, #tpu.memory_space<semaphore_mem>>)
      %dma_start3A_55 = arith.constant 0 : i32
      %dma_start3A_56 = arith.constant 0 : i32
      %dma_start3A_57 = arith.constant 0 : i32
      %dma_start3A_58 = tpu.memref_slice %arg12[%dma_start3A_55, %dma_start3A_56, %dma_start3A_57] : memref<2x256x16xf32, #tpu.memory_space<vmem>> -> memref<1x256x16xf32, #tpu.memory_space<vmem>>
      %dma_start3A_59 = tpu.memref_squeeze %dma_start3A_58 : memref<1x256x16xf32, #tpu.memory_space<vmem>> -> memref<256x16xf32, #tpu.memory_space<vmem>>
      %dma_start3A_60 = arith.constant 0 : i32
      %dma_start3A_61 = tpu.memref_slice %arg9[%dma_start3A_60] : memref<512xi32, #tpu.memory_space<vmem>> -> memref<256xi32, #tpu.memory_space<vmem>>
      %dma_start3A_62 = arith.constant 0 : i32
      %dma_start3A_63 = arith.constant 0 : i32
      %dma_start3A_64 = tpu.memref_slice %arg3[%dma_start3A_62, %dma_start3A_63] : memref<10240x16xf32, #tpu.memory_space<hbm>> -> memref<10240x16xf32, #tpu.memory_space<hbm>>
      tpu.enqueue_indirect_dma source(%dma_start3A_64 : memref<10240x16xf32, #tpu.memory_space<hbm>>) target(%dma_start3A_59 : memref<256x16xf32, #tpu.memory_space<vmem>>) offsets(%dma_start3A_61 : memref<256xi32, #tpu.memory_space<vmem>>) semaphore(%arg14 : memref<!tpu.dma_semaphore, #tpu.memory_space<semaphore_mem>>)
      %dma_start3A_65 = arith.constant 1 : i32
      %dma_start3A_66 = arith.constant 0 : i32
      %dma_start3A_67 = arith.constant 0 : i32
      %dma_start3A_68 = tpu.memref_slice %arg11[%dma_start3A_65, %dma_start3A_66, %dma_start3A_67] : memref<2x256x144xf32, #tpu.memory_space<vmem>> -> memref<1x256x144xf32, #tpu.memory_space<vmem>>
      %dma_start3A_69 = tpu.memref_squeeze %dma_start3A_68 : memref<1x256x144xf32, #tpu.memory_space<vmem>> -> memref<256x144xf32, #tpu.memory_space<vmem>>
      %dma_start3A_70 = arith.constant 256 : i32
      %dma_start3A_71 = tpu.memref_slice %arg8[%dma_start3A_70] : memref<512xi32, #tpu.memory_space<vmem>> -> memref<256xi32, #tpu.memory_space<vmem>>
      %dma_start3A_72 = arith.constant 0 : i32
      %dma_start3A_73 = arith.constant 0 : i32
      %dma_start3A_74 = tpu.memref_slice %arg2[%dma_start3A_72, %dma_start3A_73] : memref<10240x144xf32, #tpu.memory_space<hbm>> -> memref<10240x144xf32, #tpu.memory_space<hbm>>
      tpu.enqueue_indirect_dma source(%dma_start3A_74 : memref<10240x144xf32, #tpu.memory_space<hbm>>) target(%dma_start3A_69 : memref<256x144xf32, #tpu.memory_space<vmem>>) offsets(%dma_start3A_71 : memref<256xi32, #tpu.memory_space<vmem>>) semaphore(%arg15 : memref<!tpu.dma_semaphore, #tpu.memory_space<semaphore_mem>>)
      %dma_start3A_75 = arith.constant 1 : i32
      %dma_start3A_76 = arith.constant 0 : i32
      %dma_start3A_77 = arith.constant 0 : i32
      %dma_start3A_78 = tpu.memref_slice %arg12[%dma_start3A_75, %dma_start3A_76, %dma_start3A_77] : memref<2x256x16xf32, #tpu.memory_space<vmem>> -> memref<1x256x16xf32, #tpu.memory_space<vmem>>
      %dma_start3A_79 = tpu.memref_squeeze %dma_start3A_78 : memref<1x256x16xf32, #tpu.memory_space<vmem>> -> memref<256x16xf32, #tpu.memory_space<vmem>>
      %dma_start3A_80 = arith.constant 256 : i32
      %dma_start3A_81 = tpu.memref_slice %arg9[%dma_start3A_80] : memref<512xi32, #tpu.memory_space<vmem>> -> memref<256xi32, #tpu.memory_space<vmem>>
      %dma_start3A_82 = arith.constant 0 : i32
      %dma_start3A_83 = arith.constant 0 : i32
      %dma_start3A_84 = tpu.memref_slice %arg3[%dma_start3A_82, %dma_start3A_83] : memref<10240x16xf32, #tpu.memory_space<hbm>> -> memref<10240x16xf32, #tpu.memory_space<hbm>>
      tpu.enqueue_indirect_dma source(%dma_start3A_84 : memref<10240x16xf32, #tpu.memory_space<hbm>>) target(%dma_start3A_79 : memref<256x16xf32, #tpu.memory_space<vmem>>) offsets(%dma_start3A_81 : memref<256xi32, #tpu.memory_space<vmem>>) semaphore(%arg15 : memref<!tpu.dma_semaphore, #tpu.memory_space<semaphore_mem>>)
      %dma_wait3A = arith.constant 0 : i32
      %dma_wait3A_85 = arith.constant 0 : i32
      %dma_wait3A_86 = arith.constant 0 : i32
      %dma_wait3A_87 = tpu.memref_slice %arg11[%dma_wait3A, %dma_wait3A_85, %dma_wait3A_86] : memref<2x256x144xf32, #tpu.memory_space<vmem>> -> memref<1x256x144xf32, #tpu.memory_space<vmem>>
      %dma_wait3A_88 = tpu.memref_squeeze %dma_wait3A_87 : memref<1x256x144xf32, #tpu.memory_space<vmem>> -> memref<256x144xf32, #tpu.memory_space<vmem>>
      %dma_wait3A_89 = arith.constant 0 : i32
      %dma_wait3A_90 = tpu.memref_slice %arg8[%dma_wait3A_89] : memref<512xi32, #tpu.memory_space<vmem>> -> memref<256xi32, #tpu.memory_space<vmem>>
      %dma_wait3A_91 = arith.constant 0 : i32
      %dma_wait3A_92 = arith.constant 0 : i32
      %dma_wait3A_93 = tpu.memref_slice %arg2[%dma_wait3A_91, %dma_wait3A_92] : memref<10240x144xf32, #tpu.memory_space<hbm>> -> memref<10240x144xf32, #tpu.memory_space<hbm>>
      tpu.wait_indirect_dma semaphore(%arg14 : memref<!tpu.dma_semaphore, #tpu.memory_space<semaphore_mem>>) src(%dma_wait3A_93 : memref<10240x144xf32, #tpu.memory_space<hbm>>) dst(%dma_wait3A_88 : memref<256x144xf32, #tpu.memory_space<vmem>>)
      %dma_wait3A_94 = arith.constant 0 : i32
      %dma_wait3A_95 = arith.constant 0 : i32
      %dma_wait3A_96 = arith.constant 0 : i32
      %dma_wait3A_97 = tpu.memref_slice %arg12[%dma_wait3A_94, %dma_wait3A_95, %dma_wait3A_96] : memref<2x256x16xf32, #tpu.memory_space<vmem>> -> memref<1x256x16xf32, #tpu.memory_space<vmem>>
      %dma_wait3A_98 = tpu.memref_squeeze %dma_wait3A_97 : memref<1x256x16xf32, #tpu.memory_space<vmem>> -> memref<256x16xf32, #tpu.memory_space<vmem>>
      %dma_wait3A_99 = arith.constant 0 : i32
      %dma_wait3A_100 = tpu.memref_slice %arg9[%dma_wait3A_99] : memref<512xi32, #tpu.memory_space<vmem>> -> memref<256xi32, #tpu.memory_space<vmem>>
      %dma_wait3A_101 = arith.constant 0 : i32
      %dma_wait3A_102 = arith.constant 0 : i32
      %dma_wait3A_103 = tpu.memref_slice %arg3[%dma_wait3A_101, %dma_wait3A_102] : memref<10240x16xf32, #tpu.memory_space<hbm>> -> memref<10240x16xf32, #tpu.memory_space<hbm>>
      tpu.wait_indirect_dma semaphore(%arg14 : memref<!tpu.dma_semaphore, #tpu.memory_space<semaphore_mem>>) src(%dma_wait3A_103 : memref<10240x16xf32, #tpu.memory_space<hbm>>) dst(%dma_wait3A_98 : memref<256x16xf32, #tpu.memory_space<vmem>>)
      %scan3A_104 = arith.constant 0 : i32
      %scan3A_105 = arith.constant 256 : i32
      %scan3A_106 = arith.addi %scan3A_104, %scan3A_105 : i32
      %scan3A_107 = arith.constant 4 : i32
      scf.for %scan3A_230 = %scan3A_104 to %scan3A_106 step %scan3A_107  : i32 {
        %mul3A_231 = arith.constant 1 : i32
        %mul3A_232 = arith.muli %scan3A_230, %mul3A_231 : i32
        %add3A_233 = arith.constant 0 : i32
        %add3A_234 = arith.addi %add3A_233, %mul3A_232 : i32
        %get3A = arith.constant 0 : i32
        %get3A_235 = arith.index_cast %get3A : i32 to index
        %get3A_236 = arith.index_cast %add3A_234 : i32 to index
        %get3A_237 = arith.constant 128 : index
        %get3A_238 = tpu.vector_load %arg11[%get3A_235, %get3A_236, %get3A_237] {strides = array<i32>} : memref<2x256x144xf32, #tpu.memory_space<vmem>>, vector<1x1x16xf32>,
        %get3A_239 = vector.shape_cast %get3A_238 : vector<1x1x16xf32> to vector<16xf32>
        %get3A_240 = arith.constant 0 : i32
        %get3A_241 = arith.index_cast %get3A_240 : i32 to index
        %get3A_242 = arith.index_cast %add3A_234 : i32 to index
        %get3A_243 = arith.constant 0 : index
        %get3A_244 = tpu.vector_load %arg12[%get3A_241, %get3A_242, %get3A_243] {strides = array<i32>} : memref<2x256x16xf32, #tpu.memory_space<vmem>>, vector<1x1x16xf32>,
        %get3A_245 = vector.shape_cast %get3A_244 : vector<1x1x16xf32> to vector<16xf32>
        %add3A_246 = arith.addf %get3A_239, %get3A_245 : vector<16xf32>
        %ge3A = arith.constant 0.000000e+00 : f32
        %ge3A_247 = vector.broadcast %ge3A : f32 to vector<16xf32>
        %ge3A_248 = arith.cmpf oge, %add3A_246, %ge3A_247 : vector<16xf32>
        %mul3A_249 = arith.constant 2.000000e-01 : f32
        %mul3A_250 = vector.broadcast %mul3A_249 : f32 to vector<16xf32>
        %mul3A_251 = arith.mulf %mul3A_250, %add3A_246 : vector<16xf32>
        %select_n3A = arith.select %ge3A_248, %add3A_246, %mul3A_251 : vector<16xi1>, vector<16xf32>
        %exp3A = math.exp %select_n3A : vector<16xf32>
        %swap3A = arith.constant 0 : i32
        %swap3A_252 = arith.index_cast %swap3A : i32 to index
        %swap3A_253 = arith.index_cast %add3A_234 : i32 to index
        %swap3A_254 = arith.constant 128 : index
        %swap3A_255 = tpu.vector_load %arg11[%swap3A_252, %swap3A_253, %swap3A_254] {strides = array<i32>} : memref<2x256x144xf32, #tpu.memory_space<vmem>>, vector<1x1x16xf32>,
        %swap3A_256 = vector.shape_cast %swap3A_255 : vector<1x1x16xf32> to vector<16xf32>
        %swap3A_257 = vector.shape_cast %exp3A : vector<16xf32> to vector<1x1x16xf32>
        tpu.vector_store %arg11[%swap3A_252, %swap3A_253, %swap3A_254], %swap3A_257 {strides = array<i32>} : memref<2x256x144xf32, #tpu.memory_space<vmem>>, vector<1x1x16xf32>,
        %broadcast_in_dim3A_258 = vector.shape_cast %broadcast_in_dim3A_23 : vector<16xi32> to vector<16x1xi32>
        %gather3A = vector.shape_cast %broadcast_in_dim3A_258 : vector<16x1xi32> to vector<16xi32>
        %gather3A_259 = tpu.dynamic_gather %exp3A[%gather3A] in [0] : vector<16xf32>, vector<16xi32> -> vector<16xf32>
        %get3A_260 = arith.constant 0 : i32
        %get3A_261 = arith.index_cast %get3A_260 : i32 to index
        %get3A_262 = arith.index_cast %add3A_234 : i32 to index
        %get3A_263 = arith.constant 0 : index
        %get3A_264 = tpu.vector_load %arg11[%get3A_261, %get3A_262, %get3A_263] {strides = array<i32>} : memref<2x256x144xf32, #tpu.memory_space<vmem>>, vector<1x1x16xf32>,
        %get3A_265 = vector.shape_cast %get3A_264 : vector<1x1x16xf32> to vector<16xf32>
        %mul3A_266 = arith.mulf %get3A_265, %gather3A_259 : vector<16xf32>
        %swap3A_267 = arith.constant 0 : i32
        %swap3A_268 = arith.index_cast %swap3A_267 : i32 to index
        %swap3A_269 = arith.index_cast %add3A_234 : i32 to index
        %swap3A_270 = arith.constant 0 : index
        %swap3A_271 = tpu.vector_load %arg11[%swap3A_268, %swap3A_269, %swap3A_270] {strides = array<i32>} : memref<2x256x144xf32, #tpu.memory_space<vmem>>, vector<1x1x16xf32>,
        %swap3A_272 = vector.shape_cast %swap3A_271 : vector<1x1x16xf32> to vector<16xf32>
        %swap3A_273 = vector.shape_cast %mul3A_266 : vector<16xf32> to vector<1x1x16xf32>
        tpu.vector_store %arg11[%swap3A_268, %swap3A_269, %swap3A_270], %swap3A_273 {strides = array<i32>} : memref<2x256x144xf32, #tpu.memory_space<vmem>>, vector<1x1x16xf32>,
        %get3A_274 = arith.constant 0 : i32
        %get3A_275 = arith.index_cast %get3A_274 : i32 to index
        %get3A_276 = arith.index_cast %add3A_234 : i32 to index
        %get3A_277 = arith.constant 16 : index
        %get3A_278 = tpu.vector_load %arg11[%get3A_275, %get3A_276, %get3A_277] {strides = array<i32>} : memref<2x256x144xf32, #tpu.memory_space<vmem>>, vector<1x1x16xf32>,
        %get3A_279 = vector.shape_cast %get3A_278 : vector<1x1x16xf32> to vector<16xf32>
        %mul3A_280 = arith.mulf %get3A_279, %gather3A_259 : vector<16xf32>
        %swap3A_281 = arith.constant 0 : i32
        %swap3A_282 = arith.index_cast %swap3A_281 : i32 to index
        %swap3A_283 = arith.index_cast %add3A_234 : i32 to index
        %swap3A_284 = arith.constant 16 : index
        %swap3A_285 = tpu.vector_load %arg11[%swap3A_282, %swap3A_283, %swap3A_284] {strides = array<i32>} : memref<2x256x144xf32, #tpu.memory_space<vmem>>, vector<1x1x16xf32>,
        %swap3A_286 = vector.shape_cast %swap3A_285 : vector<1x1x16xf32> to vector<16xf32>
        %swap3A_287 = vector.shape_cast %mul3A_280 : vector<16xf32> to vector<1x1x16xf32>
        tpu.vector_store %arg11[%swap3A_282, %swap3A_283, %swap3A_284], %swap3A_287 {strides = array<i32>} : memref<2x256x144xf32, #tpu.memory_space<vmem>>, vector<1x1x16xf32>,
        %get3A_288 = arith.constant 0 : i32
        %get3A_289 = arith.index_cast %get3A_288 : i32 to index
        %get3A_290 = arith.index_cast %add3A_234 : i32 to index
        %get3A_291 = arith.constant 32 : index
        %get3A_292 = tpu.vector_load %arg11[%get3A_289, %get3A_290, %get3A_291] {strides = array<i32>} : memref<2x256x144xf32, #tpu.memory_space<vmem>>, vector<1x1x16xf32>,
        %get3A_293 = vector.shape_cast %get3A_292 : vector<1x1x16xf32> to vector<16xf32>
        %mul3A_294 = arith.mulf %get3A_293, %gather3A_259 : vector<16xf32>
        %swap3A_295 = arith.constant 0 : i32
        %swap3A_296 = arith.index_cast %swap3A_295 : i32 to index
        %swap3A_297 = arith.index_cast %add3A_234 : i32 to index
        %swap3A_298 = arith.constant 32 : index
        %swap3A_299 = tpu.vector_load %arg11[%swap3A_296, %swap3A_297, %swap3A_298] {strides = array<i32>} : memref<2x256x144xf32, #tpu.memory_space<vmem>>, vector<1x1x16xf32>,
        %swap3A_300 = vector.shape_cast %swap3A_299 : vector<1x1x16xf32> to vector<16xf32>
        %swap3A_301 = vector.shape_cast %mul3A_294 : vector<16xf32> to vector<1x1x16xf32>
        tpu.vector_store %arg11[%swap3A_296, %swap3A_297, %swap3A_298], %swap3A_301 {strides = array<i32>} : memref<2x256x144xf32, #tpu.memory_space<vmem>>, vector<1x1x16xf32>,
        %get3A_302 = arith.constant 0 : i32
        %get3A_303 = arith.index_cast %get3A_302 : i32 to index
        %get3A_304 = arith.index_cast %add3A_234 : i32 to index
        %get3A_305 = arith.constant 48 : index
        %get3A_306 = tpu.vector_load %arg11[%get3A_303, %get3A_304, %get3A_305] {strides = array<i32>} : memref<2x256x144xf32, #tpu.memory_space<vmem>>, vector<1x1x16xf32>,
        %get3A_307 = vector.shape_cast %get3A_306 : vector<1x1x16xf32> to vector<16xf32>
        %mul3A_308 = arith.mulf %get3A_307, %gather3A_259 : vector<16xf32>
        %swap3A_309 = arith.constant 0 : i32
        %swap3A_310 = arith.index_cast %swap3A_309 : i32 to index
        %swap3A_311 = arith.index_cast %add3A_234 : i32 to index
        %swap3A_312 = arith.constant 48 : index
        %swap3A_313 = tpu.vector_load %arg11[%swap3A_310, %swap3A_311, %swap3A_312] {strides = array<i32>} : memref<2x256x144xf32, #tpu.memory_space<vmem>>, vector<1x1x16xf32>,
        %swap3A_314 = vector.shape_cast %swap3A_313 : vector<1x1x16xf32> to vector<16xf32>
        %swap3A_315 = vector.shape_cast %mul3A_308 : vector<16xf32> to vector<1x1x16xf32>
        tpu.vector_store %arg11[%swap3A_310, %swap3A_311, %swap3A_312], %swap3A_315 {strides = array<i32>} : memref<2x256x144xf32, #tpu.memory_space<vmem>>, vector<1x1x16xf32>,
        %get3A_316 = arith.constant 0 : i32
        %get3A_317 = arith.index_cast %get3A_316 : i32 to index
        %get3A_318 = arith.index_cast %add3A_234 : i32 to index
        %get3A_319 = arith.constant 64 : index
        %get3A_320 = tpu.vector_load %arg11[%get3A_317, %get3A_318, %get3A_319] {strides = array<i32>} : memref<2x256x144xf32, #tpu.memory_space<vmem>>, vector<1x1x16xf32>,
        %get3A_321 = vector.shape_cast %get3A_320 : vector<1x1x16xf32> to vector<16xf32>
        %mul3A_322 = arith.mulf %get3A_321, %gather3A_259 : vector<16xf32>
        %swap3A_323 = arith.constant 0 : i32
        %swap3A_324 = arith.index_cast %swap3A_323 : i32 to index
        %swap3A_325 = arith.index_cast %add3A_234 : i32 to index
        %swap3A_326 = arith.constant 64 : index
        %swap3A_327 = tpu.vector_load %arg11[%swap3A_324, %swap3A_325, %swap3A_326] {strides = array<i32>} : memref<2x256x144xf32, #tpu.memory_space<vmem>>, vector<1x1x16xf32>,
        %swap3A_328 = vector.shape_cast %swap3A_327 : vector<1x1x16xf32> to vector<16xf32>
        %swap3A_329 = vector.shape_cast %mul3A_322 : vector<16xf32> to vector<1x1x16xf32>
        tpu.vector_store %arg11[%swap3A_324, %swap3A_325, %swap3A_326], %swap3A_329 {strides = array<i32>} : memref<2x256x144xf32, #tpu.memory_space<vmem>>, vector<1x1x16xf32>,
        %get3A_330 = arith.constant 0 : i32
        %get3A_331 = arith.index_cast %get3A_330 : i32 to index
        %get3A_332 = arith.index_cast %add3A_234 : i32 to index
        %get3A_333 = arith.constant 80 : index
        %get3A_334 = tpu.vector_load %arg11[%get3A_331, %get3A_332, %get3A_333] {strides = array<i32>} : memref<2x256x144xf32, #tpu.memory_space<vmem>>, vector<1x1x16xf32>,
        %get3A_335 = vector.shape_cast %get3A_334 : vector<1x1x16xf32> to vector<16xf32>
        %mul3A_336 = arith.mulf %get3A_335, %gather3A_259 : vector<16xf32>
        %swap3A_337 = arith.constant 0 : i32
        %swap3A_338 = arith.index_cast %swap3A_337 : i32 to index
        %swap3A_339 = arith.index_cast %add3A_234 : i32 to index
        %swap3A_340 = arith.constant 80 : index
        %swap3A_341 = tpu.vector_load %arg11[%swap3A_338, %swap3A_339, %swap3A_340] {strides = array<i32>} : memref<2x256x144xf32, #tpu.memory_space<vmem>>, vector<1x1x16xf32>,
        %swap3A_342 = vector.shape_cast %swap3A_341 : vector<1x1x16xf32> to vector<16xf32>
        %swap3A_343 = vector.shape_cast %mul3A_336 : vector<16xf32> to vector<1x1x16xf32>
        tpu.vector_store %arg11[%swap3A_338, %swap3A_339, %swap3A_340], %swap3A_343 {strides = array<i32>} : memref<2x256x144xf32, #tpu.memory_space<vmem>>, vector<1x1x16xf32>,
        %get3A_344 = arith.constant 0 : i32
        %get3A_345 = arith.index_cast %get3A_344 : i32 to index
        %get3A_346 = arith.index_cast %add3A_234 : i32 to index
        %get3A_347 = arith.constant 96 : index
        %get3A_348 = tpu.vector_load %arg11[%get3A_345, %get3A_346, %get3A_347] {strides = array<i32>} : memref<2x256x144xf32, #tpu.memory_space<vmem>>, vector<1x1x16xf32>,
        %get3A_349 = vector.shape_cast %get3A_348 : vector<1x1x16xf32> to vector<16xf32>
        %mul3A_350 = arith.mulf %get3A_349, %gather3A_259 : vector<16xf32>
        %swap3A_351 = arith.constant 0 : i32
        %swap3A_352 = arith.index_cast %swap3A_351 : i32 to index
        %swap3A_353 = arith.index_cast %add3A_234 : i32 to index
        %swap3A_354 = arith.constant 96 : index
        %swap3A_355 = tpu.vector_load %arg11[%swap3A_352, %swap3A_353, %swap3A_354] {strides = array<i32>} : memref<2x256x144xf32, #tpu.memory_space<vmem>>, vector<1x1x16xf32>,
        %swap3A_356 = vector.shape_cast %swap3A_355 : vector<1x1x16xf32> to vector<16xf32>
        %swap3A_357 = vector.shape_cast %mul3A_350 : vector<16xf32> to vector<1x1x16xf32>
        tpu.vector_store %arg11[%swap3A_352, %swap3A_353, %swap3A_354], %swap3A_357 {strides = array<i32>} : memref<2x256x144xf32, #tpu.memory_space<vmem>>, vector<1x1x16xf32>,
        %get3A_358 = arith.constant 0 : i32
        %get3A_359 = arith.index_cast %get3A_358 : i32 to index
        %get3A_360 = arith.index_cast %add3A_234 : i32 to index
        %get3A_361 = arith.constant 112 : index
        %get3A_362 = tpu.vector_load %arg11[%get3A_359, %get3A_360, %get3A_361] {strides = array<i32>} : memref<2x256x144xf32, #tpu.memory_space<vmem>>, vector<1x1x16xf32>,
        %get3A_363 = vector.shape_cast %get3A_362 : vector<1x1x16xf32> to vector<16xf32>
        %mul3A_364 = arith.mulf %get3A_363, %gather3A_259 : vector<16xf32>
        %swap3A_365 = arith.constant 0 : i32
        %swap3A_366 = arith.index_cast %swap3A_365 : i32 to index
        %swap3A_367 = arith.index_cast %add3A_234 : i32 to index
        %swap3A_368 = arith.constant 112 : index
        %swap3A_369 = tpu.vector_load %arg11[%swap3A_366, %swap3A_367, %swap3A_368] {strides = array<i32>} : memref<2x256x144xf32, #tpu.memory_space<vmem>>, vector<1x1x16xf32>,
        %swap3A_370 = vector.shape_cast %swap3A_369 : vector<1x1x16xf32> to vector<16xf32>
        %swap3A_371 = vector.shape_cast %mul3A_364 : vector<16xf32> to vector<1x1x16xf32>
        tpu.vector_store %arg11[%swap3A_366, %swap3A_367, %swap3A_368], %swap3A_371 {strides = array<i32>} : memref<2x256x144xf32, #tpu.memory_space<vmem>>, vector<1x1x16xf32>,
        %scan3A_372 = arith.constant 1 : i32
        %scan3A_373 = arith.addi %scan3A_230, %scan3A_372 : i32
        %mul3A_374 = arith.constant 1 : i32
        %mul3A_375 = arith.muli %scan3A_373, %mul3A_374 : i32
        %add3A_376 = arith.constant 0 : i32
        %add3A_377 = arith.addi %add3A_376, %mul3A_375 : i32
        %get3A_378 = arith.constant 0 : i32
        %get3A_379 = arith.index_cast %get3A_378 : i32 to index
        %get3A_380 = arith.index_cast %add3A_377 : i32 to index
        %get3A_381 = arith.constant 128 : index
        %get3A_382 = tpu.vector_load %arg11[%get3A_379, %get3A_380, %get3A_381] {strides = array<i32>} : memref<2x256x144xf32, #tpu.memory_space<vmem>>, vector<1x1x16xf32>,
        %get3A_383 = vector.shape_cast %get3A_382 : vector<1x1x16xf32> to vector<16xf32>
        %get3A_384 = arith.constant 0 : i32
        %get3A_385 = arith.index_cast %get3A_384 : i32 to index
        %get3A_386 = arith.index_cast %add3A_377 : i32 to index
        %get3A_387 = arith.constant 0 : index
        %get3A_388 = tpu.vector_load %arg12[%get3A_385, %get3A_386, %get3A_387] {strides = array<i32>} : memref<2x256x16xf32, #tpu.memory_space<vmem>>, vector<1x1x16xf32>,
        %get3A_389 = vector.shape_cast %get3A_388 : vector<1x1x16xf32> to vector<16xf32>
        %add3A_390 = arith.addf %get3A_383, %get3A_389 : vector<16xf32>
        %ge3A_391 = arith.constant 0.000000e+00 : f32
        %ge3A_392 = vector.broadcast %ge3A_391 : f32 to vector<16xf32>
        %ge3A_393 = arith.cmpf oge, %add3A_390, %ge3A_392 : vector<16xf32>
        %mul3A_394 = arith.constant 2.000000e-01 : f32
        %mul3A_395 = vector.broadcast %mul3A_394 : f32 to vector<16xf32>
        %mul3A_396 = arith.mulf %mul3A_395, %add3A_390 : vector<16xf32>
        %select_n3A_397 = arith.select %ge3A_393, %add3A_390, %mul3A_396 : vector<16xi1>, vector<16xf32>
        %exp3A_398 = math.exp %select_n3A_397 : vector<16xf32>
        %swap3A_399 = arith.constant 0 : i32
        %swap3A_400 = arith.index_cast %swap3A_399 : i32 to index
        %swap3A_401 = arith.index_cast %add3A_377 : i32 to index
        %swap3A_402 = arith.constant 128 : index
        %swap3A_403 = tpu.vector_load %arg11[%swap3A_400, %swap3A_401, %swap3A_402] {strides = array<i32>} : memref<2x256x144xf32, #tpu.memory_space<vmem>>, vector<1x1x16xf32>,
        %swap3A_404 = vector.shape_cast %swap3A_403 : vector<1x1x16xf32> to vector<16xf32>
        %swap3A_405 = vector.shape_cast %exp3A_398 : vector<16xf32> to vector<1x1x16xf32>
        tpu.vector_store %arg11[%swap3A_400, %swap3A_401, %swap3A_402], %swap3A_405 {strides = array<i32>} : memref<2x256x144xf32, #tpu.memory_space<vmem>>, vector<1x1x16xf32>,
        %broadcast_in_dim3A_406 = vector.shape_cast %broadcast_in_dim3A_23 : vector<16xi32> to vector<16x1xi32>
        %gather3A_407 = vector.shape_cast %broadcast_in_dim3A_406 : vector<16x1xi32> to vector<16xi32>
        %gather3A_408 = tpu.dynamic_gather %exp3A_398[%gather3A_407] in [0] : vector<16xf32>, vector<16xi32> -> vector<16xf32>
        %get3A_409 = arith.constant 0 : i32
        %get3A_410 = arith.index_cast %get3A_409 : i32 to index
        %get3A_411 = arith.index_cast %add3A_377 : i32 to index
        %get3A_412 = arith.constant 0 : index
        %get3A_413 = tpu.vector_load %arg11[%get3A_410, %get3A_411, %get3A_412] {strides = array<i32>} : memref<2x256x144xf32, #tpu.memory_space<vmem>>, vector<1x1x16xf32>,
        %get3A_414 = vector.shape_cast %get3A_413 : vector<1x1x16xf32> to vector<16xf32>
        %mul3A_415 = arith.mulf %get3A_414, %gather3A_408 : vector<16xf32>
        %swap3A_416 = arith.constant 0 : i32
        %swap3A_417 = arith.index_cast %swap3A_416 : i32 to index
        %swap3A_418 = arith.index_cast %add3A_377 : i32 to index
        %swap3A_419 = arith.constant 0 : index
        %swap3A_420 = tpu.vector_load %arg11[%swap3A_417, %swap3A_418, %swap3A_419] {strides = array<i32>} : memref<2x256x144xf32, #tpu.memory_space<vmem>>, vector<1x1x16xf32>,
        %swap3A_421 = vector.shape_cast %swap3A_420 : vector<1x1x16xf32> to vector<16xf32>
        %swap3A_422 = vector.shape_cast %mul3A_415 : vector<16xf32> to vector<1x1x16xf32>
        tpu.vector_store %arg11[%swap3A_417, %swap3A_418, %swap3A_419], %swap3A_422 {strides = array<i32>} : memref<2x256x144xf32, #tpu.memory_space<vmem>>, vector<1x1x16xf32>,
        %get3A_423 = arith.constant 0 : i32
        %get3A_424 = arith.index_cast %get3A_423 : i32 to index
        %get3A_425 = arith.index_cast %add3A_377 : i32 to index
        %get3A_426 = arith.constant 16 : index
        %get3A_427 = tpu.vector_load %arg11[%get3A_424, %get3A_425, %get3A_426] {strides = array<i32>} : memref<2x256x144xf32, #tpu.memory_space<vmem>>, vector<1x1x16xf32>,
        %get3A_428 = vector.shape_cast %get3A_427 : vector<1x1x16xf32> to vector<16xf32>
        %mul3A_429 = arith.mulf %get3A_428, %gather3A_408 : vector<16xf32>
        %swap3A_430 = arith.constant 0 : i32
        %swap3A_431 = arith.index_cast %swap3A_430 : i32 to index
        %swap3A_432 = arith.index_cast %add3A_377 : i32 to index
        %swap3A_433 = arith.constant 16 : index
        %swap3A_434 = tpu.vector_load %arg11[%swap3A_431, %swap3A_432, %swap3A_433] {strides = array<i32>} : memref<2x256x144xf32, #tpu.memory_space<vmem>>, vector<1x1x16xf32>,
        %swap3A_435 = vector.shape_cast %swap3A_434 : vector<1x1x16xf32> to vector<16xf32>
        %swap3A_436 = vector.shape_cast %mul3A_429 : vector<16xf32> to vector<1x1x16xf32>
        tpu.vector_store %arg11[%swap3A_431, %swap3A_432, %swap3A_433], %swap3A_436 {strides = array<i32>} : memref<2x256x144xf32, #tpu.memory_space<vmem>>, vector<1x1x16xf32>,
        %get3A_437 = arith.constant 0 : i32
        %get3A_438 = arith.index_cast %get3A_437 : i32 to index
        %get3A_439 = arith.index_cast %add3A_377 : i32 to index
        %get3A_440 = arith.constant 32 : index
        %get3A_441 = tpu.vector_load %arg11[%get3A_438, %get3A_439, %get3A_440] {strides = array<i32>} : memref<2x256x144xf32, #tpu.memory_space<vmem>>, vector<1x1x16xf32>,
        %get3A_442 = vector.shape_cast %get3A_441 : vector<1x1x16xf32> to vector<16xf32>
        %mul3A_443 = arith.mulf %get3A_442, %gather3A_408 : vector<16xf32>
        %swap3A_444 = arith.constant 0 : i32
        %swap3A_445 = arith.index_cast %swap3A_444 : i32 to index
        %swap3A_446 = arith.index_cast %add3A_377 : i32 to index
        %swap3A_447 = arith.constant 32 : index
        %swap3A_448 = tpu.vector_load %arg11[%swap3A_445, %swap3A_446, %swap3A_447] {strides = array<i32>} : memref<2x256x144xf32, #tpu.memory_space<vmem>>, vector<1x1x16xf32>,
        %swap3A_449 = vector.shape_cast %swap3A_448 : vector<1x1x16xf32> to vector<16xf32>
        %swap3A_450 = vector.shape_cast %mul3A_443 : vector<16xf32> to vector<1x1x16xf32>
        tpu.vector_store %arg11[%swap3A_445, %swap3A_446, %swap3A_447], %swap3A_450 {strides = array<i32>} : memref<2x256x144xf32, #tpu.memory_space<vmem>>, vector<1x1x16xf32>,
        %get3A_451 = arith.constant 0 : i32
        %get3A_452 = arith.index_cast %get3A_451 : i32 to index
        %get3A_453 = arith.index_cast %add3A_377 : i32 to index
        %get3A_454 = arith.constant 48 : index
        %get3A_455 = tpu.vector_load %arg11[%get3A_452, %get3A_453, %get3A_454] {strides = array<i32>} : memref<2x256x144xf32, #tpu.memory_space<vmem>>, vector<1x1x16xf32>,
        %get3A_456 = vector.shape_cast %get3A_455 : vector<1x1x16xf32> to vector<16xf32>
        %mul3A_457 = arith.mulf %get3A_456, %gather3A_408 : vector<16xf32>
        %swap3A_458 = arith.constant 0 : i32
        %swap3A_459 = arith.index_cast %swap3A_458 : i32 to index
        %swap3A_460 = arith.index_cast %add3A_377 : i32 to index
        %swap3A_461 = arith.constant 48 : index
        %swap3A_462 = tpu.vector_load %arg11[%swap3A_459, %swap3A_460, %swap3A_461] {strides = array<i32>} : memref<2x256x144xf32, #tpu.memory_space<vmem>>, vector<1x1x16xf32>,
        %swap3A_463 = vector.shape_cast %swap3A_462 : vector<1x1x16xf32> to vector<16xf32>
        %swap3A_464 = vector.shape_cast %mul3A_457 : vector<16xf32> to vector<1x1x16xf32>
        tpu.vector_store %arg11[%swap3A_459, %swap3A_460, %swap3A_461], %swap3A_464 {strides = array<i32>} : memref<2x256x144xf32, #tpu.memory_space<vmem>>, vector<1x1x16xf32>,
        %get3A_465 = arith.constant 0 : i32
        %get3A_466 = arith.index_cast %get3A_465 : i32 to index
        %get3A_467 = arith.index_cast %add3A_377 : i32 to index
        %get3A_468 = arith.constant 64 : index
        %get3A_469 = tpu.vector_load %arg11[%get3A_466, %get3A_467, %get3A_468] {strides = array<i32>} : memref<2x256x144xf32, #tpu.memory_space<vmem>>, vector<1x1x16xf32>,
        %get3A_470 = vector.shape_cast %get3A_469 : vector<1x1x16xf32> to vector<16xf32>
        %mul3A_471 = arith.mulf %get3A_470, %gather3A_408 : vector<16xf32>
        %swap3A_472 = arith.constant 0 : i32
        %swap3A_473 = arith.index_cast %swap3A_472 : i32 to index
        %swap3A_474 = arith.index_cast %add3A_377 : i32 to index
        %swap3A_475 = arith.constant 64 : index
        %swap3A_476 = tpu.vector_load %arg11[%swap3A_473, %swap3A_474, %swap3A_475] {strides = array<i32>} : memref<2x256x144xf32, #tpu.memory_space<vmem>>, vector<1x1x16xf32>,
        %swap3A_477 = vector.shape_cast %swap3A_476 : vector<1x1x16xf32> to vector<16xf32>
        %swap3A_478 = vector.shape_cast %mul3A_471 : vector<16xf32> to vector<1x1x16xf32>
        tpu.vector_store %arg11[%swap3A_473, %swap3A_474, %swap3A_475], %swap3A_478 {strides = array<i32>} : memref<2x256x144xf32, #tpu.memory_space<vmem>>, vector<1x1x16xf32>,
        %get3A_479 = arith.constant 0 : i32
        %get3A_480 = arith.index_cast %get3A_479 : i32 to index
        %get3A_481 = arith.index_cast %add3A_377 : i32 to index
        %get3A_482 = arith.constant 80 : index
        %get3A_483 = tpu.vector_load %arg11[%get3A_480, %get3A_481, %get3A_482] {strides = array<i32>} : memref<2x256x144xf32, #tpu.memory_space<vmem>>, vector<1x1x16xf32>,
        %get3A_484 = vector.shape_cast %get3A_483 : vector<1x1x16xf32> to vector<16xf32>
        %mul3A_485 = arith.mulf %get3A_484, %gather3A_408 : vector<16xf32>
        %swap3A_486 = arith.constant 0 : i32
        %swap3A_487 = arith.index_cast %swap3A_486 : i32 to index
        %swap3A_488 = arith.index_cast %add3A_377 : i32 to index
        %swap3A_489 = arith.constant 80 : index
        %swap3A_490 = tpu.vector_load %arg11[%swap3A_487, %swap3A_488, %swap3A_489] {strides = array<i32>} : memref<2x256x144xf32, #tpu.memory_space<vmem>>, vector<1x1x16xf32>,
        %swap3A_491 = vector.shape_cast %swap3A_490 : vector<1x1x16xf32> to vector<16xf32>
        %swap3A_492 = vector.shape_cast %mul3A_485 : vector<16xf32> to vector<1x1x16xf32>
        tpu.vector_store %arg11[%swap3A_487, %swap3A_488, %swap3A_489], %swap3A_492 {strides = array<i32>} : memref<2x256x144xf32, #tpu.memory_space<vmem>>, vector<1x1x16xf32>,
        %get3A_493 = arith.constant 0 : i32
        %get3A_494 = arith.index_cast %get3A_493 : i32 to index
        %get3A_495 = arith.index_cast %add3A_377 : i32 to index
        %get3A_496 = arith.constant 96 : index
        %get3A_497 = tpu.vector_load %arg11[%get3A_494, %get3A_495, %get3A_496] {strides = array<i32>} : memref<2x256x144xf32, #tpu.memory_space<vmem>>, vector<1x1x16xf32>,
        %get3A_498 = vector.shape_cast %get3A_497 : vector<1x1x16xf32> to vector<16xf32>
        %mul3A_499 = arith.mulf %get3A_498, %gather3A_408 : vector<16xf32>
        %swap3A_500 = arith.constant 0 : i32
        %swap3A_501 = arith.index_cast %swap3A_500 : i32 to index
        %swap3A_502 = arith.index_cast %add3A_377 : i32 to index
        %swap3A_503 = arith.constant 96 : index
        %swap3A_504 = tpu.vector_load %arg11[%swap3A_501, %swap3A_502, %swap3A_503] {strides = array<i32>} : memref<2x256x144xf32, #tpu.memory_space<vmem>>, vector<1x1x16xf32>,
        %swap3A_505 = vector.shape_cast %swap3A_504 : vector<1x1x16xf32> to vector<16xf32>
        %swap3A_506 = vector.shape_cast %mul3A_499 : vector<16xf32> to vector<1x1x16xf32>
        tpu.vector_store %arg11[%swap3A_501, %swap3A_502, %swap3A_503], %swap3A_506 {strides = array<i32>} : memref<2x256x144xf32, #tpu.memory_space<vmem>>, vector<1x1x16xf32>,
        %get3A_507 = arith.constant 0 : i32
        %get3A_508 = arith.index_cast %get3A_507 : i32 to index
        %get3A_509 = arith.index_cast %add3A_377 : i32 to index
        %get3A_510 = arith.constant 112 : index
        %get3A_511 = tpu.vector_load %arg11[%get3A_508, %get3A_509, %get3A_510] {strides = array<i32>} : memref<2x256x144xf32, #tpu.memory_space<vmem>>, vector<1x1x16xf32>,
        %get3A_512 = vector.shape_cast %get3A_511 : vector<1x1x16xf32> to vector<16xf32>
        %mul3A_513 = arith.mulf %get3A_512, %gather3A_408 : vector<16xf32>
        %swap3A_514 = arith.constant 0 : i32
        %swap3A_515 = arith.index_cast %swap3A_514 : i32 to index
        %swap3A_516 = arith.index_cast %add3A_377 : i32 to index
        %swap3A_517 = arith.constant 112 : index
        %swap3A_518 = tpu.vector_load %arg11[%swap3A_515, %swap3A_516, %swap3A_517] {strides = array<i32>} : memref<2x256x144xf32, #tpu.memory_space<vmem>>, vector<1x1x16xf32>,
        %swap3A_519 = vector.shape_cast %swap3A_518 : vector<1x1x16xf32> to vector<16xf32>
        %swap3A_520 = vector.shape_cast %mul3A_513 : vector<16xf32> to vector<1x1x16xf32>
        tpu.vector_store %arg11[%swap3A_515, %swap3A_516, %swap3A_517], %swap3A_520 {strides = array<i32>} : memref<2x256x144xf32, #tpu.memory_space<vmem>>, vector<1x1x16xf32>,
        %scan3A_521 = arith.constant 2 : i32
        %scan3A_522 = arith.addi %scan3A_230, %scan3A_521 : i32
        %mul3A_523 = arith.constant 1 : i32
        %mul3A_524 = arith.muli %scan3A_522, %mul3A_523 : i32
        %add3A_525 = arith.constant 0 : i32
        %add3A_526 = arith.addi %add3A_525, %mul3A_524 : i32
        %get3A_527 = arith.constant 0 : i32
        %get3A_528 = arith.index_cast %get3A_527 : i32 to index
        %get3A_529 = arith.index_cast %add3A_526 : i32 to index
        %get3A_530 = arith.constant 128 : index
        %get3A_531 = tpu.vector_load %arg11[%get3A_528, %get3A_529, %get3A_530] {strides = array<i32>} : memref<2x256x144xf32, #tpu.memory_space<vmem>>, vector<1x1x16xf32>,
        %get3A_532 = vector.shape_cast %get3A_531 : vector<1x1x16xf32> to vector<16xf32>
        %get3A_533 = arith.constant 0 : i32
        %get3A_534 = arith.index_cast %get3A_533 : i32 to index
        %get3A_535 = arith.index_cast %add3A_526 : i32 to index
        %get3A_536 = arith.constant 0 : index
        %get3A_537 = tpu.vector_load %arg12[%get3A_534, %get3A_535, %get3A_536] {strides = array<i32>} : memref<2x256x16xf32, #tpu.memory_space<vmem>>, vector<1x1x16xf32>,
        %get3A_538 = vector.shape_cast %get3A_537 : vector<1x1x16xf32> to vector<16xf32>
        %add3A_539 = arith.addf %get3A_532, %get3A_538 : vector<16xf32>
        %ge3A_540 = arith.constant 0.000000e+00 : f32
        %ge3A_541 = vector.broadcast %ge3A_540 : f32 to vector<16xf32>
        %ge3A_542 = arith.cmpf oge, %add3A_539, %ge3A_541 : vector<16xf32>
        %mul3A_543 = arith.constant 2.000000e-01 : f32
        %mul3A_544 = vector.broadcast %mul3A_543 : f32 to vector<16xf32>
        %mul3A_545 = arith.mulf %mul3A_544, %add3A_539 : vector<16xf32>
        %select_n3A_546 = arith.select %ge3A_542, %add3A_539, %mul3A_545 : vector<16xi1>, vector<16xf32>
        %exp3A_547 = math.exp %select_n3A_546 : vector<16xf32>
        %swap3A_548 = arith.constant 0 : i32
        %swap3A_549 = arith.index_cast %swap3A_548 : i32 to index
        %swap3A_550 = arith.index_cast %add3A_526 : i32 to index
        %swap3A_551 = arith.constant 128 : index
        %swap3A_552 = tpu.vector_load %arg11[%swap3A_549, %swap3A_550, %swap3A_551] {strides = array<i32>} : memref<2x256x144xf32, #tpu.memory_space<vmem>>, vector<1x1x16xf32>,
        %swap3A_553 = vector.shape_cast %swap3A_552 : vector<1x1x16xf32> to vector<16xf32>
        %swap3A_554 = vector.shape_cast %exp3A_547 : vector<16xf32> to vector<1x1x16xf32>
        tpu.vector_store %arg11[%swap3A_549, %swap3A_550, %swap3A_551], %swap3A_554 {strides = array<i32>} : memref<2x256x144xf32, #tpu.memory_space<vmem>>, vector<1x1x16xf32>,
        %broadcast_in_dim3A_555 = vector.shape_cast %broadcast_in_dim3A_23 : vector<16xi32> to vector<16x1xi32>
        %gather3A_556 = vector.shape_cast %broadcast_in_dim3A_555 : vector<16x1xi32> to vector<16xi32>
        %gather3A_557 = tpu.dynamic_gather %exp3A_547[%gather3A_556] in [0] : vector<16xf32>, vector<16xi32> -> vector<16xf32>
        %get3A_558 = arith.constant 0 : i32
        %get3A_559 = arith.index_cast %get3A_558 : i32 to index
        %get3A_560 = arith.index_cast %add3A_526 : i32 to index
        %get3A_561 = arith.constant 0 : index
        %get3A_562 = tpu.vector_load %arg11[%get3A_559, %get3A_560, %get3A_561] {strides = array<i32>} : memref<2x256x144xf32, #tpu.memory_space<vmem>>, vector<1x1x16xf32>,
        %get3A_563 = vector.shape_cast %get3A_562 : vector<1x1x16xf32> to vector<16xf32>
        %mul3A_564 = arith.mulf %get3A_563, %gather3A_557 : vector<16xf32>
        %swap3A_565 = arith.constant 0 : i32
        %swap3A_566 = arith.index_cast %swap3A_565 : i32 to index
        %swap3A_567 = arith.index_cast %add3A_526 : i32 to index
        %swap3A_568 = arith.constant 0 : index
        %swap3A_569 = tpu.vector_load %arg11[%swap3A_566, %swap3A_567, %swap3A_568] {strides = array<i32>} : memref<2x256x144xf32, #tpu.memory_space<vmem>>, vector<1x1x16xf32>,
        %swap3A_570 = vector.shape_cast %swap3A_569 : vector<1x1x16xf32> to vector<16xf32>
        %swap3A_571 = vector.shape_cast %mul3A_564 : vector<16xf32> to vector<1x1x16xf32>
        tpu.vector_store %arg11[%swap3A_566, %swap3A_567, %swap3A_568], %swap3A_571 {strides = array<i32>} : memref<2x256x144xf32, #tpu.memory_space<vmem>>, vector<1x1x16xf32>,
        %get3A_572 = arith.constant 0 : i32
        %get3A_573 = arith.index_cast %get3A_572 : i32 to index
        %get3A_574 = arith.index_cast %add3A_526 : i32 to index
        %get3A_575 = arith.constant 16 : index
        %get3A_576 = tpu.vector_load %arg11[%get3A_573, %get3A_574, %get3A_575] {strides = array<i32>} : memref<2x256x144xf32, #tpu.memory_space<vmem>>, vector<1x1x16xf32>,
        %get3A_577 = vector.shape_cast %get3A_576 : vector<1x1x16xf32> to vector<16xf32>
        %mul3A_578 = arith.mulf %get3A_577, %gather3A_557 : vector<16xf32>
        %swap3A_579 = arith.constant 0 : i32
        %swap3A_580 = arith.index_cast %swap3A_579 : i32 to index
        %swap3A_581 = arith.index_cast %add3A_526 : i32 to index
        %swap3A_582 = arith.constant 16 : index
        %swap3A_583 = tpu.vector_load %arg11[%swap3A_580, %swap3A_581, %swap3A_582] {strides = array<i32>} : memref<2x256x144xf32, #tpu.memory_space<vmem>>, vector<1x1x16xf32>,
        %swap3A_584 = vector.shape_cast %swap3A_583 : vector<1x1x16xf32> to vector<16xf32>
        %swap3A_585 = vector.shape_cast %mul3A_578 : vector<16xf32> to vector<1x1x16xf32>
        tpu.vector_store %arg11[%swap3A_580, %swap3A_581, %swap3A_582], %swap3A_585 {strides = array<i32>} : memref<2x256x144xf32, #tpu.memory_space<vmem>>, vector<1x1x16xf32>,
        %get3A_586 = arith.constant 0 : i32
        %get3A_587 = arith.index_cast %get3A_586 : i32 to index
        %get3A_588 = arith.index_cast %add3A_526 : i32 to index
        %get3A_589 = arith.constant 32 : index
        %get3A_590 = tpu.vector_load %arg11[%get3A_587, %get3A_588, %get3A_589] {strides = array<i32>} : memref<2x256x144xf32, #tpu.memory_space<vmem>>, vector<1x1x16xf32>,
        %get3A_591 = vector.shape_cast %get3A_590 : vector<1x1x16xf32> to vector<16xf32>
        %mul3A_592 = arith.mulf %get3A_591, %gather3A_557 : vector<16xf32>
        %swap3A_593 = arith.constant 0 : i32
        %swap3A_594 = arith.index_cast %swap3A_593 : i32 to index
        %swap3A_595 = arith.index_cast %add3A_526 : i32 to index
        %swap3A_596 = arith.constant 32 : index
        %swap3A_597 = tpu.vector_load %arg11[%swap3A_594, %swap3A_595, %swap3A_596] {strides = array<i32>} : memref<2x256x144xf32, #tpu.memory_space<vmem>>, vector<1x1x16xf32>,
        %swap3A_598 = vector.shape_cast %swap3A_597 : vector<1x1x16xf32> to vector<16xf32>
        %swap3A_599 = vector.shape_cast %mul3A_592 : vector<16xf32> to vector<1x1x16xf32>
        tpu.vector_store %arg11[%swap3A_594, %swap3A_595, %swap3A_596], %swap3A_599 {strides = array<i32>} : memref<2x256x144xf32, #tpu.memory_space<vmem>>, vector<1x1x16xf32>,
        %get3A_600 = arith.constant 0 : i32
        %get3A_601 = arith.index_cast %get3A_600 : i32 to index
        %get3A_602 = arith.index_cast %add3A_526 : i32 to index
        %get3A_603 = arith.constant 48 : index
        %get3A_604 = tpu.vector_load %arg11[%get3A_601, %get3A_602, %get3A_603] {strides = array<i32>} : memref<2x256x144xf32, #tpu.memory_space<vmem>>, vector<1x1x16xf32>,
        %get3A_605 = vector.shape_cast %get3A_604 : vector<1x1x16xf32> to vector<16xf32>
        %mul3A_606 = arith.mulf %get3A_605, %gather3A_557 : vector<16xf32>
        %swap3A_607 = arith.constant 0 : i32
        %swap3A_608 = arith.index_cast %swap3A_607 : i32 to index
        %swap3A_609 = arith.index_cast %add3A_526 : i32 to index
        %swap3A_610 = arith.constant 48 : index
        %swap3A_611 = tpu.vector_load %arg11[%swap3A_608, %swap3A_609, %swap3A_610] {strides = array<i32>} : memref<2x256x144xf32, #tpu.memory_space<vmem>>, vector<1x1x16xf32>,
        %swap3A_612 = vector.shape_cast %swap3A_611 : vector<1x1x16xf32> to vector<16xf32>
        %swap3A_613 = vector.shape_cast %mul3A_606 : vector<16xf32> to vector<1x1x16xf32>
        tpu.vector_store %arg11[%swap3A_608, %swap3A_609, %swap3A_610], %swap3A_613 {strides = array<i32>} : memref<2x256x144xf32, #tpu.memory_space<vmem>>, vector<1x1x16xf32>,
        %get3A_614 = arith.constant 0 : i32
        %get3A_615 = arith.index_cast %get3A_614 : i32 to index
        %get3A_616 = arith.index_cast %add3A_526 : i32 to index
        %get3A_617 = arith.constant 64 : index
        %get3A_618 = tpu.vector_load %arg11[%get3A_615, %get3A_616, %get3A_617] {strides = array<i32>} : memref<2x256x144xf32, #tpu.memory_space<vmem>>, vector<1x1x16xf32>,
        %get3A_619 = vector.shape_cast %get3A_618 : vector<1x1x16xf32> to vector<16xf32>
        %mul3A_620 = arith.mulf %get3A_619, %gather3A_557 : vector<16xf32>
        %swap3A_621 = arith.constant 0 : i32
        %swap3A_622 = arith.index_cast %swap3A_621 : i32 to index
        %swap3A_623 = arith.index_cast %add3A_526 : i32 to index
        %swap3A_624 = arith.constant 64 : index
        %swap3A_625 = tpu.vector_load %arg11[%swap3A_622, %swap3A_623, %swap3A_624] {strides = array<i32>} : memref<2x256x144xf32, #tpu.memory_space<vmem>>, vector<1x1x16xf32>,
        %swap3A_626 = vector.shape_cast %swap3A_625 : vector<1x1x16xf32> to vector<16xf32>
        %swap3A_627 = vector.shape_cast %mul3A_620 : vector<16xf32> to vector<1x1x16xf32>
        tpu.vector_store %arg11[%swap3A_622, %swap3A_623, %swap3A_624], %swap3A_627 {strides = array<i32>} : memref<2x256x144xf32, #tpu.memory_space<vmem>>, vector<1x1x16xf32>,
        %get3A_628 = arith.constant 0 : i32
        %get3A_629 = arith.index_cast %get3A_628 : i32 to index
        %get3A_630 = arith.index_cast %add3A_526 : i32 to index
        %get3A_631 = arith.constant 80 : index
        %get3A_632 = tpu.vector_load %arg11[%get3A_629, %get3A_630, %get3A_631] {strides = array<i32>} : memref<2x256x144xf32, #tpu.memory_space<vmem>>, vector<1x1x16xf32>,
        %get3A_633 = vector.shape_cast %get3A_632 : vector<1x1x16xf32> to vector<16xf32>
        %mul3A_634 = arith.mulf %get3A_633, %gather3A_557 : vector<16xf32>
        %swap3A_635 = arith.constant 0 : i32
        %swap3A_636 = arith.index_cast %swap3A_635 : i32 to index
        %swap3A_637 = arith.index_cast %add3A_526 : i32 to index
        %swap3A_638 = arith.constant 80 : index
        %swap3A_639 = tpu.vector_load %arg11[%swap3A_636, %swap3A_637, %swap3A_638] {strides = array<i32>} : memref<2x256x144xf32, #tpu.memory_space<vmem>>, vector<1x1x16xf32>,
        %swap3A_640 = vector.shape_cast %swap3A_639 : vector<1x1x16xf32> to vector<16xf32>
        %swap3A_641 = vector.shape_cast %mul3A_634 : vector<16xf32> to vector<1x1x16xf32>
        tpu.vector_store %arg11[%swap3A_636, %swap3A_637, %swap3A_638], %swap3A_641 {strides = array<i32>} : memref<2x256x144xf32, #tpu.memory_space<vmem>>, vector<1x1x16xf32>,
        %get3A_642 = arith.constant 0 : i32
        %get3A_643 = arith.index_cast %get3A_642 : i32 to index
        %get3A_644 = arith.index_cast %add3A_526 : i32 to index
        %get3A_645 = arith.constant 96 : index
        %get3A_646 = tpu.vector_load %arg11[%get3A_643, %get3A_644, %get3A_645] {strides = array<i32>} : memref<2x256x144xf32, #tpu.memory_space<vmem>>, vector<1x1x16xf32>,
        %get3A_647 = vector.shape_cast %get3A_646 : vector<1x1x16xf32> to vector<16xf32>
        %mul3A_648 = arith.mulf %get3A_647, %gather3A_557 : vector<16xf32>
        %swap3A_649 = arith.constant 0 : i32
        %swap3A_650 = arith.index_cast %swap3A_649 : i32 to index
        %swap3A_651 = arith.index_cast %add3A_526 : i32 to index
        %swap3A_652 = arith.constant 96 : index
        %swap3A_653 = tpu.vector_load %arg11[%swap3A_650, %swap3A_651, %swap3A_652] {strides = array<i32>} : memref<2x256x144xf32, #tpu.memory_space<vmem>>, vector<1x1x16xf32>,
        %swap3A_654 = vector.shape_cast %swap3A_653 : vector<1x1x16xf32> to vector<16xf32>
        %swap3A_655 = vector.shape_cast %mul3A_648 : vector<16xf32> to vector<1x1x16xf32>
        tpu.vector_store %arg11[%swap3A_650, %swap3A_651, %swap3A_652], %swap3A_655 {strides = array<i32>} : memref<2x256x144xf32, #tpu.memory_space<vmem>>, vector<1x1x16xf32>,
        %get3A_656 = arith.constant 0 : i32
        %get3A_657 = arith.index_cast %get3A_656 : i32 to index
        %get3A_658 = arith.index_cast %add3A_526 : i32 to index
        %get3A_659 = arith.constant 112 : index
        %get3A_660 = tpu.vector_load %arg11[%get3A_657, %get3A_658, %get3A_659] {strides = array<i32>} : memref<2x256x144xf32, #tpu.memory_space<vmem>>, vector<1x1x16xf32>,
        %get3A_661 = vector.shape_cast %get3A_660 : vector<1x1x16xf32> to vector<16xf32>
        %mul3A_662 = arith.mulf %get3A_661, %gather3A_557 : vector<16xf32>
        %swap3A_663 = arith.constant 0 : i32
        %swap3A_664 = arith.index_cast %swap3A_663 : i32 to index
        %swap3A_665 = arith.index_cast %add3A_526 : i32 to index
        %swap3A_666 = arith.constant 112 : index
        %swap3A_667 = tpu.vector_load %arg11[%swap3A_664, %swap3A_665, %swap3A_666] {strides = array<i32>} : memref<2x256x144xf32, #tpu.memory_space<vmem>>, vector<1x1x16xf32>,
        %swap3A_668 = vector.shape_cast %swap3A_667 : vector<1x1x16xf32> to vector<16xf32>
        %swap3A_669 = vector.shape_cast %mul3A_662 : vector<16xf32> to vector<1x1x16xf32>
        tpu.vector_store %arg11[%swap3A_664, %swap3A_665, %swap3A_666], %swap3A_669 {strides = array<i32>} : memref<2x256x144xf32, #tpu.memory_space<vmem>>, vector<1x1x16xf32>,
        %scan3A_670 = arith.constant 3 : i32
        %scan3A_671 = arith.addi %scan3A_230, %scan3A_670 : i32
        %mul3A_672 = arith.constant 1 : i32
        %mul3A_673 = arith.muli %scan3A_671, %mul3A_672 : i32
        %add3A_674 = arith.constant 0 : i32
        %add3A_675 = arith.addi %add3A_674, %mul3A_673 : i32
        %get3A_676 = arith.constant 0 : i32
        %get3A_677 = arith.index_cast %get3A_676 : i32 to index
        %get3A_678 = arith.index_cast %add3A_675 : i32 to index
        %get3A_679 = arith.constant 128 : index
        %get3A_680 = tpu.vector_load %arg11[%get3A_677, %get3A_678, %get3A_679] {strides = array<i32>} : memref<2x256x144xf32, #tpu.memory_space<vmem>>, vector<1x1x16xf32>,
        %get3A_681 = vector.shape_cast %get3A_680 : vector<1x1x16xf32> to vector<16xf32>
        %get3A_682 = arith.constant 0 : i32
        %get3A_683 = arith.index_cast %get3A_682 : i32 to index
        %get3A_684 = arith.index_cast %add3A_675 : i32 to index
        %get3A_685 = arith.constant 0 : index
        %get3A_686 = tpu.vector_load %arg12[%get3A_683, %get3A_684, %get3A_685] {strides = array<i32>} : memref<2x256x16xf32, #tpu.memory_space<vmem>>, vector<1x1x16xf32>,
        %get3A_687 = vector.shape_cast %get3A_686 : vector<1x1x16xf32> to vector<16xf32>
        %add3A_688 = arith.addf %get3A_681, %get3A_687 : vector<16xf32>
        %ge3A_689 = arith.constant 0.000000e+00 : f32
        %ge3A_690 = vector.broadcast %ge3A_689 : f32 to vector<16xf32>
        %ge3A_691 = arith.cmpf oge, %add3A_688, %ge3A_690 : vector<16xf32>
        %mul3A_692 = arith.constant 2.000000e-01 : f32
        %mul3A_693 = vector.broadcast %mul3A_692 : f32 to vector<16xf32>
        %mul3A_694 = arith.mulf %mul3A_693, %add3A_688 : vector<16xf32>
        %select_n3A_695 = arith.select %ge3A_691, %add3A_688, %mul3A_694 : vector<16xi1>, vector<16xf32>
        %exp3A_696 = math.exp %select_n3A_695 : vector<16xf32>
        %swap3A_697 = arith.constant 0 : i32
        %swap3A_698 = arith.index_cast %swap3A_697 : i32 to index
        %swap3A_699 = arith.index_cast %add3A_675 : i32 to index
        %swap3A_700 = arith.constant 128 : index
        %swap3A_701 = tpu.vector_load %arg11[%swap3A_698, %swap3A_699, %swap3A_700] {strides = array<i32>} : memref<2x256x144xf32, #tpu.memory_space<vmem>>, vector<1x1x16xf32>,
        %swap3A_702 = vector.shape_cast %swap3A_701 : vector<1x1x16xf32> to vector<16xf32>
        %swap3A_703 = vector.shape_cast %exp3A_696 : vector<16xf32> to vector<1x1x16xf32>
        tpu.vector_store %arg11[%swap3A_698, %swap3A_699, %swap3A_700], %swap3A_703 {strides = array<i32>} : memref<2x256x144xf32, #tpu.memory_space<vmem>>, vector<1x1x16xf32>,
        %broadcast_in_dim3A_704 = vector.shape_cast %broadcast_in_dim3A_23 : vector<16xi32> to vector<16x1xi32>
        %gather3A_705 = vector.shape_cast %broadcast_in_dim3A_704 : vector<16x1xi32> to vector<16xi32>
        %gather3A_706 = tpu.dynamic_gather %exp3A_696[%gather3A_705] in [0] : vector<16xf32>, vector<16xi32> -> vector<16xf32>
        %get3A_707 = arith.constant 0 : i32
        %get3A_708 = arith.index_cast %get3A_707 : i32 to index
        %get3A_709 = arith.index_cast %add3A_675 : i32 to index
        %get3A_710 = arith.constant 0 : index
        %get3A_711 = tpu.vector_load %arg11[%get3A_708, %get3A_709, %get3A_710] {strides = array<i32>} : memref<2x256x144xf32, #tpu.memory_space<vmem>>, vector<1x1x16xf32>,
        %get3A_712 = vector.shape_cast %get3A_711 : vector<1x1x16xf32> to vector<16xf32>
        %mul3A_713 = arith.mulf %get3A_712, %gather3A_706 : vector<16xf32>
        %swap3A_714 = arith.constant 0 : i32
        %swap3A_715 = arith.index_cast %swap3A_714 : i32 to index
        %swap3A_716 = arith.index_cast %add3A_675 : i32 to index
        %swap3A_717 = arith.constant 0 : index
        %swap3A_718 = tpu.vector_load %arg11[%swap3A_715, %swap3A_716, %swap3A_717] {strides = array<i32>} : memref<2x256x144xf32, #tpu.memory_space<vmem>>, vector<1x1x16xf32>,
        %swap3A_719 = vector.shape_cast %swap3A_718 : vector<1x1x16xf32> to vector<16xf32>
        %swap3A_720 = vector.shape_cast %mul3A_713 : vector<16xf32> to vector<1x1x16xf32>
        tpu.vector_store %arg11[%swap3A_715, %swap3A_716, %swap3A_717], %swap3A_720 {strides = array<i32>} : memref<2x256x144xf32, #tpu.memory_space<vmem>>, vector<1x1x16xf32>,
        %get3A_721 = arith.constant 0 : i32
        %get3A_722 = arith.index_cast %get3A_721 : i32 to index
        %get3A_723 = arith.index_cast %add3A_675 : i32 to index
        %get3A_724 = arith.constant 16 : index
        %get3A_725 = tpu.vector_load %arg11[%get3A_722, %get3A_723, %get3A_724] {strides = array<i32>} : memref<2x256x144xf32, #tpu.memory_space<vmem>>, vector<1x1x16xf32>,
        %get3A_726 = vector.shape_cast %get3A_725 : vector<1x1x16xf32> to vector<16xf32>
        %mul3A_727 = arith.mulf %get3A_726, %gather3A_706 : vector<16xf32>
        %swap3A_728 = arith.constant 0 : i32
        %swap3A_729 = arith.index_cast %swap3A_728 : i32 to index
        %swap3A_730 = arith.index_cast %add3A_675 : i32 to index
        %swap3A_731 = arith.constant 16 : index
        %swap3A_732 = tpu.vector_load %arg11[%swap3A_729, %swap3A_730, %swap3A_731] {strides = array<i32>} : memref<2x256x144xf32, #tpu.memory_space<vmem>>, vector<1x1x16xf32>,
        %swap3A_733 = vector.shape_cast %swap3A_732 : vector<1x1x16xf32> to vector<16xf32>
        %swap3A_734 = vector.shape_cast %mul3A_727 : vector<16xf32> to vector<1x1x16xf32>
        tpu.vector_store %arg11[%swap3A_729, %swap3A_730, %swap3A_731], %swap3A_734 {strides = array<i32>} : memref<2x256x144xf32, #tpu.memory_space<vmem>>, vector<1x1x16xf32>,
        %get3A_735 = arith.constant 0 : i32
        %get3A_736 = arith.index_cast %get3A_735 : i32 to index
        %get3A_737 = arith.index_cast %add3A_675 : i32 to index
        %get3A_738 = arith.constant 32 : index
        %get3A_739 = tpu.vector_load %arg11[%get3A_736, %get3A_737, %get3A_738] {strides = array<i32>} : memref<2x256x144xf32, #tpu.memory_space<vmem>>, vector<1x1x16xf32>,
        %get3A_740 = vector.shape_cast %get3A_739 : vector<1x1x16xf32> to vector<16xf32>
        %mul3A_741 = arith.mulf %get3A_740, %gather3A_706 : vector<16xf32>
        %swap3A_742 = arith.constant 0 : i32
        %swap3A_743 = arith.index_cast %swap3A_742 : i32 to index
        %swap3A_744 = arith.index_cast %add3A_675 : i32 to index
        %swap3A_745 = arith.constant 32 : index
        %swap3A_746 = tpu.vector_load %arg11[%swap3A_743, %swap3A_744, %swap3A_745] {strides = array<i32>} : memref<2x256x144xf32, #tpu.memory_space<vmem>>, vector<1x1x16xf32>,
        %swap3A_747 = vector.shape_cast %swap3A_746 : vector<1x1x16xf32> to vector<16xf32>
        %swap3A_748 = vector.shape_cast %mul3A_741 : vector<16xf32> to vector<1x1x16xf32>
        tpu.vector_store %arg11[%swap3A_743, %swap3A_744, %swap3A_745], %swap3A_748 {strides = array<i32>} : memref<2x256x144xf32, #tpu.memory_space<vmem>>, vector<1x1x16xf32>,
        %get3A_749 = arith.constant 0 : i32
        %get3A_750 = arith.index_cast %get3A_749 : i32 to index
        %get3A_751 = arith.index_cast %add3A_675 : i32 to index
        %get3A_752 = arith.constant 48 : index
        %get3A_753 = tpu.vector_load %arg11[%get3A_750, %get3A_751, %get3A_752] {strides = array<i32>} : memref<2x256x144xf32, #tpu.memory_space<vmem>>, vector<1x1x16xf32>,
        %get3A_754 = vector.shape_cast %get3A_753 : vector<1x1x16xf32> to vector<16xf32>
        %mul3A_755 = arith.mulf %get3A_754, %gather3A_706 : vector<16xf32>
        %swap3A_756 = arith.constant 0 : i32
        %swap3A_757 = arith.index_cast %swap3A_756 : i32 to index
        %swap3A_758 = arith.index_cast %add3A_675 : i32 to index
        %swap3A_759 = arith.constant 48 : index
        %swap3A_760 = tpu.vector_load %arg11[%swap3A_757, %swap3A_758, %swap3A_759] {strides = array<i32>} : memref<2x256x144xf32, #tpu.memory_space<vmem>>, vector<1x1x16xf32>,
        %swap3A_761 = vector.shape_cast %swap3A_760 : vector<1x1x16xf32> to vector<16xf32>
        %swap3A_762 = vector.shape_cast %mul3A_755 : vector<16xf32> to vector<1x1x16xf32>
        tpu.vector_store %arg11[%swap3A_757, %swap3A_758, %swap3A_759], %swap3A_762 {strides = array<i32>} : memref<2x256x144xf32, #tpu.memory_space<vmem>>, vector<1x1x16xf32>,
        %get3A_763 = arith.constant 0 : i32
        %get3A_764 = arith.index_cast %get3A_763 : i32 to index
        %get3A_765 = arith.index_cast %add3A_675 : i32 to index
        %get3A_766 = arith.constant 64 : index
        %get3A_767 = tpu.vector_load %arg11[%get3A_764, %get3A_765, %get3A_766] {strides = array<i32>} : memref<2x256x144xf32, #tpu.memory_space<vmem>>, vector<1x1x16xf32>,
        %get3A_768 = vector.shape_cast %get3A_767 : vector<1x1x16xf32> to vector<16xf32>
        %mul3A_769 = arith.mulf %get3A_768, %gather3A_706 : vector<16xf32>
        %swap3A_770 = arith.constant 0 : i32
        %swap3A_771 = arith.index_cast %swap3A_770 : i32 to index
        %swap3A_772 = arith.index_cast %add3A_675 : i32 to index
        %swap3A_773 = arith.constant 64 : index
        %swap3A_774 = tpu.vector_load %arg11[%swap3A_771, %swap3A_772, %swap3A_773] {strides = array<i32>} : memref<2x256x144xf32, #tpu.memory_space<vmem>>, vector<1x1x16xf32>,
        %swap3A_775 = vector.shape_cast %swap3A_774 : vector<1x1x16xf32> to vector<16xf32>
        %swap3A_776 = vector.shape_cast %mul3A_769 : vector<16xf32> to vector<1x1x16xf32>
        tpu.vector_store %arg11[%swap3A_771, %swap3A_772, %swap3A_773], %swap3A_776 {strides = array<i32>} : memref<2x256x144xf32, #tpu.memory_space<vmem>>, vector<1x1x16xf32>,
        %get3A_777 = arith.constant 0 : i32
        %get3A_778 = arith.index_cast %get3A_777 : i32 to index
        %get3A_779 = arith.index_cast %add3A_675 : i32 to index
        %get3A_780 = arith.constant 80 : index
        %get3A_781 = tpu.vector_load %arg11[%get3A_778, %get3A_779, %get3A_780] {strides = array<i32>} : memref<2x256x144xf32, #tpu.memory_space<vmem>>, vector<1x1x16xf32>,
        %get3A_782 = vector.shape_cast %get3A_781 : vector<1x1x16xf32> to vector<16xf32>
        %mul3A_783 = arith.mulf %get3A_782, %gather3A_706 : vector<16xf32>
        %swap3A_784 = arith.constant 0 : i32
        %swap3A_785 = arith.index_cast %swap3A_784 : i32 to index
        %swap3A_786 = arith.index_cast %add3A_675 : i32 to index
        %swap3A_787 = arith.constant 80 : index
        %swap3A_788 = tpu.vector_load %arg11[%swap3A_785, %swap3A_786, %swap3A_787] {strides = array<i32>} : memref<2x256x144xf32, #tpu.memory_space<vmem>>, vector<1x1x16xf32>,
        %swap3A_789 = vector.shape_cast %swap3A_788 : vector<1x1x16xf32> to vector<16xf32>
        %swap3A_790 = vector.shape_cast %mul3A_783 : vector<16xf32> to vector<1x1x16xf32>
        tpu.vector_store %arg11[%swap3A_785, %swap3A_786, %swap3A_787], %swap3A_790 {strides = array<i32>} : memref<2x256x144xf32, #tpu.memory_space<vmem>>, vector<1x1x16xf32>,
        %get3A_791 = arith.constant 0 : i32
        %get3A_792 = arith.index_cast %get3A_791 : i32 to index
        %get3A_793 = arith.index_cast %add3A_675 : i32 to index
        %get3A_794 = arith.constant 96 : index
        %get3A_795 = tpu.vector_load %arg11[%get3A_792, %get3A_793, %get3A_794] {strides = array<i32>} : memref<2x256x144xf32, #tpu.memory_space<vmem>>, vector<1x1x16xf32>,
        %get3A_796 = vector.shape_cast %get3A_795 : vector<1x1x16xf32> to vector<16xf32>
        %mul3A_797 = arith.mulf %get3A_796, %gather3A_706 : vector<16xf32>
        %swap3A_798 = arith.constant 0 : i32
        %swap3A_799 = arith.index_cast %swap3A_798 : i32 to index
        %swap3A_800 = arith.index_cast %add3A_675 : i32 to index
        %swap3A_801 = arith.constant 96 : index
        %swap3A_802 = tpu.vector_load %arg11[%swap3A_799, %swap3A_800, %swap3A_801] {strides = array<i32>} : memref<2x256x144xf32, #tpu.memory_space<vmem>>, vector<1x1x16xf32>,
        %swap3A_803 = vector.shape_cast %swap3A_802 : vector<1x1x16xf32> to vector<16xf32>
        %swap3A_804 = vector.shape_cast %mul3A_797 : vector<16xf32> to vector<1x1x16xf32>
        tpu.vector_store %arg11[%swap3A_799, %swap3A_800, %swap3A_801], %swap3A_804 {strides = array<i32>} : memref<2x256x144xf32, #tpu.memory_space<vmem>>, vector<1x1x16xf32>,
        %get3A_805 = arith.constant 0 : i32
        %get3A_806 = arith.index_cast %get3A_805 : i32 to index
        %get3A_807 = arith.index_cast %add3A_675 : i32 to index
        %get3A_808 = arith.constant 112 : index
        %get3A_809 = tpu.vector_load %arg11[%get3A_806, %get3A_807, %get3A_808] {strides = array<i32>} : memref<2x256x144xf32, #tpu.memory_space<vmem>>, vector<1x1x16xf32>,
        %get3A_810 = vector.shape_cast %get3A_809 : vector<1x1x16xf32> to vector<16xf32>
        %mul3A_811 = arith.mulf %get3A_810, %gather3A_706 : vector<16xf32>
        %swap3A_812 = arith.constant 0 : i32
        %swap3A_813 = arith.index_cast %swap3A_812 : i32 to index
        %swap3A_814 = arith.index_cast %add3A_675 : i32 to index
        %swap3A_815 = arith.constant 112 : index
        %swap3A_816 = tpu.vector_load %arg11[%swap3A_813, %swap3A_814, %swap3A_815] {strides = array<i32>} : memref<2x256x144xf32, #tpu.memory_space<vmem>>, vector<1x1x16xf32>,
        %swap3A_817 = vector.shape_cast %swap3A_816 : vector<1x1x16xf32> to vector<16xf32>
        %swap3A_818 = vector.shape_cast %mul3A_811 : vector<16xf32> to vector<1x1x16xf32>
        tpu.vector_store %arg11[%swap3A_813, %swap3A_814, %swap3A_815], %swap3A_818 {strides = array<i32>} : memref<2x256x144xf32, #tpu.memory_space<vmem>>, vector<1x1x16xf32>,
      }
      %scan3A_108 = arith.constant 256 : i32
      %dma_start3A_109 = arith.constant 0 : i32
      %dma_start3A_110 = arith.constant 0 : i32
      %dma_start3A_111 = arith.constant 0 : i32
      %dma_start3A_112 = arith.constant 0 : i32
      %dma_start3A_113 = tpu.memref_slice %arg11[%dma_start3A_109, %dma_start3A_111, %dma_start3A_112] : memref<2x256x144xf32, #tpu.memory_space<vmem>> -> memref<1x128x144xf32, #tpu.memory_space<vmem>>
      %dma_start3A_114 = tpu.memref_squeeze %dma_start3A_113 : memref<1x128x144xf32, #tpu.memory_space<vmem>> -> memref<128x144xf32, #tpu.memory_space<vmem>>
      %dma_start3A_115 = arith.constant 0 : i32
      %dma_start3A_116 = tpu.memref_slice %arg10[%dma_start3A_110, %dma_start3A_115] : memref<4x128xi32, #tpu.memory_space<vmem>> -> memref<1x128xi32, #tpu.memory_space<vmem>>
      %dma_start3A_117 = tpu.memref_squeeze %dma_start3A_116 : memref<1x128xi32, #tpu.memory_space<vmem>> -> memref<128xi32, #tpu.memory_space<vmem>>
      %dma_start3A_118 = arith.constant 0 : i32
      %dma_start3A_119 = arith.constant 0 : i32
      %dma_start3A_120 = tpu.memref_slice %arg13[%dma_start3A_118, %dma_start3A_119] : memref<5248x144xf32, #tpu.memory_space<vmem_shared>> -> memref<5248x144xf32, #tpu.memory_space<vmem_shared>>
      tpu.enqueue_indirect_dma source(%dma_start3A_114 : memref<128x144xf32, #tpu.memory_space<vmem>>) target(%dma_start3A_120 : memref<5248x144xf32, #tpu.memory_space<vmem_shared>>) offsets(%dma_start3A_117 : memref<128xi32, #tpu.memory_space<vmem>>) semaphore(%arg16 : memref<!tpu.dma_semaphore, #tpu.memory_space<semaphore_mem>>) {add = true}
      %dma_start3A_121 = arith.constant 0 : i32
      %dma_start3A_122 = arith.constant 1 : i32
      %dma_start3A_123 = arith.constant 128 : i32
      %dma_start3A_124 = arith.constant 0 : i32
      %dma_start3A_125 = tpu.memref_slice %arg11[%dma_start3A_121, %dma_start3A_123, %dma_start3A_124] : memref<2x256x144xf32, #tpu.memory_space<vmem>> -> memref<1x128x144xf32, #tpu.memory_space<vmem>>
      %dma_start3A_126 = tpu.memref_squeeze %dma_start3A_125 : memref<1x128x144xf32, #tpu.memory_space<vmem>> -> memref<128x144xf32, #tpu.memory_space<vmem>>
      %dma_start3A_127 = arith.constant 0 : i32
      %dma_start3A_128 = tpu.memref_slice %arg10[%dma_start3A_122, %dma_start3A_127] : memref<4x128xi32, #tpu.memory_space<vmem>> -> memref<1x128xi32, #tpu.memory_space<vmem>>
      %dma_start3A_129 = tpu.memref_squeeze %dma_start3A_128 : memref<1x128xi32, #tpu.memory_space<vmem>> -> memref<128xi32, #tpu.memory_space<vmem>>
      %dma_start3A_130 = arith.constant 0 : i32
      %dma_start3A_131 = arith.constant 0 : i32
      %dma_start3A_132 = tpu.memref_slice %arg13[%dma_start3A_130, %dma_start3A_131] : memref<5248x144xf32, #tpu.memory_space<vmem_shared>> -> memref<5248x144xf32, #tpu.memory_space<vmem_shared>>
      tpu.enqueue_indirect_dma source(%dma_start3A_126 : memref<128x144xf32, #tpu.memory_space<vmem>>) target(%dma_start3A_132 : memref<5248x144xf32, #tpu.memory_space<vmem_shared>>) offsets(%dma_start3A_129 : memref<128xi32, #tpu.memory_space<vmem>>) semaphore(%arg16 : memref<!tpu.dma_semaphore, #tpu.memory_space<semaphore_mem>>) {add = true}
      %dma_wait3A_133 = arith.constant 0 : i32
      %dma_wait3A_134 = arith.constant 0 : i32
      %dma_wait3A_135 = arith.constant 0 : i32
      %dma_wait3A_136 = arith.constant 0 : i32
      %dma_wait3A_137 = tpu.memref_slice %arg11[%dma_wait3A_133, %dma_wait3A_135, %dma_wait3A_136] : memref<2x256x144xf32, #tpu.memory_space<vmem>> -> memref<1x128x144xf32, #tpu.memory_space<vmem>>
      %dma_wait3A_138 = tpu.memref_squeeze %dma_wait3A_137 : memref<1x128x144xf32, #tpu.memory_space<vmem>> -> memref<128x144xf32, #tpu.memory_space<vmem>>
      %dma_wait3A_139 = arith.constant 0 : i32
      %dma_wait3A_140 = tpu.memref_slice %arg10[%dma_wait3A_134, %dma_wait3A_139] : memref<4x128xi32, #tpu.memory_space<vmem>> -> memref<1x128xi32, #tpu.memory_space<vmem>>
      %dma_wait3A_141 = tpu.memref_squeeze %dma_wait3A_140 : memref<1x128xi32, #tpu.memory_space<vmem>> -> memref<128xi32, #tpu.memory_space<vmem>>
      %dma_wait3A_142 = arith.constant 0 : i32
      %dma_wait3A_143 = arith.constant 0 : i32
      %dma_wait3A_144 = tpu.memref_slice %arg13[%dma_wait3A_142, %dma_wait3A_143] : memref<5248x144xf32, #tpu.memory_space<vmem_shared>> -> memref<5248x144xf32, #tpu.memory_space<vmem_shared>>
      tpu.wait_indirect_dma semaphore(%arg16 : memref<!tpu.dma_semaphore, #tpu.memory_space<semaphore_mem>>) src(%dma_wait3A_138 : memref<128x144xf32, #tpu.memory_space<vmem>>) dst(%dma_wait3A_144 : memref<5248x144xf32, #tpu.memory_space<vmem_shared>>)
      %dma_wait3A_145 = arith.constant 0 : i32
      %dma_wait3A_146 = arith.constant 1 : i32
      %dma_wait3A_147 = arith.constant 128 : i32
      %dma_wait3A_148 = arith.constant 0 : i32
      %dma_wait3A_149 = tpu.memref_slice %arg11[%dma_wait3A_145, %dma_wait3A_147, %dma_wait3A_148] : memref<2x256x144xf32, #tpu.memory_space<vmem>> -> memref<1x128x144xf32, #tpu.memory_space<vmem>>
      %dma_wait3A_150 = tpu.memref_squeeze %dma_wait3A_149 : memref<1x128x144xf32, #tpu.memory_space<vmem>> -> memref<128x144xf32, #tpu.memory_space<vmem>>
      %dma_wait3A_151 = arith.constant 0 : i32
      %dma_wait3A_152 = tpu.memref_slice %arg10[%dma_wait3A_146, %dma_wait3A_151] : memref<4x128xi32, #tpu.memory_space<vmem>> -> memref<1x128xi32, #tpu.memory_space<vmem>>
      %dma_wait3A_153 = tpu.memref_squeeze %dma_wait3A_152 : memref<1x128xi32, #tpu.memory_space<vmem>> -> memref<128xi32, #tpu.memory_space<vmem>>
      %dma_wait3A_154 = arith.constant 0 : i32
      %dma_wait3A_155 = arith.constant 0 : i32
      %dma_wait3A_156 = tpu.memref_slice %arg13[%dma_wait3A_154, %dma_wait3A_155] : memref<5248x144xf32, #tpu.memory_space<vmem_shared>> -> memref<5248x144xf32, #tpu.memory_space<vmem_shared>>
      tpu.wait_indirect_dma semaphore(%arg16 : memref<!tpu.dma_semaphore, #tpu.memory_space<semaphore_mem>>) src(%dma_wait3A_150 : memref<128x144xf32, #tpu.memory_space<vmem>>) dst(%dma_wait3A_156 : memref<5248x144xf32, #tpu.memory_space<vmem_shared>>)
      %dma_wait3A_157 = arith.constant 1 : i32
      %dma_wait3A_158 = arith.constant 0 : i32
      %dma_wait3A_159 = arith.constant 0 : i32
      %dma_wait3A_160 = tpu.memref_slice %arg11[%dma_wait3A_157, %dma_wait3A_158, %dma_wait3A_159] : memref<2x256x144xf32, #tpu.memory_space<vmem>> -> memref<1x256x144xf32, #tpu.memory_space<vmem>>
      %dma_wait3A_161 = tpu.memref_squeeze %dma_wait3A_160 : memref<1x256x144xf32, #tpu.memory_space<vmem>> -> memref<256x144xf32, #tpu.memory_space<vmem>>
      %dma_wait3A_162 = arith.constant 256 : i32
      %dma_wait3A_163 = tpu.memref_slice %arg8[%dma_wait3A_162] : memref<512xi32, #tpu.memory_space<vmem>> -> memref<256xi32, #tpu.memory_space<vmem>>
      %dma_wait3A_164 = arith.constant 0 : i32
      %dma_wait3A_165 = arith.constant 0 : i32
      %dma_wait3A_166 = tpu.memref_slice %arg2[%dma_wait3A_164, %dma_wait3A_165] : memref<10240x144xf32, #tpu.memory_space<hbm>> -> memref<10240x144xf32, #tpu.memory_space<hbm>>
      tpu.wait_indirect_dma semaphore(%arg15 : memref<!tpu.dma_semaphore, #tpu.memory_space<semaphore_mem>>) src(%dma_wait3A_166 : memref<10240x144xf32, #tpu.memory_space<hbm>>) dst(%dma_wait3A_161 : memref<256x144xf32, #tpu.memory_space<vmem>>)
      %dma_wait3A_167 = arith.constant 1 : i32
      %dma_wait3A_168 = arith.constant 0 : i32
      %dma_wait3A_169 = arith.constant 0 : i32
      %dma_wait3A_170 = tpu.memref_slice %arg12[%dma_wait3A_167, %dma_wait3A_168, %dma_wait3A_169] : memref<2x256x16xf32, #tpu.memory_space<vmem>> -> memref<1x256x16xf32, #tpu.memory_space<vmem>>
      %dma_wait3A_171 = tpu.memref_squeeze %dma_wait3A_170 : memref<1x256x16xf32, #tpu.memory_space<vmem>> -> memref<256x16xf32, #tpu.memory_space<vmem>>
      %dma_wait3A_172 = arith.constant 256 : i32
      %dma_wait3A_173 = tpu.memref_slice %arg9[%dma_wait3A_172] : memref<512xi32, #tpu.memory_space<vmem>> -> memref<256xi32, #tpu.memory_space<vmem>>
      %dma_wait3A_174 = arith.constant 0 : i32
      %dma_wait3A_175 = arith.constant 0 : i32
      %dma_wait3A_176 = tpu.memref_slice %arg3[%dma_wait3A_174, %dma_wait3A_175] : memref<10240x16xf32, #tpu.memory_space<hbm>> -> memref<10240x16xf32, #tpu.memory_space<hbm>>
      tpu.wait_indirect_dma semaphore(%arg15 : memref<!tpu.dma_semaphore, #tpu.memory_space<semaphore_mem>>) src(%dma_wait3A_176 : memref<10240x16xf32, #tpu.memory_space<hbm>>) dst(%dma_wait3A_171 : memref<256x16xf32, #tpu.memory_space<vmem>>)
      %scan3A_177 = arith.constant 0 : i32
      %scan3A_178 = arith.constant 256 : i32
      %scan3A_179 = arith.addi %scan3A_177, %scan3A_178 : i32
      %scan3A_180 = arith.constant 4 : i32
      scf.for %scan3A_230 = %scan3A_177 to %scan3A_179 step %scan3A_180  : i32 {
        %mul3A_231 = arith.constant 1 : i32
        %mul3A_232 = arith.muli %scan3A_230, %mul3A_231 : i32
        %add3A_233 = arith.constant 0 : i32
        %add3A_234 = arith.addi %add3A_233, %mul3A_232 : i32
        %get3A = arith.constant 1 : i32
        %get3A_235 = arith.index_cast %get3A : i32 to index
        %get3A_236 = arith.index_cast %add3A_234 : i32 to index
        %get3A_237 = arith.constant 128 : index
        %get3A_238 = tpu.vector_load %arg11[%get3A_235, %get3A_236, %get3A_237] {strides = array<i32>} : memref<2x256x144xf32, #tpu.memory_space<vmem>>, vector<1x1x16xf32>,
        %get3A_239 = vector.shape_cast %get3A_238 : vector<1x1x16xf32> to vector<16xf32>
        %get3A_240 = arith.constant 1 : i32
        %get3A_241 = arith.index_cast %get3A_240 : i32 to index
        %get3A_242 = arith.index_cast %add3A_234 : i32 to index
        %get3A_243 = arith.constant 0 : index
        %get3A_244 = tpu.vector_load %arg12[%get3A_241, %get3A_242, %get3A_243] {strides = array<i32>} : memref<2x256x16xf32, #tpu.memory_space<vmem>>, vector<1x1x16xf32>,
        %get3A_245 = vector.shape_cast %get3A_244 : vector<1x1x16xf32> to vector<16xf32>
        %add3A_246 = arith.addf %get3A_239, %get3A_245 : vector<16xf32>
        %ge3A = arith.constant 0.000000e+00 : f32
        %ge3A_247 = vector.broadcast %ge3A : f32 to vector<16xf32>
        %ge3A_248 = arith.cmpf oge, %add3A_246, %ge3A_247 : vector<16xf32>
        %mul3A_249 = arith.constant 2.000000e-01 : f32
        %mul3A_250 = vector.broadcast %mul3A_249 : f32 to vector<16xf32>
        %mul3A_251 = arith.mulf %mul3A_250, %add3A_246 : vector<16xf32>
        %select_n3A = arith.select %ge3A_248, %add3A_246, %mul3A_251 : vector<16xi1>, vector<16xf32>
        %exp3A = math.exp %select_n3A : vector<16xf32>
        %swap3A = arith.constant 1 : i32
        %swap3A_252 = arith.index_cast %swap3A : i32 to index
        %swap3A_253 = arith.index_cast %add3A_234 : i32 to index
        %swap3A_254 = arith.constant 128 : index
        %swap3A_255 = tpu.vector_load %arg11[%swap3A_252, %swap3A_253, %swap3A_254] {strides = array<i32>} : memref<2x256x144xf32, #tpu.memory_space<vmem>>, vector<1x1x16xf32>,
        %swap3A_256 = vector.shape_cast %swap3A_255 : vector<1x1x16xf32> to vector<16xf32>
        %swap3A_257 = vector.shape_cast %exp3A : vector<16xf32> to vector<1x1x16xf32>
        tpu.vector_store %arg11[%swap3A_252, %swap3A_253, %swap3A_254], %swap3A_257 {strides = array<i32>} : memref<2x256x144xf32, #tpu.memory_space<vmem>>, vector<1x1x16xf32>,
        %broadcast_in_dim3A_258 = vector.shape_cast %broadcast_in_dim3A_23 : vector<16xi32> to vector<16x1xi32>
        %gather3A = vector.shape_cast %broadcast_in_dim3A_258 : vector<16x1xi32> to vector<16xi32>
        %gather3A_259 = tpu.dynamic_gather %exp3A[%gather3A] in [0] : vector<16xf32>, vector<16xi32> -> vector<16xf32>
        %get3A_260 = arith.constant 1 : i32
        %get3A_261 = arith.index_cast %get3A_260 : i32 to index
        %get3A_262 = arith.index_cast %add3A_234 : i32 to index
        %get3A_263 = arith.constant 0 : index
        %get3A_264 = tpu.vector_load %arg11[%get3A_261, %get3A_262, %get3A_263] {strides = array<i32>} : memref<2x256x144xf32, #tpu.memory_space<vmem>>, vector<1x1x16xf32>,
        %get3A_265 = vector.shape_cast %get3A_264 : vector<1x1x16xf32> to vector<16xf32>
        %mul3A_266 = arith.mulf %get3A_265, %gather3A_259 : vector<16xf32>
        %swap3A_267 = arith.constant 1 : i32
        %swap3A_268 = arith.index_cast %swap3A_267 : i32 to index
        %swap3A_269 = arith.index_cast %add3A_234 : i32 to index
        %swap3A_270 = arith.constant 0 : index
        %swap3A_271 = tpu.vector_load %arg11[%swap3A_268, %swap3A_269, %swap3A_270] {strides = array<i32>} : memref<2x256x144xf32, #tpu.memory_space<vmem>>, vector<1x1x16xf32>,
        %swap3A_272 = vector.shape_cast %swap3A_271 : vector<1x1x16xf32> to vector<16xf32>
        %swap3A_273 = vector.shape_cast %mul3A_266 : vector<16xf32> to vector<1x1x16xf32>
        tpu.vector_store %arg11[%swap3A_268, %swap3A_269, %swap3A_270], %swap3A_273 {strides = array<i32>} : memref<2x256x144xf32, #tpu.memory_space<vmem>>, vector<1x1x16xf32>,
        %get3A_274 = arith.constant 1 : i32
        %get3A_275 = arith.index_cast %get3A_274 : i32 to index
        %get3A_276 = arith.index_cast %add3A_234 : i32 to index
        %get3A_277 = arith.constant 16 : index
        %get3A_278 = tpu.vector_load %arg11[%get3A_275, %get3A_276, %get3A_277] {strides = array<i32>} : memref<2x256x144xf32, #tpu.memory_space<vmem>>, vector<1x1x16xf32>,
        %get3A_279 = vector.shape_cast %get3A_278 : vector<1x1x16xf32> to vector<16xf32>
        %mul3A_280 = arith.mulf %get3A_279, %gather3A_259 : vector<16xf32>
        %swap3A_281 = arith.constant 1 : i32
        %swap3A_282 = arith.index_cast %swap3A_281 : i32 to index
        %swap3A_283 = arith.index_cast %add3A_234 : i32 to index
        %swap3A_284 = arith.constant 16 : index
        %swap3A_285 = tpu.vector_load %arg11[%swap3A_282, %swap3A_283, %swap3A_284] {strides = array<i32>} : memref<2x256x144xf32, #tpu.memory_space<vmem>>, vector<1x1x16xf32>,
        %swap3A_286 = vector.shape_cast %swap3A_285 : vector<1x1x16xf32> to vector<16xf32>
        %swap3A_287 = vector.shape_cast %mul3A_280 : vector<16xf32> to vector<1x1x16xf32>
        tpu.vector_store %arg11[%swap3A_282, %swap3A_283, %swap3A_284], %swap3A_287 {strides = array<i32>} : memref<2x256x144xf32, #tpu.memory_space<vmem>>, vector<1x1x16xf32>,
        %get3A_288 = arith.constant 1 : i32
        %get3A_289 = arith.index_cast %get3A_288 : i32 to index
        %get3A_290 = arith.index_cast %add3A_234 : i32 to index
        %get3A_291 = arith.constant 32 : index
        %get3A_292 = tpu.vector_load %arg11[%get3A_289, %get3A_290, %get3A_291] {strides = array<i32>} : memref<2x256x144xf32, #tpu.memory_space<vmem>>, vector<1x1x16xf32>,
        %get3A_293 = vector.shape_cast %get3A_292 : vector<1x1x16xf32> to vector<16xf32>
        %mul3A_294 = arith.mulf %get3A_293, %gather3A_259 : vector<16xf32>
        %swap3A_295 = arith.constant 1 : i32
        %swap3A_296 = arith.index_cast %swap3A_295 : i32 to index
        %swap3A_297 = arith.index_cast %add3A_234 : i32 to index
        %swap3A_298 = arith.constant 32 : index
        %swap3A_299 = tpu.vector_load %arg11[%swap3A_296, %swap3A_297, %swap3A_298] {strides = array<i32>} : memref<2x256x144xf32, #tpu.memory_space<vmem>>, vector<1x1x16xf32>,
        %swap3A_300 = vector.shape_cast %swap3A_299 : vector<1x1x16xf32> to vector<16xf32>
        %swap3A_301 = vector.shape_cast %mul3A_294 : vector<16xf32> to vector<1x1x16xf32>
        tpu.vector_store %arg11[%swap3A_296, %swap3A_297, %swap3A_298], %swap3A_301 {strides = array<i32>} : memref<2x256x144xf32, #tpu.memory_space<vmem>>, vector<1x1x16xf32>,
        %get3A_302 = arith.constant 1 : i32
        %get3A_303 = arith.index_cast %get3A_302 : i32 to index
        %get3A_304 = arith.index_cast %add3A_234 : i32 to index
        %get3A_305 = arith.constant 48 : index
        %get3A_306 = tpu.vector_load %arg11[%get3A_303, %get3A_304, %get3A_305] {strides = array<i32>} : memref<2x256x144xf32, #tpu.memory_space<vmem>>, vector<1x1x16xf32>,
        %get3A_307 = vector.shape_cast %get3A_306 : vector<1x1x16xf32> to vector<16xf32>
        %mul3A_308 = arith.mulf %get3A_307, %gather3A_259 : vector<16xf32>
        %swap3A_309 = arith.constant 1 : i32
        %swap3A_310 = arith.index_cast %swap3A_309 : i32 to index
        %swap3A_311 = arith.index_cast %add3A_234 : i32 to index
        %swap3A_312 = arith.constant 48 : index
        %swap3A_313 = tpu.vector_load %arg11[%swap3A_310, %swap3A_311, %swap3A_312] {strides = array<i32>} : memref<2x256x144xf32, #tpu.memory_space<vmem>>, vector<1x1x16xf32>,
        %swap3A_314 = vector.shape_cast %swap3A_313 : vector<1x1x16xf32> to vector<16xf32>
        %swap3A_315 = vector.shape_cast %mul3A_308 : vector<16xf32> to vector<1x1x16xf32>
        tpu.vector_store %arg11[%swap3A_310, %swap3A_311, %swap3A_312], %swap3A_315 {strides = array<i32>} : memref<2x256x144xf32, #tpu.memory_space<vmem>>, vector<1x1x16xf32>,
        %get3A_316 = arith.constant 1 : i32
        %get3A_317 = arith.index_cast %get3A_316 : i32 to index
        %get3A_318 = arith.index_cast %add3A_234 : i32 to index
        %get3A_319 = arith.constant 64 : index
        %get3A_320 = tpu.vector_load %arg11[%get3A_317, %get3A_318, %get3A_319] {strides = array<i32>} : memref<2x256x144xf32, #tpu.memory_space<vmem>>, vector<1x1x16xf32>,
        %get3A_321 = vector.shape_cast %get3A_320 : vector<1x1x16xf32> to vector<16xf32>
        %mul3A_322 = arith.mulf %get3A_321, %gather3A_259 : vector<16xf32>
        %swap3A_323 = arith.constant 1 : i32
        %swap3A_324 = arith.index_cast %swap3A_323 : i32 to index
        %swap3A_325 = arith.index_cast %add3A_234 : i32 to index
        %swap3A_326 = arith.constant 64 : index
        %swap3A_327 = tpu.vector_load %arg11[%swap3A_324, %swap3A_325, %swap3A_326] {strides = array<i32>} : memref<2x256x144xf32, #tpu.memory_space<vmem>>, vector<1x1x16xf32>,
        %swap3A_328 = vector.shape_cast %swap3A_327 : vector<1x1x16xf32> to vector<16xf32>
        %swap3A_329 = vector.shape_cast %mul3A_322 : vector<16xf32> to vector<1x1x16xf32>
        tpu.vector_store %arg11[%swap3A_324, %swap3A_325, %swap3A_326], %swap3A_329 {strides = array<i32>} : memref<2x256x144xf32, #tpu.memory_space<vmem>>, vector<1x1x16xf32>,
        %get3A_330 = arith.constant 1 : i32
        %get3A_331 = arith.index_cast %get3A_330 : i32 to index
        %get3A_332 = arith.index_cast %add3A_234 : i32 to index
        %get3A_333 = arith.constant 80 : index
        %get3A_334 = tpu.vector_load %arg11[%get3A_331, %get3A_332, %get3A_333] {strides = array<i32>} : memref<2x256x144xf32, #tpu.memory_space<vmem>>, vector<1x1x16xf32>,
        %get3A_335 = vector.shape_cast %get3A_334 : vector<1x1x16xf32> to vector<16xf32>
        %mul3A_336 = arith.mulf %get3A_335, %gather3A_259 : vector<16xf32>
        %swap3A_337 = arith.constant 1 : i32
        %swap3A_338 = arith.index_cast %swap3A_337 : i32 to index
        %swap3A_339 = arith.index_cast %add3A_234 : i32 to index
        %swap3A_340 = arith.constant 80 : index
        %swap3A_341 = tpu.vector_load %arg11[%swap3A_338, %swap3A_339, %swap3A_340] {strides = array<i32>} : memref<2x256x144xf32, #tpu.memory_space<vmem>>, vector<1x1x16xf32>,
        %swap3A_342 = vector.shape_cast %swap3A_341 : vector<1x1x16xf32> to vector<16xf32>
        %swap3A_343 = vector.shape_cast %mul3A_336 : vector<16xf32> to vector<1x1x16xf32>
        tpu.vector_store %arg11[%swap3A_338, %swap3A_339, %swap3A_340], %swap3A_343 {strides = array<i32>} : memref<2x256x144xf32, #tpu.memory_space<vmem>>, vector<1x1x16xf32>,
        %get3A_344 = arith.constant 1 : i32
        %get3A_345 = arith.index_cast %get3A_344 : i32 to index
        %get3A_346 = arith.index_cast %add3A_234 : i32 to index
        %get3A_347 = arith.constant 96 : index
        %get3A_348 = tpu.vector_load %arg11[%get3A_345, %get3A_346, %get3A_347] {strides = array<i32>} : memref<2x256x144xf32, #tpu.memory_space<vmem>>, vector<1x1x16xf32>,
        %get3A_349 = vector.shape_cast %get3A_348 : vector<1x1x16xf32> to vector<16xf32>
        %mul3A_350 = arith.mulf %get3A_349, %gather3A_259 : vector<16xf32>
        %swap3A_351 = arith.constant 1 : i32
        %swap3A_352 = arith.index_cast %swap3A_351 : i32 to index
        %swap3A_353 = arith.index_cast %add3A_234 : i32 to index
        %swap3A_354 = arith.constant 96 : index
        %swap3A_355 = tpu.vector_load %arg11[%swap3A_352, %swap3A_353, %swap3A_354] {strides = array<i32>} : memref<2x256x144xf32, #tpu.memory_space<vmem>>, vector<1x1x16xf32>,
        %swap3A_356 = vector.shape_cast %swap3A_355 : vector<1x1x16xf32> to vector<16xf32>
        %swap3A_357 = vector.shape_cast %mul3A_350 : vector<16xf32> to vector<1x1x16xf32>
        tpu.vector_store %arg11[%swap3A_352, %swap3A_353, %swap3A_354], %swap3A_357 {strides = array<i32>} : memref<2x256x144xf32, #tpu.memory_space<vmem>>, vector<1x1x16xf32>,
        %get3A_358 = arith.constant 1 : i32
        %get3A_359 = arith.index_cast %get3A_358 : i32 to index
        %get3A_360 = arith.index_cast %add3A_234 : i32 to index
        %get3A_361 = arith.constant 112 : index
        %get3A_362 = tpu.vector_load %arg11[%get3A_359, %get3A_360, %get3A_361] {strides = array<i32>} : memref<2x256x144xf32, #tpu.memory_space<vmem>>, vector<1x1x16xf32>,
        %get3A_363 = vector.shape_cast %get3A_362 : vector<1x1x16xf32> to vector<16xf32>
        %mul3A_364 = arith.mulf %get3A_363, %gather3A_259 : vector<16xf32>
        %swap3A_365 = arith.constant 1 : i32
        %swap3A_366 = arith.index_cast %swap3A_365 : i32 to index
        %swap3A_367 = arith.index_cast %add3A_234 : i32 to index
        %swap3A_368 = arith.constant 112 : index
        %swap3A_369 = tpu.vector_load %arg11[%swap3A_366, %swap3A_367, %swap3A_368] {strides = array<i32>} : memref<2x256x144xf32, #tpu.memory_space<vmem>>, vector<1x1x16xf32>,
        %swap3A_370 = vector.shape_cast %swap3A_369 : vector<1x1x16xf32> to vector<16xf32>
        %swap3A_371 = vector.shape_cast %mul3A_364 : vector<16xf32> to vector<1x1x16xf32>
        tpu.vector_store %arg11[%swap3A_366, %swap3A_367, %swap3A_368], %swap3A_371 {strides = array<i32>} : memref<2x256x144xf32, #tpu.memory_space<vmem>>, vector<1x1x16xf32>,
        %scan3A_372 = arith.constant 1 : i32
        %scan3A_373 = arith.addi %scan3A_230, %scan3A_372 : i32
        %mul3A_374 = arith.constant 1 : i32
        %mul3A_375 = arith.muli %scan3A_373, %mul3A_374 : i32
        %add3A_376 = arith.constant 0 : i32
        %add3A_377 = arith.addi %add3A_376, %mul3A_375 : i32
        %get3A_378 = arith.constant 1 : i32
        %get3A_379 = arith.index_cast %get3A_378 : i32 to index
        %get3A_380 = arith.index_cast %add3A_377 : i32 to index
        %get3A_381 = arith.constant 128 : index
        %get3A_382 = tpu.vector_load %arg11[%get3A_379, %get3A_380, %get3A_381] {strides = array<i32>} : memref<2x256x144xf32, #tpu.memory_space<vmem>>, vector<1x1x16xf32>,
        %get3A_383 = vector.shape_cast %get3A_382 : vector<1x1x16xf32> to vector<16xf32>
        %get3A_384 = arith.constant 1 : i32
        %get3A_385 = arith.index_cast %get3A_384 : i32 to index
        %get3A_386 = arith.index_cast %add3A_377 : i32 to index
        %get3A_387 = arith.constant 0 : index
        %get3A_388 = tpu.vector_load %arg12[%get3A_385, %get3A_386, %get3A_387] {strides = array<i32>} : memref<2x256x16xf32, #tpu.memory_space<vmem>>, vector<1x1x16xf32>,
        %get3A_389 = vector.shape_cast %get3A_388 : vector<1x1x16xf32> to vector<16xf32>
        %add3A_390 = arith.addf %get3A_383, %get3A_389 : vector<16xf32>
        %ge3A_391 = arith.constant 0.000000e+00 : f32
        %ge3A_392 = vector.broadcast %ge3A_391 : f32 to vector<16xf32>
        %ge3A_393 = arith.cmpf oge, %add3A_390, %ge3A_392 : vector<16xf32>
        %mul3A_394 = arith.constant 2.000000e-01 : f32
        %mul3A_395 = vector.broadcast %mul3A_394 : f32 to vector<16xf32>
        %mul3A_396 = arith.mulf %mul3A_395, %add3A_390 : vector<16xf32>
        %select_n3A_397 = arith.select %ge3A_393, %add3A_390, %mul3A_396 : vector<16xi1>, vector<16xf32>
        %exp3A_398 = math.exp %select_n3A_397 : vector<16xf32>
        %swap3A_399 = arith.constant 1 : i32
        %swap3A_400 = arith.index_cast %swap3A_399 : i32 to index
        %swap3A_401 = arith.index_cast %add3A_377 : i32 to index
        %swap3A_402 = arith.constant 128 : index
        %swap3A_403 = tpu.vector_load %arg11[%swap3A_400, %swap3A_401, %swap3A_402] {strides = array<i32>} : memref<2x256x144xf32, #tpu.memory_space<vmem>>, vector<1x1x16xf32>,
        %swap3A_404 = vector.shape_cast %swap3A_403 : vector<1x1x16xf32> to vector<16xf32>
        %swap3A_405 = vector.shape_cast %exp3A_398 : vector<16xf32> to vector<1x1x16xf32>
        tpu.vector_store %arg11[%swap3A_400, %swap3A_401, %swap3A_402], %swap3A_405 {strides = array<i32>} : memref<2x256x144xf32, #tpu.memory_space<vmem>>, vector<1x1x16xf32>,
        %broadcast_in_dim3A_406 = vector.shape_cast %broadcast_in_dim3A_23 : vector<16xi32> to vector<16x1xi32>
        %gather3A_407 = vector.shape_cast %broadcast_in_dim3A_406 : vector<16x1xi32> to vector<16xi32>
        %gather3A_408 = tpu.dynamic_gather %exp3A_398[%gather3A_407] in [0] : vector<16xf32>, vector<16xi32> -> vector<16xf32>
        %get3A_409 = arith.constant 1 : i32
        %get3A_410 = arith.index_cast %get3A_409 : i32 to index
        %get3A_411 = arith.index_cast %add3A_377 : i32 to index
        %get3A_412 = arith.constant 0 : index
        %get3A_413 = tpu.vector_load %arg11[%get3A_410, %get3A_411, %get3A_412] {strides = array<i32>} : memref<2x256x144xf32, #tpu.memory_space<vmem>>, vector<1x1x16xf32>,
        %get3A_414 = vector.shape_cast %get3A_413 : vector<1x1x16xf32> to vector<16xf32>
        %mul3A_415 = arith.mulf %get3A_414, %gather3A_408 : vector<16xf32>
        %swap3A_416 = arith.constant 1 : i32
        %swap3A_417 = arith.index_cast %swap3A_416 : i32 to index
        %swap3A_418 = arith.index_cast %add3A_377 : i32 to index
        %swap3A_419 = arith.constant 0 : index
        %swap3A_420 = tpu.vector_load %arg11[%swap3A_417, %swap3A_418, %swap3A_419] {strides = array<i32>} : memref<2x256x144xf32, #tpu.memory_space<vmem>>, vector<1x1x16xf32>,
        %swap3A_421 = vector.shape_cast %swap3A_420 : vector<1x1x16xf32> to vector<16xf32>
        %swap3A_422 = vector.shape_cast %mul3A_415 : vector<16xf32> to vector<1x1x16xf32>
        tpu.vector_store %arg11[%swap3A_417, %swap3A_418, %swap3A_419], %swap3A_422 {strides = array<i32>} : memref<2x256x144xf32, #tpu.memory_space<vmem>>, vector<1x1x16xf32>,
        %get3A_423 = arith.constant 1 : i32
        %get3A_424 = arith.index_cast %get3A_423 : i32 to index
        %get3A_425 = arith.index_cast %add3A_377 : i32 to index
        %get3A_426 = arith.constant 16 : index
        %get3A_427 = tpu.vector_load %arg11[%get3A_424, %get3A_425, %get3A_426] {strides = array<i32>} : memref<2x256x144xf32, #tpu.memory_space<vmem>>, vector<1x1x16xf32>,
        %get3A_428 = vector.shape_cast %get3A_427 : vector<1x1x16xf32> to vector<16xf32>
        %mul3A_429 = arith.mulf %get3A_428, %gather3A_408 : vector<16xf32>
        %swap3A_430 = arith.constant 1 : i32
        %swap3A_431 = arith.index_cast %swap3A_430 : i32 to index
        %swap3A_432 = arith.index_cast %add3A_377 : i32 to index
        %swap3A_433 = arith.constant 16 : index
        %swap3A_434 = tpu.vector_load %arg11[%swap3A_431, %swap3A_432, %swap3A_433] {strides = array<i32>} : memref<2x256x144xf32, #tpu.memory_space<vmem>>, vector<1x1x16xf32>,
        %swap3A_435 = vector.shape_cast %swap3A_434 : vector<1x1x16xf32> to vector<16xf32>
        %swap3A_436 = vector.shape_cast %mul3A_429 : vector<16xf32> to vector<1x1x16xf32>
        tpu.vector_store %arg11[%swap3A_431, %swap3A_432, %swap3A_433], %swap3A_436 {strides = array<i32>} : memref<2x256x144xf32, #tpu.memory_space<vmem>>, vector<1x1x16xf32>,
        %get3A_437 = arith.constant 1 : i32
        %get3A_438 = arith.index_cast %get3A_437 : i32 to index
        %get3A_439 = arith.index_cast %add3A_377 : i32 to index
        %get3A_440 = arith.constant 32 : index
        %get3A_441 = tpu.vector_load %arg11[%get3A_438, %get3A_439, %get3A_440] {strides = array<i32>} : memref<2x256x144xf32, #tpu.memory_space<vmem>>, vector<1x1x16xf32>,
        %get3A_442 = vector.shape_cast %get3A_441 : vector<1x1x16xf32> to vector<16xf32>
        %mul3A_443 = arith.mulf %get3A_442, %gather3A_408 : vector<16xf32>
        %swap3A_444 = arith.constant 1 : i32
        %swap3A_445 = arith.index_cast %swap3A_444 : i32 to index
        %swap3A_446 = arith.index_cast %add3A_377 : i32 to index
        %swap3A_447 = arith.constant 32 : index
        %swap3A_448 = tpu.vector_load %arg11[%swap3A_445, %swap3A_446, %swap3A_447] {strides = array<i32>} : memref<2x256x144xf32, #tpu.memory_space<vmem>>, vector<1x1x16xf32>,
        %swap3A_449 = vector.shape_cast %swap3A_448 : vector<1x1x16xf32> to vector<16xf32>
        %swap3A_450 = vector.shape_cast %mul3A_443 : vector<16xf32> to vector<1x1x16xf32>
        tpu.vector_store %arg11[%swap3A_445, %swap3A_446, %swap3A_447], %swap3A_450 {strides = array<i32>} : memref<2x256x144xf32, #tpu.memory_space<vmem>>, vector<1x1x16xf32>,
        %get3A_451 = arith.constant 1 : i32
        %get3A_452 = arith.index_cast %get3A_451 : i32 to index
        %get3A_453 = arith.index_cast %add3A_377 : i32 to index
        %get3A_454 = arith.constant 48 : index
        %get3A_455 = tpu.vector_load %arg11[%get3A_452, %get3A_453, %get3A_454] {strides = array<i32>} : memref<2x256x144xf32, #tpu.memory_space<vmem>>, vector<1x1x16xf32>,
        %get3A_456 = vector.shape_cast %get3A_455 : vector<1x1x16xf32> to vector<16xf32>
        %mul3A_457 = arith.mulf %get3A_456, %gather3A_408 : vector<16xf32>
        %swap3A_458 = arith.constant 1 : i32
        %swap3A_459 = arith.index_cast %swap3A_458 : i32 to index
        %swap3A_460 = arith.index_cast %add3A_377 : i32 to index
        %swap3A_461 = arith.constant 48 : index
        %swap3A_462 = tpu.vector_load %arg11[%swap3A_459, %swap3A_460, %swap3A_461] {strides = array<i32>} : memref<2x256x144xf32, #tpu.memory_space<vmem>>, vector<1x1x16xf32>,
        %swap3A_463 = vector.shape_cast %swap3A_462 : vector<1x1x16xf32> to vector<16xf32>
        %swap3A_464 = vector.shape_cast %mul3A_457 : vector<16xf32> to vector<1x1x16xf32>
        tpu.vector_store %arg11[%swap3A_459, %swap3A_460, %swap3A_461], %swap3A_464 {strides = array<i32>} : memref<2x256x144xf32, #tpu.memory_space<vmem>>, vector<1x1x16xf32>,
        %get3A_465 = arith.constant 1 : i32
        %get3A_466 = arith.index_cast %get3A_465 : i32 to index
        %get3A_467 = arith.index_cast %add3A_377 : i32 to index
        %get3A_468 = arith.constant 64 : index
        %get3A_469 = tpu.vector_load %arg11[%get3A_466, %get3A_467, %get3A_468] {strides = array<i32>} : memref<2x256x144xf32, #tpu.memory_space<vmem>>, vector<1x1x16xf32>,
        %get3A_470 = vector.shape_cast %get3A_469 : vector<1x1x16xf32> to vector<16xf32>
        %mul3A_471 = arith.mulf %get3A_470, %gather3A_408 : vector<16xf32>
        %swap3A_472 = arith.constant 1 : i32
        %swap3A_473 = arith.index_cast %swap3A_472 : i32 to index
        %swap3A_474 = arith.index_cast %add3A_377 : i32 to index
        %swap3A_475 = arith.constant 64 : index
        %swap3A_476 = tpu.vector_load %arg11[%swap3A_473, %swap3A_474, %swap3A_475] {strides = array<i32>} : memref<2x256x144xf32, #tpu.memory_space<vmem>>, vector<1x1x16xf32>,
        %swap3A_477 = vector.shape_cast %swap3A_476 : vector<1x1x16xf32> to vector<16xf32>
        %swap3A_478 = vector.shape_cast %mul3A_471 : vector<16xf32> to vector<1x1x16xf32>
        tpu.vector_store %arg11[%swap3A_473, %swap3A_474, %swap3A_475], %swap3A_478 {strides = array<i32>} : memref<2x256x144xf32, #tpu.memory_space<vmem>>, vector<1x1x16xf32>,
        %get3A_479 = arith.constant 1 : i32
        %get3A_480 = arith.index_cast %get3A_479 : i32 to index
        %get3A_481 = arith.index_cast %add3A_377 : i32 to index
        %get3A_482 = arith.constant 80 : index
        %get3A_483 = tpu.vector_load %arg11[%get3A_480, %get3A_481, %get3A_482] {strides = array<i32>} : memref<2x256x144xf32, #tpu.memory_space<vmem>>, vector<1x1x16xf32>,
        %get3A_484 = vector.shape_cast %get3A_483 : vector<1x1x16xf32> to vector<16xf32>
        %mul3A_485 = arith.mulf %get3A_484, %gather3A_408 : vector<16xf32>
        %swap3A_486 = arith.constant 1 : i32
        %swap3A_487 = arith.index_cast %swap3A_486 : i32 to index
        %swap3A_488 = arith.index_cast %add3A_377 : i32 to index
        %swap3A_489 = arith.constant 80 : index
        %swap3A_490 = tpu.vector_load %arg11[%swap3A_487, %swap3A_488, %swap3A_489] {strides = array<i32>} : memref<2x256x144xf32, #tpu.memory_space<vmem>>, vector<1x1x16xf32>,
        %swap3A_491 = vector.shape_cast %swap3A_490 : vector<1x1x16xf32> to vector<16xf32>
        %swap3A_492 = vector.shape_cast %mul3A_485 : vector<16xf32> to vector<1x1x16xf32>
        tpu.vector_store %arg11[%swap3A_487, %swap3A_488, %swap3A_489], %swap3A_492 {strides = array<i32>} : memref<2x256x144xf32, #tpu.memory_space<vmem>>, vector<1x1x16xf32>,
        %get3A_493 = arith.constant 1 : i32
        %get3A_494 = arith.index_cast %get3A_493 : i32 to index
        %get3A_495 = arith.index_cast %add3A_377 : i32 to index
        %get3A_496 = arith.constant 96 : index
        %get3A_497 = tpu.vector_load %arg11[%get3A_494, %get3A_495, %get3A_496] {strides = array<i32>} : memref<2x256x144xf32, #tpu.memory_space<vmem>>, vector<1x1x16xf32>,
        %get3A_498 = vector.shape_cast %get3A_497 : vector<1x1x16xf32> to vector<16xf32>
        %mul3A_499 = arith.mulf %get3A_498, %gather3A_408 : vector<16xf32>
        %swap3A_500 = arith.constant 1 : i32
        %swap3A_501 = arith.index_cast %swap3A_500 : i32 to index
        %swap3A_502 = arith.index_cast %add3A_377 : i32 to index
        %swap3A_503 = arith.constant 96 : index
        %swap3A_504 = tpu.vector_load %arg11[%swap3A_501, %swap3A_502, %swap3A_503] {strides = array<i32>} : memref<2x256x144xf32, #tpu.memory_space<vmem>>, vector<1x1x16xf32>,
        %swap3A_505 = vector.shape_cast %swap3A_504 : vector<1x1x16xf32> to vector<16xf32>
        %swap3A_506 = vector.shape_cast %mul3A_499 : vector<16xf32> to vector<1x1x16xf32>
        tpu.vector_store %arg11[%swap3A_501, %swap3A_502, %swap3A_503], %swap3A_506 {strides = array<i32>} : memref<2x256x144xf32, #tpu.memory_space<vmem>>, vector<1x1x16xf32>,
        %get3A_507 = arith.constant 1 : i32
        %get3A_508 = arith.index_cast %get3A_507 : i32 to index
        %get3A_509 = arith.index_cast %add3A_377 : i32 to index
        %get3A_510 = arith.constant 112 : index
        %get3A_511 = tpu.vector_load %arg11[%get3A_508, %get3A_509, %get3A_510] {strides = array<i32>} : memref<2x256x144xf32, #tpu.memory_space<vmem>>, vector<1x1x16xf32>,
        %get3A_512 = vector.shape_cast %get3A_511 : vector<1x1x16xf32> to vector<16xf32>
        %mul3A_513 = arith.mulf %get3A_512, %gather3A_408 : vector<16xf32>
        %swap3A_514 = arith.constant 1 : i32
        %swap3A_515 = arith.index_cast %swap3A_514 : i32 to index
        %swap3A_516 = arith.index_cast %add3A_377 : i32 to index
        %swap3A_517 = arith.constant 112 : index
        %swap3A_518 = tpu.vector_load %arg11[%swap3A_515, %swap3A_516, %swap3A_517] {strides = array<i32>} : memref<2x256x144xf32, #tpu.memory_space<vmem>>, vector<1x1x16xf32>,
        %swap3A_519 = vector.shape_cast %swap3A_518 : vector<1x1x16xf32> to vector<16xf32>
        %swap3A_520 = vector.shape_cast %mul3A_513 : vector<16xf32> to vector<1x1x16xf32>
        tpu.vector_store %arg11[%swap3A_515, %swap3A_516, %swap3A_517], %swap3A_520 {strides = array<i32>} : memref<2x256x144xf32, #tpu.memory_space<vmem>>, vector<1x1x16xf32>,
        %scan3A_521 = arith.constant 2 : i32
        %scan3A_522 = arith.addi %scan3A_230, %scan3A_521 : i32
        %mul3A_523 = arith.constant 1 : i32
        %mul3A_524 = arith.muli %scan3A_522, %mul3A_523 : i32
        %add3A_525 = arith.constant 0 : i32
        %add3A_526 = arith.addi %add3A_525, %mul3A_524 : i32
        %get3A_527 = arith.constant 1 : i32
        %get3A_528 = arith.index_cast %get3A_527 : i32 to index
        %get3A_529 = arith.index_cast %add3A_526 : i32 to index
        %get3A_530 = arith.constant 128 : index
        %get3A_531 = tpu.vector_load %arg11[%get3A_528, %get3A_529, %get3A_530] {strides = array<i32>} : memref<2x256x144xf32, #tpu.memory_space<vmem>>, vector<1x1x16xf32>,
        %get3A_532 = vector.shape_cast %get3A_531 : vector<1x1x16xf32> to vector<16xf32>
        %get3A_533 = arith.constant 1 : i32
        %get3A_534 = arith.index_cast %get3A_533 : i32 to index
        %get3A_535 = arith.index_cast %add3A_526 : i32 to index
        %get3A_536 = arith.constant 0 : index
        %get3A_537 = tpu.vector_load %arg12[%get3A_534, %get3A_535, %get3A_536] {strides = array<i32>} : memref<2x256x16xf32, #tpu.memory_space<vmem>>, vector<1x1x16xf32>,
        %get3A_538 = vector.shape_cast %get3A_537 : vector<1x1x16xf32> to vector<16xf32>
        %add3A_539 = arith.addf %get3A_532, %get3A_538 : vector<16xf32>
        %ge3A_540 = arith.constant 0.000000e+00 : f32
        %ge3A_541 = vector.broadcast %ge3A_540 : f32 to vector<16xf32>
        %ge3A_542 = arith.cmpf oge, %add3A_539, %ge3A_541 : vector<16xf32>
        %mul3A_543 = arith.constant 2.000000e-01 : f32
        %mul3A_544 = vector.broadcast %mul3A_543 : f32 to vector<16xf32>
        %mul3A_545 = arith.mulf %mul3A_544, %add3A_539 : vector<16xf32>
        %select_n3A_546 = arith.select %ge3A_542, %add3A_539, %mul3A_545 : vector<16xi1>, vector<16xf32>
        %exp3A_547 = math.exp %select_n3A_546 : vector<16xf32>
        %swap3A_548 = arith.constant 1 : i32
        %swap3A_549 = arith.index_cast %swap3A_548 : i32 to index
        %swap3A_550 = arith.index_cast %add3A_526 : i32 to index
        %swap3A_551 = arith.constant 128 : index
        %swap3A_552 = tpu.vector_load %arg11[%swap3A_549, %swap3A_550, %swap3A_551] {strides = array<i32>} : memref<2x256x144xf32, #tpu.memory_space<vmem>>, vector<1x1x16xf32>,
        %swap3A_553 = vector.shape_cast %swap3A_552 : vector<1x1x16xf32> to vector<16xf32>
        %swap3A_554 = vector.shape_cast %exp3A_547 : vector<16xf32> to vector<1x1x16xf32>
        tpu.vector_store %arg11[%swap3A_549, %swap3A_550, %swap3A_551], %swap3A_554 {strides = array<i32>} : memref<2x256x144xf32, #tpu.memory_space<vmem>>, vector<1x1x16xf32>,
        %broadcast_in_dim3A_555 = vector.shape_cast %broadcast_in_dim3A_23 : vector<16xi32> to vector<16x1xi32>
        %gather3A_556 = vector.shape_cast %broadcast_in_dim3A_555 : vector<16x1xi32> to vector<16xi32>
        %gather3A_557 = tpu.dynamic_gather %exp3A_547[%gather3A_556] in [0] : vector<16xf32>, vector<16xi32> -> vector<16xf32>
        %get3A_558 = arith.constant 1 : i32
        %get3A_559 = arith.index_cast %get3A_558 : i32 to index
        %get3A_560 = arith.index_cast %add3A_526 : i32 to index
        %get3A_561 = arith.constant 0 : index
        %get3A_562 = tpu.vector_load %arg11[%get3A_559, %get3A_560, %get3A_561] {strides = array<i32>} : memref<2x256x144xf32, #tpu.memory_space<vmem>>, vector<1x1x16xf32>,
        %get3A_563 = vector.shape_cast %get3A_562 : vector<1x1x16xf32> to vector<16xf32>
        %mul3A_564 = arith.mulf %get3A_563, %gather3A_557 : vector<16xf32>
        %swap3A_565 = arith.constant 1 : i32
        %swap3A_566 = arith.index_cast %swap3A_565 : i32 to index
        %swap3A_567 = arith.index_cast %add3A_526 : i32 to index
        %swap3A_568 = arith.constant 0 : index
        %swap3A_569 = tpu.vector_load %arg11[%swap3A_566, %swap3A_567, %swap3A_568] {strides = array<i32>} : memref<2x256x144xf32, #tpu.memory_space<vmem>>, vector<1x1x16xf32>,
        %swap3A_570 = vector.shape_cast %swap3A_569 : vector<1x1x16xf32> to vector<16xf32>
        %swap3A_571 = vector.shape_cast %mul3A_564 : vector<16xf32> to vector<1x1x16xf32>
        tpu.vector_store %arg11[%swap3A_566, %swap3A_567, %swap3A_568], %swap3A_571 {strides = array<i32>} : memref<2x256x144xf32, #tpu.memory_space<vmem>>, vector<1x1x16xf32>,
        %get3A_572 = arith.constant 1 : i32
        %get3A_573 = arith.index_cast %get3A_572 : i32 to index
        %get3A_574 = arith.index_cast %add3A_526 : i32 to index
        %get3A_575 = arith.constant 16 : index
        %get3A_576 = tpu.vector_load %arg11[%get3A_573, %get3A_574, %get3A_575] {strides = array<i32>} : memref<2x256x144xf32, #tpu.memory_space<vmem>>, vector<1x1x16xf32>,
        %get3A_577 = vector.shape_cast %get3A_576 : vector<1x1x16xf32> to vector<16xf32>
        %mul3A_578 = arith.mulf %get3A_577, %gather3A_557 : vector<16xf32>
        %swap3A_579 = arith.constant 1 : i32
        %swap3A_580 = arith.index_cast %swap3A_579 : i32 to index
        %swap3A_581 = arith.index_cast %add3A_526 : i32 to index
        %swap3A_582 = arith.constant 16 : index
        %swap3A_583 = tpu.vector_load %arg11[%swap3A_580, %swap3A_581, %swap3A_582] {strides = array<i32>} : memref<2x256x144xf32, #tpu.memory_space<vmem>>, vector<1x1x16xf32>,
        %swap3A_584 = vector.shape_cast %swap3A_583 : vector<1x1x16xf32> to vector<16xf32>
        %swap3A_585 = vector.shape_cast %mul3A_578 : vector<16xf32> to vector<1x1x16xf32>
        tpu.vector_store %arg11[%swap3A_580, %swap3A_581, %swap3A_582], %swap3A_585 {strides = array<i32>} : memref<2x256x144xf32, #tpu.memory_space<vmem>>, vector<1x1x16xf32>,
        %get3A_586 = arith.constant 1 : i32
        %get3A_587 = arith.index_cast %get3A_586 : i32 to index
        %get3A_588 = arith.index_cast %add3A_526 : i32 to index
        %get3A_589 = arith.constant 32 : index
        %get3A_590 = tpu.vector_load %arg11[%get3A_587, %get3A_588, %get3A_589] {strides = array<i32>} : memref<2x256x144xf32, #tpu.memory_space<vmem>>, vector<1x1x16xf32>,
        %get3A_591 = vector.shape_cast %get3A_590 : vector<1x1x16xf32> to vector<16xf32>
        %mul3A_592 = arith.mulf %get3A_591, %gather3A_557 : vector<16xf32>
        %swap3A_593 = arith.constant 1 : i32
        %swap3A_594 = arith.index_cast %swap3A_593 : i32 to index
        %swap3A_595 = arith.index_cast %add3A_526 : i32 to index
        %swap3A_596 = arith.constant 32 : index
        %swap3A_597 = tpu.vector_load %arg11[%swap3A_594, %swap3A_595, %swap3A_596] {strides = array<i32>} : memref<2x256x144xf32, #tpu.memory_space<vmem>>, vector<1x1x16xf32>,
        %swap3A_598 = vector.shape_cast %swap3A_597 : vector<1x1x16xf32> to vector<16xf32>
        %swap3A_599 = vector.shape_cast %mul3A_592 : vector<16xf32> to vector<1x1x16xf32>
        tpu.vector_store %arg11[%swap3A_594, %swap3A_595, %swap3A_596], %swap3A_599 {strides = array<i32>} : memref<2x256x144xf32, #tpu.memory_space<vmem>>, vector<1x1x16xf32>,
        %get3A_600 = arith.constant 1 : i32
        %get3A_601 = arith.index_cast %get3A_600 : i32 to index
        %get3A_602 = arith.index_cast %add3A_526 : i32 to index
        %get3A_603 = arith.constant 48 : index
        %get3A_604 = tpu.vector_load %arg11[%get3A_601, %get3A_602, %get3A_603] {strides = array<i32>} : memref<2x256x144xf32, #tpu.memory_space<vmem>>, vector<1x1x16xf32>,
        %get3A_605 = vector.shape_cast %get3A_604 : vector<1x1x16xf32> to vector<16xf32>
        %mul3A_606 = arith.mulf %get3A_605, %gather3A_557 : vector<16xf32>
        %swap3A_607 = arith.constant 1 : i32
        %swap3A_608 = arith.index_cast %swap3A_607 : i32 to index
        %swap3A_609 = arith.index_cast %add3A_526 : i32 to index
        %swap3A_610 = arith.constant 48 : index
        %swap3A_611 = tpu.vector_load %arg11[%swap3A_608, %swap3A_609, %swap3A_610] {strides = array<i32>} : memref<2x256x144xf32, #tpu.memory_space<vmem>>, vector<1x1x16xf32>,
        %swap3A_612 = vector.shape_cast %swap3A_611 : vector<1x1x16xf32> to vector<16xf32>
        %swap3A_613 = vector.shape_cast %mul3A_606 : vector<16xf32> to vector<1x1x16xf32>
        tpu.vector_store %arg11[%swap3A_608, %swap3A_609, %swap3A_610], %swap3A_613 {strides = array<i32>} : memref<2x256x144xf32, #tpu.memory_space<vmem>>, vector<1x1x16xf32>,
        %get3A_614 = arith.constant 1 : i32
        %get3A_615 = arith.index_cast %get3A_614 : i32 to index
        %get3A_616 = arith.index_cast %add3A_526 : i32 to index
        %get3A_617 = arith.constant 64 : index
        %get3A_618 = tpu.vector_load %arg11[%get3A_615, %get3A_616, %get3A_617] {strides = array<i32>} : memref<2x256x144xf32, #tpu.memory_space<vmem>>, vector<1x1x16xf32>,
        %get3A_619 = vector.shape_cast %get3A_618 : vector<1x1x16xf32> to vector<16xf32>
        %mul3A_620 = arith.mulf %get3A_619, %gather3A_557 : vector<16xf32>
        %swap3A_621 = arith.constant 1 : i32
        %swap3A_622 = arith.index_cast %swap3A_621 : i32 to index
        %swap3A_623 = arith.index_cast %add3A_526 : i32 to index
        %swap3A_624 = arith.constant 64 : index
        %swap3A_625 = tpu.vector_load %arg11[%swap3A_622, %swap3A_623, %swap3A_624] {strides = array<i32>} : memref<2x256x144xf32, #tpu.memory_space<vmem>>, vector<1x1x16xf32>,
        %swap3A_626 = vector.shape_cast %swap3A_625 : vector<1x1x16xf32> to vector<16xf32>
        %swap3A_627 = vector.shape_cast %mul3A_620 : vector<16xf32> to vector<1x1x16xf32>
        tpu.vector_store %arg11[%swap3A_622, %swap3A_623, %swap3A_624], %swap3A_627 {strides = array<i32>} : memref<2x256x144xf32, #tpu.memory_space<vmem>>, vector<1x1x16xf32>,
        %get3A_628 = arith.constant 1 : i32
        %get3A_629 = arith.index_cast %get3A_628 : i32 to index
        %get3A_630 = arith.index_cast %add3A_526 : i32 to index
        %get3A_631 = arith.constant 80 : index
        %get3A_632 = tpu.vector_load %arg11[%get3A_629, %get3A_630, %get3A_631] {strides = array<i32>} : memref<2x256x144xf32, #tpu.memory_space<vmem>>, vector<1x1x16xf32>,
        %get3A_633 = vector.shape_cast %get3A_632 : vector<1x1x16xf32> to vector<16xf32>
        %mul3A_634 = arith.mulf %get3A_633, %gather3A_557 : vector<16xf32>
        %swap3A_635 = arith.constant 1 : i32
        %swap3A_636 = arith.index_cast %swap3A_635 : i32 to index
        %swap3A_637 = arith.index_cast %add3A_526 : i32 to index
        %swap3A_638 = arith.constant 80 : index
        %swap3A_639 = tpu.vector_load %arg11[%swap3A_636, %swap3A_637, %swap3A_638] {strides = array<i32>} : memref<2x256x144xf32, #tpu.memory_space<vmem>>, vector<1x1x16xf32>,
        %swap3A_640 = vector.shape_cast %swap3A_639 : vector<1x1x16xf32> to vector<16xf32>
        %swap3A_641 = vector.shape_cast %mul3A_634 : vector<16xf32> to vector<1x1x16xf32>
        tpu.vector_store %arg11[%swap3A_636, %swap3A_637, %swap3A_638], %swap3A_641 {strides = array<i32>} : memref<2x256x144xf32, #tpu.memory_space<vmem>>, vector<1x1x16xf32>,
        %get3A_642 = arith.constant 1 : i32
        %get3A_643 = arith.index_cast %get3A_642 : i32 to index
        %get3A_644 = arith.index_cast %add3A_526 : i32 to index
        %get3A_645 = arith.constant 96 : index
        %get3A_646 = tpu.vector_load %arg11[%get3A_643, %get3A_644, %get3A_645] {strides = array<i32>} : memref<2x256x144xf32, #tpu.memory_space<vmem>>, vector<1x1x16xf32>,
        %get3A_647 = vector.shape_cast %get3A_646 : vector<1x1x16xf32> to vector<16xf32>
        %mul3A_648 = arith.mulf %get3A_647, %gather3A_557 : vector<16xf32>
        %swap3A_649 = arith.constant 1 : i32
        %swap3A_650 = arith.index_cast %swap3A_649 : i32 to index
        %swap3A_651 = arith.index_cast %add3A_526 : i32 to index
        %swap3A_652 = arith.constant 96 : index
        %swap3A_653 = tpu.vector_load %arg11[%swap3A_650, %swap3A_651, %swap3A_652] {strides = array<i32>} : memref<2x256x144xf32, #tpu.memory_space<vmem>>, vector<1x1x16xf32>,
        %swap3A_654 = vector.shape_cast %swap3A_653 : vector<1x1x16xf32> to vector<16xf32>
        %swap3A_655 = vector.shape_cast %mul3A_648 : vector<16xf32> to vector<1x1x16xf32>
        tpu.vector_store %arg11[%swap3A_650, %swap3A_651, %swap3A_652], %swap3A_655 {strides = array<i32>} : memref<2x256x144xf32, #tpu.memory_space<vmem>>, vector<1x1x16xf32>,
        %get3A_656 = arith.constant 1 : i32
        %get3A_657 = arith.index_cast %get3A_656 : i32 to index
        %get3A_658 = arith.index_cast %add3A_526 : i32 to index
        %get3A_659 = arith.constant 112 : index
        %get3A_660 = tpu.vector_load %arg11[%get3A_657, %get3A_658, %get3A_659] {strides = array<i32>} : memref<2x256x144xf32, #tpu.memory_space<vmem>>, vector<1x1x16xf32>,
        %get3A_661 = vector.shape_cast %get3A_660 : vector<1x1x16xf32> to vector<16xf32>
        %mul3A_662 = arith.mulf %get3A_661, %gather3A_557 : vector<16xf32>
        %swap3A_663 = arith.constant 1 : i32
        %swap3A_664 = arith.index_cast %swap3A_663 : i32 to index
        %swap3A_665 = arith.index_cast %add3A_526 : i32 to index
        %swap3A_666 = arith.constant 112 : index
        %swap3A_667 = tpu.vector_load %arg11[%swap3A_664, %swap3A_665, %swap3A_666] {strides = array<i32>} : memref<2x256x144xf32, #tpu.memory_space<vmem>>, vector<1x1x16xf32>,
        %swap3A_668 = vector.shape_cast %swap3A_667 : vector<1x1x16xf32> to vector<16xf32>
        %swap3A_669 = vector.shape_cast %mul3A_662 : vector<16xf32> to vector<1x1x16xf32>
        tpu.vector_store %arg11[%swap3A_664, %swap3A_665, %swap3A_666], %swap3A_669 {strides = array<i32>} : memref<2x256x144xf32, #tpu.memory_space<vmem>>, vector<1x1x16xf32>,
        %scan3A_670 = arith.constant 3 : i32
        %scan3A_671 = arith.addi %scan3A_230, %scan3A_670 : i32
        %mul3A_672 = arith.constant 1 : i32
        %mul3A_673 = arith.muli %scan3A_671, %mul3A_672 : i32
        %add3A_674 = arith.constant 0 : i32
        %add3A_675 = arith.addi %add3A_674, %mul3A_673 : i32
        %get3A_676 = arith.constant 1 : i32
        %get3A_677 = arith.index_cast %get3A_676 : i32 to index
        %get3A_678 = arith.index_cast %add3A_675 : i32 to index
        %get3A_679 = arith.constant 128 : index
        %get3A_680 = tpu.vector_load %arg11[%get3A_677, %get3A_678, %get3A_679] {strides = array<i32>} : memref<2x256x144xf32, #tpu.memory_space<vmem>>, vector<1x1x16xf32>,
        %get3A_681 = vector.shape_cast %get3A_680 : vector<1x1x16xf32> to vector<16xf32>
        %get3A_682 = arith.constant 1 : i32
        %get3A_683 = arith.index_cast %get3A_682 : i32 to index
        %get3A_684 = arith.index_cast %add3A_675 : i32 to index
        %get3A_685 = arith.constant 0 : index
        %get3A_686 = tpu.vector_load %arg12[%get3A_683, %get3A_684, %get3A_685] {strides = array<i32>} : memref<2x256x16xf32, #tpu.memory_space<vmem>>, vector<1x1x16xf32>,
        %get3A_687 = vector.shape_cast %get3A_686 : vector<1x1x16xf32> to vector<16xf32>
        %add3A_688 = arith.addf %get3A_681, %get3A_687 : vector<16xf32>
        %ge3A_689 = arith.constant 0.000000e+00 : f32
        %ge3A_690 = vector.broadcast %ge3A_689 : f32 to vector<16xf32>
        %ge3A_691 = arith.cmpf oge, %add3A_688, %ge3A_690 : vector<16xf32>
        %mul3A_692 = arith.constant 2.000000e-01 : f32
        %mul3A_693 = vector.broadcast %mul3A_692 : f32 to vector<16xf32>
        %mul3A_694 = arith.mulf %mul3A_693, %add3A_688 : vector<16xf32>
        %select_n3A_695 = arith.select %ge3A_691, %add3A_688, %mul3A_694 : vector<16xi1>, vector<16xf32>
        %exp3A_696 = math.exp %select_n3A_695 : vector<16xf32>
        %swap3A_697 = arith.constant 1 : i32
        %swap3A_698 = arith.index_cast %swap3A_697 : i32 to index
        %swap3A_699 = arith.index_cast %add3A_675 : i32 to index
        %swap3A_700 = arith.constant 128 : index
        %swap3A_701 = tpu.vector_load %arg11[%swap3A_698, %swap3A_699, %swap3A_700] {strides = array<i32>} : memref<2x256x144xf32, #tpu.memory_space<vmem>>, vector<1x1x16xf32>,
        %swap3A_702 = vector.shape_cast %swap3A_701 : vector<1x1x16xf32> to vector<16xf32>
        %swap3A_703 = vector.shape_cast %exp3A_696 : vector<16xf32> to vector<1x1x16xf32>
        tpu.vector_store %arg11[%swap3A_698, %swap3A_699, %swap3A_700], %swap3A_703 {strides = array<i32>} : memref<2x256x144xf32, #tpu.memory_space<vmem>>, vector<1x1x16xf32>,
        %broadcast_in_dim3A_704 = vector.shape_cast %broadcast_in_dim3A_23 : vector<16xi32> to vector<16x1xi32>
        %gather3A_705 = vector.shape_cast %broadcast_in_dim3A_704 : vector<16x1xi32> to vector<16xi32>
        %gather3A_706 = tpu.dynamic_gather %exp3A_696[%gather3A_705] in [0] : vector<16xf32>, vector<16xi32> -> vector<16xf32>
        %get3A_707 = arith.constant 1 : i32
        %get3A_708 = arith.index_cast %get3A_707 : i32 to index
        %get3A_709 = arith.index_cast %add3A_675 : i32 to index
        %get3A_710 = arith.constant 0 : index
        %get3A_711 = tpu.vector_load %arg11[%get3A_708, %get3A_709, %get3A_710] {strides = array<i32>} : memref<2x256x144xf32, #tpu.memory_space<vmem>>, vector<1x1x16xf32>,
        %get3A_712 = vector.shape_cast %get3A_711 : vector<1x1x16xf32> to vector<16xf32>
        %mul3A_713 = arith.mulf %get3A_712, %gather3A_706 : vector<16xf32>
        %swap3A_714 = arith.constant 1 : i32
        %swap3A_715 = arith.index_cast %swap3A_714 : i32 to index
        %swap3A_716 = arith.index_cast %add3A_675 : i32 to index
        %swap3A_717 = arith.constant 0 : index
        %swap3A_718 = tpu.vector_load %arg11[%swap3A_715, %swap3A_716, %swap3A_717] {strides = array<i32>} : memref<2x256x144xf32, #tpu.memory_space<vmem>>, vector<1x1x16xf32>,
        %swap3A_719 = vector.shape_cast %swap3A_718 : vector<1x1x16xf32> to vector<16xf32>
        %swap3A_720 = vector.shape_cast %mul3A_713 : vector<16xf32> to vector<1x1x16xf32>
        tpu.vector_store %arg11[%swap3A_715, %swap3A_716, %swap3A_717], %swap3A_720 {strides = array<i32>} : memref<2x256x144xf32, #tpu.memory_space<vmem>>, vector<1x1x16xf32>,
        %get3A_721 = arith.constant 1 : i32
        %get3A_722 = arith.index_cast %get3A_721 : i32 to index
        %get3A_723 = arith.index_cast %add3A_675 : i32 to index
        %get3A_724 = arith.constant 16 : index
        %get3A_725 = tpu.vector_load %arg11[%get3A_722, %get3A_723, %get3A_724] {strides = array<i32>} : memref<2x256x144xf32, #tpu.memory_space<vmem>>, vector<1x1x16xf32>,
        %get3A_726 = vector.shape_cast %get3A_725 : vector<1x1x16xf32> to vector<16xf32>
        %mul3A_727 = arith.mulf %get3A_726, %gather3A_706 : vector<16xf32>
        %swap3A_728 = arith.constant 1 : i32
        %swap3A_729 = arith.index_cast %swap3A_728 : i32 to index
        %swap3A_730 = arith.index_cast %add3A_675 : i32 to index
        %swap3A_731 = arith.constant 16 : index
        %swap3A_732 = tpu.vector_load %arg11[%swap3A_729, %swap3A_730, %swap3A_731] {strides = array<i32>} : memref<2x256x144xf32, #tpu.memory_space<vmem>>, vector<1x1x16xf32>,
        %swap3A_733 = vector.shape_cast %swap3A_732 : vector<1x1x16xf32> to vector<16xf32>
        %swap3A_734 = vector.shape_cast %mul3A_727 : vector<16xf32> to vector<1x1x16xf32>
        tpu.vector_store %arg11[%swap3A_729, %swap3A_730, %swap3A_731], %swap3A_734 {strides = array<i32>} : memref<2x256x144xf32, #tpu.memory_space<vmem>>, vector<1x1x16xf32>,
        %get3A_735 = arith.constant 1 : i32
        %get3A_736 = arith.index_cast %get3A_735 : i32 to index
        %get3A_737 = arith.index_cast %add3A_675 : i32 to index
        %get3A_738 = arith.constant 32 : index
        %get3A_739 = tpu.vector_load %arg11[%get3A_736, %get3A_737, %get3A_738] {strides = array<i32>} : memref<2x256x144xf32, #tpu.memory_space<vmem>>, vector<1x1x16xf32>,
        %get3A_740 = vector.shape_cast %get3A_739 : vector<1x1x16xf32> to vector<16xf32>
        %mul3A_741 = arith.mulf %get3A_740, %gather3A_706 : vector<16xf32>
        %swap3A_742 = arith.constant 1 : i32
        %swap3A_743 = arith.index_cast %swap3A_742 : i32 to index
        %swap3A_744 = arith.index_cast %add3A_675 : i32 to index
        %swap3A_745 = arith.constant 32 : index
        %swap3A_746 = tpu.vector_load %arg11[%swap3A_743, %swap3A_744, %swap3A_745] {strides = array<i32>} : memref<2x256x144xf32, #tpu.memory_space<vmem>>, vector<1x1x16xf32>,
        %swap3A_747 = vector.shape_cast %swap3A_746 : vector<1x1x16xf32> to vector<16xf32>
        %swap3A_748 = vector.shape_cast %mul3A_741 : vector<16xf32> to vector<1x1x16xf32>
        tpu.vector_store %arg11[%swap3A_743, %swap3A_744, %swap3A_745], %swap3A_748 {strides = array<i32>} : memref<2x256x144xf32, #tpu.memory_space<vmem>>, vector<1x1x16xf32>,
        %get3A_749 = arith.constant 1 : i32
        %get3A_750 = arith.index_cast %get3A_749 : i32 to index
        %get3A_751 = arith.index_cast %add3A_675 : i32 to index
        %get3A_752 = arith.constant 48 : index
        %get3A_753 = tpu.vector_load %arg11[%get3A_750, %get3A_751, %get3A_752] {strides = array<i32>} : memref<2x256x144xf32, #tpu.memory_space<vmem>>, vector<1x1x16xf32>,
        %get3A_754 = vector.shape_cast %get3A_753 : vector<1x1x16xf32> to vector<16xf32>
        %mul3A_755 = arith.mulf %get3A_754, %gather3A_706 : vector<16xf32>
        %swap3A_756 = arith.constant 1 : i32
        %swap3A_757 = arith.index_cast %swap3A_756 : i32 to index
        %swap3A_758 = arith.index_cast %add3A_675 : i32 to index
        %swap3A_759 = arith.constant 48 : index
        %swap3A_760 = tpu.vector_load %arg11[%swap3A_757, %swap3A_758, %swap3A_759] {strides = array<i32>} : memref<2x256x144xf32, #tpu.memory_space<vmem>>, vector<1x1x16xf32>,
        %swap3A_761 = vector.shape_cast %swap3A_760 : vector<1x1x16xf32> to vector<16xf32>
        %swap3A_762 = vector.shape_cast %mul3A_755 : vector<16xf32> to vector<1x1x16xf32>
        tpu.vector_store %arg11[%swap3A_757, %swap3A_758, %swap3A_759], %swap3A_762 {strides = array<i32>} : memref<2x256x144xf32, #tpu.memory_space<vmem>>, vector<1x1x16xf32>,
        %get3A_763 = arith.constant 1 : i32
        %get3A_764 = arith.index_cast %get3A_763 : i32 to index
        %get3A_765 = arith.index_cast %add3A_675 : i32 to index
        %get3A_766 = arith.constant 64 : index
        %get3A_767 = tpu.vector_load %arg11[%get3A_764, %get3A_765, %get3A_766] {strides = array<i32>} : memref<2x256x144xf32, #tpu.memory_space<vmem>>, vector<1x1x16xf32>,
        %get3A_768 = vector.shape_cast %get3A_767 : vector<1x1x16xf32> to vector<16xf32>
        %mul3A_769 = arith.mulf %get3A_768, %gather3A_706 : vector<16xf32>
        %swap3A_770 = arith.constant 1 : i32
        %swap3A_771 = arith.index_cast %swap3A_770 : i32 to index
        %swap3A_772 = arith.index_cast %add3A_675 : i32 to index
        %swap3A_773 = arith.constant 64 : index
        %swap3A_774 = tpu.vector_load %arg11[%swap3A_771, %swap3A_772, %swap3A_773] {strides = array<i32>} : memref<2x256x144xf32, #tpu.memory_space<vmem>>, vector<1x1x16xf32>,
        %swap3A_775 = vector.shape_cast %swap3A_774 : vector<1x1x16xf32> to vector<16xf32>
        %swap3A_776 = vector.shape_cast %mul3A_769 : vector<16xf32> to vector<1x1x16xf32>
        tpu.vector_store %arg11[%swap3A_771, %swap3A_772, %swap3A_773], %swap3A_776 {strides = array<i32>} : memref<2x256x144xf32, #tpu.memory_space<vmem>>, vector<1x1x16xf32>,
        %get3A_777 = arith.constant 1 : i32
        %get3A_778 = arith.index_cast %get3A_777 : i32 to index
        %get3A_779 = arith.index_cast %add3A_675 : i32 to index
        %get3A_780 = arith.constant 80 : index
        %get3A_781 = tpu.vector_load %arg11[%get3A_778, %get3A_779, %get3A_780] {strides = array<i32>} : memref<2x256x144xf32, #tpu.memory_space<vmem>>, vector<1x1x16xf32>,
        %get3A_782 = vector.shape_cast %get3A_781 : vector<1x1x16xf32> to vector<16xf32>
        %mul3A_783 = arith.mulf %get3A_782, %gather3A_706 : vector<16xf32>
        %swap3A_784 = arith.constant 1 : i32
        %swap3A_785 = arith.index_cast %swap3A_784 : i32 to index
        %swap3A_786 = arith.index_cast %add3A_675 : i32 to index
        %swap3A_787 = arith.constant 80 : index
        %swap3A_788 = tpu.vector_load %arg11[%swap3A_785, %swap3A_786, %swap3A_787] {strides = array<i32>} : memref<2x256x144xf32, #tpu.memory_space<vmem>>, vector<1x1x16xf32>,
        %swap3A_789 = vector.shape_cast %swap3A_788 : vector<1x1x16xf32> to vector<16xf32>
        %swap3A_790 = vector.shape_cast %mul3A_783 : vector<16xf32> to vector<1x1x16xf32>
        tpu.vector_store %arg11[%swap3A_785, %swap3A_786, %swap3A_787], %swap3A_790 {strides = array<i32>} : memref<2x256x144xf32, #tpu.memory_space<vmem>>, vector<1x1x16xf32>,
        %get3A_791 = arith.constant 1 : i32
        %get3A_792 = arith.index_cast %get3A_791 : i32 to index
        %get3A_793 = arith.index_cast %add3A_675 : i32 to index
        %get3A_794 = arith.constant 96 : index
        %get3A_795 = tpu.vector_load %arg11[%get3A_792, %get3A_793, %get3A_794] {strides = array<i32>} : memref<2x256x144xf32, #tpu.memory_space<vmem>>, vector<1x1x16xf32>,
        %get3A_796 = vector.shape_cast %get3A_795 : vector<1x1x16xf32> to vector<16xf32>
        %mul3A_797 = arith.mulf %get3A_796, %gather3A_706 : vector<16xf32>
        %swap3A_798 = arith.constant 1 : i32
        %swap3A_799 = arith.index_cast %swap3A_798 : i32 to index
        %swap3A_800 = arith.index_cast %add3A_675 : i32 to index
        %swap3A_801 = arith.constant 96 : index
        %swap3A_802 = tpu.vector_load %arg11[%swap3A_799, %swap3A_800, %swap3A_801] {strides = array<i32>} : memref<2x256x144xf32, #tpu.memory_space<vmem>>, vector<1x1x16xf32>,
        %swap3A_803 = vector.shape_cast %swap3A_802 : vector<1x1x16xf32> to vector<16xf32>
        %swap3A_804 = vector.shape_cast %mul3A_797 : vector<16xf32> to vector<1x1x16xf32>
        tpu.vector_store %arg11[%swap3A_799, %swap3A_800, %swap3A_801], %swap3A_804 {strides = array<i32>} : memref<2x256x144xf32, #tpu.memory_space<vmem>>, vector<1x1x16xf32>,
        %get3A_805 = arith.constant 1 : i32
        %get3A_806 = arith.index_cast %get3A_805 : i32 to index
        %get3A_807 = arith.index_cast %add3A_675 : i32 to index
        %get3A_808 = arith.constant 112 : index
        %get3A_809 = tpu.vector_load %arg11[%get3A_806, %get3A_807, %get3A_808] {strides = array<i32>} : memref<2x256x144xf32, #tpu.memory_space<vmem>>, vector<1x1x16xf32>,
        %get3A_810 = vector.shape_cast %get3A_809 : vector<1x1x16xf32> to vector<16xf32>
        %mul3A_811 = arith.mulf %get3A_810, %gather3A_706 : vector<16xf32>
        %swap3A_812 = arith.constant 1 : i32
        %swap3A_813 = arith.index_cast %swap3A_812 : i32 to index
        %swap3A_814 = arith.index_cast %add3A_675 : i32 to index
        %swap3A_815 = arith.constant 112 : index
        %swap3A_816 = tpu.vector_load %arg11[%swap3A_813, %swap3A_814, %swap3A_815] {strides = array<i32>} : memref<2x256x144xf32, #tpu.memory_space<vmem>>, vector<1x1x16xf32>,
        %swap3A_817 = vector.shape_cast %swap3A_816 : vector<1x1x16xf32> to vector<16xf32>
        %swap3A_818 = vector.shape_cast %mul3A_811 : vector<16xf32> to vector<1x1x16xf32>
        tpu.vector_store %arg11[%swap3A_813, %swap3A_814, %swap3A_815], %swap3A_818 {strides = array<i32>} : memref<2x256x144xf32, #tpu.memory_space<vmem>>, vector<1x1x16xf32>,
      }
      %scan3A_181 = arith.constant 256 : i32
      %dma_start3A_182 = arith.constant 1 : i32
      %dma_start3A_183 = arith.constant 2 : i32
      %dma_start3A_184 = arith.constant 0 : i32
      %dma_start3A_185 = arith.constant 0 : i32
      %dma_start3A_186 = tpu.memref_slice %arg11[%dma_start3A_182, %dma_start3A_184, %dma_start3A_185] : memref<2x256x144xf32, #tpu.memory_space<vmem>> -> memref<1x128x144xf32, #tpu.memory_space<vmem>>
      %dma_start3A_187 = tpu.memref_squeeze %dma_start3A_186 : memref<1x128x144xf32, #tpu.memory_space<vmem>> -> memref<128x144xf32, #tpu.memory_space<vmem>>
      %dma_start3A_188 = arith.constant 0 : i32
      %dma_start3A_189 = tpu.memref_slice %arg10[%dma_start3A_183, %dma_start3A_188] : memref<4x128xi32, #tpu.memory_space<vmem>> -> memref<1x128xi32, #tpu.memory_space<vmem>>
      %dma_start3A_190 = tpu.memref_squeeze %dma_start3A_189 : memref<1x128xi32, #tpu.memory_space<vmem>> -> memref<128xi32, #tpu.memory_space<vmem>>
      %dma_start3A_191 = arith.constant 0 : i32
      %dma_start3A_192 = arith.constant 0 : i32
      %dma_start3A_193 = tpu.memref_slice %arg13[%dma_start3A_191, %dma_start3A_192] : memref<5248x144xf32, #tpu.memory_space<vmem_shared>> -> memref<5248x144xf32, #tpu.memory_space<vmem_shared>>
      tpu.enqueue_indirect_dma source(%dma_start3A_187 : memref<128x144xf32, #tpu.memory_space<vmem>>) target(%dma_start3A_193 : memref<5248x144xf32, #tpu.memory_space<vmem_shared>>) offsets(%dma_start3A_190 : memref<128xi32, #tpu.memory_space<vmem>>) semaphore(%arg17 : memref<!tpu.dma_semaphore, #tpu.memory_space<semaphore_mem>>) {add = true}
      %dma_start3A_194 = arith.constant 1 : i32
      %dma_start3A_195 = arith.constant 3 : i32
      %dma_start3A_196 = arith.constant 128 : i32
      %dma_start3A_197 = arith.constant 0 : i32
      %dma_start3A_198 = tpu.memref_slice %arg11[%dma_start3A_194, %dma_start3A_196, %dma_start3A_197] : memref<2x256x144xf32, #tpu.memory_space<vmem>> -> memref<1x128x144xf32, #tpu.memory_space<vmem>>
      %dma_start3A_199 = tpu.memref_squeeze %dma_start3A_198 : memref<1x128x144xf32, #tpu.memory_space<vmem>> -> memref<128x144xf32, #tpu.memory_space<vmem>>
      %dma_start3A_200 = arith.constant 0 : i32
      %dma_start3A_201 = tpu.memref_slice %arg10[%dma_start3A_195, %dma_start3A_200] : memref<4x128xi32, #tpu.memory_space<vmem>> -> memref<1x128xi32, #tpu.memory_space<vmem>>
      %dma_start3A_202 = tpu.memref_squeeze %dma_start3A_201 : memref<1x128xi32, #tpu.memory_space<vmem>> -> memref<128xi32, #tpu.memory_space<vmem>>
      %dma_start3A_203 = arith.constant 0 : i32
      %dma_start3A_204 = arith.constant 0 : i32
      %dma_start3A_205 = tpu.memref_slice %arg13[%dma_start3A_203, %dma_start3A_204] : memref<5248x144xf32, #tpu.memory_space<vmem_shared>> -> memref<5248x144xf32, #tpu.memory_space<vmem_shared>>
      tpu.enqueue_indirect_dma source(%dma_start3A_199 : memref<128x144xf32, #tpu.memory_space<vmem>>) target(%dma_start3A_205 : memref<5248x144xf32, #tpu.memory_space<vmem_shared>>) offsets(%dma_start3A_202 : memref<128xi32, #tpu.memory_space<vmem>>) semaphore(%arg17 : memref<!tpu.dma_semaphore, #tpu.memory_space<semaphore_mem>>) {add = true}
      %dma_wait3A_206 = arith.constant 1 : i32
      %dma_wait3A_207 = arith.constant 2 : i32
      %dma_wait3A_208 = arith.constant 0 : i32
      %dma_wait3A_209 = arith.constant 0 : i32
      %dma_wait3A_210 = tpu.memref_slice %arg11[%dma_wait3A_206, %dma_wait3A_208, %dma_wait3A_209] : memref<2x256x144xf32, #tpu.memory_space<vmem>> -> memref<1x128x144xf32, #tpu.memory_space<vmem>>
      %dma_wait3A_211 = tpu.memref_squeeze %dma_wait3A_210 : memref<1x128x144xf32, #tpu.memory_space<vmem>> -> memref<128x144xf32, #tpu.memory_space<vmem>>
      %dma_wait3A_212 = arith.constant 0 : i32
      %dma_wait3A_213 = tpu.memref_slice %arg10[%dma_wait3A_207, %dma_wait3A_212] : memref<4x128xi32, #tpu.memory_space<vmem>> -> memref<1x128xi32, #tpu.memory_space<vmem>>
      %dma_wait3A_214 = tpu.memref_squeeze %dma_wait3A_213 : memref<1x128xi32, #tpu.memory_space<vmem>> -> memref<128xi32, #tpu.memory_space<vmem>>
      %dma_wait3A_215 = arith.constant 0 : i32
      %dma_wait3A_216 = arith.constant 0 : i32
      %dma_wait3A_217 = tpu.memref_slice %arg13[%dma_wait3A_215, %dma_wait3A_216] : memref<5248x144xf32, #tpu.memory_space<vmem_shared>> -> memref<5248x144xf32, #tpu.memory_space<vmem_shared>>
      tpu.wait_indirect_dma semaphore(%arg17 : memref<!tpu.dma_semaphore, #tpu.memory_space<semaphore_mem>>) src(%dma_wait3A_211 : memref<128x144xf32, #tpu.memory_space<vmem>>) dst(%dma_wait3A_217 : memref<5248x144xf32, #tpu.memory_space<vmem_shared>>)
      %dma_wait3A_218 = arith.constant 1 : i32
      %dma_wait3A_219 = arith.constant 3 : i32
      %dma_wait3A_220 = arith.constant 128 : i32
      %dma_wait3A_221 = arith.constant 0 : i32
      %dma_wait3A_222 = tpu.memref_slice %arg11[%dma_wait3A_218, %dma_wait3A_220, %dma_wait3A_221] : memref<2x256x144xf32, #tpu.memory_space<vmem>> -> memref<1x128x144xf32, #tpu.memory_space<vmem>>
      %dma_wait3A_223 = tpu.memref_squeeze %dma_wait3A_222 : memref<1x128x144xf32, #tpu.memory_space<vmem>> -> memref<128x144xf32, #tpu.memory_space<vmem>>
      %dma_wait3A_224 = arith.constant 0 : i32
      %dma_wait3A_225 = tpu.memref_slice %arg10[%dma_wait3A_219, %dma_wait3A_224] : memref<4x128xi32, #tpu.memory_space<vmem>> -> memref<1x128xi32, #tpu.memory_space<vmem>>
      %dma_wait3A_226 = tpu.memref_squeeze %dma_wait3A_225 : memref<1x128xi32, #tpu.memory_space<vmem>> -> memref<128xi32, #tpu.memory_space<vmem>>
      %dma_wait3A_227 = arith.constant 0 : i32
      %dma_wait3A_228 = arith.constant 0 : i32
      %dma_wait3A_229 = tpu.memref_slice %arg13[%dma_wait3A_227, %dma_wait3A_228] : memref<5248x144xf32, #tpu.memory_space<vmem_shared>> -> memref<5248x144xf32, #tpu.memory_space<vmem_shared>>
      tpu.wait_indirect_dma semaphore(%arg17 : memref<!tpu.dma_semaphore, #tpu.memory_space<semaphore_mem>>) src(%dma_wait3A_223 : memref<128x144xf32, #tpu.memory_space<vmem>>) dst(%dma_wait3A_229 : memref<5248x144xf32, #tpu.memory_space<vmem_shared>>)
    }
    %scan3A_29 = arith.constant 44 : i32
    %barrier3A_30 = arith.constant 0 : index
    tpu.barrier barrier_id(%barrier3A_30)
    "tpu.region"() ({
      %run_scoped3A = tpu.sem_alloc : memref<!tpu.dma_semaphore, #tpu.memory_space<semaphore_mem>>
      %dma_start3A = arith.constant 0 : i32
      %dma_start3A_31 = arith.constant 0 : i32
      %dma_start3A_32 = tpu.memref_slice %arg7[%arg0, %dma_start3A, %dma_start3A_31] : memref<2x5248x144xf32, #tpu.memory_space<hbm>> -> memref<1x5248x144xf32, #tpu.memory_space<hbm>>
      %dma_start3A_33 = tpu.memref_squeeze %dma_start3A_32 : memref<1x5248x144xf32, #tpu.memory_space<hbm>> -> memref<5248x144xf32, #tpu.memory_space<hbm>>
      %dma_start3A_34 = arith.constant 0 : i32
      %dma_start3A_35 = tpu.memref_slice %dma_start3A_33[%mul3A_0, %dma_start3A_34] : memref<5248x144xf32, #tpu.memory_space<hbm>> -> memref<328x144xf32, #tpu.memory_space<hbm>>
      %dma_start3A_36 = arith.constant 0 : i32
      %dma_start3A_37 = tpu.memref_slice %arg13[%mul3A_0, %dma_start3A_36] : memref<5248x144xf32, #tpu.memory_space<vmem_shared>> -> memref<328x144xf32, #tpu.memory_space<vmem_shared>>
      tpu.enqueue_dma source(%dma_start3A_37 : memref<328x144xf32, #tpu.memory_space<vmem_shared>>) target(%dma_start3A_35 : memref<328x144xf32, #tpu.memory_space<hbm>>) target_semaphore(%run_scoped3A : memref<!tpu.dma_semaphore, #tpu.memory_space<semaphore_mem>>)
      %dma_wait3A = arith.constant 0 : i32
      %dma_wait3A_38 = arith.constant 0 : i32
      %dma_wait3A_39 = tpu.memref_slice %arg7[%arg0, %dma_wait3A, %dma_wait3A_38] : memref<2x5248x144xf32, #tpu.memory_space<hbm>> -> memref<1x5248x144xf32, #tpu.memory_space<hbm>>
      %dma_wait3A_40 = tpu.memref_squeeze %dma_wait3A_39 : memref<1x5248x144xf32, #tpu.memory_space<hbm>> -> memref<5248x144xf32, #tpu.memory_space<hbm>>
      %dma_wait3A_41 = arith.constant 0 : i32
      %dma_wait3A_42 = tpu.memref_slice %dma_wait3A_40[%mul3A_0, %dma_wait3A_41] : memref<5248x144xf32, #tpu.memory_space<hbm>> -> memref<328x144xf32, #tpu.memory_space<hbm>>
      %dma_wait3A_43 = arith.constant 0 : i32
      %dma_wait3A_44 = tpu.memref_slice %arg13[%mul3A_0, %dma_wait3A_43] : memref<5248x144xf32, #tpu.memory_space<vmem_shared>> -> memref<328x144xf32, #tpu.memory_space<vmem_shared>>
      tpu.wait_dma2 semaphore(%run_scoped3A : memref<!tpu.dma_semaphore, #tpu.memory_space<semaphore_mem>>) src(%dma_wait3A_44 : memref<328x144xf32, #tpu.memory_space<vmem_shared>>) dst(%dma_wait3A_42 : memref<328x144xf32, #tpu.memory_space<hbm>>)
      tpu.yield
    }) : () -> ()
    return
  }
}

module attributes {stable_mosaic.version = 14 : i64} {
  func.func @_prologue_body(%arg0: i32, %arg1: memref<1000x128xf32, #tpu.memory_space<vmem>>, %arg2: memref<128x128xf32, #tpu.memory_space<vmem>>, %arg3: memref<128xf32, #tpu.memory_space<vmem>>, %arg4: memref<128xf32, #tpu.memory_space<vmem>>, %arg5: memref<128xf32, #tpu.memory_space<vmem>>, %arg6: memref<128x128xf32, #tpu.memory_space<vmem>>, %arg7: memref<8x16xf32, #tpu.memory_space<vmem>>, %arg8: memref<8x16xf32, #tpu.memory_space<vmem>>, %arg9: memref<1000x144xf32, #tpu.memory_space<vmem>>, %arg10: memref<1000x16xf32, #tpu.memory_space<vmem>>) attributes {dimension_semantics = [#tpu.dimension_semantics<arbitrary>], iteration_bounds = array<i64: 10>, scalar_prefetch = 0 : i64, scratch_operands = 0 : i64, tpu.core_type = #tpu.core_type<tc>, window_params = [{transform_indices = @transform_0, window_bounds = array<i64: 1000, 128>}, {pipeline_mode = #tpu.pipeline_mode<synchronous>, transform_indices = @transform_1, window_bounds = array<i64: 128, 128>}, {pipeline_mode = #tpu.pipeline_mode<synchronous>, transform_indices = @transform_2, window_bounds = array<i64: 128>}, {pipeline_mode = #tpu.pipeline_mode<synchronous>, transform_indices = @transform_3, window_bounds = array<i64: 128>}, {pipeline_mode = #tpu.pipeline_mode<synchronous>, transform_indices = @transform_4, window_bounds = array<i64: 128>}, {pipeline_mode = #tpu.pipeline_mode<synchronous>, transform_indices = @transform_5, window_bounds = array<i64: 128, 128>}, {pipeline_mode = #tpu.pipeline_mode<synchronous>, transform_indices = @transform_6, window_bounds = array<i64: 8, 16>}, {pipeline_mode = #tpu.pipeline_mode<synchronous>, transform_indices = @transform_7, window_bounds = array<i64: 8, 16>}, {transform_indices = @transform_8, window_bounds = array<i64: 1000, 144>}, {transform_indices = @transform_9, window_bounds = array<i64: 1000, 16>}]} {
    %get3A = arith.constant 0 : index
    %get3A_0 = arith.constant 0 : index
    %get3A_1 = vector.load %arg1[%get3A, %get3A_0] : memref<1000x128xf32, #tpu.memory_space<vmem>>, vector<1000x128xf32>
    %jit3A = arith.constant 0.000000e+00 : f32
    %ne3A = arith.cmpf one, %get3A_1, %get3A_1 : vector<1000x128xf32>
    %broadcast_in_dim3A = vector.broadcast %jit3A : f32 to vector<1000x128xf32>
    %select_n3A = arith.select %ne3A, %broadcast_in_dim3A, %get3A_1 : vector<1000x128xi1>, vector<1000x128xf32>
    %eq3A = arith.constant 0x7F800000 : f32
    %eq3A_2 = vector.broadcast %eq3A : f32 to vector<1000x128xf32>
    %eq3A_3 = arith.cmpf oeq, %select_n3A, %eq3A_2 : vector<1000x128xf32>
    %jit3A_4 = arith.constant 3.40282347E+38 : f32
    %broadcast_in_dim3A_5 = vector.broadcast %jit3A_4 : f32 to vector<1000x128xf32>
    %select_n3A_6 = arith.select %eq3A_3, %broadcast_in_dim3A_5, %select_n3A : vector<1000x128xi1>, vector<1000x128xf32>
    %eq3A_7 = arith.constant 0xFF800000 : f32
    %eq3A_8 = vector.broadcast %eq3A_7 : f32 to vector<1000x128xf32>
    %eq3A_9 = arith.cmpf oeq, %select_n3A_6, %eq3A_8 : vector<1000x128xf32>
    %jit3A_10 = arith.constant -3.40282347E+38 : f32
    %broadcast_in_dim3A_11 = vector.broadcast %jit3A_10 : f32 to vector<1000x128xf32>
    %select_n3A_12 = arith.select %eq3A_9, %broadcast_in_dim3A_11, %select_n3A_6 : vector<1000x128xi1>, vector<1000x128xf32>
    %get3A_13 = arith.constant 0 : index
    %get3A_14 = arith.constant 0 : index
    %get3A_15 = vector.load %arg2[%get3A_13, %get3A_14] : memref<128x128xf32, #tpu.memory_space<vmem>>, vector<128x128xf32>
    %dot_general3A = arith.constant dense<0.000000e+00> : vector<1000x128xf32>
    %dot_general3A_16 = tpu.matmul %select_n3A_12, %get3A_15, %dot_general3A {dimension_numbers = #tpu.dot_dimension_numbers<[1], [0], [0], [1], [0, 0, 1, 1], [], []>, transpose_lhs_hint = false} : vector<1000x128xf32>, vector<128x128xf32>, vector<1000x128xf32> -> vector<1000x128xf32>
    %get3A_17 = arith.constant 0 : index
    %get3A_18 = vector.load %arg3[%get3A_17] : memref<128xf32, #tpu.memory_space<vmem>>, vector<128xf32>
    %broadcast_in_dim3A_19 = vector.shape_cast %get3A_18 : vector<128xf32> to vector<1x128xf32>
    %add3A = vector.broadcast %broadcast_in_dim3A_19 : vector<1x128xf32> to vector<1000x128xf32>
    %add3A_20 = arith.addf %dot_general3A_16, %add3A : vector<1000x128xf32>
    %ge3A = arith.constant 0.000000e+00 : f32
    %ge3A_21 = vector.broadcast %ge3A : f32 to vector<1000x128xf32>
    %ge3A_22 = arith.cmpf oge, %add3A_20, %ge3A_21 : vector<1000x128xf32>
    %mul3A = arith.constant 2.000000e-01 : f32
    %mul3A_23 = vector.broadcast %mul3A : f32 to vector<1000x128xf32>
    %mul3A_24 = arith.mulf %mul3A_23, %add3A_20 : vector<1000x128xf32>
    %select_n3A_25 = arith.select %ge3A_22, %add3A_20, %mul3A_24 : vector<1000x128xi1>, vector<1000x128xf32>
    %get3A_26 = arith.constant 0 : index
    %get3A_27 = vector.load %arg4[%get3A_26] : memref<128xf32, #tpu.memory_space<vmem>>, vector<128xf32>
    %broadcast_in_dim3A_28 = vector.shape_cast %get3A_27 : vector<128xf32> to vector<1x128xf32>
    %mul3A_29 = vector.broadcast %broadcast_in_dim3A_28 : vector<1x128xf32> to vector<1000x128xf32>
    %mul3A_30 = arith.mulf %mul3A_29, %select_n3A_25 : vector<1000x128xf32>
    %sqrt3A = arith.constant 1.000010e+00 : f32
    %sqrt3A_31 = math.sqrt %sqrt3A : f32
    %div3A = vector.broadcast %sqrt3A_31 : f32 to vector<1000x128xf32>
    %div3A_32 = arith.divf %mul3A_30, %div3A : vector<1000x128xf32>
    %get3A_33 = arith.constant 0 : index
    %get3A_34 = vector.load %arg5[%get3A_33] : memref<128xf32, #tpu.memory_space<vmem>>, vector<128xf32>
    %broadcast_in_dim3A_35 = vector.shape_cast %get3A_34 : vector<128xf32> to vector<1x128xf32>
    %add3A_36 = vector.broadcast %broadcast_in_dim3A_35 : vector<1x128xf32> to vector<1000x128xf32>
    %add3A_37 = arith.addf %div3A_32, %add3A_36 : vector<1000x128xf32>
    %get3A_38 = arith.constant 0 : index
    %get3A_39 = arith.constant 0 : index
    %get3A_40 = vector.load %arg6[%get3A_38, %get3A_39] : memref<128x128xf32, #tpu.memory_space<vmem>>, vector<128x128xf32>
    %dot_general3A_41 = arith.constant dense<0.000000e+00> : vector<1000x128xf32>
    %dot_general3A_42 = tpu.matmul %add3A_37, %get3A_40, %dot_general3A_41 {dimension_numbers = #tpu.dot_dimension_numbers<[1], [0], [0], [1], [0, 0, 1, 1], [], []>, transpose_lhs_hint = false} : vector<1000x128xf32>, vector<128x128xf32>, vector<1000x128xf32> -> vector<1000x128xf32>
    %reshape3A = vector.shape_cast %dot_general3A_42 : vector<1000x128xf32> to vector<1000x8x16xf32>
    %get3A_43 = arith.constant 0 : index
    %get3A_44 = arith.constant 0 : index
    %get3A_45 = vector.load %arg7[%get3A_43, %get3A_44] : memref<8x16xf32, #tpu.memory_space<vmem>>, vector<8x16xf32>
    %broadcast_in_dim3A_46 = vector.shape_cast %get3A_45 : vector<8x16xf32> to vector<1x8x16xf32>
    %mul3A_47 = vector.broadcast %broadcast_in_dim3A_46 : vector<1x8x16xf32> to vector<1000x8x16xf32>
    %mul3A_48 = arith.mulf %reshape3A, %mul3A_47 : vector<1000x8x16xf32>
    %reduce_sum3A = arith.constant dense<0.000000e+00> : vector<1000x8xf32>
    %reduce_sum3A_49 = vector.multi_reduction <add>, %mul3A_48, %reduce_sum3A [2] : vector<1000x8x16xf32> to vector<1000x8xf32>
    %get3A_50 = arith.constant 0 : index
    %get3A_51 = arith.constant 0 : index
    %get3A_52 = vector.load %arg8[%get3A_50, %get3A_51] : memref<8x16xf32, #tpu.memory_space<vmem>>, vector<8x16xf32>
    %broadcast_in_dim3A_53 = vector.shape_cast %get3A_52 : vector<8x16xf32> to vector<1x8x16xf32>
    %mul3A_54 = vector.broadcast %broadcast_in_dim3A_53 : vector<1x8x16xf32> to vector<1000x8x16xf32>
    %mul3A_55 = arith.mulf %reshape3A, %mul3A_54 : vector<1000x8x16xf32>
    %reduce_sum3A_56 = arith.constant dense<0.000000e+00> : vector<1000x8xf32>
    %reduce_sum3A_57 = vector.multi_reduction <add>, %mul3A_55, %reduce_sum3A_56 [2] : vector<1000x8x16xf32> to vector<1000x8xf32>
    %broadcast_in_dim3A_58 = arith.constant 0.000000e+00 : f32
    %broadcast_in_dim3A_59 = vector.broadcast %broadcast_in_dim3A_58 : f32 to vector<1000x8xf32>
    %concatenate3A = tpu.concatenate %dot_general3A_42, %reduce_sum3A_49, %reduce_sum3A_57 in 1 : vector<1000x128xf32>, vector<1000x8xf32>, vector<1000x8xf32> -> vector<1000x144xf32>
    %swap3A = arith.constant 0 : index
    %swap3A_60 = arith.constant 0 : index
    %swap3A_61 = vector.load %arg9[%swap3A, %swap3A_60] : memref<1000x144xf32, #tpu.memory_space<vmem>>, vector<1000x144xf32>
    tpu.vector_store %arg9[%swap3A, %swap3A_60], %concatenate3A {strides = array<i32>} : memref<1000x144xf32, #tpu.memory_space<vmem>>, vector<1000x144xf32>,
    %concatenate3A_62 = tpu.concatenate %reduce_sum3A_57, %broadcast_in_dim3A_59 in 1 : vector<1000x8xf32>, vector<1000x8xf32> -> vector<1000x16xf32>
    %swap3A_63 = arith.constant 0 : index
    %swap3A_64 = arith.constant 0 : index
    %swap3A_65 = vector.load %arg10[%swap3A_63, %swap3A_64] : memref<1000x16xf32, #tpu.memory_space<vmem>>, vector<1000x16xf32>
    tpu.vector_store %arg10[%swap3A_63, %swap3A_64], %concatenate3A_62 {strides = array<i32>} : memref<1000x16xf32, #tpu.memory_space<vmem>>, vector<1000x16xf32>,
    return
  }
  func.func @transform_0(%arg0: i32) -> (i32, i32) {
    %c0_i32 = arith.constant 0 : i32
    %c0_i32_0 = arith.constant 0 : i32
    return %arg0, %c0_i32 : i32, i32
  }
  func.func @transform_1(%arg0: i32) -> (i32, i32) {
    %c0_i32 = arith.constant 0 : i32
    %c0_i32_0 = arith.constant 0 : i32
    %c0_i32_1 = arith.constant 0 : i32
    return %c0_i32, %c0_i32_0 : i32, i32
  }
  func.func @transform_2(%arg0: i32) -> i32 {
    %c0_i32 = arith.constant 0 : i32
    %c0_i32_0 = arith.constant 0 : i32
    return %c0_i32 : i32
  }
  func.func @transform_3(%arg0: i32) -> i32 {
    %c0_i32 = arith.constant 0 : i32
    %c0_i32_0 = arith.constant 0 : i32
    return %c0_i32 : i32
  }
  func.func @transform_4(%arg0: i32) -> i32 {
    %c0_i32 = arith.constant 0 : i32
    %c0_i32_0 = arith.constant 0 : i32
    return %c0_i32 : i32
  }
  func.func @transform_5(%arg0: i32) -> (i32, i32) {
    %c0_i32 = arith.constant 0 : i32
    %c0_i32_0 = arith.constant 0 : i32
    %c0_i32_1 = arith.constant 0 : i32
    return %c0_i32, %c0_i32_0 : i32, i32
  }
  func.func @transform_6(%arg0: i32) -> (i32, i32) {
    %c0_i32 = arith.constant 0 : i32
    %c0_i32_0 = arith.constant 0 : i32
    %c0_i32_1 = arith.constant 0 : i32
    return %c0_i32, %c0_i32_0 : i32, i32
  }
  func.func @transform_7(%arg0: i32) -> (i32, i32) {
    %c0_i32 = arith.constant 0 : i32
    %c0_i32_0 = arith.constant 0 : i32
    %c0_i32_1 = arith.constant 0 : i32
    return %c0_i32, %c0_i32_0 : i32, i32
  }
  func.func @transform_8(%arg0: i32) -> (i32, i32) {
    %c0_i32 = arith.constant 0 : i32
    %c0_i32_0 = arith.constant 0 : i32
    return %arg0, %c0_i32 : i32, i32
  }
  func.func @transform_9(%arg0: i32) -> (i32, i32) {
    %c0_i32 = arith.constant 0 : i32
    %c0_i32_0 = arith.constant 0 : i32
    return %arg0, %c0_i32 : i32, i32
  }
}

module attributes {stable_mosaic.version = 14 : i64} {
  func.func @_mid_body(%arg0: i32, %arg1: memref<1000x128xf32, #tpu.memory_space<vmem>>, %arg2: memref<1000x16xf32, #tpu.memory_space<vmem>>, %arg3: memref<8x128xf32, #tpu.memory_space<vmem>>, %arg4: memref<128xf32, #tpu.memory_space<vmem>>, %arg5: memref<128x128xf32, #tpu.memory_space<vmem>>, %arg6: memref<1x128xf32, #tpu.memory_space<vmem>>, %arg7: memref<1x128xf32, #tpu.memory_space<vmem>>, %arg8: memref<1000x128xf32, #tpu.memory_space<vmem>>, %arg9: memref<1000x144xf32, #tpu.memory_space<vmem>>, %arg10: memref<1000x16xf32, #tpu.memory_space<vmem>>) attributes {dimension_semantics = [#tpu.dimension_semantics<arbitrary>], iteration_bounds = array<i64: 10>, scalar_prefetch = 0 : i64, scratch_operands = 0 : i64, tpu.core_type = #tpu.core_type<tc>, window_params = [{transform_indices = @transform_0, window_bounds = array<i64: 1000, 128>}, {transform_indices = @transform_1, window_bounds = array<i64: 1000, 16>}, {pipeline_mode = #tpu.pipeline_mode<synchronous>, transform_indices = @transform_2, window_bounds = array<i64: 8, 128>}, {pipeline_mode = #tpu.pipeline_mode<synchronous>, transform_indices = @transform_3, window_bounds = array<i64: 128>}, {pipeline_mode = #tpu.pipeline_mode<synchronous>, transform_indices = @transform_4, window_bounds = array<i64: 128, 128>}, {pipeline_mode = #tpu.pipeline_mode<synchronous>, transform_indices = @transform_5, window_bounds = array<i64: 1, 128>}, {pipeline_mode = #tpu.pipeline_mode<synchronous>, transform_indices = @transform_6, window_bounds = array<i64: 1, 128>}, {transform_indices = @transform_7, window_bounds = array<i64: 1000, 128>}, {transform_indices = @transform_8, window_bounds = array<i64: 1000, 144>}, {transform_indices = @transform_9, window_bounds = array<i64: 1000, 16>}]} {
    %get3A = arith.constant 0 : index
    %get3A_0 = arith.constant 0 : index
    %get3A_1 = vector.load %arg1[%get3A, %get3A_0] : memref<1000x128xf32, #tpu.memory_space<vmem>>, vector<1000x128xf32>
    %get3A_2 = arith.constant 0 : index
    %get3A_3 = arith.constant 0 : index
    %get3A_4 = vector.load %arg2[%get3A_2, %get3A_3] : memref<1000x16xf32, #tpu.memory_space<vmem>>, vector<1000x8xf32>
    %add3A = arith.constant 1.000000e-16 : f32
    %add3A_5 = vector.broadcast %add3A : f32 to vector<1000x8xf32>
    %add3A_6 = arith.addf %get3A_4, %add3A_5 : vector<1000x8xf32>
    %div3A = arith.constant 1.000000e+00 : f32
    %div3A_7 = vector.broadcast %div3A : f32 to vector<1000x8xf32>
    %div3A_8 = arith.divf %div3A_7, %add3A_6 : vector<1000x8xf32>
    %get3A_9 = arith.constant 0 : index
    %get3A_10 = arith.constant 0 : index
    %get3A_11 = vector.load %arg3[%get3A_9, %get3A_10] : memref<8x128xf32, #tpu.memory_space<vmem>>, vector<8x128xf32>
    %dot_general3A = arith.constant dense<0.000000e+00> : vector<1000x128xf32>
    %dot_general3A_12 = tpu.matmul %div3A_8, %get3A_11, %dot_general3A {dimension_numbers = #tpu.dot_dimension_numbers<[1], [0], [0], [1], [0, 0, 1, 1], [], []>, transpose_lhs_hint = false} : vector<1000x8xf32>, vector<8x128xf32>, vector<1000x128xf32> -> vector<1000x128xf32>
    %mul3A = arith.mulf %get3A_1, %dot_general3A_12 : vector<1000x128xf32>
    %get3A_13 = arith.constant 0 : index
    %get3A_14 = vector.load %arg4[%get3A_13] : memref<128xf32, #tpu.memory_space<vmem>>, vector<128xf32>
    %broadcast_in_dim3A = vector.shape_cast %get3A_14 : vector<128xf32> to vector<1x128xf32>
    %add3A_15 = vector.broadcast %broadcast_in_dim3A : vector<1x128xf32> to vector<1000x128xf32>
    %add3A_16 = arith.addf %mul3A, %add3A_15 : vector<1000x128xf32>
    %ge3A = arith.constant 0.000000e+00 : f32
    %ge3A_17 = vector.broadcast %ge3A : f32 to vector<1000x128xf32>
    %ge3A_18 = arith.cmpf oge, %add3A_16, %ge3A_17 : vector<1000x128xf32>
    %mul3A_19 = arith.constant 2.000000e-01 : f32
    %mul3A_20 = vector.broadcast %mul3A_19 : f32 to vector<1000x128xf32>
    %mul3A_21 = arith.mulf %mul3A_20, %add3A_16 : vector<1000x128xf32>
    %select_n3A = arith.select %ge3A_18, %add3A_16, %mul3A_21 : vector<1000x128xi1>, vector<1000x128xf32>
    %swap3A = arith.constant 0 : index
    %swap3A_22 = arith.constant 0 : index
    %swap3A_23 = vector.load %arg8[%swap3A, %swap3A_22] : memref<1000x128xf32, #tpu.memory_space<vmem>>, vector<1000x128xf32>
    tpu.vector_store %arg8[%swap3A, %swap3A_22], %select_n3A {strides = array<i32>} : memref<1000x128xf32, #tpu.memory_space<vmem>>, vector<1000x128xf32>,
    %get3A_24 = arith.constant 0 : index
    %get3A_25 = arith.constant 0 : index
    %get3A_26 = vector.load %arg5[%get3A_24, %get3A_25] : memref<128x128xf32, #tpu.memory_space<vmem>>, vector<128x128xf32>
    %dot_general3A_27 = arith.constant dense<0.000000e+00> : vector<1000x128xf32>
    %dot_general3A_28 = tpu.matmul %select_n3A, %get3A_26, %dot_general3A_27 {dimension_numbers = #tpu.dot_dimension_numbers<[1], [0], [0], [1], [0, 0, 1, 1], [], []>, transpose_lhs_hint = false} : vector<1000x128xf32>, vector<128x128xf32>, vector<1000x128xf32> -> vector<1000x128xf32>
    %get3A_29 = arith.constant 0 : index
    %get3A_30 = arith.constant 0 : index
    %get3A_31 = vector.load %arg6[%get3A_29, %get3A_30] : memref<1x128xf32, #tpu.memory_space<vmem>>, vector<1x128xf32>
    %mul3A_32 = vector.broadcast %get3A_31 : vector<1x128xf32> to vector<1000x128xf32>
    %mul3A_33 = arith.mulf %dot_general3A_28, %mul3A_32 : vector<1000x128xf32>
    %reduce_sum3A = arith.constant dense<0.000000e+00> : vector<1000xf32>
    %reduce_sum3A_34 = vector.multi_reduction <add>, %mul3A_33, %reduce_sum3A [1] : vector<1000x128xf32> to vector<1000xf32>
    %broadcast_in_dim3A_35 = vector.shape_cast %reduce_sum3A_34 : vector<1000xf32> to vector<1000x1xf32>
    %get3A_36 = arith.constant 0 : index
    %get3A_37 = arith.constant 0 : index
    %get3A_38 = vector.load %arg7[%get3A_36, %get3A_37] : memref<1x128xf32, #tpu.memory_space<vmem>>, vector<1x128xf32>
    %mul3A_39 = vector.broadcast %get3A_38 : vector<1x128xf32> to vector<1000x128xf32>
    %mul3A_40 = arith.mulf %dot_general3A_28, %mul3A_39 : vector<1000x128xf32>
    %reduce_sum3A_41 = arith.constant dense<0.000000e+00> : vector<1000xf32>
    %reduce_sum3A_42 = vector.multi_reduction <add>, %mul3A_40, %reduce_sum3A_41 [1] : vector<1000x128xf32> to vector<1000xf32>
    %broadcast_in_dim3A_43 = vector.shape_cast %reduce_sum3A_42 : vector<1000xf32> to vector<1000x1xf32>
    %broadcast_in_dim3A_44 = arith.constant 0.000000e+00 : f32
    %broadcast_in_dim3A_45 = vector.broadcast %broadcast_in_dim3A_44 : f32 to vector<1000x7xf32>
    %broadcast_in_dim3A_46 = arith.constant 0.000000e+00 : f32
    %broadcast_in_dim3A_47 = vector.broadcast %broadcast_in_dim3A_46 : f32 to vector<1000x15xf32>
    %concatenate3A = tpu.concatenate %dot_general3A_28, %broadcast_in_dim3A_35, %broadcast_in_dim3A_45, %broadcast_in_dim3A_43, %broadcast_in_dim3A_45 in 1 : vector<1000x128xf32>, vector<1000x1xf32>, vector<1000x7xf32>, vector<1000x1xf32>, vector<1000x7xf32> -> vector<1000x144xf32>
    %swap3A_48 = arith.constant 0 : index
    %swap3A_49 = arith.constant 0 : index
    %swap3A_50 = vector.load %arg9[%swap3A_48, %swap3A_49] : memref<1000x144xf32, #tpu.memory_space<vmem>>, vector<1000x144xf32>
    tpu.vector_store %arg9[%swap3A_48, %swap3A_49], %concatenate3A {strides = array<i32>} : memref<1000x144xf32, #tpu.memory_space<vmem>>, vector<1000x144xf32>,
    %concatenate3A_51 = tpu.concatenate %broadcast_in_dim3A_43, %broadcast_in_dim3A_47 in 1 : vector<1000x1xf32>, vector<1000x15xf32> -> vector<1000x16xf32>
    %swap3A_52 = arith.constant 0 : index
    %swap3A_53 = arith.constant 0 : index
    %swap3A_54 = vector.load %arg10[%swap3A_52, %swap3A_53] : memref<1000x16xf32, #tpu.memory_space<vmem>>, vector<1000x16xf32>
    tpu.vector_store %arg10[%swap3A_52, %swap3A_53], %concatenate3A_51 {strides = array<i32>} : memref<1000x16xf32, #tpu.memory_space<vmem>>, vector<1000x16xf32>,
    return
  }
  func.func @transform_0(%arg0: i32) -> (i32, i32) {
    %c0_i32 = arith.constant 0 : i32
    %c0_i32_0 = arith.constant 0 : i32
    return %arg0, %c0_i32 : i32, i32
  }
  func.func @transform_1(%arg0: i32) -> (i32, i32) {
    %c0_i32 = arith.constant 0 : i32
    %c0_i32_0 = arith.constant 0 : i32
    return %arg0, %c0_i32 : i32, i32
  }
  func.func @transform_2(%arg0: i32) -> (i32, i32) {
    %c0_i32 = arith.constant 0 : i32
    %c0_i32_0 = arith.constant 0 : i32
    %c0_i32_1 = arith.constant 0 : i32
    return %c0_i32, %c0_i32_0 : i32, i32
  }
  func.func @transform_3(%arg0: i32) -> i32 {
    %c0_i32 = arith.constant 0 : i32
    %c0_i32_0 = arith.constant 0 : i32
    return %c0_i32 : i32
  }
  func.func @transform_4(%arg0: i32) -> (i32, i32) {
    %c0_i32 = arith.constant 0 : i32
    %c0_i32_0 = arith.constant 0 : i32
    %c0_i32_1 = arith.constant 0 : i32
    return %c0_i32, %c0_i32_0 : i32, i32
  }
  func.func @transform_5(%arg0: i32) -> (i32, i32) {
    %c0_i32 = arith.constant 0 : i32
    %c0_i32_0 = arith.constant 0 : i32
    %c0_i32_1 = arith.constant 0 : i32
    return %c0_i32, %c0_i32_0 : i32, i32
  }
  func.func @transform_6(%arg0: i32) -> (i32, i32) {
    %c0_i32 = arith.constant 0 : i32
    %c0_i32_0 = arith.constant 0 : i32
    %c0_i32_1 = arith.constant 0 : i32
    return %c0_i32, %c0_i32_0 : i32, i32
  }
  func.func @transform_7(%arg0: i32) -> (i32, i32) {
    %c0_i32 = arith.constant 0 : i32
    %c0_i32_0 = arith.constant 0 : i32
    return %arg0, %c0_i32 : i32, i32
  }
  func.func @transform_8(%arg0: i32) -> (i32, i32) {
    %c0_i32 = arith.constant 0 : i32
    %c0_i32_0 = arith.constant 0 : i32
    return %arg0, %c0_i32 : i32, i32
  }
  func.func @transform_9(%arg0: i32) -> (i32, i32) {
    %c0_i32 = arith.constant 0 : i32
    %c0_i32_0 = arith.constant 0 : i32
    return %arg0, %c0_i32 : i32, i32
  }
}

module attributes {stable_mosaic.version = 14 : i64} {
  func.func @_epilogue_body(%arg0: i32, %arg1: memref<1000x128xf32, #tpu.memory_space<vmem>>, %arg2: memref<1000x16xf32, #tpu.memory_space<vmem>>, %arg3: memref<1000x128xf32, #tpu.memory_space<vmem>>, %arg4: memref<128x128xf32, #tpu.memory_space<vmem>>, %arg5: memref<128xf32, #tpu.memory_space<vmem>>, %arg6: memref<128xf32, #tpu.memory_space<vmem>>, %arg7: memref<128xf32, #tpu.memory_space<vmem>>, %arg8: memref<128xf32, #tpu.memory_space<vmem>>, %arg9: memref<1000x128xf32, #tpu.memory_space<vmem>>) attributes {dimension_semantics = [#tpu.dimension_semantics<arbitrary>], iteration_bounds = array<i64: 10>, scalar_prefetch = 0 : i64, scratch_operands = 0 : i64, tpu.core_type = #tpu.core_type<tc>, window_params = [{transform_indices = @transform_0, window_bounds = array<i64: 1000, 128>}, {transform_indices = @transform_1, window_bounds = array<i64: 1000, 16>}, {transform_indices = @transform_2, window_bounds = array<i64: 1000, 128>}, {pipeline_mode = #tpu.pipeline_mode<synchronous>, transform_indices = @transform_3, window_bounds = array<i64: 128, 128>}, {pipeline_mode = #tpu.pipeline_mode<synchronous>, transform_indices = @transform_4, window_bounds = array<i64: 128>}, {pipeline_mode = #tpu.pipeline_mode<synchronous>, transform_indices = @transform_5, window_bounds = array<i64: 128>}, {pipeline_mode = #tpu.pipeline_mode<synchronous>, transform_indices = @transform_6, window_bounds = array<i64: 128>}, {pipeline_mode = #tpu.pipeline_mode<synchronous>, transform_indices = @transform_7, window_bounds = array<i64: 128>}, {transform_indices = @transform_8, window_bounds = array<i64: 1000, 128>}]} {
    %get3A = arith.constant 0 : index
    %get3A_0 = arith.constant 0 : index
    %get3A_1 = vector.load %arg1[%get3A, %get3A_0] : memref<1000x128xf32, #tpu.memory_space<vmem>>, vector<1000x128xf32>
    %get3A_2 = arith.constant 0 : index
    %get3A_3 = arith.constant 0 : index
    %get3A_4 = vector.load %arg2[%get3A_2, %get3A_3] : memref<1000x16xf32, #tpu.memory_space<vmem>>, vector<1000x1xf32>
    %add3A = arith.constant 1.000000e-16 : f32
    %add3A_5 = vector.broadcast %add3A : f32 to vector<1000x1xf32>
    %add3A_6 = arith.addf %get3A_4, %add3A_5 : vector<1000x1xf32>
    %div3A = arith.constant 1.000000e+00 : f32
    %div3A_7 = vector.broadcast %div3A : f32 to vector<1000x1xf32>
    %div3A_8 = arith.divf %div3A_7, %add3A_6 : vector<1000x1xf32>
    %mul3A = vector.broadcast %div3A_8 : vector<1000x1xf32> to vector<1000x128xf32>
    %mul3A_9 = arith.mulf %get3A_1, %mul3A : vector<1000x128xf32>
    %get3A_10 = arith.constant 0 : index
    %get3A_11 = vector.load %arg5[%get3A_10] : memref<128xf32, #tpu.memory_space<vmem>>, vector<128xf32>
    %broadcast_in_dim3A = vector.shape_cast %get3A_11 : vector<128xf32> to vector<1x128xf32>
    %add3A_12 = vector.broadcast %broadcast_in_dim3A : vector<1x128xf32> to vector<1000x128xf32>
    %add3A_13 = arith.addf %mul3A_9, %add3A_12 : vector<1000x128xf32>
    %get3A_14 = arith.constant 0 : index
    %get3A_15 = arith.constant 0 : index
    %get3A_16 = vector.load %arg3[%get3A_14, %get3A_15] : memref<1000x128xf32, #tpu.memory_space<vmem>>, vector<1000x128xf32>
    %get3A_17 = arith.constant 0 : index
    %get3A_18 = arith.constant 0 : index
    %get3A_19 = vector.load %arg4[%get3A_17, %get3A_18] : memref<128x128xf32, #tpu.memory_space<vmem>>, vector<128x128xf32>
    %dot_general3A = arith.constant dense<0.000000e+00> : vector<1000x128xf32>
    %dot_general3A_20 = tpu.matmul %get3A_16, %get3A_19, %dot_general3A {dimension_numbers = #tpu.dot_dimension_numbers<[1], [0], [0], [1], [0, 0, 1, 1], [], []>, transpose_lhs_hint = false} : vector<1000x128xf32>, vector<128x128xf32>, vector<1000x128xf32> -> vector<1000x128xf32>
    %add3A_21 = arith.addf %add3A_13, %dot_general3A_20 : vector<1000x128xf32>
    %get3A_22 = arith.constant 0 : index
    %get3A_23 = vector.load %arg6[%get3A_22] : memref<128xf32, #tpu.memory_space<vmem>>, vector<128xf32>
    %broadcast_in_dim3A_24 = vector.shape_cast %get3A_23 : vector<128xf32> to vector<1x128xf32>
    %add3A_25 = vector.broadcast %broadcast_in_dim3A_24 : vector<1x128xf32> to vector<1000x128xf32>
    %add3A_26 = arith.addf %add3A_21, %add3A_25 : vector<1000x128xf32>
    %get3A_27 = arith.constant 0 : index
    %get3A_28 = vector.load %arg7[%get3A_27] : memref<128xf32, #tpu.memory_space<vmem>>, vector<128xf32>
    %broadcast_in_dim3A_29 = vector.shape_cast %get3A_28 : vector<128xf32> to vector<1x128xf32>
    %mul3A_30 = vector.broadcast %broadcast_in_dim3A_29 : vector<1x128xf32> to vector<1000x128xf32>
    %mul3A_31 = arith.mulf %mul3A_30, %add3A_26 : vector<1000x128xf32>
    %sqrt3A = arith.constant 1.000010e+00 : f32
    %sqrt3A_32 = math.sqrt %sqrt3A : f32
    %div3A_33 = vector.broadcast %sqrt3A_32 : f32 to vector<1000x128xf32>
    %div3A_34 = arith.divf %mul3A_31, %div3A_33 : vector<1000x128xf32>
    %get3A_35 = arith.constant 0 : index
    %get3A_36 = vector.load %arg8[%get3A_35] : memref<128xf32, #tpu.memory_space<vmem>>, vector<128xf32>
    %broadcast_in_dim3A_37 = vector.shape_cast %get3A_36 : vector<128xf32> to vector<1x128xf32>
    %add3A_38 = vector.broadcast %broadcast_in_dim3A_37 : vector<1x128xf32> to vector<1000x128xf32>
    %add3A_39 = arith.addf %div3A_34, %add3A_38 : vector<1000x128xf32>
    %jit3A = arith.constant 0.000000e+00 : f32
    %ne3A = arith.cmpf one, %add3A_39, %add3A_39 : vector<1000x128xf32>
    %broadcast_in_dim3A_40 = vector.broadcast %jit3A : f32 to vector<1000x128xf32>
    %select_n3A = arith.select %ne3A, %broadcast_in_dim3A_40, %add3A_39 : vector<1000x128xi1>, vector<1000x128xf32>
    %eq3A = arith.constant 0x7F800000 : f32
    %eq3A_41 = vector.broadcast %eq3A : f32 to vector<1000x128xf32>
    %eq3A_42 = arith.cmpf oeq, %select_n3A, %eq3A_41 : vector<1000x128xf32>
    %jit3A_43 = arith.constant 3.40282347E+38 : f32
    %broadcast_in_dim3A_44 = vector.broadcast %jit3A_43 : f32 to vector<1000x128xf32>
    %select_n3A_45 = arith.select %eq3A_42, %broadcast_in_dim3A_44, %select_n3A : vector<1000x128xi1>, vector<1000x128xf32>
    %eq3A_46 = arith.constant 0xFF800000 : f32
    %eq3A_47 = vector.broadcast %eq3A_46 : f32 to vector<1000x128xf32>
    %eq3A_48 = arith.cmpf oeq, %select_n3A_45, %eq3A_47 : vector<1000x128xf32>
    %jit3A_49 = arith.constant -3.40282347E+38 : f32
    %broadcast_in_dim3A_50 = vector.broadcast %jit3A_49 : f32 to vector<1000x128xf32>
    %select_n3A_51 = arith.select %eq3A_48, %broadcast_in_dim3A_50, %select_n3A_45 : vector<1000x128xi1>, vector<1000x128xf32>
    %mul3A_52 = arith.mulf %select_n3A_51, %select_n3A_51 : vector<1000x128xf32>
    %reduce_sum3A = arith.constant dense<0.000000e+00> : vector<1000xf32>
    %reduce_sum3A_53 = vector.multi_reduction <add>, %mul3A_52, %reduce_sum3A [1] : vector<1000x128xf32> to vector<1000xf32>
    %broadcast_in_dim3A_54 = vector.shape_cast %reduce_sum3A_53 : vector<1000xf32> to vector<1000x1xf32>
    %sqrt3A_55 = math.sqrt %broadcast_in_dim3A_54 : vector<1000x1xf32>
    %max3A = arith.constant 9.99999996E-13 : f32
    %max3A_56 = vector.broadcast %max3A : f32 to vector<1000x1xf32>
    %max3A_57 = arith.maximumf %sqrt3A_55, %max3A_56 : vector<1000x1xf32>
    %div3A_58 = vector.broadcast %max3A_57 : vector<1000x1xf32> to vector<1000x128xf32>
    %div3A_59 = arith.divf %select_n3A_51, %div3A_58 : vector<1000x128xf32>
    %swap3A = arith.constant 0 : index
    %swap3A_60 = arith.constant 0 : index
    %swap3A_61 = vector.load %arg9[%swap3A, %swap3A_60] : memref<1000x128xf32, #tpu.memory_space<vmem>>, vector<1000x128xf32>
    tpu.vector_store %arg9[%swap3A, %swap3A_60], %div3A_59 {strides = array<i32>} : memref<1000x128xf32, #tpu.memory_space<vmem>>, vector<1000x128xf32>,
    return
  }
  func.func @transform_0(%arg0: i32) -> (i32, i32) {
    %c0_i32 = arith.constant 0 : i32
    %c0_i32_0 = arith.constant 0 : i32
    return %arg0, %c0_i32 : i32, i32
  }
  func.func @transform_1(%arg0: i32) -> (i32, i32) {
    %c0_i32 = arith.constant 0 : i32
    %c0_i32_0 = arith.constant 0 : i32
    return %arg0, %c0_i32 : i32, i32
  }
  func.func @transform_2(%arg0: i32) -> (i32, i32) {
    %c0_i32 = arith.constant 0 : i32
    %c0_i32_0 = arith.constant 0 : i32
    return %arg0, %c0_i32 : i32, i32
  }
  func.func @transform_3(%arg0: i32) -> (i32, i32) {
    %c0_i32 = arith.constant 0 : i32
    %c0_i32_0 = arith.constant 0 : i32
    %c0_i32_1 = arith.constant 0 : i32
    return %c0_i32, %c0_i32_0 : i32, i32
  }
  func.func @transform_4(%arg0: i32) -> i32 {
    %c0_i32 = arith.constant 0 : i32
    %c0_i32_0 = arith.constant 0 : i32
    return %c0_i32 : i32
  }
  func.func @transform_5(%arg0: i32) -> i32 {
    %c0_i32 = arith.constant 0 : i32
    %c0_i32_0 = arith.constant 0 : i32
    return %c0_i32 : i32
  }
  func.func @transform_6(%arg0: i32) -> i32 {
    %c0_i32 = arith.constant 0 : i32
    %c0_i32_0 = arith.constant 0 : i32
    return %c0_i32 : i32
  }
  func.func @transform_7(%arg0: i32) -> i32 {
    %c0_i32 = arith.constant 0 : i32
    %c0_i32_0 = arith.constant 0 : i32
    return %c0_i32 : i32
  }
  func.func @transform_8(%arg0: i32) -> (i32, i32) {
    %c0_i32 = arith.constant 0 : i32
    %c0_i32_0 = arith.constant 0 : i32
    return %arg0, %c0_i32 : i32, i32
  }
}

</mosaic_0001>

<sc_bundles>
// kernel: kernel.10.cloned.1.call-start
scs
__scs_entry_jumppad:
0x0: {  	(pc) =	sbr.rel $0x88, $3  }
0x1: {  	(tag) =	ssettag $0x0;
	lr =	simm.s32 $0x1  }
0x2: {  	[smem:$0x3F8F] =	sst lr;
	_ =	strace $0xD0000000  }
0x3: {  	_ = 	snop  }
0x4: {  	_ = 	snop  }
0x5: {  	_ = 	snop  }
0x6: {  	_ = 	snop  }
0x7: {  	_ = 	snop  }
__scs_overlays_trampoline_lowered:
0x8: {  	[smem:$0x3F9E] =	sst s0  }
0x9: {  	[smem:$0x3F9F] =	sst s1  }
0xa: {  	[smem:$0x3FA0] =	sst s2  }
0xb: {  	[smem:$0x3FA1] =	sst s3  }
0xc: {  	[smem:$0x3FA2] =	sst s4  }
0xd: {  	[smem:$0x3FA3] =	sst s5  }
0xe: {  	[smem:$0x3FA4] =	sst s6  }
0xf: {  	[smem:$0x3FA5] =	sst s7  }
0x10: {  	[smem:$0x3FA6] =	sst s8  }
0x11: {  	[smem:$0x3FA7] =	sst s9;
	s0 =	simm.s32 @!p0 $0x0  }
0x12: {  	s1 =	sld [smem:$0x3F8D];
	s0 =	simm.s32 @p0 $0x1  }
0x13: {  	[smem:$0x3FA8] =	sst s0;
	s0 =	simm.s32 @!p1 $0x0  }
0x14: {  	s2 =	sld [smem:$0x3F8C];
	s0 =	simm.s32 @p1 $0x1  }
0x15: {  	[smem:$0x3FA9] =	sst s0;
	s0 =	simm.s32 @!p2 $0x0  }
0x16: {  	s3 =	sld [smem:$0x3FDB];
	s0 =	simm.s32 @p2 $0x1  }
0x17: {  	s4 =	simm.s32 $0x1BF5;
	[smem:$0x3FAB] =	sst s0  }
0x18: {  	s0 =	sld [smem:$0x3F8E];
	_ =	swait.ge [sflag:s4], $0x0  }
0x19: {  	s7 =	sld [smem:$0x3F8F]  }
0x1a: {  	s8 =	sadd.s32 $0xFFFFE003, lr  }
0x1b: {  	s9 =	sadd.s32 $0xFFFFFEF7, lr;
	s5 =	simm.s32 $0xFFFFFFFF;
	p2 =	slt.u32 s8, $0xFFFFF086  }
0x1c: {  	p1 =	slt.u32 s9, $0xF7A;
	s5 =	simm.s32 @!p2 $0x0  }
0x1d: {  	s5 =	simm.s32 @p1 $0x1;
	p0 =	seq.s32 s7, s2  }
0x1e: {  	s7 =	smul.u32 @!p0 $0xF7A, s2;
	p2 =	seq.s32 @!p0 s5, $0x0  }
0x1f: {  	s9 =	smul.u32 $0xF7A, s1;
	s8 =	simm.s32 @!p0 $0x1BF5;
	p2 =	por !p2, p0  }
0x20: {  	[sflag:s8] =	ssyncset.s32 @!p0 $0xFFFFF086;
	s6 =	sadd.s32 @!p0 s3, s7;
	s7 =	simm.s32 @!p0 $0x108  }
0x21: {  	s3 =	sadd.s32 s3, s9;
	s6 =	sadd.s32 @!p0 $0x88, s6;
	s7 =	simm.s32 @p2 $0x1082  }
0x22: {  	[simem:s7], [sflag:s8] =	dma.local @!p0 [hbm:s6], $0xF7A  }
0x23: {  	s9 =	sor.u32 $0xD0000000, s2;
	s6 =	simm.s32 $0x108;
	_ =	swait.ge @!p0 [sflag:s8], $0x0  }
0x24: {  	s3 =	sadd.s32 $0x88, s3;
	s6 =	simm.s32 @!p1 $0x1082;
	[sflag:s4] =	ssyncset.s32 $0xFFFFF086  }
0x25: {  	[simem:s6], [sflag:s4] =	dma.local [hbm:s3], $0xF7A  }
0x26: {  	[smem:$0x3F8F] =	sst s1;
	(tag) =	ssettag s2;
	_ =	strace s9  }
0x27: {  	s1 =	sld [smem:$0x3F9F]  }
0x28: {  	s2 =	sld [smem:$0x3FA0]  }
0x29: {  	s4 =	sld [smem:$0x3FA2]  }
0x2a: {  	p0 =	seq.s32 s5, $0x0;
	s5 =	sld [smem:$0x3FA3]  }
0x2b: {  	s6 =	sld [smem:$0x3FA4]  }
0x2c: {  	s7 =	sld [smem:$0x3FA5]  }
0x2d: {  	s3 =	simm.s32 $0x108;
	s8 =	sld [smem:$0x3FA6]  }
0x2e: {  	s3 =	simm.s32 @!p0 $0x1082;
	s9 =	sld [smem:$0x3FA7]  }
0x2f: {  	lr =	sadd.s32 s0, s3;
	s0 =	sld [smem:$0x3F9E]  }
0x30: {  	s3 =	sld [smem:$0x3FA1]  }
0x31: {  	[smem:$0x3FAA] =	sst s10  }
0x32: {  	s10 =	sld [smem:$0x3FA8];
	_ =	sdelay $0x3  }
0x33: {  	p0 =	seq.s32 s10, $0x1;
	s10 =	sld [smem:$0x3FAA];
	_ =	sdelay $0x3  }
0x34: {  	[smem:$0x3FAA] =	sst s10  }
0x35: {  	s10 =	sld [smem:$0x3FA9];
	_ =	sdelay $0x3  }
0x36: {  	p1 =	seq.s32 s10, $0x1;
	s10 =	sld [smem:$0x3FAA];
	_ =	sdelay $0x3  }
0x37: {  	[smem:$0x3FAA] =	sst s10  }
0x38: {  	s10 =	sld [smem:$0x3FAB]  }
0x39: {  	_ = 	snop;
	(pc) =	sbr.ind lr, $3  }
0x3a: {  	_ = 	snop  }
0x3b: {  	_ = 	snop  }
0x3c: {  	p2 =	seq.s32 s10, $0x1;
	s10 =	sld [smem:$0x3FAA]  }
0x3d: {  	_ =	shalt  }
0x3e: {  	_ =	shalt  }
0x3f: {  	_ =	shalt  }
0x40: {  	_ =	shalt  }
0x41: {  	_ =	shalt  }
0x42: {  	_ =	shalt  }
0x43: {  	_ =	shalt  }
0x44: {  	_ =	shalt  }
0x45: {  	_ =	shalt  }
0x46: {  	_ =	shalt  }
0x47: {  	_ =	shalt  }
0x48: {  	_ =	shalt  }
0x49: {  	_ =	shalt  }
0x4a: {  	_ =	shalt  }
0x4b: {  	_ =	shalt  }
0x4c: {  	_ =	shalt  }
0x4d: {  	_ =	shalt  }
0x4e: {  	_ =	shalt  }
0x4f: {  	_ =	shalt  }
0x50: {  	_ =	shalt  }
0x51: {  	_ =	shalt  }
0x52: {  	_ =	shalt  }
0x53: {  	_ =	shalt  }
0x54: {  	_ =	shalt  }
0x55: {  	_ =	shalt  }
0x56: {  	_ =	shalt  }
0x57: {  	_ =	shalt  }
0x58: {  	_ =	shalt  }
0x59: {  	_ =	shalt  }
0x5a: {  	_ =	shalt  }
0x5b: {  	_ =	shalt  }
0x5c: {  	_ =	shalt  }
0x5d: {  	_ =	shalt  }
0x5e: {  	_ =	shalt  }
0x5f: {  	_ =	shalt  }
0x60: {  	_ =	shalt  }
0x61: {  	_ =	shalt  }
0x62: {  	_ =	shalt  }
0x63: {  	_ =	shalt  }
0x64: {  	_ =	shalt  }
0x65: {  	_ =	shalt  }
0x66: {  	_ =	shalt  }
0x67: {  	_ =	shalt  }
0x68: {  	_ =	shalt  }
0x69: {  	_ =	shalt  }
0x6a: {  	_ =	shalt  }
0x6b: {  	_ =	shalt  }
0x6c: {  	_ =	shalt  }
0x6d: {  	_ =	shalt  }
0x6e: {  	_ =	shalt  }
0x6f: {  	_ =	shalt  }
0x70: {  	_ =	shalt  }
0x71: {  	_ =	shalt  }
0x72: {  	_ =	shalt  }
0x73: {  	_ =	shalt  }
0x74: {  	_ =	shalt  }
0x75: {  	_ =	shalt  }
0x76: {  	_ =	shalt  }
0x77: {  	_ =	shalt  }
0x78: {  	_ =	shalt  }
0x79: {  	_ =	shalt  }
0x7a: {  	_ =	shalt  }
0x7b: {  	_ =	shalt  }
0x7c: {  	_ =	shalt  }
0x7d: {  	_ =	shalt  }
0x7e: {  	_ =	shalt  }
0x7f: {  	_ =	shalt  }
0x80: {  	_ =	shalt  }
0x81: {  	_ =	shalt  }
0x82: {  	_ =	shalt  }
0x83: {  	_ =	shalt  }
0x84: {  	_ =	shalt  }
0x85: {  	_ =	shalt  }
0x86: {  	_ =	shalt  }
0x87: {  	_ =	shalt  }
.Lfunc_end0:
.L_simem_size_0:
called_computation.1_lowered:
.L_overlay_start_0:
0x88: {  	s2 =	sld [smem:$0x3FD9]  }
0x89: {  	s3 =	sld [smem:$0x3FFE];
	_ =	sdelay $0x1  }
0x8a: {  	s1 =	srdreg.scid  }
0x8b: {  	s0 =	sand.u32 $0x1, s1  }
0x8c: {  	s17 =	sshll.u32 s0, $0xA;
	s2 =	sadd.s32 s3, s2  }
0x8d: {  	s2 =	sadd.s32 s2, s17  }
0x8e: {  	[smem:$0x3FB6] =	sst s2  }
0x8f: {  	_ = 	snop  }
0x90: {  	s2 =	sld [smem:$0x3FD0];
	(tm) =	ssettm $0x1  }
0x91: {  	s18 =	sld [smem:$0x3FFB];
	_ =	sdelay $0x3  }
0x92: {  	_ =	strace s18  }
0x93: {  	s3 =	sld [smem:$0x3FFC];
	_ =	sdelay $0x3  }
0x94: {  	_ =	strace s3  }
0x95: {  	s3 =	sld [smem:$0x3FFD];
	_ =	sdelay $0x3  }
0x96: {  	_ =	strace s3  }
0x97: {  	_ =	strace $0x8FFFFFFF  }
0x98: {  	s19 =	sld [smem:$0x3FDB];
	_ =	sdelay $0x1  }
0x99: {  	s4 =	simm.s32 $_scs_section_size  }
0x9a: {  	s5 =	simm.s32 $_size__tile_overlayer_lowered;
	s6 =	simm.s32 $_tile_overlayer_lowered  }
0x9b: {  	s22 =	simm.s32 $0x1BFF;
	s21 =	sshll.u32 s6, $0x1;
	s3 =	sadd.s32 s4, s19  }
0x9c: {  	s7 =	simm.s32 $0x0;
	s20 =	sshll.u32 s5, $0x1;
	s5 =	sadd.s32 s21, s3  }
0x9d: {  	[timem:s7], [sflag:s22] =	dma.local [hbm:s5], s20  }
0x9e: {  	_ =	swait.ge [sflag:s22], s20  }
0x9f: {  	s4 =	ssub.s32 $0x0, s20;
	[sflag:s22] =	ssyncset.done $0x0  }
0xa0: {  	[sflag:s22] =	ssyncadd.s32 s4;
	_ =	sdelay $0x1  }
0xa1: {  	s23 =	simm.s32 $0x1B8B  }
0xa2: {  	_ =	swait.ge [sflag:s23], $0x1  }
0xa3: {  	[sflag:s23] =	ssyncset.done $0x0  }
0xa4: {  	s25 =	simm.s32 $0x1B8E;
	s24 =	sld [smem:$0x3FFE];
	[sflag:s23] =	ssyncadd.s32 $0xFFFFFFFF  }
0xa5: {  	s26 =	simm.s32 $execute0_lowered;
	[smem:$0x3FD2] =	sst s25  }
0xa6: {  	s5 =	sshll.u32 s26, $0x1;
	_ =	strace $0x80000049;
	[dreg:$0x1] =	wrdreg $0xFFFFFFFF  }
0xa7: {  	s28 =	simm.s32 $_size_execute0_lowered;
	s3 =	sadd.s32 s3, s5;
	[dreg:$0x0] =	wrdreg $0x0  }
0xa8: {  	s5 =	sshll.u32 s28, $0x1;
	[dreg:$0x2] =	wrdreg s3  }
0xa9: {  	[dreg:$0x3] =	wrdreg s5  }
0xaa: {  	[dreg:$0x4] =	wrdreg $0xC0  }
0xab: {  	_ =	task [dreg:s7], $0x5FFFF  }
0xac: {  	[dreg:$0x1] =	wrdreg $0xFFFFFFFF  }
0xad: {  	[dreg:$0x0] =	wrdreg $0x60  }
0xae: {  	[dreg:$0x2] =	wrdreg s24  }
0xaf: {  	[dreg:$0x3] =	wrdreg s2  }
0xb0: {  	[dreg:$0x4] =	wrdreg $0x146000  }
0xb1: {  	[dreg:$0x5] =	wrdreg $0x9  }
0xb2: {  	_ =	task.clear_ibuf [dreg:s7], $0x6FFFF;
	_ =	strace $0x90000049  }
0xb3: {  	s29 =	simm.s32 $0x9;
	_ =	strace $0x8000004B  }
0xb4: {  	_ =	swait.ge [sflag:s29], $0x1  }
0xb5: {  	[sflag:s29] =	ssyncadd.s32 $0xFFFFFFFF  }
0xb6: {  	_ =	strace $0x9000004B  }
0xb7: {  	_ =	sfence  }
0xb8: {  	s30 =	sld [smem:$0x0];
	_ =	sdelay $0x2  }
0xb9: {  	s31 =	sshll.u32 s1, $0xD;
	s1 =	sshrl.u32 s1, $0x2  }
0xba: {  	s3 =	sand.u32 $0x4000, s31;
	s1 =	sadd.s32 s1, s30  }
0xbb: {  	s0 =	sor.u32 s3, s0;
	s1 =	sshll.u32 s1, $0x11  }
0xbc: {  	s0 =	sor.u32 s1, s0  }
0xbd: {  	s0 =	sadd.s32 $0x8F2B, s0  }
0xbe: {  	[sflag:s0] =	ssyncadd.remote.s32 $0x1  }
0xbf: {  	_ =	sfence.sel $0xFFFF  }
0xc0: {  	[dreg:$0x0] =	wrdreg $0xFFFFFFFF;
	(pc) =	sbr.abs _section_cstart, $3  }
0xc1: {  	[dreg:$0x1] =	wrdreg $0xFFFFFFFF  }
0xc2: {  	_ =	task.clear_ibuf [dreg:s7], $0x2FFFF;
	_ =	strace $0x9FFFFFFF  }
0xc3: {  	(tm) =	ssettm $0x7FFFFFFF  }
tec
execute0_lowered:
.L_overlay_start_1:
0x0: {  	(tag) =	ssettag $0x1  }
0x1: {  	s0 =	rddreg [dreg:$0x0]  }
0x2: {  	s1 =	rddreg [dreg:$0x1]  }
0x3: {  	s2 =	rddreg [dreg:$0x2]  }
0x4: {  	s3 =	simm.s32 $0x0;
	s4 =	srdreg.scid;
	s14 =	stileid.u32  }
0x5: {  	s28 =	simm.s32 $0x600;
	s29 =	simm.s32 $0x12600;
	s30 =	simm.s32 $0x9600  }
0x6: {  	s31 =	simm.s32 $0x300;
	[smem:$0x7FF] =	sst s3;
	s5 =	sadd.s32 $0xD800, s0  }
0x7: {  	s4 =	sand.u32 $0x1, s4;
	s6 =	sadd.s32 $0x3A800, s0;
	s10 =	smul.u32 $0x2E200, s14  }
0x8: {  	s8 =	sadd.s32 $0x3F800, s0;
	s12 =	smul.u32 $0xB880, s14;
	s25 =	sshll.u32 s14, $0x6  }
0x9: {  	_ =	strace $0x8000004A;
	s7 =	smul.u32 $0x17100, s4;
	[dreg:$0x4] =	wrdreg s8  }
0xa: {  	s9 =	ssub.s32 $0x2, s4;
	s8 =	sadd.s32 $0x2800, s0;
	s23 =	smul.u32 $0x1400, s4  }
0xb: {  	s4 =	simm.s32 $0x1;
	s11 =	sshrl.u32 s9, $0x1;
	s24 =	sshrl.u32 s10, $0x2  }
0xc: {  	s10 =	smul.u32 $0x5800, s14;
	s26 =	sshrl.u32 s12, $0x3;
	s14 =	simm.s32 $0x5  }
0xd: {  	s0 =	sadd.s32 s7, s0;
	s7 =	ssub.s32 s9, s11;
	s9 =	sadd.s32 s24, s2  }
0xe: {  	s11 =	sadd.s32 s12, s2;
	s24 =	sor.u32 $0x1C05, s25;
	s13 =	sadd.s32 $0x1200, s9  }
0xf: {  	s15 =	sadd.s32 $0x2400, s9;
	s7 =	smax.u32 s7, $0x1;
	[dreg:$0x5] =	wrdreg s24  }
0x10: {  	s0 =	sadd.s32 $0x3FC00, s0;
	s12 =	sshrl.u32 s11, $0x3;
	[dreg:$0x6] =	wrdreg s7  }
0x11: {  	s16 =	sadd.s32 $0x3600, s9;
	s0 =	sadd.s32 s26, s0;
	[dreg:$0x7] =	wrdreg s12  }
0x12: {  	s17 =	sadd.s32 $0x4800, s9;
	s13 =	sshrl.u32 s13, $0x3;
	[dreg:$0x8] =	wrdreg s0  }
0x13: {  	s18 =	sadd.s32 $0x5A00, s9;
	s15 =	sshrl.u32 s15, $0x3;
	[dreg:$0x9] =	wrdreg s13  }
0x14: {  	s19 =	sadd.s32 $0x6C00, s9;
	s16 =	sshrl.u32 s16, $0x3;
	[dreg:$0xa] =	wrdreg s15  }
0x15: {  	s20 =	sadd.s32 $0x7E00, s9;
	s17 =	sshrl.u32 s17, $0x3;
	[dreg:$0xb] =	wrdreg s16  }
0x16: {  	s21 =	sadd.s32 $0x9000, s9;
	s18 =	sshrl.u32 s18, $0x3;
	[dreg:$0xc] =	wrdreg s17  }
0x17: {  	s22 =	sadd.s32 $0xA200, s9;
	s19 =	sshrl.u32 s19, $0x3;
	[dreg:$0xd] =	wrdreg s18  }
0x18: {  	s9 =	sadd.s32 $0xB400, s9;
	s20 =	sshrl.u32 s20, $0x3;
	[dreg:$0xe] =	wrdreg s19  }
0x19: {  	s11 =	simm.s32 $0x80;
	s21 =	sshrl.u32 s21, $0x3;
	[dreg:$0xf] =	wrdreg s20  }
0x1a: {  	s25 =	sshrl.u32 s22, $0x3;
	s26 =	sshrl.u32 s9, $0x3;
	[dreg:$0x10] =	wrdreg s21  }
0x1b: {  	s22 =	simm.s32 $0x4;
	s9 =	simm.s32 $0x0;
	[dreg:$0x11] =	wrdreg s25  }
0x1c: {  	[dreg:$0x12] =	wrdreg s26;
	s25 =	simm.s32 $0x200;
	s26 =	simm.s32 $0x100  }
0x1d: {  	s0 =	simm.s32 $0x13600;
	s13 =	simm.s32 $0x400;
	s15 =	simm.s32 $0x480  }
0x1e: {  	s16 =	simm.s32 $0x4E00;
	s17 =	simm.s32 $0x3;
	s18 =	simm.s32 $0x2  }
0x1f: {  	v1 =	vimm.s32 $0x0;
	v0 =	vmov s23;
	s19 =	simm.s32 $0x500;
	s20 =	simm.s32 $0x580;
	s21 =	simm.s32 $0xDE00  }
.LBB2_1:
0x20: {  	[dreg:$0x13] =	wrdreg s9  }
0x21: {  	s7 =	rddreg [dreg:$0x4]  }
0x22: {  	[spmem:s12], [sflag:s24] =	dma.local [hbm:s7], $0x240  }
0x23: {  	_ =	swait.ge [sflag:s14], $0x240  }
0x24: {  	[sflag:s14] =	ssyncset.done $0x0  }
0x25: {  	s12 =	rddreg [dreg:$0x9];
	[sflag:s14] =	ssyncadd.s32 $0xFFFFFDC0  }
0x26: {  	[spmem:s12], [sflag:s24] =	dma.local [hbm:s7], $0x240  }
0x27: {  	_ =	swait.ge [sflag:s14], $0x240  }
0x28: {  	[sflag:s14] =	ssyncset.done $0x0  }
0x29: {  	s23 =	rddreg [dreg:$0xa];
	[sflag:s14] =	ssyncadd.s32 $0xFFFFFDC0  }
0x2a: {  	[spmem:s23], [sflag:s24] =	dma.local [hbm:s7], $0x240  }
0x2b: {  	_ =	swait.ge [sflag:s14], $0x240  }
0x2c: {  	[sflag:s14] =	ssyncset.done $0x0  }
0x2d: {  	s12 =	rddreg [dreg:$0xb];
	[sflag:s14] =	ssyncadd.s32 $0xFFFFFDC0  }
0x2e: {  	[spmem:s12], [sflag:s24] =	dma.local [hbm:s7], $0x240  }
0x2f: {  	_ =	swait.ge [sflag:s14], $0x240  }
0x30: {  	[sflag:s14] =	ssyncset.done $0x0  }
0x31: {  	s23 =	rddreg [dreg:$0xc];
	[sflag:s14] =	ssyncadd.s32 $0xFFFFFDC0  }
0x32: {  	[spmem:s23], [sflag:s24] =	dma.local [hbm:s7], $0x240  }
0x33: {  	_ =	swait.ge [sflag:s14], $0x240  }
0x34: {  	[sflag:s14] =	ssyncset.done $0x0  }
0x35: {  	s12 =	rddreg [dreg:$0xd];
	[sflag:s14] =	ssyncadd.s32 $0xFFFFFDC0  }
0x36: {  	[spmem:s12], [sflag:s24] =	dma.local [hbm:s7], $0x240  }
0x37: {  	_ =	swait.ge [sflag:s14], $0x240  }
0x38: {  	[sflag:s14] =	ssyncset.done $0x0  }
0x39: {  	s23 =	rddreg [dreg:$0xe];
	[sflag:s14] =	ssyncadd.s32 $0xFFFFFDC0  }
0x3a: {  	[spmem:s23], [sflag:s24] =	dma.local [hbm:s7], $0x240  }
0x3b: {  	_ =	swait.ge [sflag:s14], $0x240  }
0x3c: {  	[sflag:s14] =	ssyncset.done $0x0  }
0x3d: {  	s12 =	rddreg [dreg:$0xf];
	[sflag:s14] =	ssyncadd.s32 $0xFFFFFDC0  }
0x3e: {  	[spmem:s12], [sflag:s24] =	dma.local [hbm:s7], $0x240  }
0x3f: {  	_ =	swait.ge [sflag:s14], $0x240  }
0x40: {  	[sflag:s14] =	ssyncset.done $0x0  }
0x41: {  	s23 =	rddreg [dreg:$0x10];
	[sflag:s14] =	ssyncadd.s32 $0xFFFFFDC0  }
0x42: {  	[spmem:s23], [sflag:s24] =	dma.local [hbm:s7], $0x240  }
0x43: {  	_ =	swait.ge [sflag:s14], $0x240  }
0x44: {  	[sflag:s14] =	ssyncset.done $0x0  }
0x45: {  	s12 =	rddreg [dreg:$0x11];
	[sflag:s14] =	ssyncadd.s32 $0xFFFFFDC0  }
0x46: {  	[spmem:s12], [sflag:s24] =	dma.local [hbm:s7], $0x240  }
0x47: {  	_ =	swait.ge [sflag:s14], $0x240  }
0x48: {  	[sflag:s14] =	ssyncset.done $0x0  }
0x49: {  	s23 =	rddreg [dreg:$0x12];
	[sflag:s14] =	ssyncadd.s32 $0xFFFFFDC0  }
0x4a: {  	[spmem:s23], [sflag:s24] =	dma.local [hbm:s7], $0x90  }
0x4b: {  	_ =	swait.ge [sflag:s14], $0x90  }
0x4c: {  	[sflag:s14] =	ssyncset.done $0x0  }
0x4d: {  	[sflag:s14] =	ssyncadd.s32 $0xFFFFFF70  }
0x4e: {  	s24 =	simm.s32 $0x0;
	[bflag:$0x0] =	sbarrier.arrive $0xFFFF  }
.LBB2_2:
0x4f: {  	s7 =	sshll.u32 s24, $0x9  }
0x50: {  	s7 =	sadd.s32 s10, s7  }
0x51: {  	s7 =	sshrl.u32 s7, $0x3  }
0x52: {  	s9 =	sadd.s32 s1, s7  }
0x53: {  	[tilespmem:s3], [sflag:$0x5] =	stream.linear.gather [hbm4b:s9+s3], $0x200, $0x38;
	[tilespmem:$0x1FE80] =	vst v63  }
0x54: {  	_ =	swait.ge [sflag:s14], $0x200  }
0x55: {  	[sflag:s14] =	ssyncset.done $0x0  }
0x56: {  	s7 =	sadd.s32 s8, s7;
	[sflag:s14] =	ssyncadd.s32 $0xFFFFFE00  }
0x57: {  	[tilespmem:s25], [sflag:$0x5] =	stream.linear.gather [hbm4b:s7+s3], $0x200, $0x38;
	[tilespmem:$0x1FE80] =	vst v63  }
0x58: {  	_ =	swait.ge [sflag:s14], $0x200  }
0x59: {  	[sflag:s14] =	ssyncset.done $0x0  }
0x5a: {  	[sflag:s14] =	ssyncadd.s32 $0xFFFFFE00  }
0x5b: {  	v2 =	vld [tilespmem:$0x200]  }
0x5c: {  	v3 =	vld [tilespmem:$0x210]  }
0x5d: {  	v4 =	vld [tilespmem:$0x220]  }
0x5e: {  	v5 =	vld [tilespmem:$0x230]  }
0x5f: {  	v6 =	vld [tilespmem:$0x240]  }
0x60: {  	v7 =	vld [tilespmem:$0x250];
	v2 =	vsub.s32 v2, v0  }
0x61: {  	v8 =	vld [tilespmem:$0x260];
	v3 =	vsub.s32 v3, v0;
	vm0 =	vgt.u32 v2, $0x13FF  }
0x62: {  	v9 =	vld [tilespmem:$0x270];
	v4 =	vsub.s32 v4, v0;
	vm6 =	vgt.u32 v3, $0x13FF;
	v2 =	vsel vm0, $0x1450, v2  }
0x63: {  	vm7 =	vgt.u32 v4, $0x13FF;
	[tilespmem:$0x400] =	vst v2;
	v2 =	vsel vm6, $0x1450, v3;
	v3 =	vsub.s32 v5, v0;
	v5 =	vld [tilespmem:$0x280]  }
0x64: {  	v30 =	vld [tilespmem:$0x290];
	[tilespmem:$0x410] =	vst v2;
	v2 =	vsel vm7, $0x1450, v4;
	vm8 =	vgt.u32 v3, $0x13FF;
	v4 =	vsub.s32 v6, v0  }
0x65: {  	v31 =	vld [tilespmem:$0x2A0];
	[tilespmem:$0x420] =	vst v2;
	v2 =	vsel vm8, $0x1450, v3;
	vm9 =	vgt.u32 v4, $0x13FF;
	v3 =	vsub.s32 v7, v0  }
0x66: {  	v32 =	vld [tilespmem:$0x2B0];
	[tilespmem:$0x430] =	vst v2;
	v2 =	vsel vm9, $0x1450, v4;
	vm10 =	vgt.u32 v3, $0x13FF;
	v4 =	vsub.s32 v8, v0  }
0x67: {  	v33 =	vld [tilespmem:$0x2C0];
	[tilespmem:$0x440] =	vst v2;
	v2 =	vsel vm10, $0x1450, v3;
	vm11 =	vgt.u32 v4, $0x13FF;
	v3 =	vsub.s32 v9, v0  }
0x68: {  	[tilespmem:$0x450] =	vst v2;
	v2 =	vsel vm11, $0x1450, v4;
	vm12 =	vgt.u32 v3, $0x13FF;
	v4 =	vsub.s32 v5, v0;
	v5 =	vld [tilespmem:$0x2D0]  }
0x69: {  	v34 =	vld [tilespmem:$0x2E0];
	[tilespmem:$0x460] =	vst v2;
	v2 =	vsel vm12, $0x1450, v3;
	vm13 =	vgt.u32 v4, $0x13FF;
	v3 =	vsub.s32 v30, v0  }
0x6a: {  	v35 =	vld [tilespmem:$0x2F0];
	[tilespmem:$0x470] =	vst v2;
	v2 =	vsel vm13, $0x1450, v4;
	vm14 =	vgt.u32 v3, $0x13FF;
	v4 =	vsub.s32 v31, v0  }
0x6b: {  	v36 =	vld [tilespmem:$0x300];
	[tilespmem:$0x480] =	vst v2;
	v2 =	vsel vm14, $0x1450, v3;
	vm15 =	vgt.u32 v4, $0x13FF;
	v3 =	vsub.s32 v32, v0  }
0x6c: {  	v37 =	vld [tilespmem:$0x310];
	[tilespmem:$0x490] =	vst v2;
	v2 =	vsel vm15, $0x1450, v4;
	vm4 =	vgt.u32 v3, $0x13FF;
	v4 =	vsub.s32 v33, v0  }
0x6d: {  	[tilespmem:$0x4A0] =	vst v2;
	v2 =	vsel vm4, $0x1450, v3;
	vm5 =	vgt.u32 v4, $0x13FF;
	v3 =	vsub.s32 v5, v0;
	v5 =	vld [tilespmem:$0x320]  }
0x6e: {  	v38 =	vld [tilespmem:$0x330];
	[tilespmem:$0x4B0] =	vst v2;
	v2 =	vsel vm5, $0x1450, v4;
	vm6 =	vgt.u32 v3, $0x13FF;
	v4 =	vsub.s32 v34, v0  }
0x6f: {  	v39 =	vld [tilespmem:$0x340];
	[tilespmem:$0x4C0] =	vst v2;
	v2 =	vsel vm6, $0x1450, v3;
	vm7 =	vgt.u32 v4, $0x13FF;
	v3 =	vsub.s32 v35, v0  }
0x70: {  	v40 =	vld [tilespmem:$0x350];
	[tilespmem:$0x4D0] =	vst v2;
	v2 =	vsel vm7, $0x1450, v4;
	vm8 =	vgt.u32 v3, $0x13FF;
	v4 =	vsub.s32 v36, v0  }
0x71: {  	v41 =	vld [tilespmem:$0x360];
	[tilespmem:$0x4E0] =	vst v2;
	v2 =	vsel vm8, $0x1450, v3;
	vm9 =	vgt.u32 v4, $0x13FF;
	v3 =	vsub.s32 v37, v0  }
0x72: {  	[tilespmem:$0x4F0] =	vst v2;
	v2 =	vsel vm9, $0x1450, v4;
	vm10 =	vgt.u32 v3, $0x13FF;
	v4 =	vsub.s32 v5, v0;
	v5 =	vld [tilespmem:$0x370]  }
0x73: {  	v42 =	vld [tilespmem:$0x380];
	[tilespmem:$0x500] =	vst v2;
	v2 =	vsel vm10, $0x1450, v3;
	vm11 =	vgt.u32 v4, $0x13FF;
	v3 =	vsub.s32 v38, v0  }
0x74: {  	v43 =	vld [tilespmem:$0x390];
	[tilespmem:$0x510] =	vst v2;
	v2 =	vsel vm11, $0x1450, v4;
	vm12 =	vgt.u32 v3, $0x13FF;
	v4 =	vsub.s32 v39, v0  }
0x75: {  	v44 =	vld [tilespmem:$0x3A0];
	[tilespmem:$0x520] =	vst v2;
	v2 =	vsel vm12, $0x1450, v3;
	vm13 =	vgt.u32 v4, $0x13FF;
	v3 =	vsub.s32 v40, v0  }
0x76: {  	v45 =	vld [tilespmem:$0x3B0];
	[tilespmem:$0x530] =	vst v2;
	v2 =	vsel vm13, $0x1450, v4;
	vm14 =	vgt.u32 v3, $0x13FF;
	v4 =	vsub.s32 v41, v0  }
0x77: {  	[tilespmem:$0x540] =	vst v2;
	v2 =	vsel vm14, $0x1450, v3;
	vm15 =	vgt.u32 v4, $0x13FF;
	v3 =	vsub.s32 v5, v0;
	v5 =	vld [tilespmem:$0x3C0]  }
0x78: {  	v46 =	vld [tilespmem:$0x3D0];
	[tilespmem:$0x550] =	vst v2;
	v2 =	vsel vm15, $0x1450, v4;
	vm4 =	vgt.u32 v3, $0x13FF;
	v4 =	vsub.s32 v42, v0  }
0x79: {  	v47 =	vld [tilespmem:$0x3E0];
	[tilespmem:$0x560] =	vst v2;
	v2 =	vsel vm4, $0x1450, v3;
	vm5 =	vgt.u32 v4, $0x13FF;
	v3 =	vsub.s32 v43, v0  }
0x7a: {  	v48 =	vld [tilespmem:$0x3F0];
	[tilespmem:$0x570] =	vst v2;
	v2 =	vsel vm5, $0x1450, v4;
	vm6 =	vgt.u32 v3, $0x13FF;
	v4 =	vsub.s32 v44, v0  }
0x7b: {  	[tilespmem:$0x580] =	vst v2;
	v2 =	vsel vm6, $0x1450, v3;
	vm7 =	vgt.u32 v4, $0x13FF;
	v3 =	vsub.s32 v45, v0  }
0x7c: {  	[tilespmem:$0x590] =	vst v2;
	v2 =	vsel vm7, $0x1450, v4;
	vm8 =	vgt.u32 v3, $0x13FF;
	v4 =	vsub.s32 v5, v0  }
0x7d: {  	[tilespmem:$0x5A0] =	vst v2;
	v2 =	vsel vm8, $0x1450, v3;
	vm9 =	vgt.u32 v4, $0x13FF;
	v3 =	vsub.s32 v46, v0  }
0x7e: {  	[tilespmem:$0x5B0] =	vst v2;
	v2 =	vsel vm9, $0x1450, v4;
	vm10 =	vgt.u32 v3, $0x13FF;
	v4 =	vsub.s32 v47, v0  }
0x7f: {  	[tilespmem:$0x5C0] =	vst v2;
	v2 =	vsel vm10, $0x1450, v3;
	vm11 =	vgt.u32 v4, $0x13FF;
	v3 =	vsub.s32 v48, v0  }
0x80: {  	[tilespmem:$0x5D0] =	vst v2;
	v2 =	vsel vm11, $0x1450, v4;
	vm12 =	vgt.u32 v3, $0x13FF  }
0x81: {  	[tilespmem:$0x5E0] =	vst v2;
	v2 =	vsel vm12, $0x1450, v3  }
0x82: {  	[tilespmem:$0x5F0] =	vst v2  }
0x83: {  	[tilespmem:s28], [sflag:$0x1] =	stream.indirect.gather [hbm4b:s5+s26], $0x90, s3, s26, $0xb8;
	[tilespmem:$0x1FE80] =	vst v63  }
0x84: {  	_ = 	snop  }
0x85: {  	[tilespmem:s29], [sflag:$0x1] =	stream.indirect.gather [hbm4b:s6+s26], $0x10, s25, s26, $0xb8;
	[tilespmem:$0x1FE80] =	vst v63  }
0x86: {  	_ = 	snop  }
0x87: {  	[tilespmem:s30], [sflag:$0x2] =	stream.indirect.gather [hbm4b:s5+s26], $0x90, s26, s26, $0xb8;
	[tilespmem:$0x1FE80] =	vst v63  }
0x88: {  	_ = 	snop  }
0x89: {  	[tilespmem:s0], [sflag:$0x2] =	stream.indirect.gather [hbm4b:s6+s26], $0x10, s31, s26, $0xb8;
	[tilespmem:$0x1FE80] =	vst v63  }
0x8a: {  	_ =	swait.ge [sflag:s4], $0x9000  }
0x8b: {  	[sflag:s4] =	ssyncset.done $0x0  }
0x8c: {  	[sflag:s4] =	ssyncadd.s32 $0xFFFF7000  }
0x8d: {  	_ =	swait.ge [sflag:s4], $0x1000  }
0x8e: {  	[sflag:s4] =	ssyncset.done $0x0  }
0x8f: {  	s12 =	simm.s32 $0x720;
	[sflag:s4] =	ssyncadd.s32 $0xFFFFF000  }
0x90: {  	s23 =	simm.s32 $0x12620;
	v2 =	vld [tilespmem:s12+$0xFFFFFF60]  }
0x91: {  	v3 =	vld [tilespmem:s23+$0xFFFFFFE0];
	_ =	sdelay $0x4  }
0x92: {  	v2 =	vadd.f32 v3, v2;
	_ =	sdelay $0x1  }
0x93: {  	v3 =	vmul.f32 $2.000000030e-01, v2  }
0x94: {  	vm13 =	vge.f32 v2, $0.0e+00  }
0x95: {  	v2 =	vsel vm13, v2, v3  }
0x96: {  	v2 =	vmul.f32 $1.442695020e+00, v2;
	_ =	sdelay $0x1  }
0x97: {  	(erf) = vpow2.f32 v2;
	_ =	sdelay $0x6  }
0x98: {  	v3 =	vld [tilespmem:s12+$0xFFFFFF00]  }
0x99: {  	v4 =	vld [tilespmem:s12+$0xFFFFFEF0]  }
0x9a: {  	v5 =	vld [tilespmem:s12+$0xFFFFFF10];
	v49 =	vpop (erf)  }
0x9b: {  	v2 =	vld [tilespmem:s12+$0xFFFFFF40];
	v6 =	vperm.xlane v49, v1  }
0x9c: {  	v50 =	vld [tilespmem:s12+$0xFFFFFEE0]  }
0x9d: {  	v51 =	vld [tilespmem:s12+$0xFFFFFF50];
	v3 =	vmul.f32 v3, v6  }
0x9e: {  	v10 =	vld [tilespmem:s12+$0xFFFFFF30];
	[tilespmem:s12+$0xFFFFFF60] =	vst v49;
	v4 =	vmul.f32 v4, v6  }
0x9f: {  	v52 =	vld [tilespmem:s12+$0xFFFFFF20];
	v5 =	vmul.f32 v5, v6;
	[tilespmem:s12+$0xFFFFFF00] =	vst v3  }
0xa0: {  	v2 =	vmul.f32 v2, v6;
	[tilespmem:s12+$0xFFFFFEF0] =	vst v4  }
0xa1: {  	v3 =	vmul.f32 v50, v6;
	[tilespmem:s12+$0xFFFFFF10] =	vst v5  }
0xa2: {  	v4 =	vmul.f32 v51, v6;
	[tilespmem:s12+$0xFFFFFF40] =	vst v2  }
0xa3: {  	[tilespmem:s12+$0xFFFFFEE0] =	vst v3;
	v3 =	vmul.f32 v10, v6  }
0xa4: {  	[tilespmem:s12+$0xFFFFFF50] =	vst v4;
	v4 =	vmul.f32 v52, v6  }
0xa5: {  	[tilespmem:s12+$0xFFFFFF30] =	vst v3  }
0xa6: {  	v2 =	vld [tilespmem:s12+$0xFFFFFFF0];
	[tilespmem:s12+$0xFFFFFF20] =	vst v4  }
0xa7: {  	v3 =	vld [tilespmem:s23+$0xFFFFFFF0];
	_ =	sdelay $0x4  }
0xa8: {  	v2 =	vadd.f32 v3, v2;
	_ =	sdelay $0x1  }
0xa9: {  	v3 =	vmul.f32 $2.000000030e-01, v2  }
0xaa: {  	vm14 =	vge.f32 v2, $0.0e+00  }
0xab: {  	v2 =	vsel vm14, v2, v3  }
0xac: {  	v2 =	vmul.f32 $1.442695020e+00, v2;
	_ =	sdelay $0x1  }
0xad: {  	(erf) = vpow2.f32 v2;
	_ =	sdelay $0x6  }
0xae: {  	v3 =	vld [tilespmem:s12+$0xFFFFFFB0]  }
0xaf: {  	v4 =	vld [tilespmem:s12+$0xFFFFFF70]  }
0xb0: {  	v5 =	vld [tilespmem:s12+$0xFFFFFFA0];
	v53 =	vpop (erf)  }
0xb1: {  	v2 =	vld [tilespmem:s12+$0xFFFFFFE0];
	v55 =	vperm.xlane v53, v1  }
0xb2: {  	v54 =	vld [tilespmem:s12+$0xFFFFFFC0]  }
0xb3: {  	v56 =	vld [tilespmem:s12+$0xFFFFFF80];
	v3 =	vmul.f32 v3, v55  }
0xb4: {  	v57 =	vld [tilespmem:s12+$0xFFFFFF90];
	[tilespmem:s12+$0xFFFFFFF0] =	vst v53;
	v4 =	vmul.f32 v4, v55  }
0xb5: {  	v58 =	vld [tilespmem:s12+$0xFFFFFFD0];
	v5 =	vmul.f32 v5, v55;
	[tilespmem:s12+$0xFFFFFFB0] =	vst v3  }
0xb6: {  	v2 =	vmul.f32 v2, v55;
	[tilespmem:s12+$0xFFFFFF70] =	vst v4  }
0xb7: {  	v3 =	vmul.f32 v54, v55;
	[tilespmem:s12+$0xFFFFFFA0] =	vst v5  }
0xb8: {  	v4 =	vmul.f32 v56, v55;
	[tilespmem:s12+$0xFFFFFFE0] =	vst v2  }
0xb9: {  	v2 =	vmul.f32 v57, v55;
	[tilespmem:s12+$0xFFFFFFC0] =	vst v3  }
0xba: {  	v3 =	vmul.f32 v58, v55;
	[tilespmem:s12+$0xFFFFFF80] =	vst v4  }
0xbb: {  	[tilespmem:s12+$0xFFFFFF90] =	vst v2  }
0xbc: {  	v2 =	vld [tilespmem:s12+$0x80];
	[tilespmem:s12+$0xFFFFFFD0] =	vst v3  }
0xbd: {  	v3 =	vld [tilespmem:s23+$0x0];
	_ =	sdelay $0x4  }
0xbe: {  	v2 =	vadd.f32 v3, v2;
	_ =	sdelay $0x1  }
0xbf: {  	v3 =	vmul.f32 $2.000000030e-01, v2  }
0xc0: {  	vm15 =	vge.f32 v2, $0.0e+00  }
0xc1: {  	v2 =	vsel vm15, v2, v3  }
0xc2: {  	v2 =	vmul.f32 $1.442695020e+00, v2;
	_ =	sdelay $0x1  }
0xc3: {  	(erf) = vpow2.f32 v2;
	_ =	sdelay $0x6  }
0xc4: {  	v4 =	vld [tilespmem:s12+$0x0]  }
0xc5: {  	v5 =	vld [tilespmem:s12+$0x30]  }
0xc6: {  	v3 =	vld [tilespmem:s12+$0x50];
	v60 =	vpop (erf)  }
0xc7: {  	v2 =	vld [tilespmem:s12+$0x70];
	v7 =	vperm.xlane v60, v1  }
0xc8: {  	v59 =	vld [tilespmem:s12+$0x40]  }
0xc9: {  	v61 =	vld [tilespmem:s12+$0x60];
	v4 =	vmul.f32 v4, v7  }
0xca: {  	v63 =	vld [tilespmem:s12+$0x20];
	[tilespmem:s12+$0x80] =	vst v60;
	v5 =	vmul.f32 v5, v7  }
0xcb: {  	v62 =	vld [tilespmem:s12+$0x10];
	v3 =	vmul.f32 v3, v7;
	[tilespmem:s12+$0x0] =	vst v4  }
0xcc: {  	v2 =	vmul.f32 v2, v7;
	[tilespmem:s12+$0x30] =	vst v5  }
0xcd: {  	v4 =	vmul.f32 v59, v7;
	[tilespmem:s12+$0x50] =	vst v3  }
0xce: {  	v5 =	vmul.f32 v61, v7;
	[tilespmem:s12+$0x70] =	vst v2  }
0xcf: {  	v3 =	vmul.f32 v63, v7;
	[tilespmem:s12+$0x40] =	vst v4  }
0xd0: {  	v4 =	vmul.f32 v62, v7;
	[tilespmem:s12+$0x60] =	vst v5  }
0xd1: {  	[tilespmem:s12+$0x20] =	vst v3  }
0xd2: {  	v2 =	vld [tilespmem:s12+$0x110];
	[tilespmem:s12+$0x10] =	vst v4  }
0xd3: {  	s9 =	simm.s32 $0x0;
	s7 =	simm.s32 $0x720;
	v3 =	vld [tilespmem:s23+$0x10]  }
.LBB2_3:
0xd4: {  	_ =	sdelay $0x1  }
0xd5: {  	s9 =	sadd.s32 $0x4, s9;
	s12 =	sadd.s32 $0x240, s12;
	s23 =	sadd.s32 $0x40, s23  }
0xd6: {  	p0 =	slt.u32 s9, $0xFC  }
0xd7: {  	v2 =	vadd.f32 v3, v2;
	_ =	sdelay $0x1  }
0xd8: {  	v3 =	vmul.f32 $2.000000030e-01, v2  }
0xd9: {  	vm0 =	vge.f32 v2, $0.0e+00  }
0xda: {  	v2 =	vsel vm0, v2, v3  }
0xdb: {  	v2 =	vmul.f32 $1.442695020e+00, v2;
	_ =	sdelay $0x1  }
0xdc: {  	(erf) = vpow2.f32 v2;
	_ =	sdelay $0x2  }
0xdd: {  	v2 =	vld [tilespmem:s7+$0xF0]  }
0xde: {  	v3 =	vld [tilespmem:s7+$0xD0]  }
0xdf: {  	v4 =	vld [tilespmem:s7+$0xC0]  }
0xe0: {  	v5 =	vld [tilespmem:s7+$0x90]  }
0xe1: {  	v6 =	vld [tilespmem:s7+$0xA0]  }
0xe2: {  	v7 =	vld [tilespmem:s7+$0xB0]  }
0xe3: {  	v8 =	vld [tilespmem:s7+$0xE0];
	v9 =	vpop (erf)  }
0xe4: {  	[tilespmem:s7+$0x110] =	vst v9;
	v9 =	vperm.xlane v9, v1;
	v10 =	vld [tilespmem:s7+$0x100];
	_ =	sdelay $0x1  }
0xe5: {  	v5 =	vmul.f32 v5, v9;
	v6 =	vmul.f32 v6, v9  }
0xe6: {  	v4 =	vmul.f32 v4, v9;
	v7 =	vmul.f32 v7, v9  }
0xe7: {  	v3 =	vmul.f32 v3, v9;
	[tilespmem:s7+$0x90] =	vst v5;
	v5 =	vmul.f32 v8, v9  }
0xe8: {  	v2 =	vmul.f32 v2, v9;
	[tilespmem:s7+$0xB0] =	vst v7;
	v7 =	vmul.f32 v10, v9  }
0xe9: {  	[tilespmem:s7+$0xC0] =	vst v4  }
0xea: {  	[tilespmem:s7+$0xD0] =	vst v3  }
0xeb: {  	[tilespmem:s7+$0xE0] =	vst v5  }
0xec: {  	[tilespmem:s7+$0xF0] =	vst v2  }
0xed: {  	[tilespmem:s7+$0x100] =	vst v7  }
0xee: {  	v2 =	vld [tilespmem:s12+$0xFFFFFF60];
	[tilespmem:s7+$0xA0] =	vst v6;
	s7 =	smov.u32 s12  }
0xef: {  	v3 =	vld [tilespmem:s23+$0xFFFFFFE0];
	_ =	sdelay $0x4  }
0xf0: {  	v2 =	vadd.f32 v3, v2;
	_ =	sdelay $0x1  }
0xf1: {  	v3 =	vmul.f32 $2.000000030e-01, v2  }
0xf2: {  	vm0 =	vge.f32 v2, $0.0e+00  }
0xf3: {  	v2 =	vsel vm0, v2, v3  }
0xf4: {  	v2 =	vmul.f32 $1.442695020e+00, v2;
	_ =	sdelay $0x1  }
0xf5: {  	(erf) = vpow2.f32 v2;
	_ =	sdelay $0x3  }
0xf6: {  	v2 =	vld [tilespmem:s12+$0xFFFFFF40]  }
0xf7: {  	v3 =	vld [tilespmem:s12+$0xFFFFFF20]  }
0xf8: {  	v4 =	vld [tilespmem:s12+$0xFFFFFF10]  }
0xf9: {  	v5 =	vld [tilespmem:s12+$0xFFFFFF00]  }
0xfa: {  	v6 =	vld [tilespmem:s12+$0xFFFFFEF0]  }
0xfb: {  	v7 =	vld [tilespmem:s12+$0xFFFFFEE0];
	v8 =	vpop (erf)  }
0xfc: {  	[tilespmem:s12+$0xFFFFFF60] =	vst v8;
	v8 =	vperm.xlane v8, v1;
	v9 =	vld [tilespmem:s12+$0xFFFFFF50]  }
0xfd: {  	v10 =	vld [tilespmem:s12+$0xFFFFFF30]  }
0xfe: {  	v5 =	vmul.f32 v5, v8;
	v4 =	vmul.f32 v4, v8  }
0xff: {  	v3 =	vmul.f32 v3, v8;
	v6 =	vmul.f32 v6, v8  }
0x100: {  	v2 =	vmul.f32 v2, v8;
	v7 =	vmul.f32 v7, v8;
	[tilespmem:s12+$0xFFFFFF00] =	vst v5  }
0x101: {  	[tilespmem:s12+$0xFFFFFEF0] =	vst v6;
	v5 =	vmul.f32 v9, v8  }
0x102: {  	[tilespmem:s12+$0xFFFFFF10] =	vst v4;
	v4 =	vmul.f32 v10, v8  }
0x103: {  	[tilespmem:s12+$0xFFFFFEE0] =	vst v7  }
0x104: {  	[tilespmem:s12+$0xFFFFFF50] =	vst v5  }
0x105: {  	[tilespmem:s12+$0xFFFFFF40] =	vst v2  }
0x106: {  	[tilespmem:s12+$0xFFFFFF30] =	vst v4  }
0x107: {  	[tilespmem:s12+$0xFFFFFF20] =	vst v3;
	v2 =	vld [tilespmem:s12+$0xFFFFFFF0]  }
0x108: {  	v3 =	vld [tilespmem:s23+$0xFFFFFFF0];
	_ =	sdelay $0x4  }
0x109: {  	v2 =	vadd.f32 v3, v2;
	_ =	sdelay $0x1  }
0x10a: {  	v3 =	vmul.f32 $2.000000030e-01, v2  }
0x10b: {  	vm0 =	vge.f32 v2, $0.0e+00  }
0x10c: {  	v2 =	vsel vm0, v2, v3  }
0x10d: {  	v2 =	vmul.f32 $1.442695020e+00, v2;
	_ =	sdelay $0x1  }
0x10e: {  	(erf) = vpow2.f32 v2;
	_ =	sdelay $0x2  }
0x10f: {  	v2 =	vld [tilespmem:s12+$0xFFFFFFE0]  }
0x110: {  	v3 =	vld [tilespmem:s12+$0xFFFFFFC0]  }
0x111: {  	v4 =	vld [tilespmem:s12+$0xFFFFFF80]  }
0x112: {  	v5 =	vld [tilespmem:s12+$0xFFFFFFB0]  }
0x113: {  	v6 =	vld [tilespmem:s12+$0xFFFFFF90]  }
0x114: {  	v7 =	vld [tilespmem:s12+$0xFFFFFF70]  }
0x115: {  	v8 =	vld [tilespmem:s12+$0xFFFFFFA0];
	v9 =	vpop (erf)  }
0x116: {  	[tilespmem:s12+$0xFFFFFFF0] =	vst v9;
	v9 =	vperm.xlane v9, v1;
	v10 =	vld [tilespmem:s12+$0xFFFFFFD0];
	_ =	sdelay $0x1  }
0x117: {  	v6 =	vmul.f32 v6, v9;
	v5 =	vmul.f32 v5, v9  }
0x118: {  	v4 =	vmul.f32 v4, v9;
	v7 =	vmul.f32 v7, v9  }
0x119: {  	v3 =	vmul.f32 v3, v9;
	v8 =	vmul.f32 v8, v9;
	[tilespmem:s12+$0xFFFFFFB0] =	vst v5  }
0x11a: {  	v2 =	vmul.f32 v2, v9;
	[tilespmem:s12+$0xFFFFFF70] =	vst v7;
	v5 =	vmul.f32 v10, v9  }
0x11b: {  	[tilespmem:s12+$0xFFFFFFA0] =	vst v8  }
0x11c: {  	[tilespmem:s12+$0xFFFFFFE0] =	vst v2  }
0x11d: {  	[tilespmem:s12+$0xFFFFFFC0] =	vst v3  }
0x11e: {  	[tilespmem:s12+$0xFFFFFF80] =	vst v4  }
0x11f: {  	[tilespmem:s12+$0xFFFFFF90] =	vst v6  }
0x120: {  	[tilespmem:s12+$0xFFFFFFD0] =	vst v5;
	v2 =	vld [tilespmem:s12+$0x80]  }
0x121: {  	v3 =	vld [tilespmem:s23+$0x0];
	_ =	sdelay $0x4  }
0x122: {  	v2 =	vadd.f32 v3, v2;
	_ =	sdelay $0x1  }
0x123: {  	v3 =	vmul.f32 $2.000000030e-01, v2  }
0x124: {  	vm0 =	vge.f32 v2, $0.0e+00  }
0x125: {  	v2 =	vsel vm0, v2, v3  }
0x126: {  	v2 =	vmul.f32 $1.442695020e+00, v2;
	_ =	sdelay $0x1  }
0x127: {  	(erf) = vpow2.f32 v2;
	_ =	sdelay $0x2  }
0x128: {  	v2 =	vld [tilespmem:s12+$0x70]  }
0x129: {  	v3 =	vld [tilespmem:s12+$0x50]  }
0x12a: {  	v4 =	vld [tilespmem:s12+$0x30]  }
0x12b: {  	v5 =	vld [tilespmem:s12+$0x10]  }
0x12c: {  	v6 =	vld [tilespmem:s12+$0x0]  }
0x12d: {  	v7 =	vld [tilespmem:s12+$0x20]  }
0x12e: {  	v8 =	vld [tilespmem:s12+$0x40];
	v9 =	vpop (erf)  }
0x12f: {  	[tilespmem:s12+$0x80] =	vst v9;
	v9 =	vperm.xlane v9, v1;
	v10 =	vld [tilespmem:s12+$0x60];
	_ =	sdelay $0x1  }
0x130: {  	v6 =	vmul.f32 v6, v9;
	v5 =	vmul.f32 v5, v9  }
0x131: {  	v4 =	vmul.f32 v4, v9;
	v7 =	vmul.f32 v7, v9  }
0x132: {  	v3 =	vmul.f32 v3, v9;
	[tilespmem:s12+$0x0] =	vst v6;
	v6 =	vmul.f32 v8, v9  }
0x133: {  	v2 =	vmul.f32 v2, v9;
	[tilespmem:s12+$0x30] =	vst v4;
	v4 =	vmul.f32 v10, v9  }
0x134: {  	[tilespmem:s12+$0x40] =	vst v6  }
0x135: {  	[tilespmem:s12+$0x50] =	vst v3  }
.Ltmp0:
0x136: {  	[tilespmem:s12+$0x60] =	vst v4;
	(pc) =	sbr.rel @p0 .LBB2_3-.Ltmp0, $4  }
0x137: {  	[tilespmem:s12+$0x10] =	vst v5  }
0x138: {  	[tilespmem:s12+$0x20] =	vst v7  }
0x139: {  	[tilespmem:s12+$0x70] =	vst v2;
	v2 =	vld [tilespmem:s12+$0x110]  }
0x13a: {  	v3 =	vld [tilespmem:s23+$0x10]  }
0x13b: {  	_ =	sdelay $0x3  }
0x13c: {  	v2 =	vadd.f32 v3, v2;
	_ =	sdelay $0x1  }
0x13d: {  	v3 =	vmul.f32 $2.000000030e-01, v2  }
0x13e: {  	vm0 =	vge.f32 v2, $0.0e+00  }
0x13f: {  	v2 =	vsel vm0, v2, v3  }
0x140: {  	v2 =	vmul.f32 $1.442695020e+00, v2;
	_ =	sdelay $0x1  }
0x141: {  	(erf) = vpow2.f32 v2;
	_ =	sdelay $0x6  }
0x142: {  	v3 =	vld [tilespmem:s7+$0x90]  }
0x143: {  	v4 =	vld [tilespmem:s7+$0xB0]  }
0x144: {  	v5 =	vld [tilespmem:s7+$0xC0];
	v6 =	vpop (erf)  }
0x145: {  	v2 =	vld [tilespmem:s7+$0xF0];
	v8 =	vperm.xlane v6, v1  }
0x146: {  	v7 =	vld [tilespmem:s7+$0xD0]  }
0x147: {  	v9 =	vld [tilespmem:s7+$0xE0];
	v3 =	vmul.f32 v3, v8  }
0x148: {  	v47 =	vld [tilespmem:s7+$0x100];
	[tilespmem:s7+$0x110] =	vst v6;
	v4 =	vmul.f32 v4, v8  }
0x149: {  	v10 =	vld [tilespmem:s7+$0xA0];
	v5 =	vmul.f32 v5, v8;
	[tilespmem:s7+$0x90] =	vst v3  }
0x14a: {  	v2 =	vmul.f32 v2, v8;
	[tilespmem:s7+$0xB0] =	vst v4  }
0x14b: {  	v3 =	vmul.f32 v7, v8;
	[tilespmem:s7+$0xC0] =	vst v5  }
0x14c: {  	v4 =	vmul.f32 v9, v8;
	[tilespmem:s7+$0xF0] =	vst v2  }
0x14d: {  	[tilespmem:s7+$0xD0] =	vst v3;
	v3 =	vmul.f32 v47, v8  }
0x14e: {  	[tilespmem:s7+$0xE0] =	vst v4;
	v4 =	vmul.f32 v10, v8  }
0x14f: {  	[tilespmem:s7+$0x100] =	vst v3  }
0x150: {  	[tilespmem:s7+$0xA0] =	vst v4  }
0x151: {  	[spmem:s2] =	stream.indirect.scatter.add.f32 [tilespmem:s28], [sflag:$0x3], $0x90, s13, s11, $0xb8;
	[tilespmem:$0x1FE80] =	vst v63  }
0x152: {  	_ = 	snop  }
0x153: {  	[spmem:s2] =	stream.indirect.scatter.add.f32 [tilespmem:s16], [sflag:$0x3], $0x90, s15, s11, $0xb8;
	[tilespmem:$0x1FE80] =	vst v63  }
0x154: {  	_ =	swait.ge [sflag:s17], $0x4800  }
0x155: {  	[sflag:s17] =	ssyncset.done $0x0  }
0x156: {  	[sflag:s17] =	ssyncadd.s32 $0xFFFFB800  }
0x157: {  	_ =	swait.ge [sflag:s17], $0x4800  }
0x158: {  	[sflag:s17] =	ssyncset.done $0x0  }
0x159: {  	[sflag:s17] =	ssyncadd.s32 $0xFFFFB800  }
0x15a: {  	_ =	swait.ge [sflag:s18], $0x9000  }
0x15b: {  	[sflag:s18] =	ssyncset.done $0x0  }
0x15c: {  	[sflag:s18] =	ssyncadd.s32 $0xFFFF7000  }
0x15d: {  	_ =	swait.ge [sflag:s18], $0x1000  }
0x15e: {  	[sflag:s18] =	ssyncset.done $0x0  }
0x15f: {  	s12 =	simm.s32 $0x9830;
	[sflag:s18] =	ssyncadd.s32 $0xFFFFF000  }
0x160: {  	s23 =	simm.s32 $0x13630;
	v2 =	vld [tilespmem:s12+$0xFFFFFE50]  }
0x161: {  	v3 =	vld [tilespmem:s23+$0xFFFFFFD0];
	_ =	sdelay $0x4  }
0x162: {  	v2 =	vadd.f32 v3, v2;
	_ =	sdelay $0x1  }
0x163: {  	v3 =	vmul.f32 $2.000000030e-01, v2  }
0x164: {  	vm13 =	vge.f32 v2, $0.0e+00  }
0x165: {  	v2 =	vsel vm13, v2, v3  }
0x166: {  	v2 =	vmul.f32 $1.442695020e+00, v2;
	_ =	sdelay $0x1  }
0x167: {  	(erf) = vpow2.f32 v2;
	_ =	sdelay $0x6  }
0x168: {  	v3 =	vld [tilespmem:s12+$0xFFFFFDF0]  }
0x169: {  	v4 =	vld [tilespmem:s12+$0xFFFFFDE0]  }
0x16a: {  	v5 =	vld [tilespmem:s12+$0xFFFFFE00];
	v48 =	vpop (erf)  }
0x16b: {  	v2 =	vld [tilespmem:s12+$0xFFFFFE30];
	v6 =	vperm.xlane v48, v1  }
0x16c: {  	v49 =	vld [tilespmem:s12+$0xFFFFFDD0]  }
0x16d: {  	v50 =	vld [tilespmem:s12+$0xFFFFFE40];
	v3 =	vmul.f32 v3, v6  }
0x16e: {  	v52 =	vld [tilespmem:s12+$0xFFFFFE20];
	[tilespmem:s12+$0xFFFFFE50] =	vst v48;
	v4 =	vmul.f32 v4, v6  }
0x16f: {  	v51 =	vld [tilespmem:s12+$0xFFFFFE10];
	v5 =	vmul.f32 v5, v6;
	[tilespmem:s12+$0xFFFFFDF0] =	vst v3  }
0x170: {  	v2 =	vmul.f32 v2, v6;
	[tilespmem:s12+$0xFFFFFDE0] =	vst v4  }
0x171: {  	v3 =	vmul.f32 v49, v6;
	[tilespmem:s12+$0xFFFFFE00] =	vst v5  }
0x172: {  	v4 =	vmul.f32 v50, v6;
	[tilespmem:s12+$0xFFFFFE30] =	vst v2  }
0x173: {  	[tilespmem:s12+$0xFFFFFDD0] =	vst v3;
	v3 =	vmul.f32 v52, v6  }
0x174: {  	[tilespmem:s12+$0xFFFFFE40] =	vst v4;
	v4 =	vmul.f32 v51, v6  }
0x175: {  	[tilespmem:s12+$0xFFFFFE20] =	vst v3  }
0x176: {  	v2 =	vld [tilespmem:s12+$0xFFFFFEE0];
	[tilespmem:s12+$0xFFFFFE10] =	vst v4  }
0x177: {  	v3 =	vld [tilespmem:s23+$0xFFFFFFE0];
	_ =	sdelay $0x4  }
0x178: {  	v2 =	vadd.f32 v3, v2;
	_ =	sdelay $0x1  }
0x179: {  	v3 =	vmul.f32 $2.000000030e-01, v2  }
0x17a: {  	vm14 =	vge.f32 v2, $0.0e+00  }
0x17b: {  	v2 =	vsel vm14, v2, v3  }
0x17c: {  	v2 =	vmul.f32 $1.442695020e+00, v2;
	_ =	sdelay $0x1  }
0x17d: {  	(erf) = vpow2.f32 v2;
	_ =	sdelay $0x6  }
0x17e: {  	v3 =	vld [tilespmem:s12+$0xFFFFFEA0]  }
0x17f: {  	v4 =	vld [tilespmem:s12+$0xFFFFFE60]  }
0x180: {  	v5 =	vld [tilespmem:s12+$0xFFFFFE90];
	v53 =	vpop (erf)  }
0x181: {  	v2 =	vld [tilespmem:s12+$0xFFFFFED0];
	v55 =	vperm.xlane v53, v1  }
0x182: {  	v54 =	vld [tilespmem:s12+$0xFFFFFEB0]  }
0x183: {  	v56 =	vld [tilespmem:s12+$0xFFFFFE70];
	v3 =	vmul.f32 v3, v55  }
0x184: {  	v57 =	vld [tilespmem:s12+$0xFFFFFE80];
	[tilespmem:s12+$0xFFFFFEE0] =	vst v53;
	v4 =	vmul.f32 v4, v55  }
0x185: {  	v58 =	vld [tilespmem:s12+$0xFFFFFEC0];
	v5 =	vmul.f32 v5, v55;
	[tilespmem:s12+$0xFFFFFEA0] =	vst v3  }
0x186: {  	v2 =	vmul.f32 v2, v55;
	[tilespmem:s12+$0xFFFFFE60] =	vst v4  }
0x187: {  	v3 =	vmul.f32 v54, v55;
	[tilespmem:s12+$0xFFFFFE90] =	vst v5  }
0x188: {  	v4 =	vmul.f32 v56, v55;
	[tilespmem:s12+$0xFFFFFED0] =	vst v2  }
0x189: {  	v2 =	vmul.f32 v57, v55;
	[tilespmem:s12+$0xFFFFFEB0] =	vst v3  }
0x18a: {  	v3 =	vmul.f32 v58, v55;
	[tilespmem:s12+$0xFFFFFE70] =	vst v4  }
0x18b: {  	[tilespmem:s12+$0xFFFFFE80] =	vst v2  }
0x18c: {  	v2 =	vld [tilespmem:s12+$0xFFFFFF70];
	[tilespmem:s12+$0xFFFFFEC0] =	vst v3  }
0x18d: {  	v3 =	vld [tilespmem:s23+$0xFFFFFFF0];
	_ =	sdelay $0x4  }
0x18e: {  	v2 =	vadd.f32 v3, v2;
	_ =	sdelay $0x1  }
0x18f: {  	v3 =	vmul.f32 $2.000000030e-01, v2  }
0x190: {  	vm15 =	vge.f32 v2, $0.0e+00  }
0x191: {  	v2 =	vsel vm15, v2, v3  }
0x192: {  	v2 =	vmul.f32 $1.442695020e+00, v2;
	_ =	sdelay $0x1  }
0x193: {  	(erf) = vpow2.f32 v2;
	_ =	sdelay $0x6  }
0x194: {  	v4 =	vld [tilespmem:s12+$0xFFFFFEF0]  }
0x195: {  	v5 =	vld [tilespmem:s12+$0xFFFFFF20]  }
0x196: {  	v3 =	vld [tilespmem:s12+$0xFFFFFF40];
	v60 =	vpop (erf)  }
0x197: {  	v2 =	vld [tilespmem:s12+$0xFFFFFF60];
	v7 =	vperm.xlane v60, v1  }
0x198: {  	v59 =	vld [tilespmem:s12+$0xFFFFFF30]  }
0x199: {  	v61 =	vld [tilespmem:s12+$0xFFFFFF50];
	v4 =	vmul.f32 v4, v7  }
0x19a: {  	v63 =	vld [tilespmem:s12+$0xFFFFFF10];
	[tilespmem:s12+$0xFFFFFF70] =	vst v60;
	v5 =	vmul.f32 v5, v7  }
0x19b: {  	v62 =	vld [tilespmem:s12+$0xFFFFFF00];
	v3 =	vmul.f32 v3, v7;
	[tilespmem:s12+$0xFFFFFEF0] =	vst v4  }
0x19c: {  	v2 =	vmul.f32 v2, v7;
	[tilespmem:s12+$0xFFFFFF20] =	vst v5  }
0x19d: {  	v4 =	vmul.f32 v59, v7;
	[tilespmem:s12+$0xFFFFFF40] =	vst v3  }
0x19e: {  	v5 =	vmul.f32 v61, v7;
	[tilespmem:s12+$0xFFFFFF60] =	vst v2  }
0x19f: {  	v3 =	vmul.f32 v63, v7;
	[tilespmem:s12+$0xFFFFFF30] =	vst v4  }
0x1a0: {  	v4 =	vmul.f32 v62, v7;
	[tilespmem:s12+$0xFFFFFF50] =	vst v5  }
0x1a1: {  	[tilespmem:s12+$0xFFFFFF10] =	vst v3  }
0x1a2: {  	v2 =	vld [tilespmem:s12+$0x0];
	[tilespmem:s12+$0xFFFFFF00] =	vst v4  }
0x1a3: {  	s9 =	simm.s32 $0x0;
	s7 =	simm.s32 $0x9830;
	v3 =	vld [tilespmem:s23+$0x0]  }
.LBB2_5:
0x1a4: {  	_ =	sdelay $0x1  }
0x1a5: {  	s9 =	sadd.s32 $0x4, s9;
	s12 =	sadd.s32 $0x240, s12;
	s23 =	sadd.s32 $0x40, s23  }
0x1a6: {  	p0 =	slt.u32 s9, $0xFC  }
0x1a7: {  	v2 =	vadd.f32 v3, v2;
	_ =	sdelay $0x1  }
0x1a8: {  	v3 =	vmul.f32 $2.000000030e-01, v2  }
0x1a9: {  	vm0 =	vge.f32 v2, $0.0e+00  }
0x1aa: {  	v2 =	vsel vm0, v2, v3  }
0x1ab: {  	v2 =	vmul.f32 $1.442695020e+00, v2;
	_ =	sdelay $0x1  }
0x1ac: {  	(erf) = vpow2.f32 v2;
	_ =	sdelay $0x2  }
0x1ad: {  	v2 =	vld [tilespmem:s7+$0xFFFFFFF0]  }
0x1ae: {  	v3 =	vld [tilespmem:s7+$0xFFFFFFC0]  }
0x1af: {  	v4 =	vld [tilespmem:s7+$0xFFFFFFB0]  }
0x1b0: {  	v5 =	vld [tilespmem:s7+$0xFFFFFF80]  }
0x1b1: {  	v6 =	vld [tilespmem:s7+$0xFFFFFF90]  }
0x1b2: {  	v7 =	vld [tilespmem:s7+$0xFFFFFFA0]  }
0x1b3: {  	v8 =	vld [tilespmem:s7+$0xFFFFFFD0];
	v9 =	vpop (erf)  }
0x1b4: {  	[tilespmem:s7+$0x0] =	vst v9;
	v9 =	vperm.xlane v9, v1;
	v10 =	vld [tilespmem:s7+$0xFFFFFFE0];
	_ =	sdelay $0x1  }
0x1b5: {  	v5 =	vmul.f32 v5, v9;
	v6 =	vmul.f32 v6, v9  }
0x1b6: {  	v4 =	vmul.f32 v4, v9;
	v7 =	vmul.f32 v7, v9  }
0x1b7: {  	v3 =	vmul.f32 v3, v9;
	[tilespmem:s7+$0xFFFFFF80] =	vst v5;
	v5 =	vmul.f32 v8, v9  }
0x1b8: {  	v2 =	vmul.f32 v2, v9;
	[tilespmem:s7+$0xFFFFFFA0] =	vst v7;
	v7 =	vmul.f32 v10, v9  }
0x1b9: {  	[tilespmem:s7+$0xFFFFFFB0] =	vst v4  }
0x1ba: {  	[tilespmem:s7+$0xFFFFFFC0] =	vst v3  }
0x1bb: {  	[tilespmem:s7+$0xFFFFFFD0] =	vst v5  }
0x1bc: {  	[tilespmem:s7+$0xFFFFFFE0] =	vst v7  }
0x1bd: {  	[tilespmem:s7+$0xFFFFFFF0] =	vst v2  }
0x1be: {  	v2 =	vld [tilespmem:s12+$0xFFFFFE50];
	[tilespmem:s7+$0xFFFFFF90] =	vst v6;
	s7 =	smov.u32 s12  }
0x1bf: {  	v3 =	vld [tilespmem:s23+$0xFFFFFFD0];
	_ =	sdelay $0x4  }
0x1c0: {  	v2 =	vadd.f32 v3, v2;
	_ =	sdelay $0x1  }
0x1c1: {  	v3 =	vmul.f32 $2.000000030e-01, v2  }
0x1c2: {  	vm0 =	vge.f32 v2, $0.0e+00  }
0x1c3: {  	v2 =	vsel vm0, v2, v3  }
0x1c4: {  	v2 =	vmul.f32 $1.442695020e+00, v2;
	_ =	sdelay $0x1  }
0x1c5: {  	(erf) = vpow2.f32 v2;
	_ =	sdelay $0x3  }
0x1c6: {  	v2 =	vld [tilespmem:s12+$0xFFFFFE30]  }
0x1c7: {  	v3 =	vld [tilespmem:s12+$0xFFFFFE10]  }
0x1c8: {  	v4 =	vld [tilespmem:s12+$0xFFFFFE00]  }
0x1c9: {  	v5 =	vld [tilespmem:s12+$0xFFFFFDF0]  }
0x1ca: {  	v6 =	vld [tilespmem:s12+$0xFFFFFDE0]  }
0x1cb: {  	v7 =	vld [tilespmem:s12+$0xFFFFFDD0];
	v8 =	vpop (erf)  }
0x1cc: {  	[tilespmem:s12+$0xFFFFFE50] =	vst v8;
	v8 =	vperm.xlane v8, v1;
	v9 =	vld [tilespmem:s12+$0xFFFFFE40]  }
0x1cd: {  	v10 =	vld [tilespmem:s12+$0xFFFFFE20]  }
0x1ce: {  	v5 =	vmul.f32 v5, v8;
	v4 =	vmul.f32 v4, v8  }
0x1cf: {  	v3 =	vmul.f32 v3, v8;
	v6 =	vmul.f32 v6, v8  }
0x1d0: {  	v2 =	vmul.f32 v2, v8;
	v7 =	vmul.f32 v7, v8;
	[tilespmem:s12+$0xFFFFFDF0] =	vst v5  }
0x1d1: {  	[tilespmem:s12+$0xFFFFFDE0] =	vst v6;
	v5 =	vmul.f32 v9, v8  }
0x1d2: {  	[tilespmem:s12+$0xFFFFFE00] =	vst v4;
	v4 =	vmul.f32 v10, v8  }
0x1d3: {  	[tilespmem:s12+$0xFFFFFDD0] =	vst v7  }
0x1d4: {  	[tilespmem:s12+$0xFFFFFE40] =	vst v5  }
0x1d5: {  	[tilespmem:s12+$0xFFFFFE30] =	vst v2  }
0x1d6: {  	[tilespmem:s12+$0xFFFFFE20] =	vst v4  }
0x1d7: {  	[tilespmem:s12+$0xFFFFFE10] =	vst v3;
	v2 =	vld [tilespmem:s12+$0xFFFFFEE0]  }
0x1d8: {  	v3 =	vld [tilespmem:s23+$0xFFFFFFE0];
	_ =	sdelay $0x4  }
0x1d9: {  	v2 =	vadd.f32 v3, v2;
	_ =	sdelay $0x1  }
0x1da: {  	v3 =	vmul.f32 $2.000000030e-01, v2  }
0x1db: {  	vm0 =	vge.f32 v2, $0.0e+00  }
0x1dc: {  	v2 =	vsel vm0, v2, v3  }
0x1dd: {  	v2 =	vmul.f32 $1.442695020e+00, v2;
	_ =	sdelay $0x1  }
0x1de: {  	(erf) = vpow2.f32 v2;
	_ =	sdelay $0x2  }
0x1df: {  	v2 =	vld [tilespmem:s12+$0xFFFFFED0]  }
0x1e0: {  	v3 =	vld [tilespmem:s12+$0xFFFFFEB0]  }
0x1e1: {  	v4 =	vld [tilespmem:s12+$0xFFFFFE70]  }
0x1e2: {  	v5 =	vld [tilespmem:s12+$0xFFFFFEA0]  }
0x1e3: {  	v6 =	vld [tilespmem:s12+$0xFFFFFE80]  }
0x1e4: {  	v7 =	vld [tilespmem:s12+$0xFFFFFE60]  }
0x1e5: {  	v8 =	vld [tilespmem:s12+$0xFFFFFE90];
	v9 =	vpop (erf)  }
0x1e6: {  	[tilespmem:s12+$0xFFFFFEE0] =	vst v9;
	v9 =	vperm.xlane v9, v1;
	v10 =	vld [tilespmem:s12+$0xFFFFFEC0];
	_ =	sdelay $0x1  }
0x1e7: {  	v6 =	vmul.f32 v6, v9;
	v5 =	vmul.f32 v5, v9  }
0x1e8: {  	v4 =	vmul.f32 v4, v9;
	v7 =	vmul.f32 v7, v9  }
0x1e9: {  	v3 =	vmul.f32 v3, v9;
	v8 =	vmul.f32 v8, v9;
	[tilespmem:s12+$0xFFFFFEA0] =	vst v5  }
0x1ea: {  	v2 =	vmul.f32 v2, v9;
	[tilespmem:s12+$0xFFFFFE60] =	vst v7;
	v5 =	vmul.f32 v10, v9  }
0x1eb: {  	[tilespmem:s12+$0xFFFFFE90] =	vst v8  }
0x1ec: {  	[tilespmem:s12+$0xFFFFFED0] =	vst v2  }
0x1ed: {  	[tilespmem:s12+$0xFFFFFEB0] =	vst v3  }
0x1ee: {  	[tilespmem:s12+$0xFFFFFE70] =	vst v4  }
0x1ef: {  	[tilespmem:s12+$0xFFFFFE80] =	vst v6  }
0x1f0: {  	[tilespmem:s12+$0xFFFFFEC0] =	vst v5;
	v2 =	vld [tilespmem:s12+$0xFFFFFF70]  }
0x1f1: {  	v3 =	vld [tilespmem:s23+$0xFFFFFFF0];
	_ =	sdelay $0x4  }
0x1f2: {  	v2 =	vadd.f32 v3, v2;
	_ =	sdelay $0x1  }
0x1f3: {  	v3 =	vmul.f32 $2.000000030e-01, v2  }
0x1f4: {  	vm0 =	vge.f32 v2, $0.0e+00  }
0x1f5: {  	v2 =	vsel vm0, v2, v3  }
0x1f6: {  	v2 =	vmul.f32 $1.442695020e+00, v2;
	_ =	sdelay $0x1  }
0x1f7: {  	(erf) = vpow2.f32 v2;
	_ =	sdelay $0x2  }
0x1f8: {  	v2 =	vld [tilespmem:s12+$0xFFFFFF60]  }
0x1f9: {  	v3 =	vld [tilespmem:s12+$0xFFFFFF40]  }
0x1fa: {  	v4 =	vld [tilespmem:s12+$0xFFFFFF20]  }
0x1fb: {  	v5 =	vld [tilespmem:s12+$0xFFFFFF00]  }
0x1fc: {  	v6 =	vld [tilespmem:s12+$0xFFFFFEF0]  }
0x1fd: {  	v7 =	vld [tilespmem:s12+$0xFFFFFF10]  }
0x1fe: {  	v8 =	vld [tilespmem:s12+$0xFFFFFF30];
	v9 =	vpop (erf)  }
0x1ff: {  	[tilespmem:s12+$0xFFFFFF70] =	vst v9;
	v9 =	vperm.xlane v9, v1;
	v10 =	vld [tilespmem:s12+$0xFFFFFF50];
	_ =	sdelay $0x1  }
0x200: {  	v6 =	vmul.f32 v6, v9;
	v5 =	vmul.f32 v5, v9  }
0x201: {  	v4 =	vmul.f32 v4, v9;
	v7 =	vmul.f32 v7, v9  }
0x202: {  	v3 =	vmul.f32 v3, v9;
	[tilespmem:s12+$0xFFFFFEF0] =	vst v6;
	v6 =	vmul.f32 v8, v9  }
0x203: {  	v2 =	vmul.f32 v2, v9;
	[tilespmem:s12+$0xFFFFFF20] =	vst v4;
	v4 =	vmul.f32 v10, v9  }
0x204: {  	[tilespmem:s12+$0xFFFFFF30] =	vst v6  }
0x205: {  	[tilespmem:s12+$0xFFFFFF40] =	vst v3  }
.Ltmp1:
0x206: {  	[tilespmem:s12+$0xFFFFFF50] =	vst v4;
	(pc) =	sbr.rel @p0 .LBB2_5-.Ltmp1, $4  }
0x207: {  	[tilespmem:s12+$0xFFFFFF00] =	vst v5  }
0x208: {  	[tilespmem:s12+$0xFFFFFF10] =	vst v7  }
0x209: {  	[tilespmem:s12+$0xFFFFFF60] =	vst v2;
	v2 =	vld [tilespmem:s12+$0x0]  }
0x20a: {  	v3 =	vld [tilespmem:s23+$0x0]  }
0x20b: {  	_ =	sdelay $0x3  }
0x20c: {  	v2 =	vadd.f32 v3, v2;
	_ =	sdelay $0x1  }
0x20d: {  	v3 =	vmul.f32 $2.000000030e-01, v2  }
0x20e: {  	vm0 =	vge.f32 v2, $0.0e+00  }
0x20f: {  	v2 =	vsel vm0, v2, v3  }
0x210: {  	v2 =	vmul.f32 $1.442695020e+00, v2;
	_ =	sdelay $0x1  }
0x211: {  	(erf) = vpow2.f32 v2;
	_ =	sdelay $0x6  }
0x212: {  	v4 =	vld [tilespmem:s7+$0xFFFFFF80]  }
0x213: {  	v5 =	vld [tilespmem:s7+$0xFFFFFFA0]  }
0x214: {  	v6 =	vld [tilespmem:s7+$0xFFFFFFB0];
	v7 =	vpop (erf)  }
0x215: {  	v3 =	vld [tilespmem:s7+$0xFFFFFFC0];
	v9 =	vperm.xlane v7, v1  }
0x216: {  	v8 =	vld [tilespmem:s7+$0xFFFFFFD0]  }
0x217: {  	v61 =	vld [tilespmem:s7+$0xFFFFFFE0];
	v4 =	vmul.f32 v4, v9  }
0x218: {  	v2 =	vld [tilespmem:s7+$0xFFFFFFF0];
	[tilespmem:s7+$0x0] =	vst v7;
	v5 =	vmul.f32 v5, v9  }
0x219: {  	v10 =	vld [tilespmem:s7+$0xFFFFFF90];
	v6 =	vmul.f32 v6, v9;
	[tilespmem:s7+$0xFFFFFF80] =	vst v4  }
0x21a: {  	v3 =	vmul.f32 v3, v9;
	[tilespmem:s7+$0xFFFFFFA0] =	vst v5  }
0x21b: {  	v62 =	vmul.f32 v8, v9;
	[tilespmem:s7+$0xFFFFFFB0] =	vst v6  }
0x21c: {  	v63 =	vmul.f32 v61, v9;
	[tilespmem:s7+$0xFFFFFFC0] =	vst v3  }
0x21d: {  	v2 =	vmul.f32 v2, v9;
	[tilespmem:s7+$0xFFFFFFD0] =	vst v62  }
0x21e: {  	v3 =	vmul.f32 v10, v9;
	[tilespmem:s7+$0xFFFFFFE0] =	vst v63  }
0x21f: {  	[tilespmem:s7+$0xFFFFFFF0] =	vst v2  }
0x220: {  	[tilespmem:s7+$0xFFFFFF90] =	vst v3  }
0x221: {  	[spmem:s2] =	stream.indirect.scatter.add.f32 [tilespmem:s30], [sflag:$0x4], $0x90, s19, s11, $0xb8;
	[tilespmem:$0x1FE80] =	vst v63  }
0x222: {  	s24 =	sadd.s32 $0x1, s24  }
0x223: {  	[spmem:s2] =	stream.indirect.scatter.add.f32 [tilespmem:s21], [sflag:$0x4], $0x90, s20, s11, $0xb8;
	[tilespmem:$0x1FE80] =	vst v63  }
0x224: {  	p0 =	sne.s32 s24, $0x2C;
	_ =	swait.ge [sflag:s22], $0x4800  }
.Ltmp2:
0x225: {  	[sflag:s22] =	ssyncset.done $0x0;
	(pc) =	sbr.rel @p0 .LBB2_2-.Ltmp2, $4  }
0x226: {  	[sflag:s22] =	ssyncadd.s32 $0xFFFFB800  }
0x227: {  	_ =	swait.ge [sflag:s22], $0x4800  }
0x228: {  	[sflag:s22] =	ssyncset.done $0x0  }
0x229: {  	[sflag:s22] =	ssyncadd.s32 $0xFFFFB800  }
0x22a: {  	[bflag:$0x0] =	sbarrier.arrive $0xFFFF  }
0x22b: {  	s24 =	rddreg [dreg:$0x5]  }
0x22c: {  	s12 =	rddreg [dreg:$0x7]  }
0x22d: {  	s7 =	rddreg [dreg:$0x8]  }
0x22e: {  	[hbm:s7], [sflag:s24] =	dma.local [spmem:s12], $0x1710  }
0x22f: {  	_ =	swait.ge [sflag:s14], $0x1710  }
0x230: {  	s9 =	rddreg [dreg:$0x13]  }
0x231: {  	s23 =	rddreg [dreg:$0x6];
	s9 =	sadd.s32 $0x1, s9  }
0x232: {  	p0 =	sne.s32 s9, s23  }
.Ltmp3:
0x233: {  	_ = 	snop;
	(pc) =	sbr.rel @p0 .LBB2_1-.Ltmp3, $3  }
0x234: {  	_ =	sdelay $0x1  }
0x235: {  	[sflag:s14] =	ssyncset.done $0x0  }
0x236: {  	[sflag:s14] =	ssyncadd.s32 $0xFFFFE8F0  }
0x237: {  	_ =	sfence.sel $0x180000  }
0x238: {  	[bflag:$0x0] =	sbarrier.arrive $0xFFFF  }
0x239: {  	_ =	strace $0x9000004A  }
0x23a: {  	s0 =	stileid.u32;
	[bflag:$0x2] =	sbarrier.arrive $0xFFFF  }
0x23b: {  	p0 =	sne.s32 s0, $0x0;
	s0 =	rddreg [dreg:$0x3]  }
0x23c: {  	s0 =	sadd.s32 @!p0 $0x100000, s0  }
0x23d: {  	[sflag:s0] =	ssyncadd.tile.s32 @!p0 $0x1;
	_ =	shalt  }
.Lfunc_end2:
_tile_overlayer_lowered:
.L_overlay_start_2:
0x23e: {  	(tag) =	ssettag $0x2  }
0x23f: {  	s0 =	rddreg [dreg:$0x0];
	s2 =	stileid.u32  }
0x240: {  	s1 =	rddreg [dreg:$0x1];
	p0 =	sne.s32 s2, $0x0  }
0x241: {  	s3 =	rddreg [dreg:$0x2];
	[bflag:$0x3] =	sbarrier.arrive $0xFFFF;
	s2 =	simm.s32 @!p0 $0x1C05  }
0x242: {  	[timem:s3], [sflag:s2] =	dma.local @!p0 [hbm:s0], s1  }
0x243: {  	s0 =	simm.s32 @!p0 $0x5  }
0x244: {  	_ =	swait.ge @!p0 [sflag:s0], s1  }
0x245: {  	s1 =	ssub.s32 @!p0 $0x0, s1;
	[sflag:s0] =	ssyncset.done @!p0 $0x0  }
0x246: {  	[sflag:s0] =	ssyncadd.s32 @!p0 s1  }
0x247: {  	[bflag:$0x3] =	sbarrier.arrive $0xFFFF  }
0x248: {  	_ =	shalt  }

// kernel: kernel.7.cloned.1.call-start
scs
__scs_entry_jumppad:
0x0: {  	(pc) =	sbr.rel $0x88, $3  }
0x1: {  	(tag) =	ssettag $0x0;
	lr =	simm.s32 $0x1  }
0x2: {  	[smem:$0x3F8F] =	sst lr;
	_ =	strace $0xD0000000  }
0x3: {  	_ = 	snop  }
0x4: {  	_ = 	snop  }
0x5: {  	_ = 	snop  }
0x6: {  	_ = 	snop  }
0x7: {  	_ = 	snop  }
__scs_overlays_trampoline_lowered:
0x8: {  	[smem:$0x3F9E] =	sst s0  }
0x9: {  	[smem:$0x3F9F] =	sst s1  }
0xa: {  	[smem:$0x3FA0] =	sst s2  }
0xb: {  	[smem:$0x3FA1] =	sst s3  }
0xc: {  	[smem:$0x3FA2] =	sst s4  }
0xd: {  	[smem:$0x3FA3] =	sst s5  }
0xe: {  	[smem:$0x3FA4] =	sst s6  }
0xf: {  	[smem:$0x3FA5] =	sst s7  }
0x10: {  	[smem:$0x3FA6] =	sst s8  }
0x11: {  	[smem:$0x3FA7] =	sst s9;
	s0 =	simm.s32 @!p0 $0x0  }
0x12: {  	s1 =	sld [smem:$0x3F8D];
	s0 =	simm.s32 @p0 $0x1  }
0x13: {  	[smem:$0x3FA8] =	sst s0;
	s0 =	simm.s32 @!p1 $0x0  }
0x14: {  	s2 =	sld [smem:$0x3F8C];
	s0 =	simm.s32 @p1 $0x1  }
0x15: {  	[smem:$0x3FA9] =	sst s0;
	s0 =	simm.s32 @!p2 $0x0  }
0x16: {  	s3 =	sld [smem:$0x3FDB];
	s0 =	simm.s32 @p2 $0x1  }
0x17: {  	s4 =	simm.s32 $0x1BF5;
	[smem:$0x3FAB] =	sst s0  }
0x18: {  	s0 =	sld [smem:$0x3F8E];
	_ =	swait.ge [sflag:s4], $0x0  }
0x19: {  	s7 =	sld [smem:$0x3F8F]  }
0x1a: {  	s8 =	sadd.s32 $0xFFFFE003, lr  }
0x1b: {  	s9 =	sadd.s32 $0xFFFFFEF7, lr;
	s5 =	simm.s32 $0xFFFFFFFF;
	p2 =	slt.u32 s8, $0xFFFFF086  }
0x1c: {  	p1 =	slt.u32 s9, $0xF7A;
	s5 =	simm.s32 @!p2 $0x0  }
0x1d: {  	s5 =	simm.s32 @p1 $0x1;
	p0 =	seq.s32 s7, s2  }
0x1e: {  	s7 =	smul.u32 @!p0 $0xF7A, s2;
	p2 =	seq.s32 @!p0 s5, $0x0  }
0x1f: {  	s9 =	smul.u32 $0xF7A, s1;
	s8 =	simm.s32 @!p0 $0x1BF5;
	p2 =	por !p2, p0  }
0x20: {  	[sflag:s8] =	ssyncset.s32 @!p0 $0xFFFFF086;
	s6 =	sadd.s32 @!p0 s3, s7;
	s7 =	simm.s32 @!p0 $0x108  }
0x21: {  	s3 =	sadd.s32 s3, s9;
	s6 =	sadd.s32 @!p0 $0x88, s6;
	s7 =	simm.s32 @p2 $0x1082  }
0x22: {  	[simem:s7], [sflag:s8] =	dma.local @!p0 [hbm:s6], $0xF7A  }
0x23: {  	s9 =	sor.u32 $0xD0000000, s2;
	s6 =	simm.s32 $0x108;
	_ =	swait.ge @!p0 [sflag:s8], $0x0  }
0x24: {  	s3 =	sadd.s32 $0x88, s3;
	s6 =	simm.s32 @!p1 $0x1082;
	[sflag:s4] =	ssyncset.s32 $0xFFFFF086  }
0x25: {  	[simem:s6], [sflag:s4] =	dma.local [hbm:s3], $0xF7A  }
0x26: {  	[smem:$0x3F8F] =	sst s1;
	(tag) =	ssettag s2;
	_ =	strace s9  }
0x27: {  	s1 =	sld [smem:$0x3F9F]  }
0x28: {  	s2 =	sld [smem:$0x3FA0]  }
0x29: {  	s4 =	sld [smem:$0x3FA2]  }
0x2a: {  	p0 =	seq.s32 s5, $0x0;
	s5 =	sld [smem:$0x3FA3]  }
0x2b: {  	s6 =	sld [smem:$0x3FA4]  }
0x2c: {  	s7 =	sld [smem:$0x3FA5]  }
0x2d: {  	s3 =	simm.s32 $0x108;
	s8 =	sld [smem:$0x3FA6]  }
0x2e: {  	s3 =	simm.s32 @!p0 $0x1082;
	s9 =	sld [smem:$0x3FA7]  }
0x2f: {  	lr =	sadd.s32 s0, s3;
	s0 =	sld [smem:$0x3F9E]  }
0x30: {  	s3 =	sld [smem:$0x3FA1]  }
0x31: {  	[smem:$0x3FAA] =	sst s10  }
0x32: {  	s10 =	sld [smem:$0x3FA8];
	_ =	sdelay $0x3  }
0x33: {  	p0 =	seq.s32 s10, $0x1;
	s10 =	sld [smem:$0x3FAA];
	_ =	sdelay $0x3  }
0x34: {  	[smem:$0x3FAA] =	sst s10  }
0x35: {  	s10 =	sld [smem:$0x3FA9];
	_ =	sdelay $0x3  }
0x36: {  	p1 =	seq.s32 s10, $0x1;
	s10 =	sld [smem:$0x3FAA];
	_ =	sdelay $0x3  }
0x37: {  	[smem:$0x3FAA] =	sst s10  }
0x38: {  	s10 =	sld [smem:$0x3FAB]  }
0x39: {  	_ = 	snop;
	(pc) =	sbr.ind lr, $3  }
0x3a: {  	_ = 	snop  }
0x3b: {  	_ = 	snop  }
0x3c: {  	p2 =	seq.s32 s10, $0x1;
	s10 =	sld [smem:$0x3FAA]  }
0x3d: {  	_ =	shalt  }
0x3e: {  	_ =	shalt  }
0x3f: {  	_ =	shalt  }
0x40: {  	_ =	shalt  }
0x41: {  	_ =	shalt  }
0x42: {  	_ =	shalt  }
0x43: {  	_ =	shalt  }
0x44: {  	_ =	shalt  }
0x45: {  	_ =	shalt  }
0x46: {  	_ =	shalt  }
0x47: {  	_ =	shalt  }
0x48: {  	_ =	shalt  }
0x49: {  	_ =	shalt  }
0x4a: {  	_ =	shalt  }
0x4b: {  	_ =	shalt  }
0x4c: {  	_ =	shalt  }
0x4d: {  	_ =	shalt  }
0x4e: {  	_ =	shalt  }
0x4f: {  	_ =	shalt  }
0x50: {  	_ =	shalt  }
0x51: {  	_ =	shalt  }
0x52: {  	_ =	shalt  }
0x53: {  	_ =	shalt  }
0x54: {  	_ =	shalt  }
0x55: {  	_ =	shalt  }
0x56: {  	_ =	shalt  }
0x57: {  	_ =	shalt  }
0x58: {  	_ =	shalt  }
0x59: {  	_ =	shalt  }
0x5a: {  	_ =	shalt  }
0x5b: {  	_ =	shalt  }
0x5c: {  	_ =	shalt  }
0x5d: {  	_ =	shalt  }
0x5e: {  	_ =	shalt  }
0x5f: {  	_ =	shalt  }
0x60: {  	_ =	shalt  }
0x61: {  	_ =	shalt  }
0x62: {  	_ =	shalt  }
0x63: {  	_ =	shalt  }
0x64: {  	_ =	shalt  }
0x65: {  	_ =	shalt  }
0x66: {  	_ =	shalt  }
0x67: {  	_ =	shalt  }
0x68: {  	_ =	shalt  }
0x69: {  	_ =	shalt  }
0x6a: {  	_ =	shalt  }
0x6b: {  	_ =	shalt  }
0x6c: {  	_ =	shalt  }
0x6d: {  	_ =	shalt  }
0x6e: {  	_ =	shalt  }
0x6f: {  	_ =	shalt  }
0x70: {  	_ =	shalt  }
0x71: {  	_ =	shalt  }
0x72: {  	_ =	shalt  }
0x73: {  	_ =	shalt  }
0x74: {  	_ =	shalt  }
0x75: {  	_ =	shalt  }
0x76: {  	_ =	shalt  }
0x77: {  	_ =	shalt  }
0x78: {  	_ =	shalt  }
0x79: {  	_ =	shalt  }
0x7a: {  	_ =	shalt  }
0x7b: {  	_ =	shalt  }
0x7c: {  	_ =	shalt  }
0x7d: {  	_ =	shalt  }
0x7e: {  	_ =	shalt  }
0x7f: {  	_ =	shalt  }
0x80: {  	_ =	shalt  }
0x81: {  	_ =	shalt  }
0x82: {  	_ =	shalt  }
0x83: {  	_ =	shalt  }
0x84: {  	_ =	shalt  }
0x85: {  	_ =	shalt  }
0x86: {  	_ =	shalt  }
0x87: {  	_ =	shalt  }
.Lfunc_end0:
.L_simem_size_0:
called_computation_lowered:
.L_overlay_start_0:
0x88: {  	s2 =	sld [smem:$0x3FD9]  }
0x89: {  	s3 =	sld [smem:$0x3FFE];
	_ =	sdelay $0x1  }
0x8a: {  	s1 =	srdreg.scid  }
0x8b: {  	s0 =	sand.u32 $0x1, s1  }
0x8c: {  	s17 =	sshll.u32 s0, $0xA;
	s2 =	sadd.s32 s3, s2  }
0x8d: {  	s2 =	sadd.s32 s2, s17  }
0x8e: {  	[smem:$0x3FB6] =	sst s2  }
0x8f: {  	_ = 	snop  }
0x90: {  	s2 =	sld [smem:$0x3FD0];
	(tm) =	ssettm $0x1  }
0x91: {  	s18 =	sld [smem:$0x3FFB];
	_ =	sdelay $0x3  }
0x92: {  	_ =	strace s18  }
0x93: {  	s3 =	sld [smem:$0x3FFC];
	_ =	sdelay $0x3  }
0x94: {  	_ =	strace s3  }
0x95: {  	s3 =	sld [smem:$0x3FFD];
	_ =	sdelay $0x3  }
0x96: {  	_ =	strace s3  }
0x97: {  	_ =	strace $0x8FFFFFFF  }
0x98: {  	s19 =	sld [smem:$0x3FDB];
	_ =	sdelay $0x1  }
0x99: {  	s4 =	simm.s32 $_scs_section_size  }
0x9a: {  	s5 =	simm.s32 $_size__tile_overlayer_lowered;
	s6 =	simm.s32 $_tile_overlayer_lowered  }
0x9b: {  	s22 =	simm.s32 $0x1BFF;
	s21 =	sshll.u32 s6, $0x1;
	s3 =	sadd.s32 s4, s19  }
0x9c: {  	s7 =	simm.s32 $0x0;
	s20 =	sshll.u32 s5, $0x1;
	s5 =	sadd.s32 s21, s3  }
0x9d: {  	[timem:s7], [sflag:s22] =	dma.local [hbm:s5], s20  }
0x9e: {  	_ =	swait.ge [sflag:s22], s20  }
0x9f: {  	s4 =	ssub.s32 $0x0, s20;
	[sflag:s22] =	ssyncset.done $0x0  }
0xa0: {  	[sflag:s22] =	ssyncadd.s32 s4;
	_ =	sdelay $0x1  }
0xa1: {  	s23 =	simm.s32 $0x1B8B  }
0xa2: {  	_ =	swait.ge [sflag:s23], $0x1  }
0xa3: {  	[sflag:s23] =	ssyncset.done $0x0  }
0xa4: {  	s25 =	simm.s32 $0x1B8E;
	s24 =	sld [smem:$0x3FFE];
	[sflag:s23] =	ssyncadd.s32 $0xFFFFFFFF  }
0xa5: {  	s26 =	simm.s32 $execute0_lowered;
	[smem:$0x3FD2] =	sst s25  }
0xa6: {  	s5 =	sshll.u32 s26, $0x1;
	_ =	strace $0x80000046;
	[dreg:$0x1] =	wrdreg $0xFFFFFFFF  }
0xa7: {  	s28 =	simm.s32 $_size_execute0_lowered;
	s3 =	sadd.s32 s3, s5;
	[dreg:$0x0] =	wrdreg $0x0  }
0xa8: {  	s5 =	sshll.u32 s28, $0x1;
	[dreg:$0x2] =	wrdreg s3  }
0xa9: {  	[dreg:$0x3] =	wrdreg s5  }
0xaa: {  	[dreg:$0x4] =	wrdreg $0xC0  }
0xab: {  	_ =	task [dreg:s7], $0x5FFFF  }
0xac: {  	[dreg:$0x1] =	wrdreg $0xFFFFFFFF  }
0xad: {  	[dreg:$0x0] =	wrdreg $0x60  }
0xae: {  	[dreg:$0x2] =	wrdreg s24  }
0xaf: {  	[dreg:$0x3] =	wrdreg s2  }
0xb0: {  	[dreg:$0x4] =	wrdreg $0x146000  }
0xb1: {  	[dreg:$0x5] =	wrdreg $0x9  }
0xb2: {  	_ =	task.clear_ibuf [dreg:s7], $0x6FFFF;
	_ =	strace $0x90000046  }
0xb3: {  	s29 =	simm.s32 $0x9;
	_ =	strace $0x80000048  }
0xb4: {  	_ =	swait.ge [sflag:s29], $0x1  }
0xb5: {  	[sflag:s29] =	ssyncadd.s32 $0xFFFFFFFF  }
0xb6: {  	_ =	strace $0x90000048  }
0xb7: {  	_ =	sfence  }
0xb8: {  	s30 =	sld [smem:$0x0];
	_ =	sdelay $0x2  }
0xb9: {  	s31 =	sshll.u32 s1, $0xD;
	s1 =	sshrl.u32 s1, $0x2  }
0xba: {  	s3 =	sand.u32 $0x4000, s31;
	s1 =	sadd.s32 s1, s30  }
0xbb: {  	s0 =	sor.u32 s3, s0;
	s1 =	sshll.u32 s1, $0x11  }
0xbc: {  	s0 =	sor.u32 s1, s0  }
0xbd: {  	s0 =	sadd.s32 $0x8F2B, s0  }
0xbe: {  	[sflag:s0] =	ssyncadd.remote.s32 $0x1  }
0xbf: {  	_ =	sfence.sel $0xFFFF  }
0xc0: {  	[dreg:$0x0] =	wrdreg $0xFFFFFFFF;
	(pc) =	sbr.abs _section_cstart, $3  }
0xc1: {  	[dreg:$0x1] =	wrdreg $0xFFFFFFFF  }
0xc2: {  	_ =	task.clear_ibuf [dreg:s7], $0x2FFFF;
	_ =	strace $0x9FFFFFFF  }
0xc3: {  	(tm) =	ssettm $0x7FFFFFFF  }
tec
execute0_lowered:
.L_overlay_start_1:
0x0: {  	(tag) =	ssettag $0x1  }
0x1: {  	s0 =	rddreg [dreg:$0x0]  }
0x2: {  	s2 =	rddreg [dreg:$0x2]  }
0x3: {  	s3 =	simm.s32 $0x0;
	s1 =	srdreg.scid;
	s14 =	stileid.u32  }
0x4: {  	s28 =	simm.s32 $0x600;
	s29 =	simm.s32 $0x12600;
	s30 =	simm.s32 $0x9600  }
0x5: {  	s31 =	simm.s32 $0x300;
	[smem:$0x7FF] =	sst s3;
	s5 =	sadd.s32 $0xD800, s0  }
0x6: {  	s1 =	sand.u32 $0x1, s1;
	s6 =	sadd.s32 $0x3A800, s0;
	s9 =	smul.u32 $0x2E200, s14  }
0x7: {  	s7 =	sadd.s32 $0x3F800, s0;
	s8 =	sadd.s32 $0x2800, s0;
	s11 =	smul.u32 $0xB880, s14  }
0x8: {  	s26 =	sshll.u32 s14, $0x6;
	_ =	strace $0x80000047;
	s4 =	smul.u32 $0x17100, s1  }
0x9: {  	[dreg:$0x4] =	wrdreg s7;
	s21 =	ssub.s32 $0x2, s1;
	s23 =	sor.u32 $0x1C05, s26  }
0xa: {  	s1 =	smul.u32 $0x1400, s1;
	s10 =	sshrl.u32 s21, $0x1;
	s24 =	sshrl.u32 s9, $0x2  }
0xb: {  	s25 =	sadd.s32 s11, s2;
	s11 =	sshrl.u32 s11, $0x3;
	[dreg:$0x5] =	wrdreg s23  }
0xc: {  	s0 =	sadd.s32 s4, s0;
	s22 =	ssub.s32 s21, s10;
	s7 =	sadd.s32 s24, s2  }
0xd: {  	s10 =	smul.u32 $0x5800, s14;
	s9 =	sshrl.u32 s25, $0x3;
	s14 =	simm.s32 $0x5  }
0xe: {  	s12 =	sadd.s32 $0x1200, s7;
	s13 =	sadd.s32 $0x2400, s7;
	s15 =	sadd.s32 $0x3600, s7  }
0xf: {  	s0 =	sadd.s32 $0x3FC00, s0;
	s4 =	smax.u32 s22, $0x1;
	[dreg:$0x7] =	wrdreg s9  }
0x10: {  	s16 =	sadd.s32 $0x4800, s7;
	[dreg:$0x6] =	wrdreg s4;
	s0 =	sadd.s32 s11, s0  }
0x11: {  	s17 =	sadd.s32 $0x5A00, s7;
	s12 =	sshrl.u32 s12, $0x3;
	[dreg:$0x8] =	wrdreg s0  }
0x12: {  	s18 =	sadd.s32 $0x6C00, s7;
	s13 =	sshrl.u32 s13, $0x3;
	[dreg:$0x9] =	wrdreg s12  }
0x13: {  	s19 =	sadd.s32 $0x7E00, s7;
	s15 =	sshrl.u32 s15, $0x3;
	[dreg:$0xa] =	wrdreg s13  }
0x14: {  	s20 =	sadd.s32 $0x9000, s7;
	s16 =	sshrl.u32 s16, $0x3;
	[dreg:$0xb] =	wrdreg s15  }
0x15: {  	s21 =	sadd.s32 $0xA200, s7;
	s17 =	sshrl.u32 s17, $0x3;
	[dreg:$0xc] =	wrdreg s16  }
0x16: {  	s7 =	sadd.s32 $0xB400, s7;
	s18 =	sshrl.u32 s18, $0x3;
	[dreg:$0xd] =	wrdreg s17  }
0x17: {  	s22 =	sshrl.u32 s19, $0x3;
	s24 =	sshrl.u32 s20, $0x3;
	[dreg:$0xe] =	wrdreg s18  }
0x18: {  	s25 =	sshrl.u32 s21, $0x3;
	s26 =	sshrl.u32 s7, $0x3;
	[dreg:$0xf] =	wrdreg s22  }
0x19: {  	s4 =	simm.s32 $0x1;
	s11 =	simm.s32 $0x80;
	[dreg:$0x10] =	wrdreg s24  }
0x1a: {  	s19 =	simm.s32 $0x500;
	s20 =	simm.s32 $0x580;
	[dreg:$0x11] =	wrdreg s25  }
0x1b: {  	s21 =	simm.s32 $0xDE00;
	s7 =	simm.s32 $0x0;
	[dreg:$0x12] =	wrdreg s26  }
0x1c: {  	v1 =	vimm.s32 $0x0;
	v2 =	vimm.s32 $0x1;
	v3 =	vimm.s32 $0x2;
	s25 =	simm.s32 $0x200;
	s26 =	simm.s32 $0x100;
	s0 =	simm.s32 $0x13600  }
0x1d: {  	v4 =	vimm.s32 $0x3;
	v5 =	vimm.s32 $0x4;
	v6 =	vimm.s32 $0x5;
	s13 =	simm.s32 $0x400;
	s15 =	simm.s32 $0x480;
	s16 =	simm.s32 $0x4E00  }
0x1e: {  	v7 =	vimm.s32 $0x6;
	v8 =	vimm.s32 $0x7;
	v0 =	vmov s1;
	s17 =	simm.s32 $0x3;
	s18 =	simm.s32 $0x2;
	s22 =	simm.s32 $0x4  }
.LBB2_1:
0x1f: {  	[dreg:$0x13] =	wrdreg s7  }
0x20: {  	s1 =	rddreg [dreg:$0x4]  }
0x21: {  	[spmem:s9], [sflag:s23] =	dma.local [hbm:s1], $0x240  }
0x22: {  	_ =	swait.ge [sflag:s14], $0x240  }
0x23: {  	[sflag:s14] =	ssyncset.done $0x0  }
0x24: {  	s24 =	rddreg [dreg:$0x9];
	[sflag:s14] =	ssyncadd.s32 $0xFFFFFDC0  }
0x25: {  	[spmem:s24], [sflag:s23] =	dma.local [hbm:s1], $0x240  }
0x26: {  	_ =	swait.ge [sflag:s14], $0x240  }
0x27: {  	[sflag:s14] =	ssyncset.done $0x0  }
0x28: {  	s9 =	rddreg [dreg:$0xa];
	[sflag:s14] =	ssyncadd.s32 $0xFFFFFDC0  }
0x29: {  	[spmem:s9], [sflag:s23] =	dma.local [hbm:s1], $0x240  }
0x2a: {  	_ =	swait.ge [sflag:s14], $0x240  }
0x2b: {  	[sflag:s14] =	ssyncset.done $0x0  }
0x2c: {  	s12 =	rddreg [dreg:$0xb];
	[sflag:s14] =	ssyncadd.s32 $0xFFFFFDC0  }
0x2d: {  	[spmem:s12], [sflag:s23] =	dma.local [hbm:s1], $0x240  }
0x2e: {  	_ =	swait.ge [sflag:s14], $0x240  }
0x2f: {  	[sflag:s14] =	ssyncset.done $0x0  }
0x30: {  	s24 =	rddreg [dreg:$0xc];
	[sflag:s14] =	ssyncadd.s32 $0xFFFFFDC0  }
0x31: {  	[spmem:s24], [sflag:s23] =	dma.local [hbm:s1], $0x240  }
0x32: {  	_ =	swait.ge [sflag:s14], $0x240  }
0x33: {  	[sflag:s14] =	ssyncset.done $0x0  }
0x34: {  	s9 =	rddreg [dreg:$0xd];
	[sflag:s14] =	ssyncadd.s32 $0xFFFFFDC0  }
0x35: {  	[spmem:s9], [sflag:s23] =	dma.local [hbm:s1], $0x240  }
0x36: {  	_ =	swait.ge [sflag:s14], $0x240  }
0x37: {  	[sflag:s14] =	ssyncset.done $0x0  }
0x38: {  	s12 =	rddreg [dreg:$0xe];
	[sflag:s14] =	ssyncadd.s32 $0xFFFFFDC0  }
0x39: {  	[spmem:s12], [sflag:s23] =	dma.local [hbm:s1], $0x240  }
0x3a: {  	_ =	swait.ge [sflag:s14], $0x240  }
0x3b: {  	[sflag:s14] =	ssyncset.done $0x0  }
0x3c: {  	s24 =	rddreg [dreg:$0xf];
	[sflag:s14] =	ssyncadd.s32 $0xFFFFFDC0  }
0x3d: {  	[spmem:s24], [sflag:s23] =	dma.local [hbm:s1], $0x240  }
0x3e: {  	_ =	swait.ge [sflag:s14], $0x240  }
0x3f: {  	[sflag:s14] =	ssyncset.done $0x0  }
0x40: {  	s9 =	rddreg [dreg:$0x10];
	[sflag:s14] =	ssyncadd.s32 $0xFFFFFDC0  }
0x41: {  	[spmem:s9], [sflag:s23] =	dma.local [hbm:s1], $0x240  }
0x42: {  	_ =	swait.ge [sflag:s14], $0x240  }
0x43: {  	[sflag:s14] =	ssyncset.done $0x0  }
0x44: {  	s12 =	rddreg [dreg:$0x11];
	[sflag:s14] =	ssyncadd.s32 $0xFFFFFDC0  }
0x45: {  	[spmem:s12], [sflag:s23] =	dma.local [hbm:s1], $0x240  }
0x46: {  	_ =	swait.ge [sflag:s14], $0x240  }
0x47: {  	[sflag:s14] =	ssyncset.done $0x0  }
0x48: {  	s24 =	rddreg [dreg:$0x12];
	[sflag:s14] =	ssyncadd.s32 $0xFFFFFDC0  }
0x49: {  	[spmem:s24], [sflag:s23] =	dma.local [hbm:s1], $0x90  }
0x4a: {  	_ =	swait.ge [sflag:s14], $0x90  }
0x4b: {  	[sflag:s14] =	ssyncset.done $0x0  }
0x4c: {  	[sflag:s14] =	ssyncadd.s32 $0xFFFFFF70  }
0x4d: {  	s24 =	simm.s32 $0x0;
	[bflag:$0x0] =	sbarrier.arrive $0xFFFF  }
.LBB2_2:
0x4e: {  	s1 =	sshll.u32 s24, $0x9  }
0x4f: {  	s1 =	sadd.s32 s10, s1  }
0x50: {  	s7 =	rddreg [dreg:$0x1];
	s1 =	sshrl.u32 s1, $0x3  }
0x51: {  	s7 =	sadd.s32 s7, s1  }
0x52: {  	[tilespmem:s3], [sflag:$0x5] =	stream.linear.gather [hbm4b:s7+s3], $0x200, $0x38;
	[tilespmem:$0x1FE80] =	vst v63  }
0x53: {  	_ =	swait.ge [sflag:s14], $0x200  }
0x54: {  	[sflag:s14] =	ssyncset.done $0x0  }
0x55: {  	s1 =	sadd.s32 s8, s1;
	[sflag:s14] =	ssyncadd.s32 $0xFFFFFE00  }
0x56: {  	[tilespmem:s25], [sflag:$0x5] =	stream.linear.gather [hbm4b:s1+s3], $0x200, $0x38;
	[tilespmem:$0x1FE80] =	vst v63  }
0x57: {  	_ =	swait.ge [sflag:s14], $0x200  }
0x58: {  	[sflag:s14] =	ssyncset.done $0x0  }
0x59: {  	[sflag:s14] =	ssyncadd.s32 $0xFFFFFE00  }
0x5a: {  	v9 =	vld [tilespmem:$0x200]  }
0x5b: {  	v10 =	vld [tilespmem:$0x210]  }
0x5c: {  	v11 =	vld [tilespmem:$0x220]  }
0x5d: {  	v12 =	vld [tilespmem:$0x230]  }
0x5e: {  	v13 =	vld [tilespmem:$0x240]  }
0x5f: {  	v14 =	vld [tilespmem:$0x250];
	v9 =	vsub.s32 v9, v0  }
0x60: {  	v15 =	vld [tilespmem:$0x260];
	v10 =	vsub.s32 v10, v0;
	vm0 =	vgt.u32 v9, $0x13FF  }
0x61: {  	v16 =	vld [tilespmem:$0x270];
	v11 =	vsub.s32 v11, v0;
	vm6 =	vgt.u32 v10, $0x13FF;
	v9 =	vsel vm0, $0x1450, v9  }
0x62: {  	vm7 =	vgt.u32 v11, $0x13FF;
	[tilespmem:$0x400] =	vst v9;
	v9 =	vsel vm6, $0x1450, v10;
	v10 =	vsub.s32 v12, v0;
	v12 =	vld [tilespmem:$0x280]  }
0x63: {  	[tilespmem:$0x410] =	vst v9;
	v9 =	vsel vm7, $0x1450, v11;
	vm8 =	vgt.u32 v10, $0x13FF;
	v11 =	vsub.s32 v13, v0;
	v13 =	vld [tilespmem:$0x290]  }
0x64: {  	[tilespmem:$0x420] =	vst v9;
	v9 =	vsel vm8, $0x1450, v10;
	vm9 =	vgt.u32 v11, $0x13FF;
	v10 =	vsub.s32 v14, v0;
	v14 =	vld [tilespmem:$0x2A0]  }
0x65: {  	[tilespmem:$0x430] =	vst v9;
	v9 =	vsel vm9, $0x1450, v11;
	vm10 =	vgt.u32 v10, $0x13FF;
	v11 =	vsub.s32 v15, v0;
	v15 =	vld [tilespmem:$0x2B0]  }
0x66: {  	[tilespmem:$0x440] =	vst v9;
	v9 =	vsel vm10, $0x1450, v10;
	vm11 =	vgt.u32 v11, $0x13FF;
	v10 =	vsub.s32 v16, v0;
	v16 =	vld [tilespmem:$0x2C0]  }
0x67: {  	[tilespmem:$0x450] =	vst v9;
	v9 =	vsel vm11, $0x1450, v11;
	vm12 =	vgt.u32 v10, $0x13FF;
	v11 =	vsub.s32 v12, v0;
	v12 =	vld [tilespmem:$0x2D0]  }
0x68: {  	[tilespmem:$0x460] =	vst v9;
	v9 =	vsel vm12, $0x1450, v10;
	vm13 =	vgt.u32 v11, $0x13FF;
	v10 =	vsub.s32 v13, v0;
	v13 =	vld [tilespmem:$0x2E0]  }
0x69: {  	[tilespmem:$0x470] =	vst v9;
	v9 =	vsel vm13, $0x1450, v11;
	vm14 =	vgt.u32 v10, $0x13FF;
	v11 =	vsub.s32 v14, v0;
	v14 =	vld [tilespmem:$0x2F0]  }
0x6a: {  	[tilespmem:$0x480] =	vst v9;
	v9 =	vsel vm14, $0x1450, v10;
	vm15 =	vgt.u32 v11, $0x13FF;
	v10 =	vsub.s32 v15, v0;
	v15 =	vld [tilespmem:$0x300]  }
0x6b: {  	[tilespmem:$0x490] =	vst v9;
	v9 =	vsel vm15, $0x1450, v11;
	vm4 =	vgt.u32 v10, $0x13FF;
	v11 =	vsub.s32 v16, v0;
	v16 =	vld [tilespmem:$0x310]  }
0x6c: {  	[tilespmem:$0x4A0] =	vst v9;
	v9 =	vsel vm4, $0x1450, v10;
	vm5 =	vgt.u32 v11, $0x13FF;
	v10 =	vsub.s32 v12, v0;
	v12 =	vld [tilespmem:$0x320]  }
0x6d: {  	[tilespmem:$0x4B0] =	vst v9;
	v9 =	vsel vm5, $0x1450, v11;
	vm6 =	vgt.u32 v10, $0x13FF;
	v11 =	vsub.s32 v13, v0;
	v13 =	vld [tilespmem:$0x330]  }
0x6e: {  	[tilespmem:$0x4C0] =	vst v9;
	v9 =	vsel vm6, $0x1450, v10;
	vm7 =	vgt.u32 v11, $0x13FF;
	v10 =	vsub.s32 v14, v0;
	v14 =	vld [tilespmem:$0x340]  }
0x6f: {  	[tilespmem:$0x4D0] =	vst v9;
	v9 =	vsel vm7, $0x1450, v11;
	vm8 =	vgt.u32 v10, $0x13FF;
	v11 =	vsub.s32 v15, v0;
	v15 =	vld [tilespmem:$0x350]  }
0x70: {  	[tilespmem:$0x4E0] =	vst v9;
	v9 =	vsel vm8, $0x1450, v10;
	vm9 =	vgt.u32 v11, $0x13FF;
	v10 =	vsub.s32 v16, v0;
	v16 =	vld [tilespmem:$0x360]  }
0x71: {  	[tilespmem:$0x4F0] =	vst v9;
	v9 =	vsel vm9, $0x1450, v11;
	vm10 =	vgt.u32 v10, $0x13FF;
	v11 =	vsub.s32 v12, v0;
	v12 =	vld [tilespmem:$0x370]  }
0x72: {  	[tilespmem:$0x500] =	vst v9;
	v9 =	vsel vm10, $0x1450, v10;
	vm11 =	vgt.u32 v11, $0x13FF;
	v10 =	vsub.s32 v13, v0;
	v13 =	vld [tilespmem:$0x380]  }
0x73: {  	[tilespmem:$0x510] =	vst v9;
	v9 =	vsel vm11, $0x1450, v11;
	vm12 =	vgt.u32 v10, $0x13FF;
	v11 =	vsub.s32 v14, v0;
	v14 =	vld [tilespmem:$0x390]  }
0x74: {  	[tilespmem:$0x520] =	vst v9;
	v9 =	vsel vm12, $0x1450, v10;
	vm13 =	vgt.u32 v11, $0x13FF;
	v10 =	vsub.s32 v15, v0;
	v15 =	vld [tilespmem:$0x3A0]  }
0x75: {  	[tilespmem:$0x530] =	vst v9;
	v9 =	vsel vm13, $0x1450, v11;
	vm14 =	vgt.u32 v10, $0x13FF;
	v11 =	vsub.s32 v16, v0;
	v16 =	vld [tilespmem:$0x3B0]  }
0x76: {  	[tilespmem:$0x540] =	vst v9;
	v9 =	vsel vm14, $0x1450, v10;
	vm15 =	vgt.u32 v11, $0x13FF;
	v10 =	vsub.s32 v12, v0;
	v12 =	vld [tilespmem:$0x3C0]  }
0x77: {  	[tilespmem:$0x550] =	vst v9;
	v9 =	vsel vm15, $0x1450, v11;
	vm4 =	vgt.u32 v10, $0x13FF;
	v11 =	vsub.s32 v13, v0;
	v13 =	vld [tilespmem:$0x3D0]  }
0x78: {  	[tilespmem:$0x560] =	vst v9;
	v9 =	vsel vm4, $0x1450, v10;
	vm5 =	vgt.u32 v11, $0x13FF;
	v10 =	vsub.s32 v14, v0;
	v14 =	vld [tilespmem:$0x3E0]  }
0x79: {  	[tilespmem:$0x570] =	vst v9;
	v9 =	vsel vm5, $0x1450, v11;
	vm6 =	vgt.u32 v10, $0x13FF;
	v11 =	vsub.s32 v15, v0;
	v15 =	vld [tilespmem:$0x3F0]  }
0x7a: {  	[tilespmem:$0x580] =	vst v9;
	v9 =	vsel vm6, $0x1450, v10;
	vm7 =	vgt.u32 v11, $0x13FF;
	v10 =	vsub.s32 v16, v0  }
0x7b: {  	[tilespmem:$0x590] =	vst v9;
	v9 =	vsel vm7, $0x1450, v11;
	vm8 =	vgt.u32 v10, $0x13FF;
	v11 =	vsub.s32 v12, v0  }
0x7c: {  	[tilespmem:$0x5A0] =	vst v9;
	v9 =	vsel vm8, $0x1450, v10;
	vm9 =	vgt.u32 v11, $0x13FF;
	v10 =	vsub.s32 v13, v0  }
0x7d: {  	[tilespmem:$0x5B0] =	vst v9;
	v9 =	vsel vm9, $0x1450, v11;
	vm10 =	vgt.u32 v10, $0x13FF;
	v11 =	vsub.s32 v14, v0  }
0x7e: {  	[tilespmem:$0x5C0] =	vst v9;
	v9 =	vsel vm10, $0x1450, v10;
	vm11 =	vgt.u32 v11, $0x13FF;
	v10 =	vsub.s32 v15, v0  }
0x7f: {  	[tilespmem:$0x5D0] =	vst v9;
	v9 =	vsel vm11, $0x1450, v11;
	vm12 =	vgt.u32 v10, $0x13FF  }
0x80: {  	[tilespmem:$0x5E0] =	vst v9;
	v9 =	vsel vm12, $0x1450, v10  }
0x81: {  	[tilespmem:$0x5F0] =	vst v9  }
0x82: {  	[tilespmem:s28], [sflag:$0x1] =	stream.indirect.gather [hbm4b:s5+s26], $0x90, s3, s26, $0xb8;
	[tilespmem:$0x1FE80] =	vst v63  }
0x83: {  	_ = 	snop  }
0x84: {  	[tilespmem:s29], [sflag:$0x1] =	stream.indirect.gather [hbm4b:s6+s26], $0x10, s25, s26, $0xb8;
	[tilespmem:$0x1FE80] =	vst v63  }
0x85: {  	_ = 	snop  }
0x86: {  	[tilespmem:s30], [sflag:$0x2] =	stream.indirect.gather [hbm4b:s5+s26], $0x90, s26, s26, $0xb8;
	[tilespmem:$0x1FE80] =	vst v63  }
0x87: {  	_ = 	snop  }
0x88: {  	[tilespmem:s0], [sflag:$0x2] =	stream.indirect.gather [hbm4b:s6+s26], $0x10, s31, s26, $0xb8;
	[tilespmem:$0x1FE80] =	vst v63  }
0x89: {  	_ =	swait.ge [sflag:s4], $0x9000  }
0x8a: {  	[sflag:s4] =	ssyncset.done $0x0  }
0x8b: {  	[sflag:s4] =	ssyncadd.s32 $0xFFFF7000  }
0x8c: {  	_ =	swait.ge [sflag:s4], $0x1000  }
0x8d: {  	[sflag:s4] =	ssyncset.done $0x0  }
0x8e: {  	s12 =	simm.s32 $0x720;
	[sflag:s4] =	ssyncadd.s32 $0xFFFFF000  }
0x8f: {  	s23 =	simm.s32 $0x12620;
	v9 =	vld [tilespmem:s12+$0xFFFFFF60]  }
0x90: {  	v10 =	vld [tilespmem:s23+$0xFFFFFFE0];
	_ =	sdelay $0x4  }
0x91: {  	v9 =	vadd.f32 v10, v9;
	_ =	sdelay $0x1  }
0x92: {  	v10 =	vmul.f32 $2.000000030e-01, v9  }
0x93: {  	vm13 =	vge.f32 v9, $0.0e+00  }
0x94: {  	v9 =	vsel vm13, v9, v10  }
0x95: {  	v9 =	vmul.f32 $1.442695020e+00, v9;
	_ =	sdelay $0x1  }
0x96: {  	(erf) = vpow2.f32 v9;
	_ =	sdelay $0x6  }
0x97: {  	v10 =	vld [tilespmem:s12+$0xFFFFFF50]  }
0x98: {  	v11 =	vld [tilespmem:s12+$0xFFFFFEF0]  }
0x99: {  	v12 =	vld [tilespmem:s12+$0xFFFFFEE0];
	v13 =	vpop (erf)  }
0x9a: {  	v14 =	vld [tilespmem:s12+$0xFFFFFF10];
	v15 =	vperm.xlane v13, v8  }
0x9b: {  	v17 =	vld [tilespmem:s12+$0xFFFFFF00];
	v16 =	vperm.xlane v13, v2  }
0x9c: {  	v9 =	vld [tilespmem:s12+$0xFFFFFF40];
	v19 =	vperm.xlane v13, v1;
	v10 =	vmul.f32 v10, v15  }
0x9d: {  	v18 =	vld [tilespmem:s12+$0xFFFFFF20];
	[tilespmem:s12+$0xFFFFFF60] =	vst v13;
	v11 =	vmul.f32 v11, v16;
	v16 =	vperm.xlane v13, v4  }
0x9e: {  	v15 =	vld [tilespmem:s12+$0xFFFFFF30];
	v12 =	vmul.f32 v12, v19;
	v19 =	vperm.xlane v13, v3;
	[tilespmem:s12+$0xFFFFFF50] =	vst v10  }
0x9f: {  	v10 =	vperm.xlane v13, v7;
	[tilespmem:s12+$0xFFFFFEF0] =	vst v11;
	v11 =	vmul.f32 v14, v16  }
0xa0: {  	v14 =	vperm.xlane v13, v5;
	[tilespmem:s12+$0xFFFFFEE0] =	vst v12;
	v12 =	vmul.f32 v17, v19  }
0xa1: {  	v13 =	vperm.xlane v13, v6;
	[tilespmem:s12+$0xFFFFFF10] =	vst v11;
	v9 =	vmul.f32 v9, v10  }
0xa2: {  	v10 =	vmul.f32 v18, v14;
	[tilespmem:s12+$0xFFFFFF00] =	vst v12  }
0xa3: {  	v11 =	vmul.f32 v15, v13;
	[tilespmem:s12+$0xFFFFFF40] =	vst v9  }
0xa4: {  	[tilespmem:s12+$0xFFFFFF20] =	vst v10  }
0xa5: {  	v9 =	vld [tilespmem:s12+$0xFFFFFFF0];
	[tilespmem:s12+$0xFFFFFF30] =	vst v11  }
0xa6: {  	v10 =	vld [tilespmem:s23+$0xFFFFFFF0];
	_ =	sdelay $0x4  }
0xa7: {  	v9 =	vadd.f32 v10, v9;
	_ =	sdelay $0x1  }
0xa8: {  	v10 =	vmul.f32 $2.000000030e-01, v9  }
0xa9: {  	vm14 =	vge.f32 v9, $0.0e+00  }
0xaa: {  	v9 =	vsel vm14, v9, v10  }
0xab: {  	v9 =	vmul.f32 $1.442695020e+00, v9;
	_ =	sdelay $0x1  }
0xac: {  	(erf) = vpow2.f32 v9;
	_ =	sdelay $0x5  }
0xad: {  	v14 =	vld [tilespmem:s12+$0xFFFFFFC0]  }
0xae: {  	v10 =	vld [tilespmem:s12+$0xFFFFFF90]  }
0xaf: {  	v11 =	vld [tilespmem:s12+$0xFFFFFFB0]  }
0xb0: {  	v13 =	vld [tilespmem:s12+$0xFFFFFF70];
	v12 =	vpop (erf)  }
0xb1: {  	v15 =	vperm.xlane v12, v3  }
0xb2: {  	v16 =	vld [tilespmem:s12+$0xFFFFFF80];
	v17 =	vperm.xlane v12, v5;
	v18 =	vperm.xlane v12, v1  }
0xb3: {  	v19 =	vld [tilespmem:s12+$0xFFFFFFD0];
	v20 =	vperm.xlane v12, v6;
	v10 =	vmul.f32 v10, v15  }
0xb4: {  	v9 =	vld [tilespmem:s12+$0xFFFFFFE0];
	[tilespmem:s12+$0xFFFFFFF0] =	vst v12;
	v11 =	vmul.f32 v11, v17;
	v17 =	vperm.xlane v12, v2  }
0xb5: {  	v15 =	vld [tilespmem:s12+$0xFFFFFFA0];
	v13 =	vmul.f32 v13, v18;
	v14 =	vmul.f32 v14, v20;
	[tilespmem:s12+$0xFFFFFF90] =	vst v10  }
0xb6: {  	v10 =	vperm.xlane v12, v7;
	[tilespmem:s12+$0xFFFFFFB0] =	vst v11;
	v11 =	vperm.xlane v12, v4  }
0xb7: {  	[tilespmem:s12+$0xFFFFFF70] =	vst v13;
	v13 =	vmul.f32 v16, v17;
	v12 =	vperm.xlane v12, v8  }
0xb8: {  	[tilespmem:s12+$0xFFFFFFC0] =	vst v14;
	v10 =	vmul.f32 v19, v10  }
0xb9: {  	[tilespmem:s12+$0xFFFFFF80] =	vst v13;
	v9 =	vmul.f32 v9, v12  }
0xba: {  	v11 =	vmul.f32 v15, v11;
	[tilespmem:s12+$0xFFFFFFD0] =	vst v10  }
0xbb: {  	[tilespmem:s12+$0xFFFFFFE0] =	vst v9  }
0xbc: {  	v9 =	vld [tilespmem:s12+$0x80];
	[tilespmem:s12+$0xFFFFFFA0] =	vst v11  }
0xbd: {  	v10 =	vld [tilespmem:s23+$0x0];
	_ =	sdelay $0x4  }
0xbe: {  	v9 =	vadd.f32 v10, v9;
	_ =	sdelay $0x1  }
0xbf: {  	v10 =	vmul.f32 $2.000000030e-01, v9  }
0xc0: {  	vm15 =	vge.f32 v9, $0.0e+00  }
0xc1: {  	v9 =	vsel vm15, v9, v10  }
0xc2: {  	v9 =	vmul.f32 $1.442695020e+00, v9;
	_ =	sdelay $0x1  }
0xc3: {  	(erf) = vpow2.f32 v9;
	_ =	sdelay $0x5  }
0xc4: {  	v13 =	vld [tilespmem:s12+$0x50]  }
0xc5: {  	v11 =	vld [tilespmem:s12+$0x0]  }
0xc6: {  	v10 =	vld [tilespmem:s12+$0x20]  }
0xc7: {  	v15 =	vld [tilespmem:s12+$0x40];
	v9 =	vpop (erf)  }
0xc8: {  	v18 =	vld [tilespmem:s12+$0x70];
	v14 =	vperm.xlane v9, v1;
	v16 =	vperm.xlane v9, v8  }
0xc9: {  	v12 =	vld [tilespmem:s12+$0x30];
	v17 =	vperm.xlane v9, v3;
	v19 =	vperm.xlane v9, v6  }
0xca: {  	v21 =	vperm.xlane v9, v5;
	v63 =	vmul.f32 v11, v14;
	v11 =	vld [tilespmem:s12+$0x10]  }
0xcb: {  	[tilespmem:s12+$0x80] =	vst v9;
	v22 =	vmul.f32 v10, v17;
	v17 =	vmul.f32 v13, v19;
	v13 =	vld [tilespmem:s12+$0x60]  }
0xcc: {  	v14 =	vperm.xlane v9, v4;
	v10 =	vmul.f32 v15, v21;
	[tilespmem:s12+$0x0] =	vst v63  }
0xcd: {  	s9 =	simm.s32 $0x0;
	s7 =	simm.s32 $0x12620;
	s1 =	simm.s32 $0x720;
	v15 =	vperm.xlane v9, v2;
	v16 =	vmul.f32 v18, v16;
	[tilespmem:s12+$0x20] =	vst v22  }
.LBB2_3:
0xce: {  	s9 =	sadd.s32 $0x4, s9;
	v12 =	vmul.f32 v12, v14;
	[tilespmem:s12+$0x50] =	vst v17;
	v9 =	vperm.xlane v9, v7;
	s1 =	sadd.s32 $0x240, s1;
	s23 =	sadd.s32 $0x40, s23  }
0xcf: {  	p0 =	slt.u32 s9, $0xFC;
	v11 =	vmul.f32 v11, v15;
	[tilespmem:s12+$0x70] =	vst v16  }
0xd0: {  	[tilespmem:s12+$0x30] =	vst v12;
	v9 =	vmul.f32 v13, v9  }
0xd1: {  	[tilespmem:s12+$0x10] =	vst v11  }
0xd2: {  	[tilespmem:s12+$0x60] =	vst v9  }
0xd3: {  	[tilespmem:s12+$0x40] =	vst v10;
	v9 =	vld [tilespmem:s12+$0x110]  }
0xd4: {  	v10 =	vld [tilespmem:s7+$0x10];
	s7 =	smov.u32 s23;
	_ =	sdelay $0x4  }
0xd5: {  	v9 =	vadd.f32 v10, v9;
	_ =	sdelay $0x1  }
0xd6: {  	v10 =	vmul.f32 $2.000000030e-01, v9  }
0xd7: {  	vm0 =	vge.f32 v9, $0.0e+00  }
0xd8: {  	v9 =	vsel vm0, v9, v10  }
0xd9: {  	v9 =	vmul.f32 $1.442695020e+00, v9;
	_ =	sdelay $0x1  }
0xda: {  	(erf) = vpow2.f32 v9;
	_ =	sdelay $0x4  }
0xdb: {  	v9 =	vld [tilespmem:s12+$0x100]  }
0xdc: {  	v10 =	vld [tilespmem:s12+$0xF0]  }
0xdd: {  	v11 =	vld [tilespmem:s12+$0xB0]  }
0xde: {  	v12 =	vld [tilespmem:s12+$0xC0]  }
0xdf: {  	v13 =	vld [tilespmem:s12+$0xD0];
	v14 =	vpop (erf)  }
0xe0: {  	[tilespmem:s12+$0x110] =	vst v14;
	v15 =	vperm.xlane v14, v1;
	v16 =	vperm.xlane v14, v2;
	v17 =	vld [tilespmem:s12+$0xE0]  }
0xe1: {  	v19 =	vperm.xlane v14, v3;
	v20 =	vperm.xlane v14, v4;
	v18 =	vld [tilespmem:s12+$0x90]  }
0xe2: {  	v22 =	vperm.xlane v14, v5;
	v23 =	vperm.xlane v14, v6;
	v21 =	vld [tilespmem:s12+$0xA0]  }
0xe3: {  	v11 =	vmul.f32 v11, v19;
	v12 =	vmul.f32 v12, v20  }
0xe4: {  	v19 =	vperm.xlane v14, v7;
	v13 =	vmul.f32 v13, v22  }
0xe5: {  	v14 =	vperm.xlane v14, v8;
	[tilespmem:s12+$0xB0] =	vst v11;
	v11 =	vmul.f32 v17, v23  }
0xe6: {  	v10 =	vmul.f32 v10, v19;
	v15 =	vmul.f32 v18, v15;
	[tilespmem:s12+$0xC0] =	vst v12  }
0xe7: {  	v9 =	vmul.f32 v9, v14;
	v12 =	vmul.f32 v21, v16;
	[tilespmem:s12+$0xD0] =	vst v13  }
0xe8: {  	[tilespmem:s12+$0xE0] =	vst v11  }
0xe9: {  	[tilespmem:s12+$0xF0] =	vst v10  }
0xea: {  	[tilespmem:s12+$0x100] =	vst v9  }
0xeb: {  	[tilespmem:s12+$0x90] =	vst v15  }
0xec: {  	[tilespmem:s12+$0xA0] =	vst v12;
	s12 =	smov.u32 s1  }
0xed: {  	v9 =	vld [tilespmem:s1+$0xFFFFFF60]  }
0xee: {  	v10 =	vld [tilespmem:s23+$0xFFFFFFE0];
	_ =	sdelay $0x4  }
0xef: {  	v9 =	vadd.f32 v10, v9;
	_ =	sdelay $0x1  }
0xf0: {  	vm0 =	vge.f32 v9, $0.0e+00;
	v10 =	vmul.f32 $2.000000030e-01, v9;
	_ =	sdelay $0x1  }
0xf1: {  	v9 =	vsel vm0, v9, v10  }
0xf2: {  	v9 =	vmul.f32 $1.442695020e+00, v9;
	_ =	sdelay $0x1  }
0xf3: {  	(erf) = vpow2.f32 v9;
	_ =	sdelay $0x4  }
0xf4: {  	v9 =	vld [tilespmem:s1+$0xFFFFFF40]  }
0xf5: {  	v10 =	vld [tilespmem:s1+$0xFFFFFF20]  }
0xf6: {  	v11 =	vld [tilespmem:s1+$0xFFFFFF50]  }
0xf7: {  	v12 =	vld [tilespmem:s1+$0xFFFFFEF0]  }
0xf8: {  	v13 =	vld [tilespmem:s1+$0xFFFFFEE0];
	v14 =	vpop (erf)  }
0xf9: {  	[tilespmem:s1+$0xFFFFFF60] =	vst v14;
	v15 =	vld [tilespmem:s1+$0xFFFFFF10];
	v16 =	vperm.xlane v14, v7;
	v17 =	vperm.xlane v14, v8  }
0xfa: {  	v18 =	vperm.xlane v14, v2;
	v20 =	vperm.xlane v14, v5;
	v19 =	vld [tilespmem:s1+$0xFFFFFF00]  }
0xfb: {  	v21 =	vperm.xlane v14, v1;
	v22 =	vld [tilespmem:s1+$0xFFFFFF30];
	v11 =	vmul.f32 v11, v17  }
0xfc: {  	v17 =	vperm.xlane v14, v4;
	v12 =	vmul.f32 v12, v18  }
0xfd: {  	v18 =	vperm.xlane v14, v3;
	v13 =	vmul.f32 v13, v21;
	[tilespmem:s1+$0xFFFFFF50] =	vst v11  }
0xfe: {  	[tilespmem:s1+$0xFFFFFEF0] =	vst v12;
	v11 =	vmul.f32 v15, v17;
	v12 =	vperm.xlane v14, v6  }
0xff: {  	v10 =	vmul.f32 v10, v20;
	[tilespmem:s1+$0xFFFFFEE0] =	vst v13;
	v13 =	vmul.f32 v19, v18  }
0x100: {  	v9 =	vmul.f32 v9, v16;
	[tilespmem:s1+$0xFFFFFF10] =	vst v11;
	v11 =	vmul.f32 v22, v12  }
0x101: {  	[tilespmem:s1+$0xFFFFFF00] =	vst v13  }
0x102: {  	[tilespmem:s1+$0xFFFFFF40] =	vst v9  }
0x103: {  	[tilespmem:s1+$0xFFFFFF20] =	vst v10  }
0x104: {  	[tilespmem:s1+$0xFFFFFF30] =	vst v11;
	v9 =	vld [tilespmem:s1+$0xFFFFFFF0]  }
0x105: {  	v10 =	vld [tilespmem:s23+$0xFFFFFFF0];
	_ =	sdelay $0x4  }
0x106: {  	v9 =	vadd.f32 v10, v9;
	_ =	sdelay $0x1  }
0x107: {  	v10 =	vmul.f32 $2.000000030e-01, v9  }
0x108: {  	vm0 =	vge.f32 v9, $0.0e+00  }
0x109: {  	v9 =	vsel vm0, v9, v10  }
0x10a: {  	v9 =	vmul.f32 $1.442695020e+00, v9;
	_ =	sdelay $0x1  }
0x10b: {  	(erf) = vpow2.f32 v9;
	_ =	sdelay $0x4  }
0x10c: {  	v9 =	vld [tilespmem:s1+$0xFFFFFFA0]  }
0x10d: {  	v10 =	vld [tilespmem:s1+$0xFFFFFFE0]  }
0x10e: {  	v11 =	vld [tilespmem:s1+$0xFFFFFFC0]  }
0x10f: {  	v12 =	vld [tilespmem:s1+$0xFFFFFF90]  }
0x110: {  	v13 =	vld [tilespmem:s1+$0xFFFFFFB0];
	v14 =	vpop (erf)  }
0x111: {  	[tilespmem:s1+$0xFFFFFFF0] =	vst v14;
	v15 =	vperm.xlane v14, v1;
	v16 =	vld [tilespmem:s1+$0xFFFFFF70];
	v17 =	vperm.xlane v14, v2  }
0x112: {  	v18 =	vperm.xlane v14, v3;
	v20 =	vperm.xlane v14, v8;
	v19 =	vld [tilespmem:s1+$0xFFFFFFD0]  }
0x113: {  	v22 =	vperm.xlane v14, v4;
	v23 =	vperm.xlane v14, v5;
	v21 =	vld [tilespmem:s1+$0xFFFFFF80]  }
0x114: {  	v12 =	vmul.f32 v12, v18;
	v18 =	vperm.xlane v14, v6  }
0x115: {  	v14 =	vperm.xlane v14, v7;
	v13 =	vmul.f32 v13, v23  }
0x116: {  	v15 =	vmul.f32 v16, v15;
	[tilespmem:s1+$0xFFFFFF90] =	vst v12;
	v11 =	vmul.f32 v11, v18  }
0x117: {  	v10 =	vmul.f32 v10, v20;
	[tilespmem:s1+$0xFFFFFFB0] =	vst v13;
	v12 =	vmul.f32 v19, v14  }
0x118: {  	v9 =	vmul.f32 v9, v22;
	[tilespmem:s1+$0xFFFFFF70] =	vst v15;
	v13 =	vmul.f32 v21, v17  }
0x119: {  	[tilespmem:s1+$0xFFFFFFC0] =	vst v11  }
0x11a: {  	[tilespmem:s1+$0xFFFFFF80] =	vst v13  }
0x11b: {  	[tilespmem:s1+$0xFFFFFFD0] =	vst v12  }
0x11c: {  	[tilespmem:s1+$0xFFFFFFA0] =	vst v9  }
0x11d: {  	[tilespmem:s1+$0xFFFFFFE0] =	vst v10;
	v9 =	vld [tilespmem:s1+$0x80]  }
0x11e: {  	v10 =	vld [tilespmem:s23+$0x0];
	_ =	sdelay $0x4  }
0x11f: {  	v9 =	vadd.f32 v10, v9;
	_ =	sdelay $0x1  }
0x120: {  	v10 =	vmul.f32 $2.000000030e-01, v9  }
0x121: {  	vm0 =	vge.f32 v9, $0.0e+00  }
0x122: {  	v9 =	vsel vm0, v9, v10  }
0x123: {  	v9 =	vmul.f32 $1.442695020e+00, v9;
	_ =	sdelay $0x1  }
0x124: {  	(erf) = vpow2.f32 v9;
	_ =	sdelay $0x5  }
0x125: {  	v10 =	vld [tilespmem:s1+$0x20]  }
0x126: {  	v11 =	vld [tilespmem:s1+$0x0]  }
0x127: {  	v15 =	vld [tilespmem:s1+$0x50]  }
0x128: {  	v16 =	vld [tilespmem:s1+$0x40];
	v9 =	vpop (erf)  }
0x129: {  	[tilespmem:s1+$0x80] =	vst v9;
	v13 =	vperm.xlane v9, v1;
	v18 =	vperm.xlane v9, v8;
	v19 =	vld [tilespmem:s1+$0x70]  }
.Ltmp0:
0x12a: {  	v14 =	vperm.xlane v9, v3;
	v17 =	vperm.xlane v9, v6;
	v12 =	vld [tilespmem:s1+$0x30];
	(pc) =	sbr.rel @p0 .LBB2_3-.Ltmp0, $4  }
0x12b: {  	v21 =	vperm.xlane v9, v5;
	v20 =	vmul.f32 v11, v13;
	v11 =	vld [tilespmem:s1+$0x10]  }
0x12c: {  	v22 =	vmul.f32 v10, v14;
	v14 =	vperm.xlane v9, v4;
	v13 =	vld [tilespmem:s1+$0x60]  }
0x12d: {  	v17 =	vmul.f32 v15, v17;
	[tilespmem:s1+$0x0] =	vst v20;
	v10 =	vmul.f32 v16, v21  }
0x12e: {  	v15 =	vperm.xlane v9, v2;
	[tilespmem:s1+$0x20] =	vst v22;
	v16 =	vmul.f32 v19, v18  }
0x12f: {  	[tilespmem:s12+$0x50] =	vst v17  }
0x130: {  	v12 =	vmul.f32 v12, v14;
	v9 =	vperm.xlane v9, v7;
	[tilespmem:s12+$0x40] =	vst v10  }
0x131: {  	v11 =	vmul.f32 v11, v15;
	[tilespmem:s12+$0x70] =	vst v16  }
0x132: {  	[tilespmem:s12+$0x30] =	vst v12;
	v9 =	vmul.f32 v13, v9  }
0x133: {  	[tilespmem:s12+$0x10] =	vst v11  }
0x134: {  	[tilespmem:s12+$0x60] =	vst v9;
	v9 =	vld [tilespmem:s12+$0x110]  }
0x135: {  	v10 =	vld [tilespmem:s7+$0x10];
	_ =	sdelay $0x4  }
0x136: {  	v9 =	vadd.f32 v10, v9;
	_ =	sdelay $0x1  }
0x137: {  	v10 =	vmul.f32 $2.000000030e-01, v9  }
0x138: {  	vm0 =	vge.f32 v9, $0.0e+00  }
0x139: {  	v9 =	vsel vm0, v9, v10  }
0x13a: {  	v9 =	vmul.f32 $1.442695020e+00, v9;
	_ =	sdelay $0x1  }
0x13b: {  	(erf) = vpow2.f32 v9;
	_ =	sdelay $0x6  }
0x13c: {  	v11 =	vld [tilespmem:s12+$0xB0]  }
0x13d: {  	v12 =	vld [tilespmem:s12+$0xC0]  }
0x13e: {  	v14 =	vld [tilespmem:s12+$0xD0];
	v13 =	vpop (erf)  }
0x13f: {  	v15 =	vld [tilespmem:s12+$0xE0];
	v16 =	vperm.xlane v13, v3  }
0x140: {  	v10 =	vld [tilespmem:s12+$0xF0];
	v17 =	vperm.xlane v13, v4  }
0x141: {  	v9 =	vld [tilespmem:s12+$0x100];
	v19 =	vperm.xlane v13, v5;
	v11 =	vmul.f32 v11, v16  }
0x142: {  	v18 =	vld [tilespmem:s12+$0x90];
	[tilespmem:s12+$0x110] =	vst v13;
	v20 =	vperm.xlane v13, v6;
	v12 =	vmul.f32 v12, v17  }
0x143: {  	v16 =	vld [tilespmem:s12+$0xA0];
	v14 =	vmul.f32 v14, v19;
	v17 =	vperm.xlane v13, v7;
	[tilespmem:s12+$0xB0] =	vst v11  }
0x144: {  	v11 =	vmul.f32 v15, v20;
	v15 =	vperm.xlane v13, v8;
	[tilespmem:s12+$0xC0] =	vst v12  }
0x145: {  	v12 =	vperm.xlane v13, v1;
	v10 =	vmul.f32 v10, v17;
	[tilespmem:s12+$0xD0] =	vst v14  }
0x146: {  	v13 =	vperm.xlane v13, v2;
	v9 =	vmul.f32 v9, v15;
	[tilespmem:s12+$0xE0] =	vst v11  }
0x147: {  	v11 =	vmul.f32 v18, v12;
	[tilespmem:s12+$0xF0] =	vst v10  }
0x148: {  	v10 =	vmul.f32 v16, v13;
	[tilespmem:s12+$0x100] =	vst v9  }
0x149: {  	[tilespmem:s12+$0x90] =	vst v11  }
0x14a: {  	[tilespmem:s12+$0xA0] =	vst v10  }
0x14b: {  	[spmem:s2] =	stream.indirect.scatter.add.f32 [tilespmem:s28], [sflag:$0x3], $0x90, s13, s11, $0xb8;
	[tilespmem:$0x1FE80] =	vst v63  }
0x14c: {  	_ = 	snop  }
0x14d: {  	[spmem:s2] =	stream.indirect.scatter.add.f32 [tilespmem:s16], [sflag:$0x3], $0x90, s15, s11, $0xb8;
	[tilespmem:$0x1FE80] =	vst v63  }
0x14e: {  	_ =	swait.ge [sflag:s17], $0x4800  }
0x14f: {  	[sflag:s17] =	ssyncset.done $0x0  }
0x150: {  	[sflag:s17] =	ssyncadd.s32 $0xFFFFB800  }
0x151: {  	_ =	swait.ge [sflag:s17], $0x4800  }
0x152: {  	[sflag:s17] =	ssyncset.done $0x0  }
0x153: {  	[sflag:s17] =	ssyncadd.s32 $0xFFFFB800  }
0x154: {  	_ =	swait.ge [sflag:s18], $0x9000  }
0x155: {  	[sflag:s18] =	ssyncset.done $0x0  }
0x156: {  	[sflag:s18] =	ssyncadd.s32 $0xFFFF7000  }
0x157: {  	_ =	swait.ge [sflag:s18], $0x1000  }
0x158: {  	[sflag:s18] =	ssyncset.done $0x0  }
0x159: {  	s12 =	simm.s32 $0x9830;
	[sflag:s18] =	ssyncadd.s32 $0xFFFFF000  }
0x15a: {  	s23 =	simm.s32 $0x13630;
	v9 =	vld [tilespmem:s12+$0xFFFFFE50]  }
0x15b: {  	v10 =	vld [tilespmem:s23+$0xFFFFFFD0];
	_ =	sdelay $0x4  }
0x15c: {  	v9 =	vadd.f32 v10, v9;
	_ =	sdelay $0x1  }
0x15d: {  	v10 =	vmul.f32 $2.000000030e-01, v9  }
0x15e: {  	vm13 =	vge.f32 v9, $0.0e+00  }
0x15f: {  	v9 =	vsel vm13, v9, v10  }
0x160: {  	v9 =	vmul.f32 $1.442695020e+00, v9;
	_ =	sdelay $0x1  }
0x161: {  	(erf) = vpow2.f32 v9;
	_ =	sdelay $0x6  }
0x162: {  	v10 =	vld [tilespmem:s12+$0xFFFFFE40]  }
0x163: {  	v11 =	vld [tilespmem:s12+$0xFFFFFDE0]  }
0x164: {  	v12 =	vld [tilespmem:s12+$0xFFFFFDD0];
	v13 =	vpop (erf)  }
0x165: {  	v14 =	vld [tilespmem:s12+$0xFFFFFE00];
	v15 =	vperm.xlane v13, v8  }
0x166: {  	v17 =	vld [tilespmem:s12+$0xFFFFFDF0];
	v16 =	vperm.xlane v13, v2  }
0x167: {  	v9 =	vld [tilespmem:s12+$0xFFFFFE30];
	v19 =	vperm.xlane v13, v1;
	v10 =	vmul.f32 v10, v15  }
0x168: {  	v18 =	vld [tilespmem:s12+$0xFFFFFE10];
	[tilespmem:s12+$0xFFFFFE50] =	vst v13;
	v11 =	vmul.f32 v11, v16;
	v16 =	vperm.xlane v13, v4  }
0x169: {  	v15 =	vld [tilespmem:s12+$0xFFFFFE20];
	v12 =	vmul.f32 v12, v19;
	v19 =	vperm.xlane v13, v3;
	[tilespmem:s12+$0xFFFFFE40] =	vst v10  }
0x16a: {  	v10 =	vperm.xlane v13, v7;
	[tilespmem:s12+$0xFFFFFDE0] =	vst v11;
	v11 =	vmul.f32 v14, v16  }
0x16b: {  	v14 =	vperm.xlane v13, v5;
	[tilespmem:s12+$0xFFFFFDD0] =	vst v12;
	v12 =	vmul.f32 v17, v19  }
0x16c: {  	v13 =	vperm.xlane v13, v6;
	[tilespmem:s12+$0xFFFFFE00] =	vst v11;
	v9 =	vmul.f32 v9, v10  }
0x16d: {  	v10 =	vmul.f32 v18, v14;
	[tilespmem:s12+$0xFFFFFDF0] =	vst v12  }
0x16e: {  	v11 =	vmul.f32 v15, v13;
	[tilespmem:s12+$0xFFFFFE30] =	vst v9  }
0x16f: {  	[tilespmem:s12+$0xFFFFFE10] =	vst v10  }
0x170: {  	v9 =	vld [tilespmem:s12+$0xFFFFFEE0];
	[tilespmem:s12+$0xFFFFFE20] =	vst v11  }
0x171: {  	v10 =	vld [tilespmem:s23+$0xFFFFFFE0];
	_ =	sdelay $0x4  }
0x172: {  	v9 =	vadd.f32 v10, v9;
	_ =	sdelay $0x1  }
0x173: {  	v10 =	vmul.f32 $2.000000030e-01, v9  }
0x174: {  	vm14 =	vge.f32 v9, $0.0e+00  }
0x175: {  	v9 =	vsel vm14, v9, v10  }
0x176: {  	v9 =	vmul.f32 $1.442695020e+00, v9;
	_ =	sdelay $0x1  }
0x177: {  	(erf) = vpow2.f32 v9;
	_ =	sdelay $0x5  }
0x178: {  	v14 =	vld [tilespmem:s12+$0xFFFFFEB0]  }
0x179: {  	v10 =	vld [tilespmem:s12+$0xFFFFFE80]  }
0x17a: {  	v11 =	vld [tilespmem:s12+$0xFFFFFEA0]  }
0x17b: {  	v13 =	vld [tilespmem:s12+$0xFFFFFE60];
	v12 =	vpop (erf)  }
0x17c: {  	v15 =	vperm.xlane v12, v3  }
0x17d: {  	v16 =	vld [tilespmem:s12+$0xFFFFFE70];
	v17 =	vperm.xlane v12, v5;
	v18 =	vperm.xlane v12, v1  }
0x17e: {  	v19 =	vld [tilespmem:s12+$0xFFFFFEC0];
	v62 =	vperm.xlane v12, v6;
	v10 =	vmul.f32 v10, v15  }
0x17f: {  	v9 =	vld [tilespmem:s12+$0xFFFFFED0];
	[tilespmem:s12+$0xFFFFFEE0] =	vst v12;
	v11 =	vmul.f32 v11, v17;
	v17 =	vperm.xlane v12, v2  }
0x180: {  	v15 =	vld [tilespmem:s12+$0xFFFFFE90];
	v13 =	vmul.f32 v13, v18;
	v14 =	vmul.f32 v14, v62;
	[tilespmem:s12+$0xFFFFFE80] =	vst v10  }
0x181: {  	v10 =	vperm.xlane v12, v7;
	[tilespmem:s12+$0xFFFFFEA0] =	vst v11;
	v11 =	vperm.xlane v12, v4  }
0x182: {  	[tilespmem:s12+$0xFFFFFE60] =	vst v13;
	v13 =	vmul.f32 v16, v17;
	v12 =	vperm.xlane v12, v8  }
0x183: {  	[tilespmem:s12+$0xFFFFFEB0] =	vst v14;
	v10 =	vmul.f32 v19, v10  }
0x184: {  	[tilespmem:s12+$0xFFFFFE70] =	vst v13;
	v9 =	vmul.f32 v9, v12  }
0x185: {  	v11 =	vmul.f32 v15, v11;
	[tilespmem:s12+$0xFFFFFEC0] =	vst v10  }
0x186: {  	[tilespmem:s12+$0xFFFFFED0] =	vst v9  }
0x187: {  	v9 =	vld [tilespmem:s12+$0xFFFFFF70];
	[tilespmem:s12+$0xFFFFFE90] =	vst v11  }
0x188: {  	v10 =	vld [tilespmem:s23+$0xFFFFFFF0];
	_ =	sdelay $0x4  }
0x189: {  	v9 =	vadd.f32 v10, v9;
	_ =	sdelay $0x1  }
0x18a: {  	v10 =	vmul.f32 $2.000000030e-01, v9  }
0x18b: {  	vm15 =	vge.f32 v9, $0.0e+00  }
0x18c: {  	v9 =	vsel vm15, v9, v10  }
0x18d: {  	v9 =	vmul.f32 $1.442695020e+00, v9;
	_ =	sdelay $0x1  }
0x18e: {  	(erf) = vpow2.f32 v9;
	_ =	sdelay $0x5  }
0x18f: {  	v13 =	vld [tilespmem:s12+$0xFFFFFF40]  }
0x190: {  	v11 =	vld [tilespmem:s12+$0xFFFFFEF0]  }
0x191: {  	v10 =	vld [tilespmem:s12+$0xFFFFFF10]  }
0x192: {  	v15 =	vld [tilespmem:s12+$0xFFFFFF30];
	v9 =	vpop (erf)  }
0x193: {  	v18 =	vld [tilespmem:s12+$0xFFFFFF60];
	v14 =	vperm.xlane v9, v1;
	v16 =	vperm.xlane v9, v8  }
0x194: {  	v12 =	vld [tilespmem:s12+$0xFFFFFF20];
	v17 =	vperm.xlane v9, v3;
	v19 =	vperm.xlane v9, v6  }
0x195: {  	v21 =	vperm.xlane v9, v5;
	v63 =	vmul.f32 v11, v14;
	v11 =	vld [tilespmem:s12+$0xFFFFFF00]  }
0x196: {  	[tilespmem:s12+$0xFFFFFF70] =	vst v9;
	v22 =	vmul.f32 v10, v17;
	v17 =	vmul.f32 v13, v19;
	v13 =	vld [tilespmem:s12+$0xFFFFFF50]  }
0x197: {  	v14 =	vperm.xlane v9, v4;
	v10 =	vmul.f32 v15, v21;
	[tilespmem:s12+$0xFFFFFEF0] =	vst v63  }
0x198: {  	s9 =	simm.s32 $0x0;
	s1 =	simm.s32 $0x9830;
	s7 =	simm.s32 $0x13630;
	v15 =	vperm.xlane v9, v2;
	v16 =	vmul.f32 v18, v16;
	[tilespmem:s12+$0xFFFFFF10] =	vst v22  }
.LBB2_5:
0x199: {  	s9 =	sadd.s32 $0x4, s9;
	v12 =	vmul.f32 v12, v14;
	[tilespmem:s12+$0xFFFFFF40] =	vst v17;
	v9 =	vperm.xlane v9, v7;
	s1 =	sadd.s32 $0x240, s1;
	s23 =	sadd.s32 $0x40, s23  }
0x19a: {  	p0 =	slt.u32 s9, $0xFC;
	v11 =	vmul.f32 v11, v15;
	[tilespmem:s12+$0xFFFFFF60] =	vst v16  }
0x19b: {  	[tilespmem:s12+$0xFFFFFF20] =	vst v12;
	v9 =	vmul.f32 v13, v9  }
0x19c: {  	[tilespmem:s12+$0xFFFFFF00] =	vst v11  }
0x19d: {  	[tilespmem:s12+$0xFFFFFF50] =	vst v9  }
0x19e: {  	[tilespmem:s12+$0xFFFFFF30] =	vst v10;
	v9 =	vld [tilespmem:s12+$0x0]  }
0x19f: {  	v10 =	vld [tilespmem:s7+$0x0];
	s7 =	smov.u32 s23;
	_ =	sdelay $0x4  }
0x1a0: {  	v9 =	vadd.f32 v10, v9;
	_ =	sdelay $0x1  }
0x1a1: {  	v10 =	vmul.f32 $2.000000030e-01, v9  }
0x1a2: {  	vm0 =	vge.f32 v9, $0.0e+00  }
0x1a3: {  	v9 =	vsel vm0, v9, v10  }
0x1a4: {  	v9 =	vmul.f32 $1.442695020e+00, v9;
	_ =	sdelay $0x1  }
0x1a5: {  	(erf) = vpow2.f32 v9;
	_ =	sdelay $0x4  }
0x1a6: {  	v9 =	vld [tilespmem:s12+$0xFFFFFFF0]  }
0x1a7: {  	v10 =	vld [tilespmem:s12+$0xFFFFFFE0]  }
0x1a8: {  	v11 =	vld [tilespmem:s12+$0xFFFFFFA0]  }
0x1a9: {  	v12 =	vld [tilespmem:s12+$0xFFFFFFB0]  }
0x1aa: {  	v13 =	vld [tilespmem:s12+$0xFFFFFFC0];
	v14 =	vpop (erf)  }
0x1ab: {  	[tilespmem:s12+$0x0] =	vst v14;
	v15 =	vperm.xlane v14, v1;
	v16 =	vperm.xlane v14, v2;
	v17 =	vld [tilespmem:s12+$0xFFFFFFD0]  }
0x1ac: {  	v19 =	vperm.xlane v14, v3;
	v20 =	vperm.xlane v14, v4;
	v18 =	vld [tilespmem:s12+$0xFFFFFF80]  }
0x1ad: {  	v22 =	vperm.xlane v14, v5;
	v23 =	vperm.xlane v14, v6;
	v21 =	vld [tilespmem:s12+$0xFFFFFF90]  }
0x1ae: {  	v11 =	vmul.f32 v11, v19;
	v12 =	vmul.f32 v12, v20  }
0x1af: {  	v19 =	vperm.xlane v14, v7;
	v13 =	vmul.f32 v13, v22  }
0x1b0: {  	v14 =	vperm.xlane v14, v8;
	[tilespmem:s12+$0xFFFFFFA0] =	vst v11;
	v11 =	vmul.f32 v17, v23  }
0x1b1: {  	v10 =	vmul.f32 v10, v19;
	v15 =	vmul.f32 v18, v15;
	[tilespmem:s12+$0xFFFFFFB0] =	vst v12  }
0x1b2: {  	v9 =	vmul.f32 v9, v14;
	v12 =	vmul.f32 v21, v16;
	[tilespmem:s12+$0xFFFFFFC0] =	vst v13  }
0x1b3: {  	[tilespmem:s12+$0xFFFFFFD0] =	vst v11  }
0x1b4: {  	[tilespmem:s12+$0xFFFFFFE0] =	vst v10  }
0x1b5: {  	[tilespmem:s12+$0xFFFFFFF0] =	vst v9  }
0x1b6: {  	[tilespmem:s12+$0xFFFFFF80] =	vst v15  }
0x1b7: {  	[tilespmem:s12+$0xFFFFFF90] =	vst v12;
	s12 =	smov.u32 s1  }
0x1b8: {  	v9 =	vld [tilespmem:s1+$0xFFFFFE50]  }
0x1b9: {  	v10 =	vld [tilespmem:s23+$0xFFFFFFD0];
	_ =	sdelay $0x4  }
0x1ba: {  	v9 =	vadd.f32 v10, v9;
	_ =	sdelay $0x1  }
0x1bb: {  	vm0 =	vge.f32 v9, $0.0e+00;
	v10 =	vmul.f32 $2.000000030e-01, v9;
	_ =	sdelay $0x1  }
0x1bc: {  	v9 =	vsel vm0, v9, v10  }
0x1bd: {  	v9 =	vmul.f32 $1.442695020e+00, v9;
	_ =	sdelay $0x1  }
0x1be: {  	(erf) = vpow2.f32 v9;
	_ =	sdelay $0x4  }
0x1bf: {  	v9 =	vld [tilespmem:s1+$0xFFFFFE30]  }
0x1c0: {  	v10 =	vld [tilespmem:s1+$0xFFFFFE10]  }
0x1c1: {  	v11 =	vld [tilespmem:s1+$0xFFFFFE40]  }
0x1c2: {  	v12 =	vld [tilespmem:s1+$0xFFFFFDE0]  }
0x1c3: {  	v13 =	vld [tilespmem:s1+$0xFFFFFDD0];
	v14 =	vpop (erf)  }
0x1c4: {  	[tilespmem:s1+$0xFFFFFE50] =	vst v14;
	v15 =	vld [tilespmem:s1+$0xFFFFFE00];
	v16 =	vperm.xlane v14, v7;
	v17 =	vperm.xlane v14, v8  }
0x1c5: {  	v18 =	vperm.xlane v14, v2;
	v20 =	vperm.xlane v14, v5;
	v19 =	vld [tilespmem:s1+$0xFFFFFDF0]  }
0x1c6: {  	v21 =	vperm.xlane v14, v1;
	v22 =	vld [tilespmem:s1+$0xFFFFFE20];
	v11 =	vmul.f32 v11, v17  }
0x1c7: {  	v17 =	vperm.xlane v14, v4;
	v12 =	vmul.f32 v12, v18  }
0x1c8: {  	v18 =	vperm.xlane v14, v3;
	v13 =	vmul.f32 v13, v21;
	[tilespmem:s1+$0xFFFFFE40] =	vst v11  }
0x1c9: {  	[tilespmem:s1+$0xFFFFFDE0] =	vst v12;
	v11 =	vmul.f32 v15, v17;
	v12 =	vperm.xlane v14, v6  }
0x1ca: {  	v10 =	vmul.f32 v10, v20;
	[tilespmem:s1+$0xFFFFFDD0] =	vst v13;
	v13 =	vmul.f32 v19, v18  }
0x1cb: {  	v9 =	vmul.f32 v9, v16;
	[tilespmem:s1+$0xFFFFFE00] =	vst v11;
	v11 =	vmul.f32 v22, v12  }
0x1cc: {  	[tilespmem:s1+$0xFFFFFDF0] =	vst v13  }
0x1cd: {  	[tilespmem:s1+$0xFFFFFE30] =	vst v9  }
0x1ce: {  	[tilespmem:s1+$0xFFFFFE10] =	vst v10  }
0x1cf: {  	[tilespmem:s1+$0xFFFFFE20] =	vst v11;
	v9 =	vld [tilespmem:s1+$0xFFFFFEE0]  }
0x1d0: {  	v10 =	vld [tilespmem:s23+$0xFFFFFFE0];
	_ =	sdelay $0x4  }
0x1d1: {  	v9 =	vadd.f32 v10, v9;
	_ =	sdelay $0x1  }
0x1d2: {  	v10 =	vmul.f32 $2.000000030e-01, v9  }
0x1d3: {  	vm0 =	vge.f32 v9, $0.0e+00  }
0x1d4: {  	v9 =	vsel vm0, v9, v10  }
0x1d5: {  	v9 =	vmul.f32 $1.442695020e+00, v9;
	_ =	sdelay $0x1  }
0x1d6: {  	(erf) = vpow2.f32 v9;
	_ =	sdelay $0x4  }
0x1d7: {  	v9 =	vld [tilespmem:s1+$0xFFFFFE90]  }
0x1d8: {  	v10 =	vld [tilespmem:s1+$0xFFFFFED0]  }
0x1d9: {  	v11 =	vld [tilespmem:s1+$0xFFFFFEB0]  }
0x1da: {  	v12 =	vld [tilespmem:s1+$0xFFFFFE80]  }
0x1db: {  	v13 =	vld [tilespmem:s1+$0xFFFFFEA0];
	v14 =	vpop (erf)  }
0x1dc: {  	[tilespmem:s1+$0xFFFFFEE0] =	vst v14;
	v15 =	vperm.xlane v14, v1;
	v16 =	vld [tilespmem:s1+$0xFFFFFE60];
	v17 =	vperm.xlane v14, v2  }
0x1dd: {  	v18 =	vperm.xlane v14, v3;
	v20 =	vperm.xlane v14, v8;
	v19 =	vld [tilespmem:s1+$0xFFFFFEC0]  }
0x1de: {  	v22 =	vperm.xlane v14, v4;
	v23 =	vperm.xlane v14, v5;
	v21 =	vld [tilespmem:s1+$0xFFFFFE70]  }
0x1df: {  	v12 =	vmul.f32 v12, v18;
	v18 =	vperm.xlane v14, v6  }
0x1e0: {  	v14 =	vperm.xlane v14, v7;
	v13 =	vmul.f32 v13, v23  }
0x1e1: {  	v15 =	vmul.f32 v16, v15;
	[tilespmem:s1+$0xFFFFFE80] =	vst v12;
	v11 =	vmul.f32 v11, v18  }
0x1e2: {  	v10 =	vmul.f32 v10, v20;
	[tilespmem:s1+$0xFFFFFEA0] =	vst v13;
	v12 =	vmul.f32 v19, v14  }
0x1e3: {  	v9 =	vmul.f32 v9, v22;
	[tilespmem:s1+$0xFFFFFE60] =	vst v15;
	v13 =	vmul.f32 v21, v17  }
0x1e4: {  	[tilespmem:s1+$0xFFFFFEB0] =	vst v11  }
0x1e5: {  	[tilespmem:s1+$0xFFFFFE70] =	vst v13  }
0x1e6: {  	[tilespmem:s1+$0xFFFFFEC0] =	vst v12  }
0x1e7: {  	[tilespmem:s1+$0xFFFFFE90] =	vst v9  }
0x1e8: {  	[tilespmem:s1+$0xFFFFFED0] =	vst v10;
	v9 =	vld [tilespmem:s1+$0xFFFFFF70]  }
0x1e9: {  	v10 =	vld [tilespmem:s23+$0xFFFFFFF0];
	_ =	sdelay $0x4  }
0x1ea: {  	v9 =	vadd.f32 v10, v9;
	_ =	sdelay $0x1  }
0x1eb: {  	v10 =	vmul.f32 $2.000000030e-01, v9  }
0x1ec: {  	vm0 =	vge.f32 v9, $0.0e+00  }
0x1ed: {  	v9 =	vsel vm0, v9, v10  }
0x1ee: {  	v9 =	vmul.f32 $1.442695020e+00, v9;
	_ =	sdelay $0x1  }
0x1ef: {  	(erf) = vpow2.f32 v9;
	_ =	sdelay $0x5  }
0x1f0: {  	v10 =	vld [tilespmem:s1+$0xFFFFFF10]  }
0x1f1: {  	v11 =	vld [tilespmem:s1+$0xFFFFFEF0]  }
0x1f2: {  	v15 =	vld [tilespmem:s1+$0xFFFFFF40]  }
0x1f3: {  	v16 =	vld [tilespmem:s1+$0xFFFFFF30];
	v9 =	vpop (erf)  }
0x1f4: {  	[tilespmem:s1+$0xFFFFFF70] =	vst v9;
	v13 =	vperm.xlane v9, v1;
	v18 =	vperm.xlane v9, v8;
	v19 =	vld [tilespmem:s1+$0xFFFFFF60]  }
.Ltmp1:
0x1f5: {  	v14 =	vperm.xlane v9, v3;
	v17 =	vperm.xlane v9, v6;
	v12 =	vld [tilespmem:s1+$0xFFFFFF20];
	(pc) =	sbr.rel @p0 .LBB2_5-.Ltmp1, $4  }
0x1f6: {  	v21 =	vperm.xlane v9, v5;
	v20 =	vmul.f32 v11, v13;
	v11 =	vld [tilespmem:s1+$0xFFFFFF00]  }
0x1f7: {  	v22 =	vmul.f32 v10, v14;
	v14 =	vperm.xlane v9, v4;
	v13 =	vld [tilespmem:s1+$0xFFFFFF50]  }
0x1f8: {  	v17 =	vmul.f32 v15, v17;
	[tilespmem:s1+$0xFFFFFEF0] =	vst v20;
	v10 =	vmul.f32 v16, v21  }
0x1f9: {  	v15 =	vperm.xlane v9, v2;
	[tilespmem:s1+$0xFFFFFF10] =	vst v22;
	v16 =	vmul.f32 v19, v18  }
0x1fa: {  	[tilespmem:s12+$0xFFFFFF40] =	vst v17  }
0x1fb: {  	v12 =	vmul.f32 v12, v14;
	v9 =	vperm.xlane v9, v7;
	[tilespmem:s12+$0xFFFFFF30] =	vst v10  }
0x1fc: {  	v11 =	vmul.f32 v11, v15;
	[tilespmem:s12+$0xFFFFFF60] =	vst v16  }
0x1fd: {  	[tilespmem:s12+$0xFFFFFF20] =	vst v12;
	v9 =	vmul.f32 v13, v9  }
0x1fe: {  	[tilespmem:s12+$0xFFFFFF00] =	vst v11  }
0x1ff: {  	[tilespmem:s12+$0xFFFFFF50] =	vst v9;
	v9 =	vld [tilespmem:s12+$0x0]  }
0x200: {  	v10 =	vld [tilespmem:s7+$0x0];
	_ =	sdelay $0x4  }
0x201: {  	v9 =	vadd.f32 v10, v9;
	_ =	sdelay $0x1  }
0x202: {  	v10 =	vmul.f32 $2.000000030e-01, v9  }
0x203: {  	vm0 =	vge.f32 v9, $0.0e+00  }
0x204: {  	v9 =	vsel vm0, v9, v10  }
0x205: {  	v9 =	vmul.f32 $1.442695020e+00, v9;
	_ =	sdelay $0x1  }
0x206: {  	(erf) = vpow2.f32 v9;
	_ =	sdelay $0x6  }
0x207: {  	v11 =	vld [tilespmem:s12+$0xFFFFFFA0]  }
0x208: {  	v54 =	vld [tilespmem:s12+$0xFFFFFFB0]  }
0x209: {  	v56 =	vld [tilespmem:s12+$0xFFFFFFC0];
	v55 =	vpop (erf)  }
0x20a: {  	v10 =	vld [tilespmem:s12+$0xFFFFFFE0];
	v58 =	vperm.xlane v55, v3  }
0x20b: {  	v9 =	vld [tilespmem:s12+$0xFFFFFFF0];
	v59 =	vperm.xlane v55, v4  }
0x20c: {  	v57 =	vld [tilespmem:s12+$0xFFFFFFD0];
	v19 =	vperm.xlane v55, v5;
	v11 =	vmul.f32 v11, v58  }
0x20d: {  	v60 =	vld [tilespmem:s12+$0xFFFFFF90];
	[tilespmem:s12+$0x0] =	vst v55;
	v61 =	vperm.xlane v55, v7;
	v12 =	vmul.f32 v54, v59  }
0x20e: {  	v18 =	vld [tilespmem:s12+$0xFFFFFF80];
	v62 =	vperm.xlane v55, v8;
	v14 =	vmul.f32 v56, v19;
	[tilespmem:s12+$0xFFFFFFA0] =	vst v11  }
0x20f: {  	v20 =	vperm.xlane v55, v6;
	v10 =	vmul.f32 v10, v61;
	[tilespmem:s12+$0xFFFFFFB0] =	vst v12  }
0x210: {  	v13 =	vperm.xlane v55, v2;
	v9 =	vmul.f32 v9, v62;
	[tilespmem:s12+$0xFFFFFFC0] =	vst v14  }
0x211: {  	v63 =	vperm.xlane v55, v1;
	v11 =	vmul.f32 v57, v20;
	[tilespmem:s12+$0xFFFFFFE0] =	vst v10  }
0x212: {  	v10 =	vmul.f32 v60, v13;
	[tilespmem:s12+$0xFFFFFFF0] =	vst v9  }
0x213: {  	[tilespmem:s12+$0xFFFFFFD0] =	vst v11;
	v11 =	vmul.f32 v18, v63  }
0x214: {  	[tilespmem:s12+$0xFFFFFF90] =	vst v10  }
0x215: {  	[tilespmem:s12+$0xFFFFFF80] =	vst v11  }
0x216: {  	[spmem:s2] =	stream.indirect.scatter.add.f32 [tilespmem:s30], [sflag:$0x4], $0x90, s19, s11, $0xb8;
	[tilespmem:$0x1FE80] =	vst v63  }
0x217: {  	s24 =	sadd.s32 $0x1, s24  }
0x218: {  	[spmem:s2] =	stream.indirect.scatter.add.f32 [tilespmem:s21], [sflag:$0x4], $0x90, s20, s11, $0xb8;
	[tilespmem:$0x1FE80] =	vst v63  }
0x219: {  	p0 =	sne.s32 s24, $0x2C;
	_ =	swait.ge [sflag:s22], $0x4800  }
.Ltmp2:
0x21a: {  	[sflag:s22] =	ssyncset.done $0x0;
	(pc) =	sbr.rel @p0 .LBB2_2-.Ltmp2, $4  }
0x21b: {  	[sflag:s22] =	ssyncadd.s32 $0xFFFFB800  }
0x21c: {  	_ =	swait.ge [sflag:s22], $0x4800  }
0x21d: {  	[sflag:s22] =	ssyncset.done $0x0  }
0x21e: {  	[sflag:s22] =	ssyncadd.s32 $0xFFFFB800  }
0x21f: {  	[bflag:$0x0] =	sbarrier.arrive $0xFFFF  }
0x220: {  	s23 =	rddreg [dreg:$0x5]  }
0x221: {  	s9 =	rddreg [dreg:$0x7]  }
0x222: {  	s1 =	rddreg [dreg:$0x8]  }
0x223: {  	[hbm:s1], [sflag:s23] =	dma.local [spmem:s9], $0x1710  }
0x224: {  	_ =	swait.ge [sflag:s14], $0x1710  }
0x225: {  	s7 =	rddreg [dreg:$0x13]  }
0x226: {  	s24 =	rddreg [dreg:$0x6];
	s7 =	sadd.s32 $0x1, s7  }
0x227: {  	p0 =	sne.s32 s7, s24  }
.Ltmp3:
0x228: {  	_ = 	snop;
	(pc) =	sbr.rel @p0 .LBB2_1-.Ltmp3, $3  }
0x229: {  	_ =	sdelay $0x1  }
0x22a: {  	[sflag:s14] =	ssyncset.done $0x0  }
0x22b: {  	[sflag:s14] =	ssyncadd.s32 $0xFFFFE8F0  }
0x22c: {  	_ =	sfence.sel $0x180000  }
0x22d: {  	[bflag:$0x0] =	sbarrier.arrive $0xFFFF  }
0x22e: {  	_ =	strace $0x90000047  }
0x22f: {  	s0 =	stileid.u32;
	[bflag:$0x2] =	sbarrier.arrive $0xFFFF  }
0x230: {  	p0 =	sne.s32 s0, $0x0;
	s0 =	rddreg [dreg:$0x3]  }
0x231: {  	s0 =	sadd.s32 @!p0 $0x100000, s0  }
0x232: {  	[sflag:s0] =	ssyncadd.tile.s32 @!p0 $0x1;
	_ =	shalt  }
.Lfunc_end2:
_tile_overlayer_lowered:
.L_overlay_start_2:
0x233: {  	(tag) =	ssettag $0x2  }
0x234: {  	s0 =	rddreg [dreg:$0x0];
	s2 =	stileid.u32  }
0x235: {  	s1 =	rddreg [dreg:$0x1];
	p0 =	sne.s32 s2, $0x0  }
0x236: {  	s3 =	rddreg [dreg:$0x2];
	[bflag:$0x3] =	sbarrier.arrive $0xFFFF;
	s2 =	simm.s32 @!p0 $0x1C05  }
0x237: {  	[timem:s3], [sflag:s2] =	dma.local @!p0 [hbm:s0], s1  }
0x238: {  	s0 =	simm.s32 @!p0 $0x5  }
0x239: {  	_ =	swait.ge @!p0 [sflag:s0], s1  }
0x23a: {  	s1 =	ssub.s32 @!p0 $0x0, s1;
	[sflag:s0] =	ssyncset.done @!p0 $0x0  }
0x23b: {  	[sflag:s0] =	ssyncadd.s32 @!p0 s1  }
0x23c: {  	[bflag:$0x3] =	sbarrier.arrive $0xFFFF  }
0x23d: {  	_ =	shalt  }

</sc_bundles>
